<compile_context>
chip_gen: v7x
topology: tpu7x:2x2x1
jax: 0.10.2.dev20260603
libtpu: 0.0.44.dev20260713+nightly
codegen_flags: <defaults>
</compile_context>

<pallas_src>
import functools

import jax
import jax.numpy as jnp
from jax import lax
from jax.experimental import pallas as pl
from jax.experimental.pallas import tpu as pltpu
from jax.experimental.pallas import tpu_sc as plsc

D = 64
PAD_D = 128
SEQ_LEN = 200
BLK = 128
TPC = 4
CHUNK = TPC * BLK
N_CORES = 2
N_SUBCORES = 16
N_WORKERS = N_CORES * N_SUBCORES
TSTRIDE = 129


@functools.lru_cache(maxsize=None)
def _build(batch, vocab):
    n_sc = SEQ_LEN // TPC
    nb = batch // BLK
    per_w = SEQ_LEN * BLK
    mesh = plsc.VectorSubcoreMesh(core_axis_name="c", subcore_axis_name="s")

    @functools.partial(
        pl.kernel,
        mesh=mesh,
        out_type=jax.ShapeDtypeStruct((SEQ_LEN, D // 8, nb, 8, BLK), jnp.float32),
        compiler_params=pltpu.CompilerParams(
            use_tc_tiling_on_sc=False, needs_layout_passes=False
        ),
        scratch_types=[
            pltpu.VMEM((CHUNK,), jnp.int32),
            pltpu.VMEM((CHUNK,), jnp.int32),
            pltpu.VMEM((CHUNK, D), jnp.float32),
            pltpu.VMEM((CHUNK, D), jnp.float32),
            pltpu.VMEM((D // 8, 8, TSTRIDE), jnp.float32),
            pltpu.VMEM((D // 8, 8, TSTRIDE), jnp.float32),
            pltpu.VMEM((SEQ_LEN, PAD_D), jnp.float32),
            pltpu.SemaphoreType.DMA,
            pltpu.SemaphoreType.DMA,
            pltpu.SemaphoreType.DMA,
            pltpu.SemaphoreType.DMA,
            pltpu.SemaphoreType.DMA,
        ],
    )
    def emb(xw_hbm, tbl_hbm, pos_hbm, outT_hbm,
            idx_a, idx_b, rows_a, rows_b, trans_a, trans_b, posbuf,
            isem, gsem_a, gsem_b, osem_a, osem_b):
        wid = lax.axis_index("s") * N_CORES + lax.axis_index("c")
        base = pl.multiple_of(wid * per_w, CHUNK)
        idx_bufs = (idx_a, idx_b)
        rows_bufs = (rows_a, rows_b)
        gsems = (gsem_a, gsem_b)
        trans_bufs = (trans_a, trans_b)
        osems = (osem_a, osem_b)

        pltpu.sync_copy(pos_hbm, posbuf)

        iota = lax.iota(jnp.int32, 16)
        t_hi = [lax.div(iota + 16 * c, 8) for c in range(D // 16)]
        t_lo = [lax.rem(iota + 16 * c, 8) for c in range(D // 16)]

        def stage_idx(sc, buf):
            off = pl.multiple_of(base + sc * CHUNK, CHUNK)
            return pltpu.make_async_copy(
                xw_hbm.at[pl.ds(off, CHUNK)], buf, isem
            )

        def start_gather(idx_buf, rows_buf, gsem):
            pltpu.async_copy(tbl_hbm.at[idx_buf], rows_buf, gsem)

        def wait_gather(rows_buf, gsem):
            pltpu.make_async_copy(
                tbl_hbm.at[pl.ds(0, CHUNK)], rows_buf, gsem
            ).wait()

        def out_copy(t, trans_buf, osem):
            return pltpu.make_async_copy(
                trans_buf.at[:, :, pl.ds(0, BLK)],
                outT_hbm.at[t, :, wid],
                osem,
            )

        def compute(sc, rows_buf):
            for r in range(TPC):
                t = sc * TPC + r
                tb = trans_bufs[r & 1]

                @pl.when(t >= 2)
                def _():
                    out_copy(t - 2, tb, osems[r & 1]).wait()

                posv = [posbuf[t, pl.ds(16 * c, 16)] for c in range(D // 16)]

                def tok_body(tok, carry):
                    col = jnp.full((16,), 0, jnp.int32) + tok
                    row = r * BLK + tok
                    for c in range(D // 16):
                        v = rows_buf[row, pl.ds(16 * c, 16)] + posv[c]
                        plsc.store_scatter(tb, [t_hi[c], t_lo[c], col], v)
                    return carry

                lax.fori_loop(0, BLK, tok_body, 0, unroll=4)
                out_copy(t, tb, osems[r & 1]).start()

        stage_idx(0, idx_a).start()
        stage_idx(0, idx_a).wait()
        start_gather(idx_a, rows_a, gsem_a)
        stage_idx(1, idx_b).start()

        def sc_body(sc, carry):
            def one(cur, nxt, p, q):
                wait_gather(rows_bufs[p], gsems[p])

                @pl.when(sc + 1 < n_sc)
                def _():
                    stage_idx(sc + 1, nxt).wait()
                    start_gather(nxt, rows_bufs[q], gsems[q])

                @pl.when(sc + 2 < n_sc)
                def _():
                    stage_idx(sc + 2, cur).start()

                compute(sc, rows_bufs[p])

            @pl.when(lax.rem(sc, 2) == 0)
            def _():
                one(idx_a, idx_b, 0, 1)

            @pl.when(lax.rem(sc, 2) == 1)
            def _():
                one(idx_b, idx_a, 1, 0)

            return carry

        lax.fori_loop(0, n_sc, sc_body, 0)
        out_copy(SEQ_LEN - 2, trans_a, osem_a).wait()
        out_copy(SEQ_LEN - 1, trans_b, osem_b).wait()

    return emb


def kernel(x, token_table, pos_table):
    b, t = x.shape
    vocab = token_table.shape[0]
    xw = (
        (x.astype(jnp.int32) * 2)
        .T.reshape(t, b // BLK, BLK)
        .transpose(1, 0, 2)
        .reshape(-1)
    )
    tbl = jnp.pad(token_table, ((0, 0), (0, PAD_D - D))).reshape(2 * vocab, D)
    pos = jnp.pad(pos_table, ((0, 0), (0, PAD_D - D)))
    out5 = _build(b, vocab)(xw, tbl, pos)
    return out5.transpose(2, 4, 0, 1, 3).reshape(b, t, D)

# --- scband reference (transcript-rebuilt; emitter-appended) ---
"""Pipeline reference for scband-embedding-block-4071628997178 (READ-ONLY COPY).

The authoritative reference and input builder live on the scoring server;
editing this copy changes nothing except your own understanding.
"""

import jax, jax.numpy as jnp
import numpy as np

N_TOKEN = 1000000
N_SEQ = 200
D_EMBED = 64
BATCH = 4096
SEQ = 200

def setup_inputs(seed: int = 0) -> dict:
    key = jax.random.key(seed)
    k1, k2, k3 = jax.random.split(key, 3)
    x = jax.random.randint(k1, (BATCH, SEQ), 0, N_TOKEN, dtype=jnp.int64 if jax.config.jax_enable_x64 else jnp.int32)
    token_table = jax.random.normal(k2, (N_TOKEN, D_EMBED), dtype=jnp.float32) * 0.02
    pos_table = jax.random.normal(k3, (N_SEQ, D_EMBED), dtype=jnp.float32) * 0.02
    return {"x": x, "token_table": token_table, "pos_table": pos_table}

def reference(x, token_table, pos_table):
    # token embedding lookup (gather)
    token_embeds = jnp.take(token_table, x, axis=0)  # [B, T, D]
    b, t, d = token_embeds.shape
    # positional embedding lookup for positions 0..t-1, broadcast over batch
    pos_embeds = jnp.take(pos_table, jnp.arange(t), axis=0)[None, :, :]  # [1, T, D]
    out = token_embeds + pos_embeds
    # dropout in eval mode is identity
    return out

if __name__ == "__main__":
    import jax
    _d = setup_inputs()
    print(jax.jit(kernel)(*tuple(_d.values())))

</pallas_src>

<mosaic_0001>
#map = affine_map<(d0, d1) -> (0)>
#map1 = affine_map<(d0, d1) -> (0, 0)>
#map2 = affine_map<(d0, d1) -> (0, 0, 0, 0, 0)>
module attributes {stable_mosaic.version = 14 : i64} {
  func.func @emb(%arg0: i32, %arg1: i32, %arg2: memref<819200xi32, #tpu.memory_space<hbm>>, %arg3: memref<2000000x64xf32, #tpu.memory_space<hbm>>, %arg4: memref<200x128xf32, #tpu.memory_space<hbm>>, %arg5: memref<200x8x32x8x128xf32, #tpu.memory_space<hbm>>, %arg6: memref<512xi32, #tpu.memory_space<vmem>>, %arg7: memref<512xi32, #tpu.memory_space<vmem>>, %arg8: memref<512x64xf32, #tpu.memory_space<vmem>>, %arg9: memref<512x64xf32, #tpu.memory_space<vmem>>, %arg10: memref<8x8x129xf32, #tpu.memory_space<vmem>>, %arg11: memref<8x8x129xf32, #tpu.memory_space<vmem>>, %arg12: memref<200x128xf32, #tpu.memory_space<vmem>>, %arg13: memref<!tpu.dma_semaphore, #tpu.memory_space<semaphore_mem>>, %arg14: memref<!tpu.dma_semaphore, #tpu.memory_space<semaphore_mem>>, %arg15: memref<!tpu.dma_semaphore, #tpu.memory_space<semaphore_mem>>, %arg16: memref<!tpu.dma_semaphore, #tpu.memory_space<semaphore_mem>>, %arg17: memref<!tpu.dma_semaphore, #tpu.memory_space<semaphore_mem>>) attributes {dimension_semantics = [#tpu.dimension_semantics<core_parallel>, #tpu.dimension_semantics<subcore_parallel>], iteration_bounds = array<i64: 2, 16>, scalar_prefetch = 0 : i64, scratch_operands = 12 : i64, tpu.core_type = #tpu.core_type<sc_vector_subcore>, window_params = [{transform_indices = #map}, {transform_indices = #map1}, {transform_indices = #map1}, {transform_indices = #map2}]} {
    %mul3A = arith.constant 2 : i32
    %mul3A_0 = arith.muli %arg1, %mul3A : i32
    %add3A = arith.addi %mul3A_0, %arg0 : i32
    %mul3A_1 = arith.constant 25600 : i32
    %mul3A_2 = arith.muli %add3A, %mul3A_1 : i32
    %multiple_of3A = tpu.assume_multiple %mul3A_2, 512 : i32
    "tpu.region"() ({
      %run_scoped3A = tpu.sem_alloc : memref<!tpu.dma_semaphore, #tpu.memory_space<semaphore_mem>>
      tpu.enqueue_dma source(%arg4 : memref<200x128xf32, #tpu.memory_space<hbm>>) target(%arg12 : memref<200x128xf32, #tpu.memory_space<vmem>>) target_semaphore(%run_scoped3A : memref<!tpu.dma_semaphore, #tpu.memory_space<semaphore_mem>>)
      tpu.wait_dma2 semaphore(%run_scoped3A : memref<!tpu.dma_semaphore, #tpu.memory_space<semaphore_mem>>) src(%arg4 : memref<200x128xf32, #tpu.memory_space<hbm>>) dst(%arg12 : memref<200x128xf32, #tpu.memory_space<vmem>>)
      tpu.yield
    }) : () -> ()
    %iota3A = tpu.iota {dimensions = array<i32: 0>} : vector<16xi32>
    %add3A_3 = arith.constant 0 : i32
    %add3A_4 = vector.broadcast %add3A_3 : i32 to vector<16xi32>
    %add3A_5 = arith.addi %iota3A, %add3A_4 : vector<16xi32>
    %div3A = arith.constant 8 : i32
    %div3A_6 = vector.broadcast %div3A : i32 to vector<16xi32>
    %div3A_7 = arith.divsi %add3A_5, %div3A_6 : vector<16xi32>
    %add3A_8 = arith.constant 16 : i32
    %add3A_9 = vector.broadcast %add3A_8 : i32 to vector<16xi32>
    %add3A_10 = arith.addi %iota3A, %add3A_9 : vector<16xi32>
    %div3A_11 = arith.constant 8 : i32
    %div3A_12 = vector.broadcast %div3A_11 : i32 to vector<16xi32>
    %div3A_13 = arith.divsi %add3A_10, %div3A_12 : vector<16xi32>
    %add3A_14 = arith.constant 32 : i32
    %add3A_15 = vector.broadcast %add3A_14 : i32 to vector<16xi32>
    %add3A_16 = arith.addi %iota3A, %add3A_15 : vector<16xi32>
    %div3A_17 = arith.constant 8 : i32
    %div3A_18 = vector.broadcast %div3A_17 : i32 to vector<16xi32>
    %div3A_19 = arith.divsi %add3A_16, %div3A_18 : vector<16xi32>
    %add3A_20 = arith.constant 48 : i32
    %add3A_21 = vector.broadcast %add3A_20 : i32 to vector<16xi32>
    %add3A_22 = arith.addi %iota3A, %add3A_21 : vector<16xi32>
    %div3A_23 = arith.constant 8 : i32
    %div3A_24 = vector.broadcast %div3A_23 : i32 to vector<16xi32>
    %div3A_25 = arith.divsi %add3A_22, %div3A_24 : vector<16xi32>
    %add3A_26 = arith.constant 0 : i32
    %add3A_27 = vector.broadcast %add3A_26 : i32 to vector<16xi32>
    %add3A_28 = arith.addi %iota3A, %add3A_27 : vector<16xi32>
    %rem3A = arith.constant 8 : i32
    %rem3A_29 = vector.broadcast %rem3A : i32 to vector<16xi32>
    %rem3A_30 = arith.remsi %add3A_28, %rem3A_29 : vector<16xi32>
    %add3A_31 = arith.constant 16 : i32
    %add3A_32 = vector.broadcast %add3A_31 : i32 to vector<16xi32>
    %add3A_33 = arith.addi %iota3A, %add3A_32 : vector<16xi32>
    %rem3A_34 = arith.constant 8 : i32
    %rem3A_35 = vector.broadcast %rem3A_34 : i32 to vector<16xi32>
    %rem3A_36 = arith.remsi %add3A_33, %rem3A_35 : vector<16xi32>
    %add3A_37 = arith.constant 32 : i32
    %add3A_38 = vector.broadcast %add3A_37 : i32 to vector<16xi32>
    %add3A_39 = arith.addi %iota3A, %add3A_38 : vector<16xi32>
    %rem3A_40 = arith.constant 8 : i32
    %rem3A_41 = vector.broadcast %rem3A_40 : i32 to vector<16xi32>
    %rem3A_42 = arith.remsi %add3A_39, %rem3A_41 : vector<16xi32>
    %add3A_43 = arith.constant 48 : i32
    %add3A_44 = vector.broadcast %add3A_43 : i32 to vector<16xi32>
    %add3A_45 = arith.addi %iota3A, %add3A_44 : vector<16xi32>
    %rem3A_46 = arith.constant 8 : i32
    %rem3A_47 = vector.broadcast %rem3A_46 : i32 to vector<16xi32>
    %rem3A_48 = arith.remsi %add3A_45, %rem3A_47 : vector<16xi32>
    %add3A_49 = arith.constant 0 : i32
    %add3A_50 = arith.addi %multiple_of3A, %add3A_49 : i32
    %multiple_of3A_51 = tpu.assume_multiple %add3A_50, 512 : i32
    %dma_start3A = tpu.memref_slice %arg2[%multiple_of3A_51] : memref<819200xi32, #tpu.memory_space<hbm>> -> memref<512xi32, #tpu.memory_space<hbm>>
    %dma_start3A_52 = tpu.memref_slice %arg2[%multiple_of3A_51] : memref<819200xi32, #tpu.memory_space<hbm>> -> memref<512xi32, #tpu.memory_space<hbm>>
    tpu.enqueue_dma source(%dma_start3A_52 : memref<512xi32, #tpu.memory_space<hbm>>) target(%arg6 : memref<512xi32, #tpu.memory_space<vmem>>) target_semaphore(%arg13 : memref<!tpu.dma_semaphore, #tpu.memory_space<semaphore_mem>>)
    %add3A_53 = arith.constant 0 : i32
    %add3A_54 = arith.addi %multiple_of3A, %add3A_53 : i32
    %multiple_of3A_55 = tpu.assume_multiple %add3A_54, 512 : i32
    %dma_wait3A = tpu.memref_slice %arg2[%multiple_of3A_55] : memref<819200xi32, #tpu.memory_space<hbm>> -> memref<512xi32, #tpu.memory_space<hbm>>
    %dma_wait3A_56 = tpu.memref_slice %arg2[%multiple_of3A_55] : memref<819200xi32, #tpu.memory_space<hbm>> -> memref<512xi32, #tpu.memory_space<hbm>>
    tpu.wait_dma2 semaphore(%arg13 : memref<!tpu.dma_semaphore, #tpu.memory_space<semaphore_mem>>) src(%dma_wait3A_56 : memref<512xi32, #tpu.memory_space<hbm>>) dst(%arg6 : memref<512xi32, #tpu.memory_space<vmem>>)
    %dma_start3A_57 = arith.constant 0 : i32
    %dma_start3A_58 = arith.constant 0 : i32
    %dma_start3A_59 = tpu.memref_slice %arg3[%dma_start3A_57, %dma_start3A_58] : memref<2000000x64xf32, #tpu.memory_space<hbm>> -> memref<2000000x64xf32, #tpu.memory_space<hbm>>
    tpu.enqueue_indirect_dma source(%dma_start3A_59 : memref<2000000x64xf32, #tpu.memory_space<hbm>>) target(%arg8 : memref<512x64xf32, #tpu.memory_space<vmem>>) offsets(%arg6 : memref<512xi32, #tpu.memory_space<vmem>>) semaphore(%arg14 : memref<!tpu.dma_semaphore, #tpu.memory_space<semaphore_mem>>)
    %add3A_60 = arith.constant 512 : i32
    %add3A_61 = arith.addi %multiple_of3A, %add3A_60 : i32
    %multiple_of3A_62 = tpu.assume_multiple %add3A_61, 512 : i32
    %dma_start3A_63 = tpu.memref_slice %arg2[%multiple_of3A_62] : memref<819200xi32, #tpu.memory_space<hbm>> -> memref<512xi32, #tpu.memory_space<hbm>>
    %dma_start3A_64 = tpu.memref_slice %arg2[%multiple_of3A_62] : memref<819200xi32, #tpu.memory_space<hbm>> -> memref<512xi32, #tpu.memory_space<hbm>>
    tpu.enqueue_dma source(%dma_start3A_64 : memref<512xi32, #tpu.memory_space<hbm>>) target(%arg7 : memref<512xi32, #tpu.memory_space<vmem>>) target_semaphore(%arg13 : memref<!tpu.dma_semaphore, #tpu.memory_space<semaphore_mem>>)
    %scan3A = arith.constant 0 : i32
    %scan3A_65 = arith.constant 0 : i32
    %scan3A_66 = arith.constant 50 : i32
    %scan3A_67 = arith.addi %scan3A_65, %scan3A_66 : i32
    %scan3A_68 = arith.constant 1 : i32
    scf.for %scan3A_108 = %scan3A_65 to %scan3A_67 step %scan3A_68  : i32 {
      %rem3A_109 = arith.constant 2 : i32
      %rem3A_110 = arith.remsi %scan3A_108, %rem3A_109 : i32
      %eq3A = arith.constant 0 : i32
      %eq3A_111 = arith.cmpi eq, %rem3A_110, %eq3A : i32
      %convert_element_type3A = arith.extui %eq3A_111 : i1 to i32
      %cond3A = arith.constant 0 : i32
      %cond3A_112 = arith.cmpi ne, %convert_element_type3A, %cond3A : i32
      scf.if %cond3A_112 {
        %dma_wait3A_120 = arith.constant 0 : i32
        %dma_wait3A_121 = arith.constant 0 : i32
        %dma_wait3A_122 = tpu.memref_slice %arg3[%dma_wait3A_120, %dma_wait3A_121] : memref<2000000x64xf32, #tpu.memory_space<hbm>> -> memref<512x64xf32, #tpu.memory_space<hbm>>
        %dma_wait3A_123 = arith.constant 0 : i32
        %dma_wait3A_124 = arith.constant 0 : i32
        %dma_wait3A_125 = tpu.memref_slice %arg3[%dma_wait3A_123, %dma_wait3A_124] : memref<2000000x64xf32, #tpu.memory_space<hbm>> -> memref<512x64xf32, #tpu.memory_space<hbm>>
        tpu.wait_dma2 semaphore(%arg14 : memref<!tpu.dma_semaphore, #tpu.memory_space<semaphore_mem>>) src(%dma_wait3A_125 : memref<512x64xf32, #tpu.memory_space<hbm>>) dst(%arg8 : memref<512x64xf32, #tpu.memory_space<vmem>>)
        %add3A_126 = arith.constant 1 : i32
        %add3A_127 = arith.addi %scan3A_108, %add3A_126 : i32
        %lt3A = arith.constant 50 : i32
        %lt3A_128 = arith.cmpi slt, %add3A_127, %lt3A : i32
        %convert_element_type3A_129 = arith.extui %lt3A_128 : i1 to i32
        %cond3A_130 = arith.constant 0 : i32
        %cond3A_131 = arith.cmpi ne, %convert_element_type3A_129, %cond3A_130 : i32
        scf.if %cond3A_131 {
          %add3A_317 = arith.constant 1 : i32
          %add3A_318 = arith.addi %scan3A_108, %add3A_317 : i32
          %mul3A_319 = arith.constant 512 : i32
          %mul3A_320 = arith.muli %add3A_318, %mul3A_319 : i32
          %add3A_321 = arith.addi %multiple_of3A, %mul3A_320 : i32
          %multiple_of3A_322 = tpu.assume_multiple %add3A_321, 512 : i32
          %dma_wait3A_323 = tpu.memref_slice %arg2[%multiple_of3A_322] : memref<819200xi32, #tpu.memory_space<hbm>> -> memref<512xi32, #tpu.memory_space<hbm>>
          %dma_wait3A_324 = tpu.memref_slice %arg2[%multiple_of3A_322] : memref<819200xi32, #tpu.memory_space<hbm>> -> memref<512xi32, #tpu.memory_space<hbm>>
          tpu.wait_dma2 semaphore(%arg13 : memref<!tpu.dma_semaphore, #tpu.memory_space<semaphore_mem>>) src(%dma_wait3A_324 : memref<512xi32, #tpu.memory_space<hbm>>) dst(%arg7 : memref<512xi32, #tpu.memory_space<vmem>>)
          %dma_start3A_325 = arith.constant 0 : i32
          %dma_start3A_326 = arith.constant 0 : i32
          %dma_start3A_327 = tpu.memref_slice %arg3[%dma_start3A_325, %dma_start3A_326] : memref<2000000x64xf32, #tpu.memory_space<hbm>> -> memref<2000000x64xf32, #tpu.memory_space<hbm>>
          tpu.enqueue_indirect_dma source(%dma_start3A_327 : memref<2000000x64xf32, #tpu.memory_space<hbm>>) target(%arg9 : memref<512x64xf32, #tpu.memory_space<vmem>>) offsets(%arg7 : memref<512xi32, #tpu.memory_space<vmem>>) semaphore(%arg15 : memref<!tpu.dma_semaphore, #tpu.memory_space<semaphore_mem>>)
        } else {
        }
        %add3A_132 = arith.constant 2 : i32
        %add3A_133 = arith.addi %scan3A_108, %add3A_132 : i32
        %lt3A_134 = arith.constant 50 : i32
        %lt3A_135 = arith.cmpi slt, %add3A_133, %lt3A_134 : i32
        %convert_element_type3A_136 = arith.extui %lt3A_135 : i1 to i32
        %cond3A_137 = arith.constant 0 : i32
        %cond3A_138 = arith.cmpi ne, %convert_element_type3A_136, %cond3A_137 : i32
        scf.if %cond3A_138 {
          %add3A_317 = arith.constant 2 : i32
          %add3A_318 = arith.addi %scan3A_108, %add3A_317 : i32
          %mul3A_319 = arith.constant 512 : i32
          %mul3A_320 = arith.muli %add3A_318, %mul3A_319 : i32
          %add3A_321 = arith.addi %multiple_of3A, %mul3A_320 : i32
          %multiple_of3A_322 = tpu.assume_multiple %add3A_321, 512 : i32
          %dma_start3A_323 = tpu.memref_slice %arg2[%multiple_of3A_322] : memref<819200xi32, #tpu.memory_space<hbm>> -> memref<512xi32, #tpu.memory_space<hbm>>
          %dma_start3A_324 = tpu.memref_slice %arg2[%multiple_of3A_322] : memref<819200xi32, #tpu.memory_space<hbm>> -> memref<512xi32, #tpu.memory_space<hbm>>
          tpu.enqueue_dma source(%dma_start3A_324 : memref<512xi32, #tpu.memory_space<hbm>>) target(%arg6 : memref<512xi32, #tpu.memory_space<vmem>>) target_semaphore(%arg13 : memref<!tpu.dma_semaphore, #tpu.memory_space<semaphore_mem>>)
        } else {
        }
        %mul3A_139 = arith.constant 4 : i32
        %mul3A_140 = arith.muli %scan3A_108, %mul3A_139 : i32
        %add3A_141 = arith.constant 0 : i32
        %add3A_142 = arith.addi %mul3A_140, %add3A_141 : i32
        %ge3A = arith.constant 2 : i32
        %ge3A_143 = arith.cmpi sge, %add3A_142, %ge3A : i32
        %convert_element_type3A_144 = arith.extui %ge3A_143 : i1 to i32
        %cond3A_145 = arith.constant 0 : i32
        %cond3A_146 = arith.cmpi ne, %convert_element_type3A_144, %cond3A_145 : i32
        scf.if %cond3A_146 {
          %sub3A = arith.constant 2 : i32
          %sub3A_317 = arith.subi %add3A_142, %sub3A : i32
          %dma_wait3A_318 = arith.constant 0 : i32
          %dma_wait3A_319 = arith.constant 0 : i32
          %dma_wait3A_320 = arith.constant 0 : i32
          %dma_wait3A_321 = tpu.memref_slice %arg10[%dma_wait3A_318, %dma_wait3A_319, %dma_wait3A_320] : memref<8x8x129xf32, #tpu.memory_space<vmem>> -> memref<8x8x128xf32, #tpu.memory_space<vmem>>
          %dma_wait3A_322 = arith.constant 0 : i32
          %dma_wait3A_323 = arith.constant 0 : i32
          %dma_wait3A_324 = arith.constant 0 : i32
          %dma_wait3A_325 = tpu.memref_slice %arg5[%sub3A_317, %dma_wait3A_322, %add3A, %dma_wait3A_323, %dma_wait3A_324] : memref<200x8x32x8x128xf32, #tpu.memory_space<hbm>> -> memref<1x8x1x8x128xf32, #tpu.memory_space<hbm>>
          %dma_wait3A_326 = tpu.memref_squeeze %dma_wait3A_325 : memref<1x8x1x8x128xf32, #tpu.memory_space<hbm>> -> memref<8x8x128xf32, #tpu.memory_space<hbm>>
          %dma_wait3A_327 = arith.constant 0 : i32
          %dma_wait3A_328 = arith.constant 0 : i32
          %dma_wait3A_329 = arith.constant 0 : i32
          %dma_wait3A_330 = tpu.memref_slice %arg5[%sub3A_317, %dma_wait3A_327, %add3A, %dma_wait3A_328, %dma_wait3A_329] : memref<200x8x32x8x128xf32, #tpu.memory_space<hbm>> -> memref<1x8x1x8x128xf32, #tpu.memory_space<hbm>>
          %dma_wait3A_331 = tpu.memref_squeeze %dma_wait3A_330 : memref<1x8x1x8x128xf32, #tpu.memory_space<hbm>> -> memref<8x8x128xf32, #tpu.memory_space<hbm>>
          %dma_wait3A_332 = arith.constant 0 : i32
          %dma_wait3A_333 = arith.constant 0 : i32
          %dma_wait3A_334 = arith.constant 0 : i32
          %dma_wait3A_335 = tpu.memref_slice %arg10[%dma_wait3A_332, %dma_wait3A_333, %dma_wait3A_334] : memref<8x8x129xf32, #tpu.memory_space<vmem>> -> memref<8x8x128xf32, #tpu.memory_space<vmem>>
          tpu.wait_dma2 semaphore(%arg16 : memref<!tpu.dma_semaphore, #tpu.memory_space<semaphore_mem>>) src(%dma_wait3A_335 : memref<8x8x128xf32, #tpu.memory_space<vmem>>) dst(%dma_wait3A_331 : memref<8x8x128xf32, #tpu.memory_space<hbm>>)
        } else {
        }
        %get3A = arith.index_cast %add3A_142 : i32 to index
        %get3A_147 = arith.constant 0 : index
        %get3A_148 = tpu.vector_load %arg12[%get3A, %get3A_147] {strides = array<i32>} : memref<200x128xf32, #tpu.memory_space<vmem>>, vector<16xf32>,
        %get3A_149 = arith.index_cast %add3A_142 : i32 to index
        %get3A_150 = arith.constant 16 : index
        %get3A_151 = tpu.vector_load %arg12[%get3A_149, %get3A_150] {strides = array<i32>} : memref<200x128xf32, #tpu.memory_space<vmem>>, vector<16xf32>,
        %get3A_152 = arith.index_cast %add3A_142 : i32 to index
        %get3A_153 = arith.constant 32 : index
        %get3A_154 = tpu.vector_load %arg12[%get3A_152, %get3A_153] {strides = array<i32>} : memref<200x128xf32, #tpu.memory_space<vmem>>, vector<16xf32>,
        %get3A_155 = arith.index_cast %add3A_142 : i32 to index
        %get3A_156 = arith.constant 48 : index
        %get3A_157 = tpu.vector_load %arg12[%get3A_155, %get3A_156] {strides = array<i32>} : memref<200x128xf32, #tpu.memory_space<vmem>>, vector<16xf32>,
        %scan3A_158 = arith.constant 0 : i32
        %scan3A_159 = arith.constant 0 : i32
        %scan3A_160 = arith.constant 128 : i32
        %scan3A_161 = arith.addi %scan3A_159, %scan3A_160 : i32
        %scan3A_162 = arith.constant 4 : i32
        scf.for %scan3A_317 = %scan3A_159 to %scan3A_161 step %scan3A_162  : i32 {
          %broadcast_in_dim3A = arith.constant 0 : i32
          %broadcast_in_dim3A_318 = vector.broadcast %broadcast_in_dim3A : i32 to vector<16xi32>
          %add3A_319 = vector.broadcast %scan3A_317 : i32 to vector<16xi32>
          %add3A_320 = arith.addi %broadcast_in_dim3A_318, %add3A_319 : vector<16xi32>
          %add3A_321 = arith.constant 0 : i32
          %add3A_322 = arith.addi %add3A_321, %scan3A_317 : i32
          %get3A_323 = arith.index_cast %add3A_322 : i32 to index
          %get3A_324 = arith.constant 0 : index
          %get3A_325 = tpu.vector_load %arg8[%get3A_323, %get3A_324] {strides = array<i32>} : memref<512x64xf32, #tpu.memory_space<vmem>>, vector<16xf32>,
          %add3A_326 = arith.addf %get3A_325, %get3A_148 : vector<16xf32>
          tpu.vector_store_idx %arg10[%div3A_7, %rem3A_30, %add3A_320], %add3A_326 : memref<8x8x129xf32, #tpu.memory_space<vmem>>[vector<16xi32>, vector<16xi32>, vector<16xi32>], vector<16xf32>,
          %get3A_327 = arith.index_cast %add3A_322 : i32 to index
          %get3A_328 = arith.constant 16 : index
          %get3A_329 = tpu.vector_load %arg8[%get3A_327, %get3A_328] {strides = array<i32>} : memref<512x64xf32, #tpu.memory_space<vmem>>, vector<16xf32>,
          %add3A_330 = arith.addf %get3A_329, %get3A_151 : vector<16xf32>
          tpu.vector_store_idx %arg10[%div3A_13, %rem3A_36, %add3A_320], %add3A_330 : memref<8x8x129xf32, #tpu.memory_space<vmem>>[vector<16xi32>, vector<16xi32>, vector<16xi32>], vector<16xf32>,
          %get3A_331 = arith.index_cast %add3A_322 : i32 to index
          %get3A_332 = arith.constant 32 : index
          %get3A_333 = tpu.vector_load %arg8[%get3A_331, %get3A_332] {strides = array<i32>} : memref<512x64xf32, #tpu.memory_space<vmem>>, vector<16xf32>,
          %add3A_334 = arith.addf %get3A_333, %get3A_154 : vector<16xf32>
          tpu.vector_store_idx %arg10[%div3A_19, %rem3A_42, %add3A_320], %add3A_334 : memref<8x8x129xf32, #tpu.memory_space<vmem>>[vector<16xi32>, vector<16xi32>, vector<16xi32>], vector<16xf32>,
          %get3A_335 = arith.index_cast %add3A_322 : i32 to index
          %get3A_336 = arith.constant 48 : index
          %get3A_337 = tpu.vector_load %arg8[%get3A_335, %get3A_336] {strides = array<i32>} : memref<512x64xf32, #tpu.memory_space<vmem>>, vector<16xf32>,
          %add3A_338 = arith.addf %get3A_337, %get3A_157 : vector<16xf32>
          tpu.vector_store_idx %arg10[%div3A_25, %rem3A_48, %add3A_320], %add3A_338 : memref<8x8x129xf32, #tpu.memory_space<vmem>>[vector<16xi32>, vector<16xi32>, vector<16xi32>], vector<16xf32>,
          %scan3A_339 = arith.constant 1 : i32
          %scan3A_340 = arith.addi %scan3A_317, %scan3A_339 : i32
          %broadcast_in_dim3A_341 = arith.constant 0 : i32
          %broadcast_in_dim3A_342 = vector.broadcast %broadcast_in_dim3A_341 : i32 to vector<16xi32>
          %add3A_343 = vector.broadcast %scan3A_340 : i32 to vector<16xi32>
          %add3A_344 = arith.addi %broadcast_in_dim3A_342, %add3A_343 : vector<16xi32>
          %add3A_345 = arith.constant 0 : i32
          %add3A_346 = arith.addi %add3A_345, %scan3A_340 : i32
          %get3A_347 = arith.index_cast %add3A_346 : i32 to index
          %get3A_348 = arith.constant 0 : index
          %get3A_349 = tpu.vector_load %arg8[%get3A_347, %get3A_348] {strides = array<i32>} : memref<512x64xf32, #tpu.memory_space<vmem>>, vector<16xf32>,
          %add3A_350 = arith.addf %get3A_349, %get3A_148 : vector<16xf32>
          tpu.vector_store_idx %arg10[%div3A_7, %rem3A_30, %add3A_344], %add3A_350 : memref<8x8x129xf32, #tpu.memory_space<vmem>>[vector<16xi32>, vector<16xi32>, vector<16xi32>], vector<16xf32>,
          %get3A_351 = arith.index_cast %add3A_346 : i32 to index
          %get3A_352 = arith.constant 16 : index
          %get3A_353 = tpu.vector_load %arg8[%get3A_351, %get3A_352] {strides = array<i32>} : memref<512x64xf32, #tpu.memory_space<vmem>>, vector<16xf32>,
          %add3A_354 = arith.addf %get3A_353, %get3A_151 : vector<16xf32>
          tpu.vector_store_idx %arg10[%div3A_13, %rem3A_36, %add3A_344], %add3A_354 : memref<8x8x129xf32, #tpu.memory_space<vmem>>[vector<16xi32>, vector<16xi32>, vector<16xi32>], vector<16xf32>,
          %get3A_355 = arith.index_cast %add3A_346 : i32 to index
          %get3A_356 = arith.constant 32 : index
          %get3A_357 = tpu.vector_load %arg8[%get3A_355, %get3A_356] {strides = array<i32>} : memref<512x64xf32, #tpu.memory_space<vmem>>, vector<16xf32>,
          %add3A_358 = arith.addf %get3A_357, %get3A_154 : vector<16xf32>
          tpu.vector_store_idx %arg10[%div3A_19, %rem3A_42, %add3A_344], %add3A_358 : memref<8x8x129xf32, #tpu.memory_space<vmem>>[vector<16xi32>, vector<16xi32>, vector<16xi32>], vector<16xf32>,
          %get3A_359 = arith.index_cast %add3A_346 : i32 to index
          %get3A_360 = arith.constant 48 : index
          %get3A_361 = tpu.vector_load %arg8[%get3A_359, %get3A_360] {strides = array<i32>} : memref<512x64xf32, #tpu.memory_space<vmem>>, vector<16xf32>,
          %add3A_362 = arith.addf %get3A_361, %get3A_157 : vector<16xf32>
          tpu.vector_store_idx %arg10[%div3A_25, %rem3A_48, %add3A_344], %add3A_362 : memref<8x8x129xf32, #tpu.memory_space<vmem>>[vector<16xi32>, vector<16xi32>, vector<16xi32>], vector<16xf32>,
          %scan3A_363 = arith.constant 2 : i32
          %scan3A_364 = arith.addi %scan3A_317, %scan3A_363 : i32
          %broadcast_in_dim3A_365 = arith.constant 0 : i32
          %broadcast_in_dim3A_366 = vector.broadcast %broadcast_in_dim3A_365 : i32 to vector<16xi32>
          %add3A_367 = vector.broadcast %scan3A_364 : i32 to vector<16xi32>
          %add3A_368 = arith.addi %broadcast_in_dim3A_366, %add3A_367 : vector<16xi32>
          %add3A_369 = arith.constant 0 : i32
          %add3A_370 = arith.addi %add3A_369, %scan3A_364 : i32
          %get3A_371 = arith.index_cast %add3A_370 : i32 to index
          %get3A_372 = arith.constant 0 : index
          %get3A_373 = tpu.vector_load %arg8[%get3A_371, %get3A_372] {strides = array<i32>} : memref<512x64xf32, #tpu.memory_space<vmem>>, vector<16xf32>,
          %add3A_374 = arith.addf %get3A_373, %get3A_148 : vector<16xf32>
          tpu.vector_store_idx %arg10[%div3A_7, %rem3A_30, %add3A_368], %add3A_374 : memref<8x8x129xf32, #tpu.memory_space<vmem>>[vector<16xi32>, vector<16xi32>, vector<16xi32>], vector<16xf32>,
          %get3A_375 = arith.index_cast %add3A_370 : i32 to index
          %get3A_376 = arith.constant 16 : index
          %get3A_377 = tpu.vector_load %arg8[%get3A_375, %get3A_376] {strides = array<i32>} : memref<512x64xf32, #tpu.memory_space<vmem>>, vector<16xf32>,
          %add3A_378 = arith.addf %get3A_377, %get3A_151 : vector<16xf32>
          tpu.vector_store_idx %arg10[%div3A_13, %rem3A_36, %add3A_368], %add3A_378 : memref<8x8x129xf32, #tpu.memory_space<vmem>>[vector<16xi32>, vector<16xi32>, vector<16xi32>], vector<16xf32>,
          %get3A_379 = arith.index_cast %add3A_370 : i32 to index
          %get3A_380 = arith.constant 32 : index
          %get3A_381 = tpu.vector_load %arg8[%get3A_379, %get3A_380] {strides = array<i32>} : memref<512x64xf32, #tpu.memory_space<vmem>>, vector<16xf32>,
          %add3A_382 = arith.addf %get3A_381, %get3A_154 : vector<16xf32>
          tpu.vector_store_idx %arg10[%div3A_19, %rem3A_42, %add3A_368], %add3A_382 : memref<8x8x129xf32, #tpu.memory_space<vmem>>[vector<16xi32>, vector<16xi32>, vector<16xi32>], vector<16xf32>,
          %get3A_383 = arith.index_cast %add3A_370 : i32 to index
          %get3A_384 = arith.constant 48 : index
          %get3A_385 = tpu.vector_load %arg8[%get3A_383, %get3A_384] {strides = array<i32>} : memref<512x64xf32, #tpu.memory_space<vmem>>, vector<16xf32>,
          %add3A_386 = arith.addf %get3A_385, %get3A_157 : vector<16xf32>
          tpu.vector_store_idx %arg10[%div3A_25, %rem3A_48, %add3A_368], %add3A_386 : memref<8x8x129xf32, #tpu.memory_space<vmem>>[vector<16xi32>, vector<16xi32>, vector<16xi32>], vector<16xf32>,
          %scan3A_387 = arith.constant 3 : i32
          %scan3A_388 = arith.addi %scan3A_317, %scan3A_387 : i32
          %broadcast_in_dim3A_389 = arith.constant 0 : i32
          %broadcast_in_dim3A_390 = vector.broadcast %broadcast_in_dim3A_389 : i32 to vector<16xi32>
          %add3A_391 = vector.broadcast %scan3A_388 : i32 to vector<16xi32>
          %add3A_392 = arith.addi %broadcast_in_dim3A_390, %add3A_391 : vector<16xi32>
          %add3A_393 = arith.constant 0 : i32
          %add3A_394 = arith.addi %add3A_393, %scan3A_388 : i32
          %get3A_395 = arith.index_cast %add3A_394 : i32 to index
          %get3A_396 = arith.constant 0 : index
          %get3A_397 = tpu.vector_load %arg8[%get3A_395, %get3A_396] {strides = array<i32>} : memref<512x64xf32, #tpu.memory_space<vmem>>, vector<16xf32>,
          %add3A_398 = arith.addf %get3A_397, %get3A_148 : vector<16xf32>
          tpu.vector_store_idx %arg10[%div3A_7, %rem3A_30, %add3A_392], %add3A_398 : memref<8x8x129xf32, #tpu.memory_space<vmem>>[vector<16xi32>, vector<16xi32>, vector<16xi32>], vector<16xf32>,
          %get3A_399 = arith.index_cast %add3A_394 : i32 to index
          %get3A_400 = arith.constant 16 : index
          %get3A_401 = tpu.vector_load %arg8[%get3A_399, %get3A_400] {strides = array<i32>} : memref<512x64xf32, #tpu.memory_space<vmem>>, vector<16xf32>,
          %add3A_402 = arith.addf %get3A_401, %get3A_151 : vector<16xf32>
          tpu.vector_store_idx %arg10[%div3A_13, %rem3A_36, %add3A_392], %add3A_402 : memref<8x8x129xf32, #tpu.memory_space<vmem>>[vector<16xi32>, vector<16xi32>, vector<16xi32>], vector<16xf32>,
          %get3A_403 = arith.index_cast %add3A_394 : i32 to index
          %get3A_404 = arith.constant 32 : index
          %get3A_405 = tpu.vector_load %arg8[%get3A_403, %get3A_404] {strides = array<i32>} : memref<512x64xf32, #tpu.memory_space<vmem>>, vector<16xf32>,
          %add3A_406 = arith.addf %get3A_405, %get3A_154 : vector<16xf32>
          tpu.vector_store_idx %arg10[%div3A_19, %rem3A_42, %add3A_392], %add3A_406 : memref<8x8x129xf32, #tpu.memory_space<vmem>>[vector<16xi32>, vector<16xi32>, vector<16xi32>], vector<16xf32>,
          %get3A_407 = arith.index_cast %add3A_394 : i32 to index
          %get3A_408 = arith.constant 48 : index
          %get3A_409 = tpu.vector_load %arg8[%get3A_407, %get3A_408] {strides = array<i32>} : memref<512x64xf32, #tpu.memory_space<vmem>>, vector<16xf32>,
          %add3A_410 = arith.addf %get3A_409, %get3A_157 : vector<16xf32>
          tpu.vector_store_idx %arg10[%div3A_25, %rem3A_48, %add3A_392], %add3A_410 : memref<8x8x129xf32, #tpu.memory_space<vmem>>[vector<16xi32>, vector<16xi32>, vector<16xi32>], vector<16xf32>,
        }
        %scan3A_163 = arith.constant 128 : i32
        %dma_start3A_164 = arith.constant 0 : i32
        %dma_start3A_165 = arith.constant 0 : i32
        %dma_start3A_166 = arith.constant 0 : i32
        %dma_start3A_167 = tpu.memref_slice %arg10[%dma_start3A_164, %dma_start3A_165, %dma_start3A_166] : memref<8x8x129xf32, #tpu.memory_space<vmem>> -> memref<8x8x128xf32, #tpu.memory_space<vmem>>
        %dma_start3A_168 = arith.constant 0 : i32
        %dma_start3A_169 = arith.constant 0 : i32
        %dma_start3A_170 = arith.constant 0 : i32
        %dma_start3A_171 = tpu.memref_slice %arg5[%add3A_142, %dma_start3A_168, %add3A, %dma_start3A_169, %dma_start3A_170] : memref<200x8x32x8x128xf32, #tpu.memory_space<hbm>> -> memref<1x8x1x8x128xf32, #tpu.memory_space<hbm>>
        %dma_start3A_172 = tpu.memref_squeeze %dma_start3A_171 : memref<1x8x1x8x128xf32, #tpu.memory_space<hbm>> -> memref<8x8x128xf32, #tpu.memory_space<hbm>>
        %dma_start3A_173 = arith.constant 0 : i32
        %dma_start3A_174 = arith.constant 0 : i32
        %dma_start3A_175 = arith.constant 0 : i32
        %dma_start3A_176 = tpu.memref_slice %arg5[%add3A_142, %dma_start3A_173, %add3A, %dma_start3A_174, %dma_start3A_175] : memref<200x8x32x8x128xf32, #tpu.memory_space<hbm>> -> memref<1x8x1x8x128xf32, #tpu.memory_space<hbm>>
        %dma_start3A_177 = tpu.memref_squeeze %dma_start3A_176 : memref<1x8x1x8x128xf32, #tpu.memory_space<hbm>> -> memref<8x8x128xf32, #tpu.memory_space<hbm>>
        %dma_start3A_178 = arith.constant 0 : i32
        %dma_start3A_179 = arith.constant 0 : i32
        %dma_start3A_180 = arith.constant 0 : i32
        %dma_start3A_181 = tpu.memref_slice %arg10[%dma_start3A_178, %dma_start3A_179, %dma_start3A_180] : memref<8x8x129xf32, #tpu.memory_space<vmem>> -> memref<8x8x128xf32, #tpu.memory_space<vmem>>
        tpu.enqueue_dma source(%dma_start3A_181 : memref<8x8x128xf32, #tpu.memory_space<vmem>>) target(%dma_start3A_177 : memref<8x8x128xf32, #tpu.memory_space<hbm>>) target_semaphore(%arg16 : memref<!tpu.dma_semaphore, #tpu.memory_space<semaphore_mem>>)
        %mul3A_182 = arith.constant 4 : i32
        %mul3A_183 = arith.muli %scan3A_108, %mul3A_182 : i32
        %add3A_184 = arith.constant 1 : i32
        %add3A_185 = arith.addi %mul3A_183, %add3A_184 : i32
        %ge3A_186 = arith.constant 2 : i32
        %ge3A_187 = arith.cmpi sge, %add3A_185, %ge3A_186 : i32
        %convert_element_type3A_188 = arith.extui %ge3A_187 : i1 to i32
        %cond3A_189 = arith.constant 0 : i32
        %cond3A_190 = arith.cmpi ne, %convert_element_type3A_188, %cond3A_189 : i32
        scf.if %cond3A_190 {
          %sub3A = arith.constant 2 : i32
          %sub3A_317 = arith.subi %add3A_185, %sub3A : i32
          %dma_wait3A_318 = arith.constant 0 : i32
          %dma_wait3A_319 = arith.constant 0 : i32
          %dma_wait3A_320 = arith.constant 0 : i32
          %dma_wait3A_321 = tpu.memref_slice %arg11[%dma_wait3A_318, %dma_wait3A_319, %dma_wait3A_320] : memref<8x8x129xf32, #tpu.memory_space<vmem>> -> memref<8x8x128xf32, #tpu.memory_space<vmem>>
          %dma_wait3A_322 = arith.constant 0 : i32
          %dma_wait3A_323 = arith.constant 0 : i32
          %dma_wait3A_324 = arith.constant 0 : i32
          %dma_wait3A_325 = tpu.memref_slice %arg5[%sub3A_317, %dma_wait3A_322, %add3A, %dma_wait3A_323, %dma_wait3A_324] : memref<200x8x32x8x128xf32, #tpu.memory_space<hbm>> -> memref<1x8x1x8x128xf32, #tpu.memory_space<hbm>>
          %dma_wait3A_326 = tpu.memref_squeeze %dma_wait3A_325 : memref<1x8x1x8x128xf32, #tpu.memory_space<hbm>> -> memref<8x8x128xf32, #tpu.memory_space<hbm>>
          %dma_wait3A_327 = arith.constant 0 : i32
          %dma_wait3A_328 = arith.constant 0 : i32
          %dma_wait3A_329 = arith.constant 0 : i32
          %dma_wait3A_330 = tpu.memref_slice %arg5[%sub3A_317, %dma_wait3A_327, %add3A, %dma_wait3A_328, %dma_wait3A_329] : memref<200x8x32x8x128xf32, #tpu.memory_space<hbm>> -> memref<1x8x1x8x128xf32, #tpu.memory_space<hbm>>
          %dma_wait3A_331 = tpu.memref_squeeze %dma_wait3A_330 : memref<1x8x1x8x128xf32, #tpu.memory_space<hbm>> -> memref<8x8x128xf32, #tpu.memory_space<hbm>>
          %dma_wait3A_332 = arith.constant 0 : i32
          %dma_wait3A_333 = arith.constant 0 : i32
          %dma_wait3A_334 = arith.constant 0 : i32
          %dma_wait3A_335 = tpu.memref_slice %arg11[%dma_wait3A_332, %dma_wait3A_333, %dma_wait3A_334] : memref<8x8x129xf32, #tpu.memory_space<vmem>> -> memref<8x8x128xf32, #tpu.memory_space<vmem>>
          tpu.wait_dma2 semaphore(%arg17 : memref<!tpu.dma_semaphore, #tpu.memory_space<semaphore_mem>>) src(%dma_wait3A_335 : memref<8x8x128xf32, #tpu.memory_space<vmem>>) dst(%dma_wait3A_331 : memref<8x8x128xf32, #tpu.memory_space<hbm>>)
        } else {
        }
        %get3A_191 = arith.index_cast %add3A_185 : i32 to index
        %get3A_192 = arith.constant 0 : index
        %get3A_193 = tpu.vector_load %arg12[%get3A_191, %get3A_192] {strides = array<i32>} : memref<200x128xf32, #tpu.memory_space<vmem>>, vector<16xf32>,
        %get3A_194 = arith.index_cast %add3A_185 : i32 to index
        %get3A_195 = arith.constant 16 : index
        %get3A_196 = tpu.vector_load %arg12[%get3A_194, %get3A_195] {strides = array<i32>} : memref<200x128xf32, #tpu.memory_space<vmem>>, vector<16xf32>,
        %get3A_197 = arith.index_cast %add3A_185 : i32 to index
        %get3A_198 = arith.constant 32 : index
        %get3A_199 = tpu.vector_load %arg12[%get3A_197, %get3A_198] {strides = array<i32>} : memref<200x128xf32, #tpu.memory_space<vmem>>, vector<16xf32>,
        %get3A_200 = arith.index_cast %add3A_185 : i32 to index
        %get3A_201 = arith.constant 48 : index
        %get3A_202 = tpu.vector_load %arg12[%get3A_200, %get3A_201] {strides = array<i32>} : memref<200x128xf32, #tpu.memory_space<vmem>>, vector<16xf32>,
        %scan3A_203 = arith.constant 0 : i32
        %scan3A_204 = arith.constant 0 : i32
        %scan3A_205 = arith.constant 128 : i32
        %scan3A_206 = arith.addi %scan3A_204, %scan3A_205 : i32
        %scan3A_207 = arith.constant 4 : i32
        scf.for %scan3A_317 = %scan3A_204 to %scan3A_206 step %scan3A_207  : i32 {
          %broadcast_in_dim3A = arith.constant 0 : i32
          %broadcast_in_dim3A_318 = vector.broadcast %broadcast_in_dim3A : i32 to vector<16xi32>
          %add3A_319 = vector.broadcast %scan3A_317 : i32 to vector<16xi32>
          %add3A_320 = arith.addi %broadcast_in_dim3A_318, %add3A_319 : vector<16xi32>
          %add3A_321 = arith.constant 128 : i32
          %add3A_322 = arith.addi %add3A_321, %scan3A_317 : i32
          %get3A_323 = arith.index_cast %add3A_322 : i32 to index
          %get3A_324 = arith.constant 0 : index
          %get3A_325 = tpu.vector_load %arg8[%get3A_323, %get3A_324] {strides = array<i32>} : memref<512x64xf32, #tpu.memory_space<vmem>>, vector<16xf32>,
          %add3A_326 = arith.addf %get3A_325, %get3A_193 : vector<16xf32>
          tpu.vector_store_idx %arg11[%div3A_7, %rem3A_30, %add3A_320], %add3A_326 : memref<8x8x129xf32, #tpu.memory_space<vmem>>[vector<16xi32>, vector<16xi32>, vector<16xi32>], vector<16xf32>,
          %get3A_327 = arith.index_cast %add3A_322 : i32 to index
          %get3A_328 = arith.constant 16 : index
          %get3A_329 = tpu.vector_load %arg8[%get3A_327, %get3A_328] {strides = array<i32>} : memref<512x64xf32, #tpu.memory_space<vmem>>, vector<16xf32>,
          %add3A_330 = arith.addf %get3A_329, %get3A_196 : vector<16xf32>
          tpu.vector_store_idx %arg11[%div3A_13, %rem3A_36, %add3A_320], %add3A_330 : memref<8x8x129xf32, #tpu.memory_space<vmem>>[vector<16xi32>, vector<16xi32>, vector<16xi32>], vector<16xf32>,
          %get3A_331 = arith.index_cast %add3A_322 : i32 to index
          %get3A_332 = arith.constant 32 : index
          %get3A_333 = tpu.vector_load %arg8[%get3A_331, %get3A_332] {strides = array<i32>} : memref<512x64xf32, #tpu.memory_space<vmem>>, vector<16xf32>,
          %add3A_334 = arith.addf %get3A_333, %get3A_199 : vector<16xf32>
          tpu.vector_store_idx %arg11[%div3A_19, %rem3A_42, %add3A_320], %add3A_334 : memref<8x8x129xf32, #tpu.memory_space<vmem>>[vector<16xi32>, vector<16xi32>, vector<16xi32>], vector<16xf32>,
          %get3A_335 = arith.index_cast %add3A_322 : i32 to index
          %get3A_336 = arith.constant 48 : index
          %get3A_337 = tpu.vector_load %arg8[%get3A_335, %get3A_336] {strides = array<i32>} : memref<512x64xf32, #tpu.memory_space<vmem>>, vector<16xf32>,
          %add3A_338 = arith.addf %get3A_337, %get3A_202 : vector<16xf32>
          tpu.vector_store_idx %arg11[%div3A_25, %rem3A_48, %add3A_320], %add3A_338 : memref<8x8x129xf32, #tpu.memory_space<vmem>>[vector<16xi32>, vector<16xi32>, vector<16xi32>], vector<16xf32>,
          %scan3A_339 = arith.constant 1 : i32
          %scan3A_340 = arith.addi %scan3A_317, %scan3A_339 : i32
          %broadcast_in_dim3A_341 = arith.constant 0 : i32
          %broadcast_in_dim3A_342 = vector.broadcast %broadcast_in_dim3A_341 : i32 to vector<16xi32>
          %add3A_343 = vector.broadcast %scan3A_340 : i32 to vector<16xi32>
          %add3A_344 = arith.addi %broadcast_in_dim3A_342, %add3A_343 : vector<16xi32>
          %add3A_345 = arith.constant 128 : i32
          %add3A_346 = arith.addi %add3A_345, %scan3A_340 : i32
          %get3A_347 = arith.index_cast %add3A_346 : i32 to index
          %get3A_348 = arith.constant 0 : index
          %get3A_349 = tpu.vector_load %arg8[%get3A_347, %get3A_348] {strides = array<i32>} : memref<512x64xf32, #tpu.memory_space<vmem>>, vector<16xf32>,
          %add3A_350 = arith.addf %get3A_349, %get3A_193 : vector<16xf32>
          tpu.vector_store_idx %arg11[%div3A_7, %rem3A_30, %add3A_344], %add3A_350 : memref<8x8x129xf32, #tpu.memory_space<vmem>>[vector<16xi32>, vector<16xi32>, vector<16xi32>], vector<16xf32>,
          %get3A_351 = arith.index_cast %add3A_346 : i32 to index
          %get3A_352 = arith.constant 16 : index
          %get3A_353 = tpu.vector_load %arg8[%get3A_351, %get3A_352] {strides = array<i32>} : memref<512x64xf32, #tpu.memory_space<vmem>>, vector<16xf32>,
          %add3A_354 = arith.addf %get3A_353, %get3A_196 : vector<16xf32>
          tpu.vector_store_idx %arg11[%div3A_13, %rem3A_36, %add3A_344], %add3A_354 : memref<8x8x129xf32, #tpu.memory_space<vmem>>[vector<16xi32>, vector<16xi32>, vector<16xi32>], vector<16xf32>,
          %get3A_355 = arith.index_cast %add3A_346 : i32 to index
          %get3A_356 = arith.constant 32 : index
          %get3A_357 = tpu.vector_load %arg8[%get3A_355, %get3A_356] {strides = array<i32>} : memref<512x64xf32, #tpu.memory_space<vmem>>, vector<16xf32>,
          %add3A_358 = arith.addf %get3A_357, %get3A_199 : vector<16xf32>
          tpu.vector_store_idx %arg11[%div3A_19, %rem3A_42, %add3A_344], %add3A_358 : memref<8x8x129xf32, #tpu.memory_space<vmem>>[vector<16xi32>, vector<16xi32>, vector<16xi32>], vector<16xf32>,
          %get3A_359 = arith.index_cast %add3A_346 : i32 to index
          %get3A_360 = arith.constant 48 : index
          %get3A_361 = tpu.vector_load %arg8[%get3A_359, %get3A_360] {strides = array<i32>} : memref<512x64xf32, #tpu.memory_space<vmem>>, vector<16xf32>,
          %add3A_362 = arith.addf %get3A_361, %get3A_202 : vector<16xf32>
          tpu.vector_store_idx %arg11[%div3A_25, %rem3A_48, %add3A_344], %add3A_362 : memref<8x8x129xf32, #tpu.memory_space<vmem>>[vector<16xi32>, vector<16xi32>, vector<16xi32>], vector<16xf32>,
          %scan3A_363 = arith.constant 2 : i32
          %scan3A_364 = arith.addi %scan3A_317, %scan3A_363 : i32
          %broadcast_in_dim3A_365 = arith.constant 0 : i32
          %broadcast_in_dim3A_366 = vector.broadcast %broadcast_in_dim3A_365 : i32 to vector<16xi32>
          %add3A_367 = vector.broadcast %scan3A_364 : i32 to vector<16xi32>
          %add3A_368 = arith.addi %broadcast_in_dim3A_366, %add3A_367 : vector<16xi32>
          %add3A_369 = arith.constant 128 : i32
          %add3A_370 = arith.addi %add3A_369, %scan3A_364 : i32
          %get3A_371 = arith.index_cast %add3A_370 : i32 to index
          %get3A_372 = arith.constant 0 : index
          %get3A_373 = tpu.vector_load %arg8[%get3A_371, %get3A_372] {strides = array<i32>} : memref<512x64xf32, #tpu.memory_space<vmem>>, vector<16xf32>,
          %add3A_374 = arith.addf %get3A_373, %get3A_193 : vector<16xf32>
          tpu.vector_store_idx %arg11[%div3A_7, %rem3A_30, %add3A_368], %add3A_374 : memref<8x8x129xf32, #tpu.memory_space<vmem>>[vector<16xi32>, vector<16xi32>, vector<16xi32>], vector<16xf32>,
          %get3A_375 = arith.index_cast %add3A_370 : i32 to index
          %get3A_376 = arith.constant 16 : index
          %get3A_377 = tpu.vector_load %arg8[%get3A_375, %get3A_376] {strides = array<i32>} : memref<512x64xf32, #tpu.memory_space<vmem>>, vector<16xf32>,
          %add3A_378 = arith.addf %get3A_377, %get3A_196 : vector<16xf32>
          tpu.vector_store_idx %arg11[%div3A_13, %rem3A_36, %add3A_368], %add3A_378 : memref<8x8x129xf32, #tpu.memory_space<vmem>>[vector<16xi32>, vector<16xi32>, vector<16xi32>], vector<16xf32>,
          %get3A_379 = arith.index_cast %add3A_370 : i32 to index
          %get3A_380 = arith.constant 32 : index
          %get3A_381 = tpu.vector_load %arg8[%get3A_379, %get3A_380] {strides = array<i32>} : memref<512x64xf32, #tpu.memory_space<vmem>>, vector<16xf32>,
          %add3A_382 = arith.addf %get3A_381, %get3A_199 : vector<16xf32>
          tpu.vector_store_idx %arg11[%div3A_19, %rem3A_42, %add3A_368], %add3A_382 : memref<8x8x129xf32, #tpu.memory_space<vmem>>[vector<16xi32>, vector<16xi32>, vector<16xi32>], vector<16xf32>,
          %get3A_383 = arith.index_cast %add3A_370 : i32 to index
          %get3A_384 = arith.constant 48 : index
          %get3A_385 = tpu.vector_load %arg8[%get3A_383, %get3A_384] {strides = array<i32>} : memref<512x64xf32, #tpu.memory_space<vmem>>, vector<16xf32>,
          %add3A_386 = arith.addf %get3A_385, %get3A_202 : vector<16xf32>
          tpu.vector_store_idx %arg11[%div3A_25, %rem3A_48, %add3A_368], %add3A_386 : memref<8x8x129xf32, #tpu.memory_space<vmem>>[vector<16xi32>, vector<16xi32>, vector<16xi32>], vector<16xf32>,
          %scan3A_387 = arith.constant 3 : i32
          %scan3A_388 = arith.addi %scan3A_317, %scan3A_387 : i32
          %broadcast_in_dim3A_389 = arith.constant 0 : i32
          %broadcast_in_dim3A_390 = vector.broadcast %broadcast_in_dim3A_389 : i32 to vector<16xi32>
          %add3A_391 = vector.broadcast %scan3A_388 : i32 to vector<16xi32>
          %add3A_392 = arith.addi %broadcast_in_dim3A_390, %add3A_391 : vector<16xi32>
          %add3A_393 = arith.constant 128 : i32
          %add3A_394 = arith.addi %add3A_393, %scan3A_388 : i32
          %get3A_395 = arith.index_cast %add3A_394 : i32 to index
          %get3A_396 = arith.constant 0 : index
          %get3A_397 = tpu.vector_load %arg8[%get3A_395, %get3A_396] {strides = array<i32>} : memref<512x64xf32, #tpu.memory_space<vmem>>, vector<16xf32>,
          %add3A_398 = arith.addf %get3A_397, %get3A_193 : vector<16xf32>
          tpu.vector_store_idx %arg11[%div3A_7, %rem3A_30, %add3A_392], %add3A_398 : memref<8x8x129xf32, #tpu.memory_space<vmem>>[vector<16xi32>, vector<16xi32>, vector<16xi32>], vector<16xf32>,
          %get3A_399 = arith.index_cast %add3A_394 : i32 to index
          %get3A_400 = arith.constant 16 : index
          %get3A_401 = tpu.vector_load %arg8[%get3A_399, %get3A_400] {strides = array<i32>} : memref<512x64xf32, #tpu.memory_space<vmem>>, vector<16xf32>,
          %add3A_402 = arith.addf %get3A_401, %get3A_196 : vector<16xf32>
          tpu.vector_store_idx %arg11[%div3A_13, %rem3A_36, %add3A_392], %add3A_402 : memref<8x8x129xf32, #tpu.memory_space<vmem>>[vector<16xi32>, vector<16xi32>, vector<16xi32>], vector<16xf32>,
          %get3A_403 = arith.index_cast %add3A_394 : i32 to index
          %get3A_404 = arith.constant 32 : index
          %get3A_405 = tpu.vector_load %arg8[%get3A_403, %get3A_404] {strides = array<i32>} : memref<512x64xf32, #tpu.memory_space<vmem>>, vector<16xf32>,
          %add3A_406 = arith.addf %get3A_405, %get3A_199 : vector<16xf32>
          tpu.vector_store_idx %arg11[%div3A_19, %rem3A_42, %add3A_392], %add3A_406 : memref<8x8x129xf32, #tpu.memory_space<vmem>>[vector<16xi32>, vector<16xi32>, vector<16xi32>], vector<16xf32>,
          %get3A_407 = arith.index_cast %add3A_394 : i32 to index
          %get3A_408 = arith.constant 48 : index
          %get3A_409 = tpu.vector_load %arg8[%get3A_407, %get3A_408] {strides = array<i32>} : memref<512x64xf32, #tpu.memory_space<vmem>>, vector<16xf32>,
          %add3A_410 = arith.addf %get3A_409, %get3A_202 : vector<16xf32>
          tpu.vector_store_idx %arg11[%div3A_25, %rem3A_48, %add3A_392], %add3A_410 : memref<8x8x129xf32, #tpu.memory_space<vmem>>[vector<16xi32>, vector<16xi32>, vector<16xi32>], vector<16xf32>,
        }
        %scan3A_208 = arith.constant 128 : i32
        %dma_start3A_209 = arith.constant 0 : i32
        %dma_start3A_210 = arith.constant 0 : i32
        %dma_start3A_211 = arith.constant 0 : i32
        %dma_start3A_212 = tpu.memref_slice %arg11[%dma_start3A_209, %dma_start3A_210, %dma_start3A_211] : memref<8x8x129xf32, #tpu.memory_space<vmem>> -> memref<8x8x128xf32, #tpu.memory_space<vmem>>
        %dma_start3A_213 = arith.constant 0 : i32
        %dma_start3A_214 = arith.constant 0 : i32
        %dma_start3A_215 = arith.constant 0 : i32
        %dma_start3A_216 = tpu.memref_slice %arg5[%add3A_185, %dma_start3A_213, %add3A, %dma_start3A_214, %dma_start3A_215] : memref<200x8x32x8x128xf32, #tpu.memory_space<hbm>> -> memref<1x8x1x8x128xf32, #tpu.memory_space<hbm>>
        %dma_start3A_217 = tpu.memref_squeeze %dma_start3A_216 : memref<1x8x1x8x128xf32, #tpu.memory_space<hbm>> -> memref<8x8x128xf32, #tpu.memory_space<hbm>>
        %dma_start3A_218 = arith.constant 0 : i32
        %dma_start3A_219 = arith.constant 0 : i32
        %dma_start3A_220 = arith.constant 0 : i32
        %dma_start3A_221 = tpu.memref_slice %arg5[%add3A_185, %dma_start3A_218, %add3A, %dma_start3A_219, %dma_start3A_220] : memref<200x8x32x8x128xf32, #tpu.memory_space<hbm>> -> memref<1x8x1x8x128xf32, #tpu.memory_space<hbm>>
        %dma_start3A_222 = tpu.memref_squeeze %dma_start3A_221 : memref<1x8x1x8x128xf32, #tpu.memory_space<hbm>> -> memref<8x8x128xf32, #tpu.memory_space<hbm>>
        %dma_start3A_223 = arith.constant 0 : i32
        %dma_start3A_224 = arith.constant 0 : i32
        %dma_start3A_225 = arith.constant 0 : i32
        %dma_start3A_226 = tpu.memref_slice %arg11[%dma_start3A_223, %dma_start3A_224, %dma_start3A_225] : memref<8x8x129xf32, #tpu.memory_space<vmem>> -> memref<8x8x128xf32, #tpu.memory_space<vmem>>
        tpu.enqueue_dma source(%dma_start3A_226 : memref<8x8x128xf32, #tpu.memory_space<vmem>>) target(%dma_start3A_222 : memref<8x8x128xf32, #tpu.memory_space<hbm>>) target_semaphore(%arg17 : memref<!tpu.dma_semaphore, #tpu.memory_space<semaphore_mem>>)
        %mul3A_227 = arith.constant 4 : i32
        %mul3A_228 = arith.muli %scan3A_108, %mul3A_227 : i32
        %add3A_229 = arith.constant 2 : i32
        %add3A_230 = arith.addi %mul3A_228, %add3A_229 : i32
        %ge3A_231 = arith.constant 2 : i32
        %ge3A_232 = arith.cmpi sge, %add3A_230, %ge3A_231 : i32
        %convert_element_type3A_233 = arith.extui %ge3A_232 : i1 to i32
        %cond3A_234 = arith.constant 0 : i32
        %cond3A_235 = arith.cmpi ne, %convert_element_type3A_233, %cond3A_234 : i32
        scf.if %cond3A_235 {
          %sub3A = arith.constant 2 : i32
          %sub3A_317 = arith.subi %add3A_230, %sub3A : i32
          %dma_wait3A_318 = arith.constant 0 : i32
          %dma_wait3A_319 = arith.constant 0 : i32
          %dma_wait3A_320 = arith.constant 0 : i32
          %dma_wait3A_321 = tpu.memref_slice %arg10[%dma_wait3A_318, %dma_wait3A_319, %dma_wait3A_320] : memref<8x8x129xf32, #tpu.memory_space<vmem>> -> memref<8x8x128xf32, #tpu.memory_space<vmem>>
          %dma_wait3A_322 = arith.constant 0 : i32
          %dma_wait3A_323 = arith.constant 0 : i32
          %dma_wait3A_324 = arith.constant 0 : i32
          %dma_wait3A_325 = tpu.memref_slice %arg5[%sub3A_317, %dma_wait3A_322, %add3A, %dma_wait3A_323, %dma_wait3A_324] : memref<200x8x32x8x128xf32, #tpu.memory_space<hbm>> -> memref<1x8x1x8x128xf32, #tpu.memory_space<hbm>>
          %dma_wait3A_326 = tpu.memref_squeeze %dma_wait3A_325 : memref<1x8x1x8x128xf32, #tpu.memory_space<hbm>> -> memref<8x8x128xf32, #tpu.memory_space<hbm>>
          %dma_wait3A_327 = arith.constant 0 : i32
          %dma_wait3A_328 = arith.constant 0 : i32
          %dma_wait3A_329 = arith.constant 0 : i32
          %dma_wait3A_330 = tpu.memref_slice %arg5[%sub3A_317, %dma_wait3A_327, %add3A, %dma_wait3A_328, %dma_wait3A_329] : memref<200x8x32x8x128xf32, #tpu.memory_space<hbm>> -> memref<1x8x1x8x128xf32, #tpu.memory_space<hbm>>
          %dma_wait3A_331 = tpu.memref_squeeze %dma_wait3A_330 : memref<1x8x1x8x128xf32, #tpu.memory_space<hbm>> -> memref<8x8x128xf32, #tpu.memory_space<hbm>>
          %dma_wait3A_332 = arith.constant 0 : i32
          %dma_wait3A_333 = arith.constant 0 : i32
          %dma_wait3A_334 = arith.constant 0 : i32
          %dma_wait3A_335 = tpu.memref_slice %arg10[%dma_wait3A_332, %dma_wait3A_333, %dma_wait3A_334] : memref<8x8x129xf32, #tpu.memory_space<vmem>> -> memref<8x8x128xf32, #tpu.memory_space<vmem>>
          tpu.wait_dma2 semaphore(%arg16 : memref<!tpu.dma_semaphore, #tpu.memory_space<semaphore_mem>>) src(%dma_wait3A_335 : memref<8x8x128xf32, #tpu.memory_space<vmem>>) dst(%dma_wait3A_331 : memref<8x8x128xf32, #tpu.memory_space<hbm>>)
        } else {
        }
        %get3A_236 = arith.index_cast %add3A_230 : i32 to index
        %get3A_237 = arith.constant 0 : index
        %get3A_238 = tpu.vector_load %arg12[%get3A_236, %get3A_237] {strides = array<i32>} : memref<200x128xf32, #tpu.memory_space<vmem>>, vector<16xf32>,
        %get3A_239 = arith.index_cast %add3A_230 : i32 to index
        %get3A_240 = arith.constant 16 : index
        %get3A_241 = tpu.vector_load %arg12[%get3A_239, %get3A_240] {strides = array<i32>} : memref<200x128xf32, #tpu.memory_space<vmem>>, vector<16xf32>,
        %get3A_242 = arith.index_cast %add3A_230 : i32 to index
        %get3A_243 = arith.constant 32 : index
        %get3A_244 = tpu.vector_load %arg12[%get3A_242, %get3A_243] {strides = array<i32>} : memref<200x128xf32, #tpu.memory_space<vmem>>, vector<16xf32>,
        %get3A_245 = arith.index_cast %add3A_230 : i32 to index
        %get3A_246 = arith.constant 48 : index
        %get3A_247 = tpu.vector_load %arg12[%get3A_245, %get3A_246] {strides = array<i32>} : memref<200x128xf32, #tpu.memory_space<vmem>>, vector<16xf32>,
        %scan3A_248 = arith.constant 0 : i32
        %scan3A_249 = arith.constant 0 : i32
        %scan3A_250 = arith.constant 128 : i32
        %scan3A_251 = arith.addi %scan3A_249, %scan3A_250 : i32
        %scan3A_252 = arith.constant 4 : i32
        scf.for %scan3A_317 = %scan3A_249 to %scan3A_251 step %scan3A_252  : i32 {
          %broadcast_in_dim3A = arith.constant 0 : i32
          %broadcast_in_dim3A_318 = vector.broadcast %broadcast_in_dim3A : i32 to vector<16xi32>
          %add3A_319 = vector.broadcast %scan3A_317 : i32 to vector<16xi32>
          %add3A_320 = arith.addi %broadcast_in_dim3A_318, %add3A_319 : vector<16xi32>
          %add3A_321 = arith.constant 256 : i32
          %add3A_322 = arith.addi %add3A_321, %scan3A_317 : i32
          %get3A_323 = arith.index_cast %add3A_322 : i32 to index
          %get3A_324 = arith.constant 0 : index
          %get3A_325 = tpu.vector_load %arg8[%get3A_323, %get3A_324] {strides = array<i32>} : memref<512x64xf32, #tpu.memory_space<vmem>>, vector<16xf32>,
          %add3A_326 = arith.addf %get3A_325, %get3A_238 : vector<16xf32>
          tpu.vector_store_idx %arg10[%div3A_7, %rem3A_30, %add3A_320], %add3A_326 : memref<8x8x129xf32, #tpu.memory_space<vmem>>[vector<16xi32>, vector<16xi32>, vector<16xi32>], vector<16xf32>,
          %get3A_327 = arith.index_cast %add3A_322 : i32 to index
          %get3A_328 = arith.constant 16 : index
          %get3A_329 = tpu.vector_load %arg8[%get3A_327, %get3A_328] {strides = array<i32>} : memref<512x64xf32, #tpu.memory_space<vmem>>, vector<16xf32>,
          %add3A_330 = arith.addf %get3A_329, %get3A_241 : vector<16xf32>
          tpu.vector_store_idx %arg10[%div3A_13, %rem3A_36, %add3A_320], %add3A_330 : memref<8x8x129xf32, #tpu.memory_space<vmem>>[vector<16xi32>, vector<16xi32>, vector<16xi32>], vector<16xf32>,
          %get3A_331 = arith.index_cast %add3A_322 : i32 to index
          %get3A_332 = arith.constant 32 : index
          %get3A_333 = tpu.vector_load %arg8[%get3A_331, %get3A_332] {strides = array<i32>} : memref<512x64xf32, #tpu.memory_space<vmem>>, vector<16xf32>,
          %add3A_334 = arith.addf %get3A_333, %get3A_244 : vector<16xf32>
          tpu.vector_store_idx %arg10[%div3A_19, %rem3A_42, %add3A_320], %add3A_334 : memref<8x8x129xf32, #tpu.memory_space<vmem>>[vector<16xi32>, vector<16xi32>, vector<16xi32>], vector<16xf32>,
          %get3A_335 = arith.index_cast %add3A_322 : i32 to index
          %get3A_336 = arith.constant 48 : index
          %get3A_337 = tpu.vector_load %arg8[%get3A_335, %get3A_336] {strides = array<i32>} : memref<512x64xf32, #tpu.memory_space<vmem>>, vector<16xf32>,
          %add3A_338 = arith.addf %get3A_337, %get3A_247 : vector<16xf32>
          tpu.vector_store_idx %arg10[%div3A_25, %rem3A_48, %add3A_320], %add3A_338 : memref<8x8x129xf32, #tpu.memory_space<vmem>>[vector<16xi32>, vector<16xi32>, vector<16xi32>], vector<16xf32>,
          %scan3A_339 = arith.constant 1 : i32
          %scan3A_340 = arith.addi %scan3A_317, %scan3A_339 : i32
          %broadcast_in_dim3A_341 = arith.constant 0 : i32
          %broadcast_in_dim3A_342 = vector.broadcast %broadcast_in_dim3A_341 : i32 to vector<16xi32>
          %add3A_343 = vector.broadcast %scan3A_340 : i32 to vector<16xi32>
          %add3A_344 = arith.addi %broadcast_in_dim3A_342, %add3A_343 : vector<16xi32>
          %add3A_345 = arith.constant 256 : i32
          %add3A_346 = arith.addi %add3A_345, %scan3A_340 : i32
          %get3A_347 = arith.index_cast %add3A_346 : i32 to index
          %get3A_348 = arith.constant 0 : index
          %get3A_349 = tpu.vector_load %arg8[%get3A_347, %get3A_348] {strides = array<i32>} : memref<512x64xf32, #tpu.memory_space<vmem>>, vector<16xf32>,
          %add3A_350 = arith.addf %get3A_349, %get3A_238 : vector<16xf32>
          tpu.vector_store_idx %arg10[%div3A_7, %rem3A_30, %add3A_344], %add3A_350 : memref<8x8x129xf32, #tpu.memory_space<vmem>>[vector<16xi32>, vector<16xi32>, vector<16xi32>], vector<16xf32>,
          %get3A_351 = arith.index_cast %add3A_346 : i32 to index
          %get3A_352 = arith.constant 16 : index
          %get3A_353 = tpu.vector_load %arg8[%get3A_351, %get3A_352] {strides = array<i32>} : memref<512x64xf32, #tpu.memory_space<vmem>>, vector<16xf32>,
          %add3A_354 = arith.addf %get3A_353, %get3A_241 : vector<16xf32>
          tpu.vector_store_idx %arg10[%div3A_13, %rem3A_36, %add3A_344], %add3A_354 : memref<8x8x129xf32, #tpu.memory_space<vmem>>[vector<16xi32>, vector<16xi32>, vector<16xi32>], vector<16xf32>,
          %get3A_355 = arith.index_cast %add3A_346 : i32 to index
          %get3A_356 = arith.constant 32 : index
          %get3A_357 = tpu.vector_load %arg8[%get3A_355, %get3A_356] {strides = array<i32>} : memref<512x64xf32, #tpu.memory_space<vmem>>, vector<16xf32>,
          %add3A_358 = arith.addf %get3A_357, %get3A_244 : vector<16xf32>
          tpu.vector_store_idx %arg10[%div3A_19, %rem3A_42, %add3A_344], %add3A_358 : memref<8x8x129xf32, #tpu.memory_space<vmem>>[vector<16xi32>, vector<16xi32>, vector<16xi32>], vector<16xf32>,
          %get3A_359 = arith.index_cast %add3A_346 : i32 to index
          %get3A_360 = arith.constant 48 : index
          %get3A_361 = tpu.vector_load %arg8[%get3A_359, %get3A_360] {strides = array<i32>} : memref<512x64xf32, #tpu.memory_space<vmem>>, vector<16xf32>,
          %add3A_362 = arith.addf %get3A_361, %get3A_247 : vector<16xf32>
          tpu.vector_store_idx %arg10[%div3A_25, %rem3A_48, %add3A_344], %add3A_362 : memref<8x8x129xf32, #tpu.memory_space<vmem>>[vector<16xi32>, vector<16xi32>, vector<16xi32>], vector<16xf32>,
          %scan3A_363 = arith.constant 2 : i32
          %scan3A_364 = arith.addi %scan3A_317, %scan3A_363 : i32
          %broadcast_in_dim3A_365 = arith.constant 0 : i32
          %broadcast_in_dim3A_366 = vector.broadcast %broadcast_in_dim3A_365 : i32 to vector<16xi32>
          %add3A_367 = vector.broadcast %scan3A_364 : i32 to vector<16xi32>
          %add3A_368 = arith.addi %broadcast_in_dim3A_366, %add3A_367 : vector<16xi32>
          %add3A_369 = arith.constant 256 : i32
          %add3A_370 = arith.addi %add3A_369, %scan3A_364 : i32
          %get3A_371 = arith.index_cast %add3A_370 : i32 to index
          %get3A_372 = arith.constant 0 : index
          %get3A_373 = tpu.vector_load %arg8[%get3A_371, %get3A_372] {strides = array<i32>} : memref<512x64xf32, #tpu.memory_space<vmem>>, vector<16xf32>,
          %add3A_374 = arith.addf %get3A_373, %get3A_238 : vector<16xf32>
          tpu.vector_store_idx %arg10[%div3A_7, %rem3A_30, %add3A_368], %add3A_374 : memref<8x8x129xf32, #tpu.memory_space<vmem>>[vector<16xi32>, vector<16xi32>, vector<16xi32>], vector<16xf32>,
          %get3A_375 = arith.index_cast %add3A_370 : i32 to index
          %get3A_376 = arith.constant 16 : index
          %get3A_377 = tpu.vector_load %arg8[%get3A_375, %get3A_376] {strides = array<i32>} : memref<512x64xf32, #tpu.memory_space<vmem>>, vector<16xf32>,
          %add3A_378 = arith.addf %get3A_377, %get3A_241 : vector<16xf32>
          tpu.vector_store_idx %arg10[%div3A_13, %rem3A_36, %add3A_368], %add3A_378 : memref<8x8x129xf32, #tpu.memory_space<vmem>>[vector<16xi32>, vector<16xi32>, vector<16xi32>], vector<16xf32>,
          %get3A_379 = arith.index_cast %add3A_370 : i32 to index
          %get3A_380 = arith.constant 32 : index
          %get3A_381 = tpu.vector_load %arg8[%get3A_379, %get3A_380] {strides = array<i32>} : memref<512x64xf32, #tpu.memory_space<vmem>>, vector<16xf32>,
          %add3A_382 = arith.addf %get3A_381, %get3A_244 : vector<16xf32>
          tpu.vector_store_idx %arg10[%div3A_19, %rem3A_42, %add3A_368], %add3A_382 : memref<8x8x129xf32, #tpu.memory_space<vmem>>[vector<16xi32>, vector<16xi32>, vector<16xi32>], vector<16xf32>,
          %get3A_383 = arith.index_cast %add3A_370 : i32 to index
          %get3A_384 = arith.constant 48 : index
          %get3A_385 = tpu.vector_load %arg8[%get3A_383, %get3A_384] {strides = array<i32>} : memref<512x64xf32, #tpu.memory_space<vmem>>, vector<16xf32>,
          %add3A_386 = arith.addf %get3A_385, %get3A_247 : vector<16xf32>
          tpu.vector_store_idx %arg10[%div3A_25, %rem3A_48, %add3A_368], %add3A_386 : memref<8x8x129xf32, #tpu.memory_space<vmem>>[vector<16xi32>, vector<16xi32>, vector<16xi32>], vector<16xf32>,
          %scan3A_387 = arith.constant 3 : i32
          %scan3A_388 = arith.addi %scan3A_317, %scan3A_387 : i32
          %broadcast_in_dim3A_389 = arith.constant 0 : i32
          %broadcast_in_dim3A_390 = vector.broadcast %broadcast_in_dim3A_389 : i32 to vector<16xi32>
          %add3A_391 = vector.broadcast %scan3A_388 : i32 to vector<16xi32>
          %add3A_392 = arith.addi %broadcast_in_dim3A_390, %add3A_391 : vector<16xi32>
          %add3A_393 = arith.constant 256 : i32
          %add3A_394 = arith.addi %add3A_393, %scan3A_388 : i32
          %get3A_395 = arith.index_cast %add3A_394 : i32 to index
          %get3A_396 = arith.constant 0 : index
          %get3A_397 = tpu.vector_load %arg8[%get3A_395, %get3A_396] {strides = array<i32>} : memref<512x64xf32, #tpu.memory_space<vmem>>, vector<16xf32>,
          %add3A_398 = arith.addf %get3A_397, %get3A_238 : vector<16xf32>
          tpu.vector_store_idx %arg10[%div3A_7, %rem3A_30, %add3A_392], %add3A_398 : memref<8x8x129xf32, #tpu.memory_space<vmem>>[vector<16xi32>, vector<16xi32>, vector<16xi32>], vector<16xf32>,
          %get3A_399 = arith.index_cast %add3A_394 : i32 to index
          %get3A_400 = arith.constant 16 : index
          %get3A_401 = tpu.vector_load %arg8[%get3A_399, %get3A_400] {strides = array<i32>} : memref<512x64xf32, #tpu.memory_space<vmem>>, vector<16xf32>,
          %add3A_402 = arith.addf %get3A_401, %get3A_241 : vector<16xf32>
          tpu.vector_store_idx %arg10[%div3A_13, %rem3A_36, %add3A_392], %add3A_402 : memref<8x8x129xf32, #tpu.memory_space<vmem>>[vector<16xi32>, vector<16xi32>, vector<16xi32>], vector<16xf32>,
          %get3A_403 = arith.index_cast %add3A_394 : i32 to index
          %get3A_404 = arith.constant 32 : index
          %get3A_405 = tpu.vector_load %arg8[%get3A_403, %get3A_404] {strides = array<i32>} : memref<512x64xf32, #tpu.memory_space<vmem>>, vector<16xf32>,
          %add3A_406 = arith.addf %get3A_405, %get3A_244 : vector<16xf32>
          tpu.vector_store_idx %arg10[%div3A_19, %rem3A_42, %add3A_392], %add3A_406 : memref<8x8x129xf32, #tpu.memory_space<vmem>>[vector<16xi32>, vector<16xi32>, vector<16xi32>], vector<16xf32>,
          %get3A_407 = arith.index_cast %add3A_394 : i32 to index
          %get3A_408 = arith.constant 48 : index
          %get3A_409 = tpu.vector_load %arg8[%get3A_407, %get3A_408] {strides = array<i32>} : memref<512x64xf32, #tpu.memory_space<vmem>>, vector<16xf32>,
          %add3A_410 = arith.addf %get3A_409, %get3A_247 : vector<16xf32>
          tpu.vector_store_idx %arg10[%div3A_25, %rem3A_48, %add3A_392], %add3A_410 : memref<8x8x129xf32, #tpu.memory_space<vmem>>[vector<16xi32>, vector<16xi32>, vector<16xi32>], vector<16xf32>,
        }
        %scan3A_253 = arith.constant 128 : i32
        %dma_start3A_254 = arith.constant 0 : i32
        %dma_start3A_255 = arith.constant 0 : i32
        %dma_start3A_256 = arith.constant 0 : i32
        %dma_start3A_257 = tpu.memref_slice %arg10[%dma_start3A_254, %dma_start3A_255, %dma_start3A_256] : memref<8x8x129xf32, #tpu.memory_space<vmem>> -> memref<8x8x128xf32, #tpu.memory_space<vmem>>
        %dma_start3A_258 = arith.constant 0 : i32
        %dma_start3A_259 = arith.constant 0 : i32
        %dma_start3A_260 = arith.constant 0 : i32
        %dma_start3A_261 = tpu.memref_slice %arg5[%add3A_230, %dma_start3A_258, %add3A, %dma_start3A_259, %dma_start3A_260] : memref<200x8x32x8x128xf32, #tpu.memory_space<hbm>> -> memref<1x8x1x8x128xf32, #tpu.memory_space<hbm>>
        %dma_start3A_262 = tpu.memref_squeeze %dma_start3A_261 : memref<1x8x1x8x128xf32, #tpu.memory_space<hbm>> -> memref<8x8x128xf32, #tpu.memory_space<hbm>>
        %dma_start3A_263 = arith.constant 0 : i32
        %dma_start3A_264 = arith.constant 0 : i32
        %dma_start3A_265 = arith.constant 0 : i32
        %dma_start3A_266 = tpu.memref_slice %arg5[%add3A_230, %dma_start3A_263, %add3A, %dma_start3A_264, %dma_start3A_265] : memref<200x8x32x8x128xf32, #tpu.memory_space<hbm>> -> memref<1x8x1x8x128xf32, #tpu.memory_space<hbm>>
        %dma_start3A_267 = tpu.memref_squeeze %dma_start3A_266 : memref<1x8x1x8x128xf32, #tpu.memory_space<hbm>> -> memref<8x8x128xf32, #tpu.memory_space<hbm>>
        %dma_start3A_268 = arith.constant 0 : i32
        %dma_start3A_269 = arith.constant 0 : i32
        %dma_start3A_270 = arith.constant 0 : i32
        %dma_start3A_271 = tpu.memref_slice %arg10[%dma_start3A_268, %dma_start3A_269, %dma_start3A_270] : memref<8x8x129xf32, #tpu.memory_space<vmem>> -> memref<8x8x128xf32, #tpu.memory_space<vmem>>
        tpu.enqueue_dma source(%dma_start3A_271 : memref<8x8x128xf32, #tpu.memory_space<vmem>>) target(%dma_start3A_267 : memref<8x8x128xf32, #tpu.memory_space<hbm>>) target_semaphore(%arg16 : memref<!tpu.dma_semaphore, #tpu.memory_space<semaphore_mem>>)
        %mul3A_272 = arith.constant 4 : i32
        %mul3A_273 = arith.muli %scan3A_108, %mul3A_272 : i32
        %add3A_274 = arith.constant 3 : i32
        %add3A_275 = arith.addi %mul3A_273, %add3A_274 : i32
        %ge3A_276 = arith.constant 2 : i32
        %ge3A_277 = arith.cmpi sge, %add3A_275, %ge3A_276 : i32
        %convert_element_type3A_278 = arith.extui %ge3A_277 : i1 to i32
        %cond3A_279 = arith.constant 0 : i32
        %cond3A_280 = arith.cmpi ne, %convert_element_type3A_278, %cond3A_279 : i32
        scf.if %cond3A_280 {
          %sub3A = arith.constant 2 : i32
          %sub3A_317 = arith.subi %add3A_275, %sub3A : i32
          %dma_wait3A_318 = arith.constant 0 : i32
          %dma_wait3A_319 = arith.constant 0 : i32
          %dma_wait3A_320 = arith.constant 0 : i32
          %dma_wait3A_321 = tpu.memref_slice %arg11[%dma_wait3A_318, %dma_wait3A_319, %dma_wait3A_320] : memref<8x8x129xf32, #tpu.memory_space<vmem>> -> memref<8x8x128xf32, #tpu.memory_space<vmem>>
          %dma_wait3A_322 = arith.constant 0 : i32
          %dma_wait3A_323 = arith.constant 0 : i32
          %dma_wait3A_324 = arith.constant 0 : i32
          %dma_wait3A_325 = tpu.memref_slice %arg5[%sub3A_317, %dma_wait3A_322, %add3A, %dma_wait3A_323, %dma_wait3A_324] : memref<200x8x32x8x128xf32, #tpu.memory_space<hbm>> -> memref<1x8x1x8x128xf32, #tpu.memory_space<hbm>>
          %dma_wait3A_326 = tpu.memref_squeeze %dma_wait3A_325 : memref<1x8x1x8x128xf32, #tpu.memory_space<hbm>> -> memref<8x8x128xf32, #tpu.memory_space<hbm>>
          %dma_wait3A_327 = arith.constant 0 : i32
          %dma_wait3A_328 = arith.constant 0 : i32
          %dma_wait3A_329 = arith.constant 0 : i32
          %dma_wait3A_330 = tpu.memref_slice %arg5[%sub3A_317, %dma_wait3A_327, %add3A, %dma_wait3A_328, %dma_wait3A_329] : memref<200x8x32x8x128xf32, #tpu.memory_space<hbm>> -> memref<1x8x1x8x128xf32, #tpu.memory_space<hbm>>
          %dma_wait3A_331 = tpu.memref_squeeze %dma_wait3A_330 : memref<1x8x1x8x128xf32, #tpu.memory_space<hbm>> -> memref<8x8x128xf32, #tpu.memory_space<hbm>>
          %dma_wait3A_332 = arith.constant 0 : i32
          %dma_wait3A_333 = arith.constant 0 : i32
          %dma_wait3A_334 = arith.constant 0 : i32
          %dma_wait3A_335 = tpu.memref_slice %arg11[%dma_wait3A_332, %dma_wait3A_333, %dma_wait3A_334] : memref<8x8x129xf32, #tpu.memory_space<vmem>> -> memref<8x8x128xf32, #tpu.memory_space<vmem>>
          tpu.wait_dma2 semaphore(%arg17 : memref<!tpu.dma_semaphore, #tpu.memory_space<semaphore_mem>>) src(%dma_wait3A_335 : memref<8x8x128xf32, #tpu.memory_space<vmem>>) dst(%dma_wait3A_331 : memref<8x8x128xf32, #tpu.memory_space<hbm>>)
        } else {
        }
        %get3A_281 = arith.index_cast %add3A_275 : i32 to index
        %get3A_282 = arith.constant 0 : index
        %get3A_283 = tpu.vector_load %arg12[%get3A_281, %get3A_282] {strides = array<i32>} : memref<200x128xf32, #tpu.memory_space<vmem>>, vector<16xf32>,
        %get3A_284 = arith.index_cast %add3A_275 : i32 to index
        %get3A_285 = arith.constant 16 : index
        %get3A_286 = tpu.vector_load %arg12[%get3A_284, %get3A_285] {strides = array<i32>} : memref<200x128xf32, #tpu.memory_space<vmem>>, vector<16xf32>,
        %get3A_287 = arith.index_cast %add3A_275 : i32 to index
        %get3A_288 = arith.constant 32 : index
        %get3A_289 = tpu.vector_load %arg12[%get3A_287, %get3A_288] {strides = array<i32>} : memref<200x128xf32, #tpu.memory_space<vmem>>, vector<16xf32>,
        %get3A_290 = arith.index_cast %add3A_275 : i32 to index
        %get3A_291 = arith.constant 48 : index
        %get3A_292 = tpu.vector_load %arg12[%get3A_290, %get3A_291] {strides = array<i32>} : memref<200x128xf32, #tpu.memory_space<vmem>>, vector<16xf32>,
        %scan3A_293 = arith.constant 0 : i32
        %scan3A_294 = arith.constant 0 : i32
        %scan3A_295 = arith.constant 128 : i32
        %scan3A_296 = arith.addi %scan3A_294, %scan3A_295 : i32
        %scan3A_297 = arith.constant 4 : i32
        scf.for %scan3A_317 = %scan3A_294 to %scan3A_296 step %scan3A_297  : i32 {
          %broadcast_in_dim3A = arith.constant 0 : i32
          %broadcast_in_dim3A_318 = vector.broadcast %broadcast_in_dim3A : i32 to vector<16xi32>
          %add3A_319 = vector.broadcast %scan3A_317 : i32 to vector<16xi32>
          %add3A_320 = arith.addi %broadcast_in_dim3A_318, %add3A_319 : vector<16xi32>
          %add3A_321 = arith.constant 384 : i32
          %add3A_322 = arith.addi %add3A_321, %scan3A_317 : i32
          %get3A_323 = arith.index_cast %add3A_322 : i32 to index
          %get3A_324 = arith.constant 0 : index
          %get3A_325 = tpu.vector_load %arg8[%get3A_323, %get3A_324] {strides = array<i32>} : memref<512x64xf32, #tpu.memory_space<vmem>>, vector<16xf32>,
          %add3A_326 = arith.addf %get3A_325, %get3A_283 : vector<16xf32>
          tpu.vector_store_idx %arg11[%div3A_7, %rem3A_30, %add3A_320], %add3A_326 : memref<8x8x129xf32, #tpu.memory_space<vmem>>[vector<16xi32>, vector<16xi32>, vector<16xi32>], vector<16xf32>,
          %get3A_327 = arith.index_cast %add3A_322 : i32 to index
          %get3A_328 = arith.constant 16 : index
          %get3A_329 = tpu.vector_load %arg8[%get3A_327, %get3A_328] {strides = array<i32>} : memref<512x64xf32, #tpu.memory_space<vmem>>, vector<16xf32>,
          %add3A_330 = arith.addf %get3A_329, %get3A_286 : vector<16xf32>
          tpu.vector_store_idx %arg11[%div3A_13, %rem3A_36, %add3A_320], %add3A_330 : memref<8x8x129xf32, #tpu.memory_space<vmem>>[vector<16xi32>, vector<16xi32>, vector<16xi32>], vector<16xf32>,
          %get3A_331 = arith.index_cast %add3A_322 : i32 to index
          %get3A_332 = arith.constant 32 : index
          %get3A_333 = tpu.vector_load %arg8[%get3A_331, %get3A_332] {strides = array<i32>} : memref<512x64xf32, #tpu.memory_space<vmem>>, vector<16xf32>,
          %add3A_334 = arith.addf %get3A_333, %get3A_289 : vector<16xf32>
          tpu.vector_store_idx %arg11[%div3A_19, %rem3A_42, %add3A_320], %add3A_334 : memref<8x8x129xf32, #tpu.memory_space<vmem>>[vector<16xi32>, vector<16xi32>, vector<16xi32>], vector<16xf32>,
          %get3A_335 = arith.index_cast %add3A_322 : i32 to index
          %get3A_336 = arith.constant 48 : index
          %get3A_337 = tpu.vector_load %arg8[%get3A_335, %get3A_336] {strides = array<i32>} : memref<512x64xf32, #tpu.memory_space<vmem>>, vector<16xf32>,
          %add3A_338 = arith.addf %get3A_337, %get3A_292 : vector<16xf32>
          tpu.vector_store_idx %arg11[%div3A_25, %rem3A_48, %add3A_320], %add3A_338 : memref<8x8x129xf32, #tpu.memory_space<vmem>>[vector<16xi32>, vector<16xi32>, vector<16xi32>], vector<16xf32>,
          %scan3A_339 = arith.constant 1 : i32
          %scan3A_340 = arith.addi %scan3A_317, %scan3A_339 : i32
          %broadcast_in_dim3A_341 = arith.constant 0 : i32
          %broadcast_in_dim3A_342 = vector.broadcast %broadcast_in_dim3A_341 : i32 to vector<16xi32>
          %add3A_343 = vector.broadcast %scan3A_340 : i32 to vector<16xi32>
          %add3A_344 = arith.addi %broadcast_in_dim3A_342, %add3A_343 : vector<16xi32>
          %add3A_345 = arith.constant 384 : i32
          %add3A_346 = arith.addi %add3A_345, %scan3A_340 : i32
          %get3A_347 = arith.index_cast %add3A_346 : i32 to index
          %get3A_348 = arith.constant 0 : index
          %get3A_349 = tpu.vector_load %arg8[%get3A_347, %get3A_348] {strides = array<i32>} : memref<512x64xf32, #tpu.memory_space<vmem>>, vector<16xf32>,
          %add3A_350 = arith.addf %get3A_349, %get3A_283 : vector<16xf32>
          tpu.vector_store_idx %arg11[%div3A_7, %rem3A_30, %add3A_344], %add3A_350 : memref<8x8x129xf32, #tpu.memory_space<vmem>>[vector<16xi32>, vector<16xi32>, vector<16xi32>], vector<16xf32>,
          %get3A_351 = arith.index_cast %add3A_346 : i32 to index
          %get3A_352 = arith.constant 16 : index
          %get3A_353 = tpu.vector_load %arg8[%get3A_351, %get3A_352] {strides = array<i32>} : memref<512x64xf32, #tpu.memory_space<vmem>>, vector<16xf32>,
          %add3A_354 = arith.addf %get3A_353, %get3A_286 : vector<16xf32>
          tpu.vector_store_idx %arg11[%div3A_13, %rem3A_36, %add3A_344], %add3A_354 : memref<8x8x129xf32, #tpu.memory_space<vmem>>[vector<16xi32>, vector<16xi32>, vector<16xi32>], vector<16xf32>,
          %get3A_355 = arith.index_cast %add3A_346 : i32 to index
          %get3A_356 = arith.constant 32 : index
          %get3A_357 = tpu.vector_load %arg8[%get3A_355, %get3A_356] {strides = array<i32>} : memref<512x64xf32, #tpu.memory_space<vmem>>, vector<16xf32>,
          %add3A_358 = arith.addf %get3A_357, %get3A_289 : vector<16xf32>
          tpu.vector_store_idx %arg11[%div3A_19, %rem3A_42, %add3A_344], %add3A_358 : memref<8x8x129xf32, #tpu.memory_space<vmem>>[vector<16xi32>, vector<16xi32>, vector<16xi32>], vector<16xf32>,
          %get3A_359 = arith.index_cast %add3A_346 : i32 to index
          %get3A_360 = arith.constant 48 : index
          %get3A_361 = tpu.vector_load %arg8[%get3A_359, %get3A_360] {strides = array<i32>} : memref<512x64xf32, #tpu.memory_space<vmem>>, vector<16xf32>,
          %add3A_362 = arith.addf %get3A_361, %get3A_292 : vector<16xf32>
          tpu.vector_store_idx %arg11[%div3A_25, %rem3A_48, %add3A_344], %add3A_362 : memref<8x8x129xf32, #tpu.memory_space<vmem>>[vector<16xi32>, vector<16xi32>, vector<16xi32>], vector<16xf32>,
          %scan3A_363 = arith.constant 2 : i32
          %scan3A_364 = arith.addi %scan3A_317, %scan3A_363 : i32
          %broadcast_in_dim3A_365 = arith.constant 0 : i32
          %broadcast_in_dim3A_366 = vector.broadcast %broadcast_in_dim3A_365 : i32 to vector<16xi32>
          %add3A_367 = vector.broadcast %scan3A_364 : i32 to vector<16xi32>
          %add3A_368 = arith.addi %broadcast_in_dim3A_366, %add3A_367 : vector<16xi32>
          %add3A_369 = arith.constant 384 : i32
          %add3A_370 = arith.addi %add3A_369, %scan3A_364 : i32
          %get3A_371 = arith.index_cast %add3A_370 : i32 to index
          %get3A_372 = arith.constant 0 : index
          %get3A_373 = tpu.vector_load %arg8[%get3A_371, %get3A_372] {strides = array<i32>} : memref<512x64xf32, #tpu.memory_space<vmem>>, vector<16xf32>,
          %add3A_374 = arith.addf %get3A_373, %get3A_283 : vector<16xf32>
          tpu.vector_store_idx %arg11[%div3A_7, %rem3A_30, %add3A_368], %add3A_374 : memref<8x8x129xf32, #tpu.memory_space<vmem>>[vector<16xi32>, vector<16xi32>, vector<16xi32>], vector<16xf32>,
          %get3A_375 = arith.index_cast %add3A_370 : i32 to index
          %get3A_376 = arith.constant 16 : index
          %get3A_377 = tpu.vector_load %arg8[%get3A_375, %get3A_376] {strides = array<i32>} : memref<512x64xf32, #tpu.memory_space<vmem>>, vector<16xf32>,
          %add3A_378 = arith.addf %get3A_377, %get3A_286 : vector<16xf32>
          tpu.vector_store_idx %arg11[%div3A_13, %rem3A_36, %add3A_368], %add3A_378 : memref<8x8x129xf32, #tpu.memory_space<vmem>>[vector<16xi32>, vector<16xi32>, vector<16xi32>], vector<16xf32>,
          %get3A_379 = arith.index_cast %add3A_370 : i32 to index
          %get3A_380 = arith.constant 32 : index
          %get3A_381 = tpu.vector_load %arg8[%get3A_379, %get3A_380] {strides = array<i32>} : memref<512x64xf32, #tpu.memory_space<vmem>>, vector<16xf32>,
          %add3A_382 = arith.addf %get3A_381, %get3A_289 : vector<16xf32>
          tpu.vector_store_idx %arg11[%div3A_19, %rem3A_42, %add3A_368], %add3A_382 : memref<8x8x129xf32, #tpu.memory_space<vmem>>[vector<16xi32>, vector<16xi32>, vector<16xi32>], vector<16xf32>,
          %get3A_383 = arith.index_cast %add3A_370 : i32 to index
          %get3A_384 = arith.constant 48 : index
          %get3A_385 = tpu.vector_load %arg8[%get3A_383, %get3A_384] {strides = array<i32>} : memref<512x64xf32, #tpu.memory_space<vmem>>, vector<16xf32>,
          %add3A_386 = arith.addf %get3A_385, %get3A_292 : vector<16xf32>
          tpu.vector_store_idx %arg11[%div3A_25, %rem3A_48, %add3A_368], %add3A_386 : memref<8x8x129xf32, #tpu.memory_space<vmem>>[vector<16xi32>, vector<16xi32>, vector<16xi32>], vector<16xf32>,
          %scan3A_387 = arith.constant 3 : i32
          %scan3A_388 = arith.addi %scan3A_317, %scan3A_387 : i32
          %broadcast_in_dim3A_389 = arith.constant 0 : i32
          %broadcast_in_dim3A_390 = vector.broadcast %broadcast_in_dim3A_389 : i32 to vector<16xi32>
          %add3A_391 = vector.broadcast %scan3A_388 : i32 to vector<16xi32>
          %add3A_392 = arith.addi %broadcast_in_dim3A_390, %add3A_391 : vector<16xi32>
          %add3A_393 = arith.constant 384 : i32
          %add3A_394 = arith.addi %add3A_393, %scan3A_388 : i32
          %get3A_395 = arith.index_cast %add3A_394 : i32 to index
          %get3A_396 = arith.constant 0 : index
          %get3A_397 = tpu.vector_load %arg8[%get3A_395, %get3A_396] {strides = array<i32>} : memref<512x64xf32, #tpu.memory_space<vmem>>, vector<16xf32>,
          %add3A_398 = arith.addf %get3A_397, %get3A_283 : vector<16xf32>
          tpu.vector_store_idx %arg11[%div3A_7, %rem3A_30, %add3A_392], %add3A_398 : memref<8x8x129xf32, #tpu.memory_space<vmem>>[vector<16xi32>, vector<16xi32>, vector<16xi32>], vector<16xf32>,
          %get3A_399 = arith.index_cast %add3A_394 : i32 to index
          %get3A_400 = arith.constant 16 : index
          %get3A_401 = tpu.vector_load %arg8[%get3A_399, %get3A_400] {strides = array<i32>} : memref<512x64xf32, #tpu.memory_space<vmem>>, vector<16xf32>,
          %add3A_402 = arith.addf %get3A_401, %get3A_286 : vector<16xf32>
          tpu.vector_store_idx %arg11[%div3A_13, %rem3A_36, %add3A_392], %add3A_402 : memref<8x8x129xf32, #tpu.memory_space<vmem>>[vector<16xi32>, vector<16xi32>, vector<16xi32>], vector<16xf32>,
          %get3A_403 = arith.index_cast %add3A_394 : i32 to index
          %get3A_404 = arith.constant 32 : index
          %get3A_405 = tpu.vector_load %arg8[%get3A_403, %get3A_404] {strides = array<i32>} : memref<512x64xf32, #tpu.memory_space<vmem>>, vector<16xf32>,
          %add3A_406 = arith.addf %get3A_405, %get3A_289 : vector<16xf32>
          tpu.vector_store_idx %arg11[%div3A_19, %rem3A_42, %add3A_392], %add3A_406 : memref<8x8x129xf32, #tpu.memory_space<vmem>>[vector<16xi32>, vector<16xi32>, vector<16xi32>], vector<16xf32>,
          %get3A_407 = arith.index_cast %add3A_394 : i32 to index
          %get3A_408 = arith.constant 48 : index
          %get3A_409 = tpu.vector_load %arg8[%get3A_407, %get3A_408] {strides = array<i32>} : memref<512x64xf32, #tpu.memory_space<vmem>>, vector<16xf32>,
          %add3A_410 = arith.addf %get3A_409, %get3A_292 : vector<16xf32>
          tpu.vector_store_idx %arg11[%div3A_25, %rem3A_48, %add3A_392], %add3A_410 : memref<8x8x129xf32, #tpu.memory_space<vmem>>[vector<16xi32>, vector<16xi32>, vector<16xi32>], vector<16xf32>,
        }
        %scan3A_298 = arith.constant 128 : i32
        %dma_start3A_299 = arith.constant 0 : i32
        %dma_start3A_300 = arith.constant 0 : i32
        %dma_start3A_301 = arith.constant 0 : i32
        %dma_start3A_302 = tpu.memref_slice %arg11[%dma_start3A_299, %dma_start3A_300, %dma_start3A_301] : memref<8x8x129xf32, #tpu.memory_space<vmem>> -> memref<8x8x128xf32, #tpu.memory_space<vmem>>
        %dma_start3A_303 = arith.constant 0 : i32
        %dma_start3A_304 = arith.constant 0 : i32
        %dma_start3A_305 = arith.constant 0 : i32
        %dma_start3A_306 = tpu.memref_slice %arg5[%add3A_275, %dma_start3A_303, %add3A, %dma_start3A_304, %dma_start3A_305] : memref<200x8x32x8x128xf32, #tpu.memory_space<hbm>> -> memref<1x8x1x8x128xf32, #tpu.memory_space<hbm>>
        %dma_start3A_307 = tpu.memref_squeeze %dma_start3A_306 : memref<1x8x1x8x128xf32, #tpu.memory_space<hbm>> -> memref<8x8x128xf32, #tpu.memory_space<hbm>>
        %dma_start3A_308 = arith.constant 0 : i32
        %dma_start3A_309 = arith.constant 0 : i32
        %dma_start3A_310 = arith.constant 0 : i32
        %dma_start3A_311 = tpu.memref_slice %arg5[%add3A_275, %dma_start3A_308, %add3A, %dma_start3A_309, %dma_start3A_310] : memref<200x8x32x8x128xf32, #tpu.memory_space<hbm>> -> memref<1x8x1x8x128xf32, #tpu.memory_space<hbm>>
        %dma_start3A_312 = tpu.memref_squeeze %dma_start3A_311 : memref<1x8x1x8x128xf32, #tpu.memory_space<hbm>> -> memref<8x8x128xf32, #tpu.memory_space<hbm>>
        %dma_start3A_313 = arith.constant 0 : i32
        %dma_start3A_314 = arith.constant 0 : i32
        %dma_start3A_315 = arith.constant 0 : i32
        %dma_start3A_316 = tpu.memref_slice %arg11[%dma_start3A_313, %dma_start3A_314, %dma_start3A_315] : memref<8x8x129xf32, #tpu.memory_space<vmem>> -> memref<8x8x128xf32, #tpu.memory_space<vmem>>
        tpu.enqueue_dma source(%dma_start3A_316 : memref<8x8x128xf32, #tpu.memory_space<vmem>>) target(%dma_start3A_312 : memref<8x8x128xf32, #tpu.memory_space<hbm>>) target_semaphore(%arg17 : memref<!tpu.dma_semaphore, #tpu.memory_space<semaphore_mem>>)
      } else {
      }
      %rem3A_113 = arith.constant 2 : i32
      %rem3A_114 = arith.remsi %scan3A_108, %rem3A_113 : i32
      %eq3A_115 = arith.constant 1 : i32
      %eq3A_116 = arith.cmpi eq, %rem3A_114, %eq3A_115 : i32
      %convert_element_type3A_117 = arith.extui %eq3A_116 : i1 to i32
      %cond3A_118 = arith.constant 0 : i32
      %cond3A_119 = arith.cmpi ne, %convert_element_type3A_117, %cond3A_118 : i32
      scf.if %cond3A_119 {
        %dma_wait3A_120 = arith.constant 0 : i32
        %dma_wait3A_121 = arith.constant 0 : i32
        %dma_wait3A_122 = tpu.memref_slice %arg3[%dma_wait3A_120, %dma_wait3A_121] : memref<2000000x64xf32, #tpu.memory_space<hbm>> -> memref<512x64xf32, #tpu.memory_space<hbm>>
        %dma_wait3A_123 = arith.constant 0 : i32
        %dma_wait3A_124 = arith.constant 0 : i32
        %dma_wait3A_125 = tpu.memref_slice %arg3[%dma_wait3A_123, %dma_wait3A_124] : memref<2000000x64xf32, #tpu.memory_space<hbm>> -> memref<512x64xf32, #tpu.memory_space<hbm>>
        tpu.wait_dma2 semaphore(%arg15 : memref<!tpu.dma_semaphore, #tpu.memory_space<semaphore_mem>>) src(%dma_wait3A_125 : memref<512x64xf32, #tpu.memory_space<hbm>>) dst(%arg9 : memref<512x64xf32, #tpu.memory_space<vmem>>)
        %add3A_126 = arith.constant 1 : i32
        %add3A_127 = arith.addi %scan3A_108, %add3A_126 : i32
        %lt3A = arith.constant 50 : i32
        %lt3A_128 = arith.cmpi slt, %add3A_127, %lt3A : i32
        %convert_element_type3A_129 = arith.extui %lt3A_128 : i1 to i32
        %cond3A_130 = arith.constant 0 : i32
        %cond3A_131 = arith.cmpi ne, %convert_element_type3A_129, %cond3A_130 : i32
        scf.if %cond3A_131 {
          %add3A_317 = arith.constant 1 : i32
          %add3A_318 = arith.addi %scan3A_108, %add3A_317 : i32
          %mul3A_319 = arith.constant 512 : i32
          %mul3A_320 = arith.muli %add3A_318, %mul3A_319 : i32
          %add3A_321 = arith.addi %multiple_of3A, %mul3A_320 : i32
          %multiple_of3A_322 = tpu.assume_multiple %add3A_321, 512 : i32
          %dma_wait3A_323 = tpu.memref_slice %arg2[%multiple_of3A_322] : memref<819200xi32, #tpu.memory_space<hbm>> -> memref<512xi32, #tpu.memory_space<hbm>>
          %dma_wait3A_324 = tpu.memref_slice %arg2[%multiple_of3A_322] : memref<819200xi32, #tpu.memory_space<hbm>> -> memref<512xi32, #tpu.memory_space<hbm>>
          tpu.wait_dma2 semaphore(%arg13 : memref<!tpu.dma_semaphore, #tpu.memory_space<semaphore_mem>>) src(%dma_wait3A_324 : memref<512xi32, #tpu.memory_space<hbm>>) dst(%arg6 : memref<512xi32, #tpu.memory_space<vmem>>)
          %dma_start3A_325 = arith.constant 0 : i32
          %dma_start3A_326 = arith.constant 0 : i32
          %dma_start3A_327 = tpu.memref_slice %arg3[%dma_start3A_325, %dma_start3A_326] : memref<2000000x64xf32, #tpu.memory_space<hbm>> -> memref<2000000x64xf32, #tpu.memory_space<hbm>>
          tpu.enqueue_indirect_dma source(%dma_start3A_327 : memref<2000000x64xf32, #tpu.memory_space<hbm>>) target(%arg8 : memref<512x64xf32, #tpu.memory_space<vmem>>) offsets(%arg6 : memref<512xi32, #tpu.memory_space<vmem>>) semaphore(%arg14 : memref<!tpu.dma_semaphore, #tpu.memory_space<semaphore_mem>>)
        } else {
        }
        %add3A_132 = arith.constant 2 : i32
        %add3A_133 = arith.addi %scan3A_108, %add3A_132 : i32
        %lt3A_134 = arith.constant 50 : i32
        %lt3A_135 = arith.cmpi slt, %add3A_133, %lt3A_134 : i32
        %convert_element_type3A_136 = arith.extui %lt3A_135 : i1 to i32
        %cond3A_137 = arith.constant 0 : i32
        %cond3A_138 = arith.cmpi ne, %convert_element_type3A_136, %cond3A_137 : i32
        scf.if %cond3A_138 {
          %add3A_317 = arith.constant 2 : i32
          %add3A_318 = arith.addi %scan3A_108, %add3A_317 : i32
          %mul3A_319 = arith.constant 512 : i32
          %mul3A_320 = arith.muli %add3A_318, %mul3A_319 : i32
          %add3A_321 = arith.addi %multiple_of3A, %mul3A_320 : i32
          %multiple_of3A_322 = tpu.assume_multiple %add3A_321, 512 : i32
          %dma_start3A_323 = tpu.memref_slice %arg2[%multiple_of3A_322] : memref<819200xi32, #tpu.memory_space<hbm>> -> memref<512xi32, #tpu.memory_space<hbm>>
          %dma_start3A_324 = tpu.memref_slice %arg2[%multiple_of3A_322] : memref<819200xi32, #tpu.memory_space<hbm>> -> memref<512xi32, #tpu.memory_space<hbm>>
          tpu.enqueue_dma source(%dma_start3A_324 : memref<512xi32, #tpu.memory_space<hbm>>) target(%arg7 : memref<512xi32, #tpu.memory_space<vmem>>) target_semaphore(%arg13 : memref<!tpu.dma_semaphore, #tpu.memory_space<semaphore_mem>>)
        } else {
        }
        %mul3A_139 = arith.constant 4 : i32
        %mul3A_140 = arith.muli %scan3A_108, %mul3A_139 : i32
        %add3A_141 = arith.constant 0 : i32
        %add3A_142 = arith.addi %mul3A_140, %add3A_141 : i32
        %ge3A = arith.constant 2 : i32
        %ge3A_143 = arith.cmpi sge, %add3A_142, %ge3A : i32
        %convert_element_type3A_144 = arith.extui %ge3A_143 : i1 to i32
        %cond3A_145 = arith.constant 0 : i32
        %cond3A_146 = arith.cmpi ne, %convert_element_type3A_144, %cond3A_145 : i32
        scf.if %cond3A_146 {
          %sub3A = arith.constant 2 : i32
          %sub3A_317 = arith.subi %add3A_142, %sub3A : i32
          %dma_wait3A_318 = arith.constant 0 : i32
          %dma_wait3A_319 = arith.constant 0 : i32
          %dma_wait3A_320 = arith.constant 0 : i32
          %dma_wait3A_321 = tpu.memref_slice %arg10[%dma_wait3A_318, %dma_wait3A_319, %dma_wait3A_320] : memref<8x8x129xf32, #tpu.memory_space<vmem>> -> memref<8x8x128xf32, #tpu.memory_space<vmem>>
          %dma_wait3A_322 = arith.constant 0 : i32
          %dma_wait3A_323 = arith.constant 0 : i32
          %dma_wait3A_324 = arith.constant 0 : i32
          %dma_wait3A_325 = tpu.memref_slice %arg5[%sub3A_317, %dma_wait3A_322, %add3A, %dma_wait3A_323, %dma_wait3A_324] : memref<200x8x32x8x128xf32, #tpu.memory_space<hbm>> -> memref<1x8x1x8x128xf32, #tpu.memory_space<hbm>>
          %dma_wait3A_326 = tpu.memref_squeeze %dma_wait3A_325 : memref<1x8x1x8x128xf32, #tpu.memory_space<hbm>> -> memref<8x8x128xf32, #tpu.memory_space<hbm>>
          %dma_wait3A_327 = arith.constant 0 : i32
          %dma_wait3A_328 = arith.constant 0 : i32
          %dma_wait3A_329 = arith.constant 0 : i32
          %dma_wait3A_330 = tpu.memref_slice %arg5[%sub3A_317, %dma_wait3A_327, %add3A, %dma_wait3A_328, %dma_wait3A_329] : memref<200x8x32x8x128xf32, #tpu.memory_space<hbm>> -> memref<1x8x1x8x128xf32, #tpu.memory_space<hbm>>
          %dma_wait3A_331 = tpu.memref_squeeze %dma_wait3A_330 : memref<1x8x1x8x128xf32, #tpu.memory_space<hbm>> -> memref<8x8x128xf32, #tpu.memory_space<hbm>>
          %dma_wait3A_332 = arith.constant 0 : i32
          %dma_wait3A_333 = arith.constant 0 : i32
          %dma_wait3A_334 = arith.constant 0 : i32
          %dma_wait3A_335 = tpu.memref_slice %arg10[%dma_wait3A_332, %dma_wait3A_333, %dma_wait3A_334] : memref<8x8x129xf32, #tpu.memory_space<vmem>> -> memref<8x8x128xf32, #tpu.memory_space<vmem>>
          tpu.wait_dma2 semaphore(%arg16 : memref<!tpu.dma_semaphore, #tpu.memory_space<semaphore_mem>>) src(%dma_wait3A_335 : memref<8x8x128xf32, #tpu.memory_space<vmem>>) dst(%dma_wait3A_331 : memref<8x8x128xf32, #tpu.memory_space<hbm>>)
        } else {
        }
        %get3A = arith.index_cast %add3A_142 : i32 to index
        %get3A_147 = arith.constant 0 : index
        %get3A_148 = tpu.vector_load %arg12[%get3A, %get3A_147] {strides = array<i32>} : memref<200x128xf32, #tpu.memory_space<vmem>>, vector<16xf32>,
        %get3A_149 = arith.index_cast %add3A_142 : i32 to index
        %get3A_150 = arith.constant 16 : index
        %get3A_151 = tpu.vector_load %arg12[%get3A_149, %get3A_150] {strides = array<i32>} : memref<200x128xf32, #tpu.memory_space<vmem>>, vector<16xf32>,
        %get3A_152 = arith.index_cast %add3A_142 : i32 to index
        %get3A_153 = arith.constant 32 : index
        %get3A_154 = tpu.vector_load %arg12[%get3A_152, %get3A_153] {strides = array<i32>} : memref<200x128xf32, #tpu.memory_space<vmem>>, vector<16xf32>,
        %get3A_155 = arith.index_cast %add3A_142 : i32 to index
        %get3A_156 = arith.constant 48 : index
        %get3A_157 = tpu.vector_load %arg12[%get3A_155, %get3A_156] {strides = array<i32>} : memref<200x128xf32, #tpu.memory_space<vmem>>, vector<16xf32>,
        %scan3A_158 = arith.constant 0 : i32
        %scan3A_159 = arith.constant 0 : i32
        %scan3A_160 = arith.constant 128 : i32
        %scan3A_161 = arith.addi %scan3A_159, %scan3A_160 : i32
        %scan3A_162 = arith.constant 4 : i32
        scf.for %scan3A_317 = %scan3A_159 to %scan3A_161 step %scan3A_162  : i32 {
          %broadcast_in_dim3A = arith.constant 0 : i32
          %broadcast_in_dim3A_318 = vector.broadcast %broadcast_in_dim3A : i32 to vector<16xi32>
          %add3A_319 = vector.broadcast %scan3A_317 : i32 to vector<16xi32>
          %add3A_320 = arith.addi %broadcast_in_dim3A_318, %add3A_319 : vector<16xi32>
          %add3A_321 = arith.constant 0 : i32
          %add3A_322 = arith.addi %add3A_321, %scan3A_317 : i32
          %get3A_323 = arith.index_cast %add3A_322 : i32 to index
          %get3A_324 = arith.constant 0 : index
          %get3A_325 = tpu.vector_load %arg9[%get3A_323, %get3A_324] {strides = array<i32>} : memref<512x64xf32, #tpu.memory_space<vmem>>, vector<16xf32>,
          %add3A_326 = arith.addf %get3A_325, %get3A_148 : vector<16xf32>
          tpu.vector_store_idx %arg10[%div3A_7, %rem3A_30, %add3A_320], %add3A_326 : memref<8x8x129xf32, #tpu.memory_space<vmem>>[vector<16xi32>, vector<16xi32>, vector<16xi32>], vector<16xf32>,
          %get3A_327 = arith.index_cast %add3A_322 : i32 to index
          %get3A_328 = arith.constant 16 : index
          %get3A_329 = tpu.vector_load %arg9[%get3A_327, %get3A_328] {strides = array<i32>} : memref<512x64xf32, #tpu.memory_space<vmem>>, vector<16xf32>,
          %add3A_330 = arith.addf %get3A_329, %get3A_151 : vector<16xf32>
          tpu.vector_store_idx %arg10[%div3A_13, %rem3A_36, %add3A_320], %add3A_330 : memref<8x8x129xf32, #tpu.memory_space<vmem>>[vector<16xi32>, vector<16xi32>, vector<16xi32>], vector<16xf32>,
          %get3A_331 = arith.index_cast %add3A_322 : i32 to index
          %get3A_332 = arith.constant 32 : index
          %get3A_333 = tpu.vector_load %arg9[%get3A_331, %get3A_332] {strides = array<i32>} : memref<512x64xf32, #tpu.memory_space<vmem>>, vector<16xf32>,
          %add3A_334 = arith.addf %get3A_333, %get3A_154 : vector<16xf32>
          tpu.vector_store_idx %arg10[%div3A_19, %rem3A_42, %add3A_320], %add3A_334 : memref<8x8x129xf32, #tpu.memory_space<vmem>>[vector<16xi32>, vector<16xi32>, vector<16xi32>], vector<16xf32>,
          %get3A_335 = arith.index_cast %add3A_322 : i32 to index
          %get3A_336 = arith.constant 48 : index
          %get3A_337 = tpu.vector_load %arg9[%get3A_335, %get3A_336] {strides = array<i32>} : memref<512x64xf32, #tpu.memory_space<vmem>>, vector<16xf32>,
          %add3A_338 = arith.addf %get3A_337, %get3A_157 : vector<16xf32>
          tpu.vector_store_idx %arg10[%div3A_25, %rem3A_48, %add3A_320], %add3A_338 : memref<8x8x129xf32, #tpu.memory_space<vmem>>[vector<16xi32>, vector<16xi32>, vector<16xi32>], vector<16xf32>,
          %scan3A_339 = arith.constant 1 : i32
          %scan3A_340 = arith.addi %scan3A_317, %scan3A_339 : i32
          %broadcast_in_dim3A_341 = arith.constant 0 : i32
          %broadcast_in_dim3A_342 = vector.broadcast %broadcast_in_dim3A_341 : i32 to vector<16xi32>
          %add3A_343 = vector.broadcast %scan3A_340 : i32 to vector<16xi32>
          %add3A_344 = arith.addi %broadcast_in_dim3A_342, %add3A_343 : vector<16xi32>
          %add3A_345 = arith.constant 0 : i32
          %add3A_346 = arith.addi %add3A_345, %scan3A_340 : i32
          %get3A_347 = arith.index_cast %add3A_346 : i32 to index
          %get3A_348 = arith.constant 0 : index
          %get3A_349 = tpu.vector_load %arg9[%get3A_347, %get3A_348] {strides = array<i32>} : memref<512x64xf32, #tpu.memory_space<vmem>>, vector<16xf32>,
          %add3A_350 = arith.addf %get3A_349, %get3A_148 : vector<16xf32>
          tpu.vector_store_idx %arg10[%div3A_7, %rem3A_30, %add3A_344], %add3A_350 : memref<8x8x129xf32, #tpu.memory_space<vmem>>[vector<16xi32>, vector<16xi32>, vector<16xi32>], vector<16xf32>,
          %get3A_351 = arith.index_cast %add3A_346 : i32 to index
          %get3A_352 = arith.constant 16 : index
          %get3A_353 = tpu.vector_load %arg9[%get3A_351, %get3A_352] {strides = array<i32>} : memref<512x64xf32, #tpu.memory_space<vmem>>, vector<16xf32>,
          %add3A_354 = arith.addf %get3A_353, %get3A_151 : vector<16xf32>
          tpu.vector_store_idx %arg10[%div3A_13, %rem3A_36, %add3A_344], %add3A_354 : memref<8x8x129xf32, #tpu.memory_space<vmem>>[vector<16xi32>, vector<16xi32>, vector<16xi32>], vector<16xf32>,
          %get3A_355 = arith.index_cast %add3A_346 : i32 to index
          %get3A_356 = arith.constant 32 : index
          %get3A_357 = tpu.vector_load %arg9[%get3A_355, %get3A_356] {strides = array<i32>} : memref<512x64xf32, #tpu.memory_space<vmem>>, vector<16xf32>,
          %add3A_358 = arith.addf %get3A_357, %get3A_154 : vector<16xf32>
          tpu.vector_store_idx %arg10[%div3A_19, %rem3A_42, %add3A_344], %add3A_358 : memref<8x8x129xf32, #tpu.memory_space<vmem>>[vector<16xi32>, vector<16xi32>, vector<16xi32>], vector<16xf32>,
          %get3A_359 = arith.index_cast %add3A_346 : i32 to index
          %get3A_360 = arith.constant 48 : index
          %get3A_361 = tpu.vector_load %arg9[%get3A_359, %get3A_360] {strides = array<i32>} : memref<512x64xf32, #tpu.memory_space<vmem>>, vector<16xf32>,
          %add3A_362 = arith.addf %get3A_361, %get3A_157 : vector<16xf32>
          tpu.vector_store_idx %arg10[%div3A_25, %rem3A_48, %add3A_344], %add3A_362 : memref<8x8x129xf32, #tpu.memory_space<vmem>>[vector<16xi32>, vector<16xi32>, vector<16xi32>], vector<16xf32>,
          %scan3A_363 = arith.constant 2 : i32
          %scan3A_364 = arith.addi %scan3A_317, %scan3A_363 : i32
          %broadcast_in_dim3A_365 = arith.constant 0 : i32
          %broadcast_in_dim3A_366 = vector.broadcast %broadcast_in_dim3A_365 : i32 to vector<16xi32>
          %add3A_367 = vector.broadcast %scan3A_364 : i32 to vector<16xi32>
          %add3A_368 = arith.addi %broadcast_in_dim3A_366, %add3A_367 : vector<16xi32>
          %add3A_369 = arith.constant 0 : i32
          %add3A_370 = arith.addi %add3A_369, %scan3A_364 : i32
          %get3A_371 = arith.index_cast %add3A_370 : i32 to index
          %get3A_372 = arith.constant 0 : index
          %get3A_373 = tpu.vector_load %arg9[%get3A_371, %get3A_372] {strides = array<i32>} : memref<512x64xf32, #tpu.memory_space<vmem>>, vector<16xf32>,
          %add3A_374 = arith.addf %get3A_373, %get3A_148 : vector<16xf32>
          tpu.vector_store_idx %arg10[%div3A_7, %rem3A_30, %add3A_368], %add3A_374 : memref<8x8x129xf32, #tpu.memory_space<vmem>>[vector<16xi32>, vector<16xi32>, vector<16xi32>], vector<16xf32>,
          %get3A_375 = arith.index_cast %add3A_370 : i32 to index
          %get3A_376 = arith.constant 16 : index
          %get3A_377 = tpu.vector_load %arg9[%get3A_375, %get3A_376] {strides = array<i32>} : memref<512x64xf32, #tpu.memory_space<vmem>>, vector<16xf32>,
          %add3A_378 = arith.addf %get3A_377, %get3A_151 : vector<16xf32>
          tpu.vector_store_idx %arg10[%div3A_13, %rem3A_36, %add3A_368], %add3A_378 : memref<8x8x129xf32, #tpu.memory_space<vmem>>[vector<16xi32>, vector<16xi32>, vector<16xi32>], vector<16xf32>,
          %get3A_379 = arith.index_cast %add3A_370 : i32 to index
          %get3A_380 = arith.constant 32 : index
          %get3A_381 = tpu.vector_load %arg9[%get3A_379, %get3A_380] {strides = array<i32>} : memref<512x64xf32, #tpu.memory_space<vmem>>, vector<16xf32>,
          %add3A_382 = arith.addf %get3A_381, %get3A_154 : vector<16xf32>
          tpu.vector_store_idx %arg10[%div3A_19, %rem3A_42, %add3A_368], %add3A_382 : memref<8x8x129xf32, #tpu.memory_space<vmem>>[vector<16xi32>, vector<16xi32>, vector<16xi32>], vector<16xf32>,
          %get3A_383 = arith.index_cast %add3A_370 : i32 to index
          %get3A_384 = arith.constant 48 : index
          %get3A_385 = tpu.vector_load %arg9[%get3A_383, %get3A_384] {strides = array<i32>} : memref<512x64xf32, #tpu.memory_space<vmem>>, vector<16xf32>,
          %add3A_386 = arith.addf %get3A_385, %get3A_157 : vector<16xf32>
          tpu.vector_store_idx %arg10[%div3A_25, %rem3A_48, %add3A_368], %add3A_386 : memref<8x8x129xf32, #tpu.memory_space<vmem>>[vector<16xi32>, vector<16xi32>, vector<16xi32>], vector<16xf32>,
          %scan3A_387 = arith.constant 3 : i32
          %scan3A_388 = arith.addi %scan3A_317, %scan3A_387 : i32
          %broadcast_in_dim3A_389 = arith.constant 0 : i32
          %broadcast_in_dim3A_390 = vector.broadcast %broadcast_in_dim3A_389 : i32 to vector<16xi32>
          %add3A_391 = vector.broadcast %scan3A_388 : i32 to vector<16xi32>
          %add3A_392 = arith.addi %broadcast_in_dim3A_390, %add3A_391 : vector<16xi32>
          %add3A_393 = arith.constant 0 : i32
          %add3A_394 = arith.addi %add3A_393, %scan3A_388 : i32
          %get3A_395 = arith.index_cast %add3A_394 : i32 to index
          %get3A_396 = arith.constant 0 : index
          %get3A_397 = tpu.vector_load %arg9[%get3A_395, %get3A_396] {strides = array<i32>} : memref<512x64xf32, #tpu.memory_space<vmem>>, vector<16xf32>,
          %add3A_398 = arith.addf %get3A_397, %get3A_148 : vector<16xf32>
          tpu.vector_store_idx %arg10[%div3A_7, %rem3A_30, %add3A_392], %add3A_398 : memref<8x8x129xf32, #tpu.memory_space<vmem>>[vector<16xi32>, vector<16xi32>, vector<16xi32>], vector<16xf32>,
          %get3A_399 = arith.index_cast %add3A_394 : i32 to index
          %get3A_400 = arith.constant 16 : index
          %get3A_401 = tpu.vector_load %arg9[%get3A_399, %get3A_400] {strides = array<i32>} : memref<512x64xf32, #tpu.memory_space<vmem>>, vector<16xf32>,
          %add3A_402 = arith.addf %get3A_401, %get3A_151 : vector<16xf32>
          tpu.vector_store_idx %arg10[%div3A_13, %rem3A_36, %add3A_392], %add3A_402 : memref<8x8x129xf32, #tpu.memory_space<vmem>>[vector<16xi32>, vector<16xi32>, vector<16xi32>], vector<16xf32>,
          %get3A_403 = arith.index_cast %add3A_394 : i32 to index
          %get3A_404 = arith.constant 32 : index
          %get3A_405 = tpu.vector_load %arg9[%get3A_403, %get3A_404] {strides = array<i32>} : memref<512x64xf32, #tpu.memory_space<vmem>>, vector<16xf32>,
          %add3A_406 = arith.addf %get3A_405, %get3A_154 : vector<16xf32>
          tpu.vector_store_idx %arg10[%div3A_19, %rem3A_42, %add3A_392], %add3A_406 : memref<8x8x129xf32, #tpu.memory_space<vmem>>[vector<16xi32>, vector<16xi32>, vector<16xi32>], vector<16xf32>,
          %get3A_407 = arith.index_cast %add3A_394 : i32 to index
          %get3A_408 = arith.constant 48 : index
          %get3A_409 = tpu.vector_load %arg9[%get3A_407, %get3A_408] {strides = array<i32>} : memref<512x64xf32, #tpu.memory_space<vmem>>, vector<16xf32>,
          %add3A_410 = arith.addf %get3A_409, %get3A_157 : vector<16xf32>
          tpu.vector_store_idx %arg10[%div3A_25, %rem3A_48, %add3A_392], %add3A_410 : memref<8x8x129xf32, #tpu.memory_space<vmem>>[vector<16xi32>, vector<16xi32>, vector<16xi32>], vector<16xf32>,
        }
        %scan3A_163 = arith.constant 128 : i32
        %dma_start3A_164 = arith.constant 0 : i32
        %dma_start3A_165 = arith.constant 0 : i32
        %dma_start3A_166 = arith.constant 0 : i32
        %dma_start3A_167 = tpu.memref_slice %arg10[%dma_start3A_164, %dma_start3A_165, %dma_start3A_166] : memref<8x8x129xf32, #tpu.memory_space<vmem>> -> memref<8x8x128xf32, #tpu.memory_space<vmem>>
        %dma_start3A_168 = arith.constant 0 : i32
        %dma_start3A_169 = arith.constant 0 : i32
        %dma_start3A_170 = arith.constant 0 : i32
        %dma_start3A_171 = tpu.memref_slice %arg5[%add3A_142, %dma_start3A_168, %add3A, %dma_start3A_169, %dma_start3A_170] : memref<200x8x32x8x128xf32, #tpu.memory_space<hbm>> -> memref<1x8x1x8x128xf32, #tpu.memory_space<hbm>>
        %dma_start3A_172 = tpu.memref_squeeze %dma_start3A_171 : memref<1x8x1x8x128xf32, #tpu.memory_space<hbm>> -> memref<8x8x128xf32, #tpu.memory_space<hbm>>
        %dma_start3A_173 = arith.constant 0 : i32
        %dma_start3A_174 = arith.constant 0 : i32
        %dma_start3A_175 = arith.constant 0 : i32
        %dma_start3A_176 = tpu.memref_slice %arg5[%add3A_142, %dma_start3A_173, %add3A, %dma_start3A_174, %dma_start3A_175] : memref<200x8x32x8x128xf32, #tpu.memory_space<hbm>> -> memref<1x8x1x8x128xf32, #tpu.memory_space<hbm>>
        %dma_start3A_177 = tpu.memref_squeeze %dma_start3A_176 : memref<1x8x1x8x128xf32, #tpu.memory_space<hbm>> -> memref<8x8x128xf32, #tpu.memory_space<hbm>>
        %dma_start3A_178 = arith.constant 0 : i32
        %dma_start3A_179 = arith.constant 0 : i32
        %dma_start3A_180 = arith.constant 0 : i32
        %dma_start3A_181 = tpu.memref_slice %arg10[%dma_start3A_178, %dma_start3A_179, %dma_start3A_180] : memref<8x8x129xf32, #tpu.memory_space<vmem>> -> memref<8x8x128xf32, #tpu.memory_space<vmem>>
        tpu.enqueue_dma source(%dma_start3A_181 : memref<8x8x128xf32, #tpu.memory_space<vmem>>) target(%dma_start3A_177 : memref<8x8x128xf32, #tpu.memory_space<hbm>>) target_semaphore(%arg16 : memref<!tpu.dma_semaphore, #tpu.memory_space<semaphore_mem>>)
        %mul3A_182 = arith.constant 4 : i32
        %mul3A_183 = arith.muli %scan3A_108, %mul3A_182 : i32
        %add3A_184 = arith.constant 1 : i32
        %add3A_185 = arith.addi %mul3A_183, %add3A_184 : i32
        %ge3A_186 = arith.constant 2 : i32
        %ge3A_187 = arith.cmpi sge, %add3A_185, %ge3A_186 : i32
        %convert_element_type3A_188 = arith.extui %ge3A_187 : i1 to i32
        %cond3A_189 = arith.constant 0 : i32
        %cond3A_190 = arith.cmpi ne, %convert_element_type3A_188, %cond3A_189 : i32
        scf.if %cond3A_190 {
          %sub3A = arith.constant 2 : i32
          %sub3A_317 = arith.subi %add3A_185, %sub3A : i32
          %dma_wait3A_318 = arith.constant 0 : i32
          %dma_wait3A_319 = arith.constant 0 : i32
          %dma_wait3A_320 = arith.constant 0 : i32
          %dma_wait3A_321 = tpu.memref_slice %arg11[%dma_wait3A_318, %dma_wait3A_319, %dma_wait3A_320] : memref<8x8x129xf32, #tpu.memory_space<vmem>> -> memref<8x8x128xf32, #tpu.memory_space<vmem>>
          %dma_wait3A_322 = arith.constant 0 : i32
          %dma_wait3A_323 = arith.constant 0 : i32
          %dma_wait3A_324 = arith.constant 0 : i32
          %dma_wait3A_325 = tpu.memref_slice %arg5[%sub3A_317, %dma_wait3A_322, %add3A, %dma_wait3A_323, %dma_wait3A_324] : memref<200x8x32x8x128xf32, #tpu.memory_space<hbm>> -> memref<1x8x1x8x128xf32, #tpu.memory_space<hbm>>
          %dma_wait3A_326 = tpu.memref_squeeze %dma_wait3A_325 : memref<1x8x1x8x128xf32, #tpu.memory_space<hbm>> -> memref<8x8x128xf32, #tpu.memory_space<hbm>>
          %dma_wait3A_327 = arith.constant 0 : i32
          %dma_wait3A_328 = arith.constant 0 : i32
          %dma_wait3A_329 = arith.constant 0 : i32
          %dma_wait3A_330 = tpu.memref_slice %arg5[%sub3A_317, %dma_wait3A_327, %add3A, %dma_wait3A_328, %dma_wait3A_329] : memref<200x8x32x8x128xf32, #tpu.memory_space<hbm>> -> memref<1x8x1x8x128xf32, #tpu.memory_space<hbm>>
          %dma_wait3A_331 = tpu.memref_squeeze %dma_wait3A_330 : memref<1x8x1x8x128xf32, #tpu.memory_space<hbm>> -> memref<8x8x128xf32, #tpu.memory_space<hbm>>
          %dma_wait3A_332 = arith.constant 0 : i32
          %dma_wait3A_333 = arith.constant 0 : i32
          %dma_wait3A_334 = arith.constant 0 : i32
          %dma_wait3A_335 = tpu.memref_slice %arg11[%dma_wait3A_332, %dma_wait3A_333, %dma_wait3A_334] : memref<8x8x129xf32, #tpu.memory_space<vmem>> -> memref<8x8x128xf32, #tpu.memory_space<vmem>>
          tpu.wait_dma2 semaphore(%arg17 : memref<!tpu.dma_semaphore, #tpu.memory_space<semaphore_mem>>) src(%dma_wait3A_335 : memref<8x8x128xf32, #tpu.memory_space<vmem>>) dst(%dma_wait3A_331 : memref<8x8x128xf32, #tpu.memory_space<hbm>>)
        } else {
        }
        %get3A_191 = arith.index_cast %add3A_185 : i32 to index
        %get3A_192 = arith.constant 0 : index
        %get3A_193 = tpu.vector_load %arg12[%get3A_191, %get3A_192] {strides = array<i32>} : memref<200x128xf32, #tpu.memory_space<vmem>>, vector<16xf32>,
        %get3A_194 = arith.index_cast %add3A_185 : i32 to index
        %get3A_195 = arith.constant 16 : index
        %get3A_196 = tpu.vector_load %arg12[%get3A_194, %get3A_195] {strides = array<i32>} : memref<200x128xf32, #tpu.memory_space<vmem>>, vector<16xf32>,
        %get3A_197 = arith.index_cast %add3A_185 : i32 to index
        %get3A_198 = arith.constant 32 : index
        %get3A_199 = tpu.vector_load %arg12[%get3A_197, %get3A_198] {strides = array<i32>} : memref<200x128xf32, #tpu.memory_space<vmem>>, vector<16xf32>,
        %get3A_200 = arith.index_cast %add3A_185 : i32 to index
        %get3A_201 = arith.constant 48 : index
        %get3A_202 = tpu.vector_load %arg12[%get3A_200, %get3A_201] {strides = array<i32>} : memref<200x128xf32, #tpu.memory_space<vmem>>, vector<16xf32>,
        %scan3A_203 = arith.constant 0 : i32
        %scan3A_204 = arith.constant 0 : i32
        %scan3A_205 = arith.constant 128 : i32
        %scan3A_206 = arith.addi %scan3A_204, %scan3A_205 : i32
        %scan3A_207 = arith.constant 4 : i32
        scf.for %scan3A_317 = %scan3A_204 to %scan3A_206 step %scan3A_207  : i32 {
          %broadcast_in_dim3A = arith.constant 0 : i32
          %broadcast_in_dim3A_318 = vector.broadcast %broadcast_in_dim3A : i32 to vector<16xi32>
          %add3A_319 = vector.broadcast %scan3A_317 : i32 to vector<16xi32>
          %add3A_320 = arith.addi %broadcast_in_dim3A_318, %add3A_319 : vector<16xi32>
          %add3A_321 = arith.constant 128 : i32
          %add3A_322 = arith.addi %add3A_321, %scan3A_317 : i32
          %get3A_323 = arith.index_cast %add3A_322 : i32 to index
          %get3A_324 = arith.constant 0 : index
          %get3A_325 = tpu.vector_load %arg9[%get3A_323, %get3A_324] {strides = array<i32>} : memref<512x64xf32, #tpu.memory_space<vmem>>, vector<16xf32>,
          %add3A_326 = arith.addf %get3A_325, %get3A_193 : vector<16xf32>
          tpu.vector_store_idx %arg11[%div3A_7, %rem3A_30, %add3A_320], %add3A_326 : memref<8x8x129xf32, #tpu.memory_space<vmem>>[vector<16xi32>, vector<16xi32>, vector<16xi32>], vector<16xf32>,
          %get3A_327 = arith.index_cast %add3A_322 : i32 to index
          %get3A_328 = arith.constant 16 : index
          %get3A_329 = tpu.vector_load %arg9[%get3A_327, %get3A_328] {strides = array<i32>} : memref<512x64xf32, #tpu.memory_space<vmem>>, vector<16xf32>,
          %add3A_330 = arith.addf %get3A_329, %get3A_196 : vector<16xf32>
          tpu.vector_store_idx %arg11[%div3A_13, %rem3A_36, %add3A_320], %add3A_330 : memref<8x8x129xf32, #tpu.memory_space<vmem>>[vector<16xi32>, vector<16xi32>, vector<16xi32>], vector<16xf32>,
          %get3A_331 = arith.index_cast %add3A_322 : i32 to index
          %get3A_332 = arith.constant 32 : index
          %get3A_333 = tpu.vector_load %arg9[%get3A_331, %get3A_332] {strides = array<i32>} : memref<512x64xf32, #tpu.memory_space<vmem>>, vector<16xf32>,
          %add3A_334 = arith.addf %get3A_333, %get3A_199 : vector<16xf32>
          tpu.vector_store_idx %arg11[%div3A_19, %rem3A_42, %add3A_320], %add3A_334 : memref<8x8x129xf32, #tpu.memory_space<vmem>>[vector<16xi32>, vector<16xi32>, vector<16xi32>], vector<16xf32>,
          %get3A_335 = arith.index_cast %add3A_322 : i32 to index
          %get3A_336 = arith.constant 48 : index
          %get3A_337 = tpu.vector_load %arg9[%get3A_335, %get3A_336] {strides = array<i32>} : memref<512x64xf32, #tpu.memory_space<vmem>>, vector<16xf32>,
          %add3A_338 = arith.addf %get3A_337, %get3A_202 : vector<16xf32>
          tpu.vector_store_idx %arg11[%div3A_25, %rem3A_48, %add3A_320], %add3A_338 : memref<8x8x129xf32, #tpu.memory_space<vmem>>[vector<16xi32>, vector<16xi32>, vector<16xi32>], vector<16xf32>,
          %scan3A_339 = arith.constant 1 : i32
          %scan3A_340 = arith.addi %scan3A_317, %scan3A_339 : i32
          %broadcast_in_dim3A_341 = arith.constant 0 : i32
          %broadcast_in_dim3A_342 = vector.broadcast %broadcast_in_dim3A_341 : i32 to vector<16xi32>
          %add3A_343 = vector.broadcast %scan3A_340 : i32 to vector<16xi32>
          %add3A_344 = arith.addi %broadcast_in_dim3A_342, %add3A_343 : vector<16xi32>
          %add3A_345 = arith.constant 128 : i32
          %add3A_346 = arith.addi %add3A_345, %scan3A_340 : i32
          %get3A_347 = arith.index_cast %add3A_346 : i32 to index
          %get3A_348 = arith.constant 0 : index
          %get3A_349 = tpu.vector_load %arg9[%get3A_347, %get3A_348] {strides = array<i32>} : memref<512x64xf32, #tpu.memory_space<vmem>>, vector<16xf32>,
          %add3A_350 = arith.addf %get3A_349, %get3A_193 : vector<16xf32>
          tpu.vector_store_idx %arg11[%div3A_7, %rem3A_30, %add3A_344], %add3A_350 : memref<8x8x129xf32, #tpu.memory_space<vmem>>[vector<16xi32>, vector<16xi32>, vector<16xi32>], vector<16xf32>,
          %get3A_351 = arith.index_cast %add3A_346 : i32 to index
          %get3A_352 = arith.constant 16 : index
          %get3A_353 = tpu.vector_load %arg9[%get3A_351, %get3A_352] {strides = array<i32>} : memref<512x64xf32, #tpu.memory_space<vmem>>, vector<16xf32>,
          %add3A_354 = arith.addf %get3A_353, %get3A_196 : vector<16xf32>
          tpu.vector_store_idx %arg11[%div3A_13, %rem3A_36, %add3A_344], %add3A_354 : memref<8x8x129xf32, #tpu.memory_space<vmem>>[vector<16xi32>, vector<16xi32>, vector<16xi32>], vector<16xf32>,
          %get3A_355 = arith.index_cast %add3A_346 : i32 to index
          %get3A_356 = arith.constant 32 : index
          %get3A_357 = tpu.vector_load %arg9[%get3A_355, %get3A_356] {strides = array<i32>} : memref<512x64xf32, #tpu.memory_space<vmem>>, vector<16xf32>,
          %add3A_358 = arith.addf %get3A_357, %get3A_199 : vector<16xf32>
          tpu.vector_store_idx %arg11[%div3A_19, %rem3A_42, %add3A_344], %add3A_358 : memref<8x8x129xf32, #tpu.memory_space<vmem>>[vector<16xi32>, vector<16xi32>, vector<16xi32>], vector<16xf32>,
          %get3A_359 = arith.index_cast %add3A_346 : i32 to index
          %get3A_360 = arith.constant 48 : index
          %get3A_361 = tpu.vector_load %arg9[%get3A_359, %get3A_360] {strides = array<i32>} : memref<512x64xf32, #tpu.memory_space<vmem>>, vector<16xf32>,
          %add3A_362 = arith.addf %get3A_361, %get3A_202 : vector<16xf32>
          tpu.vector_store_idx %arg11[%div3A_25, %rem3A_48, %add3A_344], %add3A_362 : memref<8x8x129xf32, #tpu.memory_space<vmem>>[vector<16xi32>, vector<16xi32>, vector<16xi32>], vector<16xf32>,
          %scan3A_363 = arith.constant 2 : i32
          %scan3A_364 = arith.addi %scan3A_317, %scan3A_363 : i32
          %broadcast_in_dim3A_365 = arith.constant 0 : i32
          %broadcast_in_dim3A_366 = vector.broadcast %broadcast_in_dim3A_365 : i32 to vector<16xi32>
          %add3A_367 = vector.broadcast %scan3A_364 : i32 to vector<16xi32>
          %add3A_368 = arith.addi %broadcast_in_dim3A_366, %add3A_367 : vector<16xi32>
          %add3A_369 = arith.constant 128 : i32
          %add3A_370 = arith.addi %add3A_369, %scan3A_364 : i32
          %get3A_371 = arith.index_cast %add3A_370 : i32 to index
          %get3A_372 = arith.constant 0 : index
          %get3A_373 = tpu.vector_load %arg9[%get3A_371, %get3A_372] {strides = array<i32>} : memref<512x64xf32, #tpu.memory_space<vmem>>, vector<16xf32>,
          %add3A_374 = arith.addf %get3A_373, %get3A_193 : vector<16xf32>
          tpu.vector_store_idx %arg11[%div3A_7, %rem3A_30, %add3A_368], %add3A_374 : memref<8x8x129xf32, #tpu.memory_space<vmem>>[vector<16xi32>, vector<16xi32>, vector<16xi32>], vector<16xf32>,
          %get3A_375 = arith.index_cast %add3A_370 : i32 to index
          %get3A_376 = arith.constant 16 : index
          %get3A_377 = tpu.vector_load %arg9[%get3A_375, %get3A_376] {strides = array<i32>} : memref<512x64xf32, #tpu.memory_space<vmem>>, vector<16xf32>,
          %add3A_378 = arith.addf %get3A_377, %get3A_196 : vector<16xf32>
          tpu.vector_store_idx %arg11[%div3A_13, %rem3A_36, %add3A_368], %add3A_378 : memref<8x8x129xf32, #tpu.memory_space<vmem>>[vector<16xi32>, vector<16xi32>, vector<16xi32>], vector<16xf32>,
          %get3A_379 = arith.index_cast %add3A_370 : i32 to index
          %get3A_380 = arith.constant 32 : index
          %get3A_381 = tpu.vector_load %arg9[%get3A_379, %get3A_380] {strides = array<i32>} : memref<512x64xf32, #tpu.memory_space<vmem>>, vector<16xf32>,
          %add3A_382 = arith.addf %get3A_381, %get3A_199 : vector<16xf32>
          tpu.vector_store_idx %arg11[%div3A_19, %rem3A_42, %add3A_368], %add3A_382 : memref<8x8x129xf32, #tpu.memory_space<vmem>>[vector<16xi32>, vector<16xi32>, vector<16xi32>], vector<16xf32>,
          %get3A_383 = arith.index_cast %add3A_370 : i32 to index
          %get3A_384 = arith.constant 48 : index
          %get3A_385 = tpu.vector_load %arg9[%get3A_383, %get3A_384] {strides = array<i32>} : memref<512x64xf32, #tpu.memory_space<vmem>>, vector<16xf32>,
          %add3A_386 = arith.addf %get3A_385, %get3A_202 : vector<16xf32>
          tpu.vector_store_idx %arg11[%div3A_25, %rem3A_48, %add3A_368], %add3A_386 : memref<8x8x129xf32, #tpu.memory_space<vmem>>[vector<16xi32>, vector<16xi32>, vector<16xi32>], vector<16xf32>,
          %scan3A_387 = arith.constant 3 : i32
          %scan3A_388 = arith.addi %scan3A_317, %scan3A_387 : i32
          %broadcast_in_dim3A_389 = arith.constant 0 : i32
          %broadcast_in_dim3A_390 = vector.broadcast %broadcast_in_dim3A_389 : i32 to vector<16xi32>
          %add3A_391 = vector.broadcast %scan3A_388 : i32 to vector<16xi32>
          %add3A_392 = arith.addi %broadcast_in_dim3A_390, %add3A_391 : vector<16xi32>
          %add3A_393 = arith.constant 128 : i32
          %add3A_394 = arith.addi %add3A_393, %scan3A_388 : i32
          %get3A_395 = arith.index_cast %add3A_394 : i32 to index
          %get3A_396 = arith.constant 0 : index
          %get3A_397 = tpu.vector_load %arg9[%get3A_395, %get3A_396] {strides = array<i32>} : memref<512x64xf32, #tpu.memory_space<vmem>>, vector<16xf32>,
          %add3A_398 = arith.addf %get3A_397, %get3A_193 : vector<16xf32>
          tpu.vector_store_idx %arg11[%div3A_7, %rem3A_30, %add3A_392], %add3A_398 : memref<8x8x129xf32, #tpu.memory_space<vmem>>[vector<16xi32>, vector<16xi32>, vector<16xi32>], vector<16xf32>,
          %get3A_399 = arith.index_cast %add3A_394 : i32 to index
          %get3A_400 = arith.constant 16 : index
          %get3A_401 = tpu.vector_load %arg9[%get3A_399, %get3A_400] {strides = array<i32>} : memref<512x64xf32, #tpu.memory_space<vmem>>, vector<16xf32>,
          %add3A_402 = arith.addf %get3A_401, %get3A_196 : vector<16xf32>
          tpu.vector_store_idx %arg11[%div3A_13, %rem3A_36, %add3A_392], %add3A_402 : memref<8x8x129xf32, #tpu.memory_space<vmem>>[vector<16xi32>, vector<16xi32>, vector<16xi32>], vector<16xf32>,
          %get3A_403 = arith.index_cast %add3A_394 : i32 to index
          %get3A_404 = arith.constant 32 : index
          %get3A_405 = tpu.vector_load %arg9[%get3A_403, %get3A_404] {strides = array<i32>} : memref<512x64xf32, #tpu.memory_space<vmem>>, vector<16xf32>,
          %add3A_406 = arith.addf %get3A_405, %get3A_199 : vector<16xf32>
          tpu.vector_store_idx %arg11[%div3A_19, %rem3A_42, %add3A_392], %add3A_406 : memref<8x8x129xf32, #tpu.memory_space<vmem>>[vector<16xi32>, vector<16xi32>, vector<16xi32>], vector<16xf32>,
          %get3A_407 = arith.index_cast %add3A_394 : i32 to index
          %get3A_408 = arith.constant 48 : index
          %get3A_409 = tpu.vector_load %arg9[%get3A_407, %get3A_408] {strides = array<i32>} : memref<512x64xf32, #tpu.memory_space<vmem>>, vector<16xf32>,
          %add3A_410 = arith.addf %get3A_409, %get3A_202 : vector<16xf32>
          tpu.vector_store_idx %arg11[%div3A_25, %rem3A_48, %add3A_392], %add3A_410 : memref<8x8x129xf32, #tpu.memory_space<vmem>>[vector<16xi32>, vector<16xi32>, vector<16xi32>], vector<16xf32>,
        }
        %scan3A_208 = arith.constant 128 : i32
        %dma_start3A_209 = arith.constant 0 : i32
        %dma_start3A_210 = arith.constant 0 : i32
        %dma_start3A_211 = arith.constant 0 : i32
        %dma_start3A_212 = tpu.memref_slice %arg11[%dma_start3A_209, %dma_start3A_210, %dma_start3A_211] : memref<8x8x129xf32, #tpu.memory_space<vmem>> -> memref<8x8x128xf32, #tpu.memory_space<vmem>>
        %dma_start3A_213 = arith.constant 0 : i32
        %dma_start3A_214 = arith.constant 0 : i32
        %dma_start3A_215 = arith.constant 0 : i32
        %dma_start3A_216 = tpu.memref_slice %arg5[%add3A_185, %dma_start3A_213, %add3A, %dma_start3A_214, %dma_start3A_215] : memref<200x8x32x8x128xf32, #tpu.memory_space<hbm>> -> memref<1x8x1x8x128xf32, #tpu.memory_space<hbm>>
        %dma_start3A_217 = tpu.memref_squeeze %dma_start3A_216 : memref<1x8x1x8x128xf32, #tpu.memory_space<hbm>> -> memref<8x8x128xf32, #tpu.memory_space<hbm>>
        %dma_start3A_218 = arith.constant 0 : i32
        %dma_start3A_219 = arith.constant 0 : i32
        %dma_start3A_220 = arith.constant 0 : i32
        %dma_start3A_221 = tpu.memref_slice %arg5[%add3A_185, %dma_start3A_218, %add3A, %dma_start3A_219, %dma_start3A_220] : memref<200x8x32x8x128xf32, #tpu.memory_space<hbm>> -> memref<1x8x1x8x128xf32, #tpu.memory_space<hbm>>
        %dma_start3A_222 = tpu.memref_squeeze %dma_start3A_221 : memref<1x8x1x8x128xf32, #tpu.memory_space<hbm>> -> memref<8x8x128xf32, #tpu.memory_space<hbm>>
        %dma_start3A_223 = arith.constant 0 : i32
        %dma_start3A_224 = arith.constant 0 : i32
        %dma_start3A_225 = arith.constant 0 : i32
        %dma_start3A_226 = tpu.memref_slice %arg11[%dma_start3A_223, %dma_start3A_224, %dma_start3A_225] : memref<8x8x129xf32, #tpu.memory_space<vmem>> -> memref<8x8x128xf32, #tpu.memory_space<vmem>>
        tpu.enqueue_dma source(%dma_start3A_226 : memref<8x8x128xf32, #tpu.memory_space<vmem>>) target(%dma_start3A_222 : memref<8x8x128xf32, #tpu.memory_space<hbm>>) target_semaphore(%arg17 : memref<!tpu.dma_semaphore, #tpu.memory_space<semaphore_mem>>)
        %mul3A_227 = arith.constant 4 : i32
        %mul3A_228 = arith.muli %scan3A_108, %mul3A_227 : i32
        %add3A_229 = arith.constant 2 : i32
        %add3A_230 = arith.addi %mul3A_228, %add3A_229 : i32
        %ge3A_231 = arith.constant 2 : i32
        %ge3A_232 = arith.cmpi sge, %add3A_230, %ge3A_231 : i32
        %convert_element_type3A_233 = arith.extui %ge3A_232 : i1 to i32
        %cond3A_234 = arith.constant 0 : i32
        %cond3A_235 = arith.cmpi ne, %convert_element_type3A_233, %cond3A_234 : i32
        scf.if %cond3A_235 {
          %sub3A = arith.constant 2 : i32
          %sub3A_317 = arith.subi %add3A_230, %sub3A : i32
          %dma_wait3A_318 = arith.constant 0 : i32
          %dma_wait3A_319 = arith.constant 0 : i32
          %dma_wait3A_320 = arith.constant 0 : i32
          %dma_wait3A_321 = tpu.memref_slice %arg10[%dma_wait3A_318, %dma_wait3A_319, %dma_wait3A_320] : memref<8x8x129xf32, #tpu.memory_space<vmem>> -> memref<8x8x128xf32, #tpu.memory_space<vmem>>
          %dma_wait3A_322 = arith.constant 0 : i32
          %dma_wait3A_323 = arith.constant 0 : i32
          %dma_wait3A_324 = arith.constant 0 : i32
          %dma_wait3A_325 = tpu.memref_slice %arg5[%sub3A_317, %dma_wait3A_322, %add3A, %dma_wait3A_323, %dma_wait3A_324] : memref<200x8x32x8x128xf32, #tpu.memory_space<hbm>> -> memref<1x8x1x8x128xf32, #tpu.memory_space<hbm>>
          %dma_wait3A_326 = tpu.memref_squeeze %dma_wait3A_325 : memref<1x8x1x8x128xf32, #tpu.memory_space<hbm>> -> memref<8x8x128xf32, #tpu.memory_space<hbm>>
          %dma_wait3A_327 = arith.constant 0 : i32
          %dma_wait3A_328 = arith.constant 0 : i32
          %dma_wait3A_329 = arith.constant 0 : i32
          %dma_wait3A_330 = tpu.memref_slice %arg5[%sub3A_317, %dma_wait3A_327, %add3A, %dma_wait3A_328, %dma_wait3A_329] : memref<200x8x32x8x128xf32, #tpu.memory_space<hbm>> -> memref<1x8x1x8x128xf32, #tpu.memory_space<hbm>>
          %dma_wait3A_331 = tpu.memref_squeeze %dma_wait3A_330 : memref<1x8x1x8x128xf32, #tpu.memory_space<hbm>> -> memref<8x8x128xf32, #tpu.memory_space<hbm>>
          %dma_wait3A_332 = arith.constant 0 : i32
          %dma_wait3A_333 = arith.constant 0 : i32
          %dma_wait3A_334 = arith.constant 0 : i32
          %dma_wait3A_335 = tpu.memref_slice %arg10[%dma_wait3A_332, %dma_wait3A_333, %dma_wait3A_334] : memref<8x8x129xf32, #tpu.memory_space<vmem>> -> memref<8x8x128xf32, #tpu.memory_space<vmem>>
          tpu.wait_dma2 semaphore(%arg16 : memref<!tpu.dma_semaphore, #tpu.memory_space<semaphore_mem>>) src(%dma_wait3A_335 : memref<8x8x128xf32, #tpu.memory_space<vmem>>) dst(%dma_wait3A_331 : memref<8x8x128xf32, #tpu.memory_space<hbm>>)
        } else {
        }
        %get3A_236 = arith.index_cast %add3A_230 : i32 to index
        %get3A_237 = arith.constant 0 : index
        %get3A_238 = tpu.vector_load %arg12[%get3A_236, %get3A_237] {strides = array<i32>} : memref<200x128xf32, #tpu.memory_space<vmem>>, vector<16xf32>,
        %get3A_239 = arith.index_cast %add3A_230 : i32 to index
        %get3A_240 = arith.constant 16 : index
        %get3A_241 = tpu.vector_load %arg12[%get3A_239, %get3A_240] {strides = array<i32>} : memref<200x128xf32, #tpu.memory_space<vmem>>, vector<16xf32>,
        %get3A_242 = arith.index_cast %add3A_230 : i32 to index
        %get3A_243 = arith.constant 32 : index
        %get3A_244 = tpu.vector_load %arg12[%get3A_242, %get3A_243] {strides = array<i32>} : memref<200x128xf32, #tpu.memory_space<vmem>>, vector<16xf32>,
        %get3A_245 = arith.index_cast %add3A_230 : i32 to index
        %get3A_246 = arith.constant 48 : index
        %get3A_247 = tpu.vector_load %arg12[%get3A_245, %get3A_246] {strides = array<i32>} : memref<200x128xf32, #tpu.memory_space<vmem>>, vector<16xf32>,
        %scan3A_248 = arith.constant 0 : i32
        %scan3A_249 = arith.constant 0 : i32
        %scan3A_250 = arith.constant 128 : i32
        %scan3A_251 = arith.addi %scan3A_249, %scan3A_250 : i32
        %scan3A_252 = arith.constant 4 : i32
        scf.for %scan3A_317 = %scan3A_249 to %scan3A_251 step %scan3A_252  : i32 {
          %broadcast_in_dim3A = arith.constant 0 : i32
          %broadcast_in_dim3A_318 = vector.broadcast %broadcast_in_dim3A : i32 to vector<16xi32>
          %add3A_319 = vector.broadcast %scan3A_317 : i32 to vector<16xi32>
          %add3A_320 = arith.addi %broadcast_in_dim3A_318, %add3A_319 : vector<16xi32>
          %add3A_321 = arith.constant 256 : i32
          %add3A_322 = arith.addi %add3A_321, %scan3A_317 : i32
          %get3A_323 = arith.index_cast %add3A_322 : i32 to index
          %get3A_324 = arith.constant 0 : index
          %get3A_325 = tpu.vector_load %arg9[%get3A_323, %get3A_324] {strides = array<i32>} : memref<512x64xf32, #tpu.memory_space<vmem>>, vector<16xf32>,
          %add3A_326 = arith.addf %get3A_325, %get3A_238 : vector<16xf32>
          tpu.vector_store_idx %arg10[%div3A_7, %rem3A_30, %add3A_320], %add3A_326 : memref<8x8x129xf32, #tpu.memory_space<vmem>>[vector<16xi32>, vector<16xi32>, vector<16xi32>], vector<16xf32>,
          %get3A_327 = arith.index_cast %add3A_322 : i32 to index
          %get3A_328 = arith.constant 16 : index
          %get3A_329 = tpu.vector_load %arg9[%get3A_327, %get3A_328] {strides = array<i32>} : memref<512x64xf32, #tpu.memory_space<vmem>>, vector<16xf32>,
          %add3A_330 = arith.addf %get3A_329, %get3A_241 : vector<16xf32>
          tpu.vector_store_idx %arg10[%div3A_13, %rem3A_36, %add3A_320], %add3A_330 : memref<8x8x129xf32, #tpu.memory_space<vmem>>[vector<16xi32>, vector<16xi32>, vector<16xi32>], vector<16xf32>,
          %get3A_331 = arith.index_cast %add3A_322 : i32 to index
          %get3A_332 = arith.constant 32 : index
          %get3A_333 = tpu.vector_load %arg9[%get3A_331, %get3A_332] {strides = array<i32>} : memref<512x64xf32, #tpu.memory_space<vmem>>, vector<16xf32>,
          %add3A_334 = arith.addf %get3A_333, %get3A_244 : vector<16xf32>
          tpu.vector_store_idx %arg10[%div3A_19, %rem3A_42, %add3A_320], %add3A_334 : memref<8x8x129xf32, #tpu.memory_space<vmem>>[vector<16xi32>, vector<16xi32>, vector<16xi32>], vector<16xf32>,
          %get3A_335 = arith.index_cast %add3A_322 : i32 to index
          %get3A_336 = arith.constant 48 : index
          %get3A_337 = tpu.vector_load %arg9[%get3A_335, %get3A_336] {strides = array<i32>} : memref<512x64xf32, #tpu.memory_space<vmem>>, vector<16xf32>,
          %add3A_338 = arith.addf %get3A_337, %get3A_247 : vector<16xf32>
          tpu.vector_store_idx %arg10[%div3A_25, %rem3A_48, %add3A_320], %add3A_338 : memref<8x8x129xf32, #tpu.memory_space<vmem>>[vector<16xi32>, vector<16xi32>, vector<16xi32>], vector<16xf32>,
          %scan3A_339 = arith.constant 1 : i32
          %scan3A_340 = arith.addi %scan3A_317, %scan3A_339 : i32
          %broadcast_in_dim3A_341 = arith.constant 0 : i32
          %broadcast_in_dim3A_342 = vector.broadcast %broadcast_in_dim3A_341 : i32 to vector<16xi32>
          %add3A_343 = vector.broadcast %scan3A_340 : i32 to vector<16xi32>
          %add3A_344 = arith.addi %broadcast_in_dim3A_342, %add3A_343 : vector<16xi32>
          %add3A_345 = arith.constant 256 : i32
          %add3A_346 = arith.addi %add3A_345, %scan3A_340 : i32
          %get3A_347 = arith.index_cast %add3A_346 : i32 to index
          %get3A_348 = arith.constant 0 : index
          %get3A_349 = tpu.vector_load %arg9[%get3A_347, %get3A_348] {strides = array<i32>} : memref<512x64xf32, #tpu.memory_space<vmem>>, vector<16xf32>,
          %add3A_350 = arith.addf %get3A_349, %get3A_238 : vector<16xf32>
          tpu.vector_store_idx %arg10[%div3A_7, %rem3A_30, %add3A_344], %add3A_350 : memref<8x8x129xf32, #tpu.memory_space<vmem>>[vector<16xi32>, vector<16xi32>, vector<16xi32>], vector<16xf32>,
          %get3A_351 = arith.index_cast %add3A_346 : i32 to index
          %get3A_352 = arith.constant 16 : index
          %get3A_353 = tpu.vector_load %arg9[%get3A_351, %get3A_352] {strides = array<i32>} : memref<512x64xf32, #tpu.memory_space<vmem>>, vector<16xf32>,
          %add3A_354 = arith.addf %get3A_353, %get3A_241 : vector<16xf32>
          tpu.vector_store_idx %arg10[%div3A_13, %rem3A_36, %add3A_344], %add3A_354 : memref<8x8x129xf32, #tpu.memory_space<vmem>>[vector<16xi32>, vector<16xi32>, vector<16xi32>], vector<16xf32>,
          %get3A_355 = arith.index_cast %add3A_346 : i32 to index
          %get3A_356 = arith.constant 32 : index
          %get3A_357 = tpu.vector_load %arg9[%get3A_355, %get3A_356] {strides = array<i32>} : memref<512x64xf32, #tpu.memory_space<vmem>>, vector<16xf32>,
          %add3A_358 = arith.addf %get3A_357, %get3A_244 : vector<16xf32>
          tpu.vector_store_idx %arg10[%div3A_19, %rem3A_42, %add3A_344], %add3A_358 : memref<8x8x129xf32, #tpu.memory_space<vmem>>[vector<16xi32>, vector<16xi32>, vector<16xi32>], vector<16xf32>,
          %get3A_359 = arith.index_cast %add3A_346 : i32 to index
          %get3A_360 = arith.constant 48 : index
          %get3A_361 = tpu.vector_load %arg9[%get3A_359, %get3A_360] {strides = array<i32>} : memref<512x64xf32, #tpu.memory_space<vmem>>, vector<16xf32>,
          %add3A_362 = arith.addf %get3A_361, %get3A_247 : vector<16xf32>
          tpu.vector_store_idx %arg10[%div3A_25, %rem3A_48, %add3A_344], %add3A_362 : memref<8x8x129xf32, #tpu.memory_space<vmem>>[vector<16xi32>, vector<16xi32>, vector<16xi32>], vector<16xf32>,
          %scan3A_363 = arith.constant 2 : i32
          %scan3A_364 = arith.addi %scan3A_317, %scan3A_363 : i32
          %broadcast_in_dim3A_365 = arith.constant 0 : i32
          %broadcast_in_dim3A_366 = vector.broadcast %broadcast_in_dim3A_365 : i32 to vector<16xi32>
          %add3A_367 = vector.broadcast %scan3A_364 : i32 to vector<16xi32>
          %add3A_368 = arith.addi %broadcast_in_dim3A_366, %add3A_367 : vector<16xi32>
          %add3A_369 = arith.constant 256 : i32
          %add3A_370 = arith.addi %add3A_369, %scan3A_364 : i32
          %get3A_371 = arith.index_cast %add3A_370 : i32 to index
          %get3A_372 = arith.constant 0 : index
          %get3A_373 = tpu.vector_load %arg9[%get3A_371, %get3A_372] {strides = array<i32>} : memref<512x64xf32, #tpu.memory_space<vmem>>, vector<16xf32>,
          %add3A_374 = arith.addf %get3A_373, %get3A_238 : vector<16xf32>
          tpu.vector_store_idx %arg10[%div3A_7, %rem3A_30, %add3A_368], %add3A_374 : memref<8x8x129xf32, #tpu.memory_space<vmem>>[vector<16xi32>, vector<16xi32>, vector<16xi32>], vector<16xf32>,
          %get3A_375 = arith.index_cast %add3A_370 : i32 to index
          %get3A_376 = arith.constant 16 : index
          %get3A_377 = tpu.vector_load %arg9[%get3A_375, %get3A_376] {strides = array<i32>} : memref<512x64xf32, #tpu.memory_space<vmem>>, vector<16xf32>,
          %add3A_378 = arith.addf %get3A_377, %get3A_241 : vector<16xf32>
          tpu.vector_store_idx %arg10[%div3A_13, %rem3A_36, %add3A_368], %add3A_378 : memref<8x8x129xf32, #tpu.memory_space<vmem>>[vector<16xi32>, vector<16xi32>, vector<16xi32>], vector<16xf32>,
          %get3A_379 = arith.index_cast %add3A_370 : i32 to index
          %get3A_380 = arith.constant 32 : index
          %get3A_381 = tpu.vector_load %arg9[%get3A_379, %get3A_380] {strides = array<i32>} : memref<512x64xf32, #tpu.memory_space<vmem>>, vector<16xf32>,
          %add3A_382 = arith.addf %get3A_381, %get3A_244 : vector<16xf32>
          tpu.vector_store_idx %arg10[%div3A_19, %rem3A_42, %add3A_368], %add3A_382 : memref<8x8x129xf32, #tpu.memory_space<vmem>>[vector<16xi32>, vector<16xi32>, vector<16xi32>], vector<16xf32>,
          %get3A_383 = arith.index_cast %add3A_370 : i32 to index
          %get3A_384 = arith.constant 48 : index
          %get3A_385 = tpu.vector_load %arg9[%get3A_383, %get3A_384] {strides = array<i32>} : memref<512x64xf32, #tpu.memory_space<vmem>>, vector<16xf32>,
          %add3A_386 = arith.addf %get3A_385, %get3A_247 : vector<16xf32>
          tpu.vector_store_idx %arg10[%div3A_25, %rem3A_48, %add3A_368], %add3A_386 : memref<8x8x129xf32, #tpu.memory_space<vmem>>[vector<16xi32>, vector<16xi32>, vector<16xi32>], vector<16xf32>,
          %scan3A_387 = arith.constant 3 : i32
          %scan3A_388 = arith.addi %scan3A_317, %scan3A_387 : i32
          %broadcast_in_dim3A_389 = arith.constant 0 : i32
          %broadcast_in_dim3A_390 = vector.broadcast %broadcast_in_dim3A_389 : i32 to vector<16xi32>
          %add3A_391 = vector.broadcast %scan3A_388 : i32 to vector<16xi32>
          %add3A_392 = arith.addi %broadcast_in_dim3A_390, %add3A_391 : vector<16xi32>
          %add3A_393 = arith.constant 256 : i32
          %add3A_394 = arith.addi %add3A_393, %scan3A_388 : i32
          %get3A_395 = arith.index_cast %add3A_394 : i32 to index
          %get3A_396 = arith.constant 0 : index
          %get3A_397 = tpu.vector_load %arg9[%get3A_395, %get3A_396] {strides = array<i32>} : memref<512x64xf32, #tpu.memory_space<vmem>>, vector<16xf32>,
          %add3A_398 = arith.addf %get3A_397, %get3A_238 : vector<16xf32>
          tpu.vector_store_idx %arg10[%div3A_7, %rem3A_30, %add3A_392], %add3A_398 : memref<8x8x129xf32, #tpu.memory_space<vmem>>[vector<16xi32>, vector<16xi32>, vector<16xi32>], vector<16xf32>,
          %get3A_399 = arith.index_cast %add3A_394 : i32 to index
          %get3A_400 = arith.constant 16 : index
          %get3A_401 = tpu.vector_load %arg9[%get3A_399, %get3A_400] {strides = array<i32>} : memref<512x64xf32, #tpu.memory_space<vmem>>, vector<16xf32>,
          %add3A_402 = arith.addf %get3A_401, %get3A_241 : vector<16xf32>
          tpu.vector_store_idx %arg10[%div3A_13, %rem3A_36, %add3A_392], %add3A_402 : memref<8x8x129xf32, #tpu.memory_space<vmem>>[vector<16xi32>, vector<16xi32>, vector<16xi32>], vector<16xf32>,
          %get3A_403 = arith.index_cast %add3A_394 : i32 to index
          %get3A_404 = arith.constant 32 : index
          %get3A_405 = tpu.vector_load %arg9[%get3A_403, %get3A_404] {strides = array<i32>} : memref<512x64xf32, #tpu.memory_space<vmem>>, vector<16xf32>,
          %add3A_406 = arith.addf %get3A_405, %get3A_244 : vector<16xf32>
          tpu.vector_store_idx %arg10[%div3A_19, %rem3A_42, %add3A_392], %add3A_406 : memref<8x8x129xf32, #tpu.memory_space<vmem>>[vector<16xi32>, vector<16xi32>, vector<16xi32>], vector<16xf32>,
          %get3A_407 = arith.index_cast %add3A_394 : i32 to index
          %get3A_408 = arith.constant 48 : index
          %get3A_409 = tpu.vector_load %arg9[%get3A_407, %get3A_408] {strides = array<i32>} : memref<512x64xf32, #tpu.memory_space<vmem>>, vector<16xf32>,
          %add3A_410 = arith.addf %get3A_409, %get3A_247 : vector<16xf32>
          tpu.vector_store_idx %arg10[%div3A_25, %rem3A_48, %add3A_392], %add3A_410 : memref<8x8x129xf32, #tpu.memory_space<vmem>>[vector<16xi32>, vector<16xi32>, vector<16xi32>], vector<16xf32>,
        }
        %scan3A_253 = arith.constant 128 : i32
        %dma_start3A_254 = arith.constant 0 : i32
        %dma_start3A_255 = arith.constant 0 : i32
        %dma_start3A_256 = arith.constant 0 : i32
        %dma_start3A_257 = tpu.memref_slice %arg10[%dma_start3A_254, %dma_start3A_255, %dma_start3A_256] : memref<8x8x129xf32, #tpu.memory_space<vmem>> -> memref<8x8x128xf32, #tpu.memory_space<vmem>>
        %dma_start3A_258 = arith.constant 0 : i32
        %dma_start3A_259 = arith.constant 0 : i32
        %dma_start3A_260 = arith.constant 0 : i32
        %dma_start3A_261 = tpu.memref_slice %arg5[%add3A_230, %dma_start3A_258, %add3A, %dma_start3A_259, %dma_start3A_260] : memref<200x8x32x8x128xf32, #tpu.memory_space<hbm>> -> memref<1x8x1x8x128xf32, #tpu.memory_space<hbm>>
        %dma_start3A_262 = tpu.memref_squeeze %dma_start3A_261 : memref<1x8x1x8x128xf32, #tpu.memory_space<hbm>> -> memref<8x8x128xf32, #tpu.memory_space<hbm>>
        %dma_start3A_263 = arith.constant 0 : i32
        %dma_start3A_264 = arith.constant 0 : i32
        %dma_start3A_265 = arith.constant 0 : i32
        %dma_start3A_266 = tpu.memref_slice %arg5[%add3A_230, %dma_start3A_263, %add3A, %dma_start3A_264, %dma_start3A_265] : memref<200x8x32x8x128xf32, #tpu.memory_space<hbm>> -> memref<1x8x1x8x128xf32, #tpu.memory_space<hbm>>
        %dma_start3A_267 = tpu.memref_squeeze %dma_start3A_266 : memref<1x8x1x8x128xf32, #tpu.memory_space<hbm>> -> memref<8x8x128xf32, #tpu.memory_space<hbm>>
        %dma_start3A_268 = arith.constant 0 : i32
        %dma_start3A_269 = arith.constant 0 : i32
        %dma_start3A_270 = arith.constant 0 : i32
        %dma_start3A_271 = tpu.memref_slice %arg10[%dma_start3A_268, %dma_start3A_269, %dma_start3A_270] : memref<8x8x129xf32, #tpu.memory_space<vmem>> -> memref<8x8x128xf32, #tpu.memory_space<vmem>>
        tpu.enqueue_dma source(%dma_start3A_271 : memref<8x8x128xf32, #tpu.memory_space<vmem>>) target(%dma_start3A_267 : memref<8x8x128xf32, #tpu.memory_space<hbm>>) target_semaphore(%arg16 : memref<!tpu.dma_semaphore, #tpu.memory_space<semaphore_mem>>)
        %mul3A_272 = arith.constant 4 : i32
        %mul3A_273 = arith.muli %scan3A_108, %mul3A_272 : i32
        %add3A_274 = arith.constant 3 : i32
        %add3A_275 = arith.addi %mul3A_273, %add3A_274 : i32
        %ge3A_276 = arith.constant 2 : i32
        %ge3A_277 = arith.cmpi sge, %add3A_275, %ge3A_276 : i32
        %convert_element_type3A_278 = arith.extui %ge3A_277 : i1 to i32
        %cond3A_279 = arith.constant 0 : i32
        %cond3A_280 = arith.cmpi ne, %convert_element_type3A_278, %cond3A_279 : i32
        scf.if %cond3A_280 {
          %sub3A = arith.constant 2 : i32
          %sub3A_317 = arith.subi %add3A_275, %sub3A : i32
          %dma_wait3A_318 = arith.constant 0 : i32
          %dma_wait3A_319 = arith.constant 0 : i32
          %dma_wait3A_320 = arith.constant 0 : i32
          %dma_wait3A_321 = tpu.memref_slice %arg11[%dma_wait3A_318, %dma_wait3A_319, %dma_wait3A_320] : memref<8x8x129xf32, #tpu.memory_space<vmem>> -> memref<8x8x128xf32, #tpu.memory_space<vmem>>
          %dma_wait3A_322 = arith.constant 0 : i32
          %dma_wait3A_323 = arith.constant 0 : i32
          %dma_wait3A_324 = arith.constant 0 : i32
          %dma_wait3A_325 = tpu.memref_slice %arg5[%sub3A_317, %dma_wait3A_322, %add3A, %dma_wait3A_323, %dma_wait3A_324] : memref<200x8x32x8x128xf32, #tpu.memory_space<hbm>> -> memref<1x8x1x8x128xf32, #tpu.memory_space<hbm>>
          %dma_wait3A_326 = tpu.memref_squeeze %dma_wait3A_325 : memref<1x8x1x8x128xf32, #tpu.memory_space<hbm>> -> memref<8x8x128xf32, #tpu.memory_space<hbm>>
          %dma_wait3A_327 = arith.constant 0 : i32
          %dma_wait3A_328 = arith.constant 0 : i32
          %dma_wait3A_329 = arith.constant 0 : i32
          %dma_wait3A_330 = tpu.memref_slice %arg5[%sub3A_317, %dma_wait3A_327, %add3A, %dma_wait3A_328, %dma_wait3A_329] : memref<200x8x32x8x128xf32, #tpu.memory_space<hbm>> -> memref<1x8x1x8x128xf32, #tpu.memory_space<hbm>>
          %dma_wait3A_331 = tpu.memref_squeeze %dma_wait3A_330 : memref<1x8x1x8x128xf32, #tpu.memory_space<hbm>> -> memref<8x8x128xf32, #tpu.memory_space<hbm>>
          %dma_wait3A_332 = arith.constant 0 : i32
          %dma_wait3A_333 = arith.constant 0 : i32
          %dma_wait3A_334 = arith.constant 0 : i32
          %dma_wait3A_335 = tpu.memref_slice %arg11[%dma_wait3A_332, %dma_wait3A_333, %dma_wait3A_334] : memref<8x8x129xf32, #tpu.memory_space<vmem>> -> memref<8x8x128xf32, #tpu.memory_space<vmem>>
          tpu.wait_dma2 semaphore(%arg17 : memref<!tpu.dma_semaphore, #tpu.memory_space<semaphore_mem>>) src(%dma_wait3A_335 : memref<8x8x128xf32, #tpu.memory_space<vmem>>) dst(%dma_wait3A_331 : memref<8x8x128xf32, #tpu.memory_space<hbm>>)
        } else {
        }
        %get3A_281 = arith.index_cast %add3A_275 : i32 to index
        %get3A_282 = arith.constant 0 : index
        %get3A_283 = tpu.vector_load %arg12[%get3A_281, %get3A_282] {strides = array<i32>} : memref<200x128xf32, #tpu.memory_space<vmem>>, vector<16xf32>,
        %get3A_284 = arith.index_cast %add3A_275 : i32 to index
        %get3A_285 = arith.constant 16 : index
        %get3A_286 = tpu.vector_load %arg12[%get3A_284, %get3A_285] {strides = array<i32>} : memref<200x128xf32, #tpu.memory_space<vmem>>, vector<16xf32>,
        %get3A_287 = arith.index_cast %add3A_275 : i32 to index
        %get3A_288 = arith.constant 32 : index
        %get3A_289 = tpu.vector_load %arg12[%get3A_287, %get3A_288] {strides = array<i32>} : memref<200x128xf32, #tpu.memory_space<vmem>>, vector<16xf32>,
        %get3A_290 = arith.index_cast %add3A_275 : i32 to index
        %get3A_291 = arith.constant 48 : index
        %get3A_292 = tpu.vector_load %arg12[%get3A_290, %get3A_291] {strides = array<i32>} : memref<200x128xf32, #tpu.memory_space<vmem>>, vector<16xf32>,
        %scan3A_293 = arith.constant 0 : i32
        %scan3A_294 = arith.constant 0 : i32
        %scan3A_295 = arith.constant 128 : i32
        %scan3A_296 = arith.addi %scan3A_294, %scan3A_295 : i32
        %scan3A_297 = arith.constant 4 : i32
        scf.for %scan3A_317 = %scan3A_294 to %scan3A_296 step %scan3A_297  : i32 {
          %broadcast_in_dim3A = arith.constant 0 : i32
          %broadcast_in_dim3A_318 = vector.broadcast %broadcast_in_dim3A : i32 to vector<16xi32>
          %add3A_319 = vector.broadcast %scan3A_317 : i32 to vector<16xi32>
          %add3A_320 = arith.addi %broadcast_in_dim3A_318, %add3A_319 : vector<16xi32>
          %add3A_321 = arith.constant 384 : i32
          %add3A_322 = arith.addi %add3A_321, %scan3A_317 : i32
          %get3A_323 = arith.index_cast %add3A_322 : i32 to index
          %get3A_324 = arith.constant 0 : index
          %get3A_325 = tpu.vector_load %arg9[%get3A_323, %get3A_324] {strides = array<i32>} : memref<512x64xf32, #tpu.memory_space<vmem>>, vector<16xf32>,
          %add3A_326 = arith.addf %get3A_325, %get3A_283 : vector<16xf32>
          tpu.vector_store_idx %arg11[%div3A_7, %rem3A_30, %add3A_320], %add3A_326 : memref<8x8x129xf32, #tpu.memory_space<vmem>>[vector<16xi32>, vector<16xi32>, vector<16xi32>], vector<16xf32>,
          %get3A_327 = arith.index_cast %add3A_322 : i32 to index
          %get3A_328 = arith.constant 16 : index
          %get3A_329 = tpu.vector_load %arg9[%get3A_327, %get3A_328] {strides = array<i32>} : memref<512x64xf32, #tpu.memory_space<vmem>>, vector<16xf32>,
          %add3A_330 = arith.addf %get3A_329, %get3A_286 : vector<16xf32>
          tpu.vector_store_idx %arg11[%div3A_13, %rem3A_36, %add3A_320], %add3A_330 : memref<8x8x129xf32, #tpu.memory_space<vmem>>[vector<16xi32>, vector<16xi32>, vector<16xi32>], vector<16xf32>,
          %get3A_331 = arith.index_cast %add3A_322 : i32 to index
          %get3A_332 = arith.constant 32 : index
          %get3A_333 = tpu.vector_load %arg9[%get3A_331, %get3A_332] {strides = array<i32>} : memref<512x64xf32, #tpu.memory_space<vmem>>, vector<16xf32>,
          %add3A_334 = arith.addf %get3A_333, %get3A_289 : vector<16xf32>
          tpu.vector_store_idx %arg11[%div3A_19, %rem3A_42, %add3A_320], %add3A_334 : memref<8x8x129xf32, #tpu.memory_space<vmem>>[vector<16xi32>, vector<16xi32>, vector<16xi32>], vector<16xf32>,
          %get3A_335 = arith.index_cast %add3A_322 : i32 to index
          %get3A_336 = arith.constant 48 : index
          %get3A_337 = tpu.vector_load %arg9[%get3A_335, %get3A_336] {strides = array<i32>} : memref<512x64xf32, #tpu.memory_space<vmem>>, vector<16xf32>,
          %add3A_338 = arith.addf %get3A_337, %get3A_292 : vector<16xf32>
          tpu.vector_store_idx %arg11[%div3A_25, %rem3A_48, %add3A_320], %add3A_338 : memref<8x8x129xf32, #tpu.memory_space<vmem>>[vector<16xi32>, vector<16xi32>, vector<16xi32>], vector<16xf32>,
          %scan3A_339 = arith.constant 1 : i32
          %scan3A_340 = arith.addi %scan3A_317, %scan3A_339 : i32
          %broadcast_in_dim3A_341 = arith.constant 0 : i32
          %broadcast_in_dim3A_342 = vector.broadcast %broadcast_in_dim3A_341 : i32 to vector<16xi32>
          %add3A_343 = vector.broadcast %scan3A_340 : i32 to vector<16xi32>
          %add3A_344 = arith.addi %broadcast_in_dim3A_342, %add3A_343 : vector<16xi32>
          %add3A_345 = arith.constant 384 : i32
          %add3A_346 = arith.addi %add3A_345, %scan3A_340 : i32
          %get3A_347 = arith.index_cast %add3A_346 : i32 to index
          %get3A_348 = arith.constant 0 : index
          %get3A_349 = tpu.vector_load %arg9[%get3A_347, %get3A_348] {strides = array<i32>} : memref<512x64xf32, #tpu.memory_space<vmem>>, vector<16xf32>,
          %add3A_350 = arith.addf %get3A_349, %get3A_283 : vector<16xf32>
          tpu.vector_store_idx %arg11[%div3A_7, %rem3A_30, %add3A_344], %add3A_350 : memref<8x8x129xf32, #tpu.memory_space<vmem>>[vector<16xi32>, vector<16xi32>, vector<16xi32>], vector<16xf32>,
          %get3A_351 = arith.index_cast %add3A_346 : i32 to index
          %get3A_352 = arith.constant 16 : index
          %get3A_353 = tpu.vector_load %arg9[%get3A_351, %get3A_352] {strides = array<i32>} : memref<512x64xf32, #tpu.memory_space<vmem>>, vector<16xf32>,
          %add3A_354 = arith.addf %get3A_353, %get3A_286 : vector<16xf32>
          tpu.vector_store_idx %arg11[%div3A_13, %rem3A_36, %add3A_344], %add3A_354 : memref<8x8x129xf32, #tpu.memory_space<vmem>>[vector<16xi32>, vector<16xi32>, vector<16xi32>], vector<16xf32>,
          %get3A_355 = arith.index_cast %add3A_346 : i32 to index
          %get3A_356 = arith.constant 32 : index
          %get3A_357 = tpu.vector_load %arg9[%get3A_355, %get3A_356] {strides = array<i32>} : memref<512x64xf32, #tpu.memory_space<vmem>>, vector<16xf32>,
          %add3A_358 = arith.addf %get3A_357, %get3A_289 : vector<16xf32>
          tpu.vector_store_idx %arg11[%div3A_19, %rem3A_42, %add3A_344], %add3A_358 : memref<8x8x129xf32, #tpu.memory_space<vmem>>[vector<16xi32>, vector<16xi32>, vector<16xi32>], vector<16xf32>,
          %get3A_359 = arith.index_cast %add3A_346 : i32 to index
          %get3A_360 = arith.constant 48 : index
          %get3A_361 = tpu.vector_load %arg9[%get3A_359, %get3A_360] {strides = array<i32>} : memref<512x64xf32, #tpu.memory_space<vmem>>, vector<16xf32>,
          %add3A_362 = arith.addf %get3A_361, %get3A_292 : vector<16xf32>
          tpu.vector_store_idx %arg11[%div3A_25, %rem3A_48, %add3A_344], %add3A_362 : memref<8x8x129xf32, #tpu.memory_space<vmem>>[vector<16xi32>, vector<16xi32>, vector<16xi32>], vector<16xf32>,
          %scan3A_363 = arith.constant 2 : i32
          %scan3A_364 = arith.addi %scan3A_317, %scan3A_363 : i32
          %broadcast_in_dim3A_365 = arith.constant 0 : i32
          %broadcast_in_dim3A_366 = vector.broadcast %broadcast_in_dim3A_365 : i32 to vector<16xi32>
          %add3A_367 = vector.broadcast %scan3A_364 : i32 to vector<16xi32>
          %add3A_368 = arith.addi %broadcast_in_dim3A_366, %add3A_367 : vector<16xi32>
          %add3A_369 = arith.constant 384 : i32
          %add3A_370 = arith.addi %add3A_369, %scan3A_364 : i32
          %get3A_371 = arith.index_cast %add3A_370 : i32 to index
          %get3A_372 = arith.constant 0 : index
          %get3A_373 = tpu.vector_load %arg9[%get3A_371, %get3A_372] {strides = array<i32>} : memref<512x64xf32, #tpu.memory_space<vmem>>, vector<16xf32>,
          %add3A_374 = arith.addf %get3A_373, %get3A_283 : vector<16xf32>
          tpu.vector_store_idx %arg11[%div3A_7, %rem3A_30, %add3A_368], %add3A_374 : memref<8x8x129xf32, #tpu.memory_space<vmem>>[vector<16xi32>, vector<16xi32>, vector<16xi32>], vector<16xf32>,
          %get3A_375 = arith.index_cast %add3A_370 : i32 to index
          %get3A_376 = arith.constant 16 : index
          %get3A_377 = tpu.vector_load %arg9[%get3A_375, %get3A_376] {strides = array<i32>} : memref<512x64xf32, #tpu.memory_space<vmem>>, vector<16xf32>,
          %add3A_378 = arith.addf %get3A_377, %get3A_286 : vector<16xf32>
          tpu.vector_store_idx %arg11[%div3A_13, %rem3A_36, %add3A_368], %add3A_378 : memref<8x8x129xf32, #tpu.memory_space<vmem>>[vector<16xi32>, vector<16xi32>, vector<16xi32>], vector<16xf32>,
          %get3A_379 = arith.index_cast %add3A_370 : i32 to index
          %get3A_380 = arith.constant 32 : index
          %get3A_381 = tpu.vector_load %arg9[%get3A_379, %get3A_380] {strides = array<i32>} : memref<512x64xf32, #tpu.memory_space<vmem>>, vector<16xf32>,
          %add3A_382 = arith.addf %get3A_381, %get3A_289 : vector<16xf32>
          tpu.vector_store_idx %arg11[%div3A_19, %rem3A_42, %add3A_368], %add3A_382 : memref<8x8x129xf32, #tpu.memory_space<vmem>>[vector<16xi32>, vector<16xi32>, vector<16xi32>], vector<16xf32>,
          %get3A_383 = arith.index_cast %add3A_370 : i32 to index
          %get3A_384 = arith.constant 48 : index
          %get3A_385 = tpu.vector_load %arg9[%get3A_383, %get3A_384] {strides = array<i32>} : memref<512x64xf32, #tpu.memory_space<vmem>>, vector<16xf32>,
          %add3A_386 = arith.addf %get3A_385, %get3A_292 : vector<16xf32>
          tpu.vector_store_idx %arg11[%div3A_25, %rem3A_48, %add3A_368], %add3A_386 : memref<8x8x129xf32, #tpu.memory_space<vmem>>[vector<16xi32>, vector<16xi32>, vector<16xi32>], vector<16xf32>,
          %scan3A_387 = arith.constant 3 : i32
          %scan3A_388 = arith.addi %scan3A_317, %scan3A_387 : i32
          %broadcast_in_dim3A_389 = arith.constant 0 : i32
          %broadcast_in_dim3A_390 = vector.broadcast %broadcast_in_dim3A_389 : i32 to vector<16xi32>
          %add3A_391 = vector.broadcast %scan3A_388 : i32 to vector<16xi32>
          %add3A_392 = arith.addi %broadcast_in_dim3A_390, %add3A_391 : vector<16xi32>
          %add3A_393 = arith.constant 384 : i32
          %add3A_394 = arith.addi %add3A_393, %scan3A_388 : i32
          %get3A_395 = arith.index_cast %add3A_394 : i32 to index
          %get3A_396 = arith.constant 0 : index
          %get3A_397 = tpu.vector_load %arg9[%get3A_395, %get3A_396] {strides = array<i32>} : memref<512x64xf32, #tpu.memory_space<vmem>>, vector<16xf32>,
          %add3A_398 = arith.addf %get3A_397, %get3A_283 : vector<16xf32>
          tpu.vector_store_idx %arg11[%div3A_7, %rem3A_30, %add3A_392], %add3A_398 : memref<8x8x129xf32, #tpu.memory_space<vmem>>[vector<16xi32>, vector<16xi32>, vector<16xi32>], vector<16xf32>,
          %get3A_399 = arith.index_cast %add3A_394 : i32 to index
          %get3A_400 = arith.constant 16 : index
          %get3A_401 = tpu.vector_load %arg9[%get3A_399, %get3A_400] {strides = array<i32>} : memref<512x64xf32, #tpu.memory_space<vmem>>, vector<16xf32>,
          %add3A_402 = arith.addf %get3A_401, %get3A_286 : vector<16xf32>
          tpu.vector_store_idx %arg11[%div3A_13, %rem3A_36, %add3A_392], %add3A_402 : memref<8x8x129xf32, #tpu.memory_space<vmem>>[vector<16xi32>, vector<16xi32>, vector<16xi32>], vector<16xf32>,
          %get3A_403 = arith.index_cast %add3A_394 : i32 to index
          %get3A_404 = arith.constant 32 : index
          %get3A_405 = tpu.vector_load %arg9[%get3A_403, %get3A_404] {strides = array<i32>} : memref<512x64xf32, #tpu.memory_space<vmem>>, vector<16xf32>,
          %add3A_406 = arith.addf %get3A_405, %get3A_289 : vector<16xf32>
          tpu.vector_store_idx %arg11[%div3A_19, %rem3A_42, %add3A_392], %add3A_406 : memref<8x8x129xf32, #tpu.memory_space<vmem>>[vector<16xi32>, vector<16xi32>, vector<16xi32>], vector<16xf32>,
          %get3A_407 = arith.index_cast %add3A_394 : i32 to index
          %get3A_408 = arith.constant 48 : index
          %get3A_409 = tpu.vector_load %arg9[%get3A_407, %get3A_408] {strides = array<i32>} : memref<512x64xf32, #tpu.memory_space<vmem>>, vector<16xf32>,
          %add3A_410 = arith.addf %get3A_409, %get3A_292 : vector<16xf32>
          tpu.vector_store_idx %arg11[%div3A_25, %rem3A_48, %add3A_392], %add3A_410 : memref<8x8x129xf32, #tpu.memory_space<vmem>>[vector<16xi32>, vector<16xi32>, vector<16xi32>], vector<16xf32>,
        }
        %scan3A_298 = arith.constant 128 : i32
        %dma_start3A_299 = arith.constant 0 : i32
        %dma_start3A_300 = arith.constant 0 : i32
        %dma_start3A_301 = arith.constant 0 : i32
        %dma_start3A_302 = tpu.memref_slice %arg11[%dma_start3A_299, %dma_start3A_300, %dma_start3A_301] : memref<8x8x129xf32, #tpu.memory_space<vmem>> -> memref<8x8x128xf32, #tpu.memory_space<vmem>>
        %dma_start3A_303 = arith.constant 0 : i32
        %dma_start3A_304 = arith.constant 0 : i32
        %dma_start3A_305 = arith.constant 0 : i32
        %dma_start3A_306 = tpu.memref_slice %arg5[%add3A_275, %dma_start3A_303, %add3A, %dma_start3A_304, %dma_start3A_305] : memref<200x8x32x8x128xf32, #tpu.memory_space<hbm>> -> memref<1x8x1x8x128xf32, #tpu.memory_space<hbm>>
        %dma_start3A_307 = tpu.memref_squeeze %dma_start3A_306 : memref<1x8x1x8x128xf32, #tpu.memory_space<hbm>> -> memref<8x8x128xf32, #tpu.memory_space<hbm>>
        %dma_start3A_308 = arith.constant 0 : i32
        %dma_start3A_309 = arith.constant 0 : i32
        %dma_start3A_310 = arith.constant 0 : i32
        %dma_start3A_311 = tpu.memref_slice %arg5[%add3A_275, %dma_start3A_308, %add3A, %dma_start3A_309, %dma_start3A_310] : memref<200x8x32x8x128xf32, #tpu.memory_space<hbm>> -> memref<1x8x1x8x128xf32, #tpu.memory_space<hbm>>
        %dma_start3A_312 = tpu.memref_squeeze %dma_start3A_311 : memref<1x8x1x8x128xf32, #tpu.memory_space<hbm>> -> memref<8x8x128xf32, #tpu.memory_space<hbm>>
        %dma_start3A_313 = arith.constant 0 : i32
        %dma_start3A_314 = arith.constant 0 : i32
        %dma_start3A_315 = arith.constant 0 : i32
        %dma_start3A_316 = tpu.memref_slice %arg11[%dma_start3A_313, %dma_start3A_314, %dma_start3A_315] : memref<8x8x129xf32, #tpu.memory_space<vmem>> -> memref<8x8x128xf32, #tpu.memory_space<vmem>>
        tpu.enqueue_dma source(%dma_start3A_316 : memref<8x8x128xf32, #tpu.memory_space<vmem>>) target(%dma_start3A_312 : memref<8x8x128xf32, #tpu.memory_space<hbm>>) target_semaphore(%arg17 : memref<!tpu.dma_semaphore, #tpu.memory_space<semaphore_mem>>)
      } else {
      }
    }
    %scan3A_69 = arith.constant 50 : i32
    %dma_wait3A_70 = arith.constant 198 : i32
    %dma_wait3A_71 = arith.constant 0 : i32
    %dma_wait3A_72 = arith.constant 0 : i32
    %dma_wait3A_73 = arith.constant 0 : i32
    %dma_wait3A_74 = tpu.memref_slice %arg10[%dma_wait3A_71, %dma_wait3A_72, %dma_wait3A_73] : memref<8x8x129xf32, #tpu.memory_space<vmem>> -> memref<8x8x128xf32, #tpu.memory_space<vmem>>
    %dma_wait3A_75 = arith.constant 0 : i32
    %dma_wait3A_76 = arith.constant 0 : i32
    %dma_wait3A_77 = arith.constant 0 : i32
    %dma_wait3A_78 = tpu.memref_slice %arg5[%dma_wait3A_70, %dma_wait3A_75, %add3A, %dma_wait3A_76, %dma_wait3A_77] : memref<200x8x32x8x128xf32, #tpu.memory_space<hbm>> -> memref<1x8x1x8x128xf32, #tpu.memory_space<hbm>>
    %dma_wait3A_79 = tpu.memref_squeeze %dma_wait3A_78 : memref<1x8x1x8x128xf32, #tpu.memory_space<hbm>> -> memref<8x8x128xf32, #tpu.memory_space<hbm>>
    %dma_wait3A_80 = arith.constant 0 : i32
    %dma_wait3A_81 = arith.constant 0 : i32
    %dma_wait3A_82 = arith.constant 0 : i32
    %dma_wait3A_83 = tpu.memref_slice %arg5[%dma_wait3A_70, %dma_wait3A_80, %add3A, %dma_wait3A_81, %dma_wait3A_82] : memref<200x8x32x8x128xf32, #tpu.memory_space<hbm>> -> memref<1x8x1x8x128xf32, #tpu.memory_space<hbm>>
    %dma_wait3A_84 = tpu.memref_squeeze %dma_wait3A_83 : memref<1x8x1x8x128xf32, #tpu.memory_space<hbm>> -> memref<8x8x128xf32, #tpu.memory_space<hbm>>
    %dma_wait3A_85 = arith.constant 0 : i32
    %dma_wait3A_86 = arith.constant 0 : i32
    %dma_wait3A_87 = arith.constant 0 : i32
    %dma_wait3A_88 = tpu.memref_slice %arg10[%dma_wait3A_85, %dma_wait3A_86, %dma_wait3A_87] : memref<8x8x129xf32, #tpu.memory_space<vmem>> -> memref<8x8x128xf32, #tpu.memory_space<vmem>>
    tpu.wait_dma2 semaphore(%arg16 : memref<!tpu.dma_semaphore, #tpu.memory_space<semaphore_mem>>) src(%dma_wait3A_88 : memref<8x8x128xf32, #tpu.memory_space<vmem>>) dst(%dma_wait3A_84 : memref<8x8x128xf32, #tpu.memory_space<hbm>>)
    %dma_wait3A_89 = arith.constant 199 : i32
    %dma_wait3A_90 = arith.constant 0 : i32
    %dma_wait3A_91 = arith.constant 0 : i32
    %dma_wait3A_92 = arith.constant 0 : i32
    %dma_wait3A_93 = tpu.memref_slice %arg11[%dma_wait3A_90, %dma_wait3A_91, %dma_wait3A_92] : memref<8x8x129xf32, #tpu.memory_space<vmem>> -> memref<8x8x128xf32, #tpu.memory_space<vmem>>
    %dma_wait3A_94 = arith.constant 0 : i32
    %dma_wait3A_95 = arith.constant 0 : i32
    %dma_wait3A_96 = arith.constant 0 : i32
    %dma_wait3A_97 = tpu.memref_slice %arg5[%dma_wait3A_89, %dma_wait3A_94, %add3A, %dma_wait3A_95, %dma_wait3A_96] : memref<200x8x32x8x128xf32, #tpu.memory_space<hbm>> -> memref<1x8x1x8x128xf32, #tpu.memory_space<hbm>>
    %dma_wait3A_98 = tpu.memref_squeeze %dma_wait3A_97 : memref<1x8x1x8x128xf32, #tpu.memory_space<hbm>> -> memref<8x8x128xf32, #tpu.memory_space<hbm>>
    %dma_wait3A_99 = arith.constant 0 : i32
    %dma_wait3A_100 = arith.constant 0 : i32
    %dma_wait3A_101 = arith.constant 0 : i32
    %dma_wait3A_102 = tpu.memref_slice %arg5[%dma_wait3A_89, %dma_wait3A_99, %add3A, %dma_wait3A_100, %dma_wait3A_101] : memref<200x8x32x8x128xf32, #tpu.memory_space<hbm>> -> memref<1x8x1x8x128xf32, #tpu.memory_space<hbm>>
    %dma_wait3A_103 = tpu.memref_squeeze %dma_wait3A_102 : memref<1x8x1x8x128xf32, #tpu.memory_space<hbm>> -> memref<8x8x128xf32, #tpu.memory_space<hbm>>
    %dma_wait3A_104 = arith.constant 0 : i32
    %dma_wait3A_105 = arith.constant 0 : i32
    %dma_wait3A_106 = arith.constant 0 : i32
    %dma_wait3A_107 = tpu.memref_slice %arg11[%dma_wait3A_104, %dma_wait3A_105, %dma_wait3A_106] : memref<8x8x129xf32, #tpu.memory_space<vmem>> -> memref<8x8x128xf32, #tpu.memory_space<vmem>>
    tpu.wait_dma2 semaphore(%arg17 : memref<!tpu.dma_semaphore, #tpu.memory_space<semaphore_mem>>) src(%dma_wait3A_107 : memref<8x8x128xf32, #tpu.memory_space<vmem>>) dst(%dma_wait3A_103 : memref<8x8x128xf32, #tpu.memory_space<hbm>>)
    return
  }
}

</mosaic_0001>

<sc_bundles>
// kernel: kernel.3.cloned.1.call-start
scs
__scs_entry_jumppad:
0x0: {  	(pc) =	sbr.rel $0x88, $3  }
0x1: {  	(tag) =	ssettag $0x0;
	lr =	simm.s32 $0x1  }
0x2: {  	[smem:$0x3F9E] =	sst lr;
	_ =	strace $0xD0000000  }
0x3: {  	_ = 	snop  }
0x4: {  	_ = 	snop  }
0x5: {  	_ = 	snop  }
0x6: {  	_ = 	snop  }
0x7: {  	_ = 	snop  }
__scs_overlays_trampoline_lowered:
0x8: {  	[smem:$0x3FAD] =	sst s0  }
0x9: {  	[smem:$0x3FAE] =	sst s1  }
0xa: {  	[smem:$0x3FAF] =	sst s2  }
0xb: {  	[smem:$0x3FB0] =	sst s3  }
0xc: {  	[smem:$0x3FB1] =	sst s4  }
0xd: {  	[smem:$0x3FB2] =	sst s5  }
0xe: {  	[smem:$0x3FB3] =	sst s6  }
0xf: {  	[smem:$0x3FB4] =	sst s7  }
0x10: {  	[smem:$0x3FB5] =	sst s8  }
0x11: {  	[smem:$0x3FB6] =	sst s9;
	s0 =	simm.s32 @!p0 $0x0  }
0x12: {  	s1 =	sld [smem:$0x3F9C];
	s0 =	simm.s32 @p0 $0x1  }
0x13: {  	[smem:$0x3FB7] =	sst s0;
	s0 =	simm.s32 @!p1 $0x0  }
0x14: {  	s2 =	sld [smem:$0x3F9B];
	s0 =	simm.s32 @p1 $0x1  }
0x15: {  	[smem:$0x3FB8] =	sst s0;
	s0 =	simm.s32 @!p2 $0x0  }
0x16: {  	s3 =	sld [smem:$0x3FDB];
	s0 =	simm.s32 @p2 $0x1  }
0x17: {  	s4 =	simm.s32 $0x1BF5;
	[smem:$0x3FBA] =	sst s0  }
0x18: {  	s0 =	sld [smem:$0x3F9D];
	_ =	swait.ge [sflag:s4], $0x0  }
0x19: {  	s7 =	sld [smem:$0x3F9E]  }
0x1a: {  	s8 =	sadd.s32 $0xFFFFE003, lr  }
0x1b: {  	s9 =	sadd.s32 $0xFFFFFEF7, lr;
	s5 =	simm.s32 $0xFFFFFFFF;
	p2 =	slt.u32 s8, $0xFFFFF086  }
0x1c: {  	p1 =	slt.u32 s9, $0xF7A;
	s5 =	simm.s32 @!p2 $0x0  }
0x1d: {  	s5 =	simm.s32 @p1 $0x1;
	p0 =	seq.s32 s7, s2  }
0x1e: {  	s7 =	smul.u32 @!p0 $0xF7A, s2;
	p2 =	seq.s32 @!p0 s5, $0x0  }
0x1f: {  	s9 =	smul.u32 $0xF7A, s1;
	s8 =	simm.s32 @!p0 $0x1BF5;
	p2 =	por !p2, p0  }
0x20: {  	[sflag:s8] =	ssyncset.s32 @!p0 $0xFFFFF086;
	s6 =	sadd.s32 @!p0 s3, s7;
	s7 =	simm.s32 @!p0 $0x108  }
0x21: {  	s3 =	sadd.s32 s3, s9;
	s6 =	sadd.s32 @!p0 $0x88, s6;
	s7 =	simm.s32 @p2 $0x1082  }
0x22: {  	[simem:s7], [sflag:s8] =	dma.local @!p0 [hbm:s6], $0xF7A  }
0x23: {  	s9 =	sor.u32 $0xD0000000, s2;
	s6 =	simm.s32 $0x108;
	_ =	swait.ge @!p0 [sflag:s8], $0x0  }
0x24: {  	s3 =	sadd.s32 $0x88, s3;
	s6 =	simm.s32 @!p1 $0x1082;
	[sflag:s4] =	ssyncset.s32 $0xFFFFF086  }
0x25: {  	[simem:s6], [sflag:s4] =	dma.local [hbm:s3], $0xF7A  }
0x26: {  	[smem:$0x3F9E] =	sst s1;
	(tag) =	ssettag s2;
	_ =	strace s9  }
0x27: {  	s1 =	sld [smem:$0x3FAE]  }
0x28: {  	s2 =	sld [smem:$0x3FAF]  }
0x29: {  	s4 =	sld [smem:$0x3FB1]  }
0x2a: {  	p0 =	seq.s32 s5, $0x0;
	s5 =	sld [smem:$0x3FB2]  }
0x2b: {  	s6 =	sld [smem:$0x3FB3]  }
0x2c: {  	s7 =	sld [smem:$0x3FB4]  }
0x2d: {  	s3 =	simm.s32 $0x108;
	s8 =	sld [smem:$0x3FB5]  }
0x2e: {  	s3 =	simm.s32 @!p0 $0x1082;
	s9 =	sld [smem:$0x3FB6]  }
0x2f: {  	lr =	sadd.s32 s0, s3;
	s0 =	sld [smem:$0x3FAD]  }
0x30: {  	s3 =	sld [smem:$0x3FB0]  }
0x31: {  	[smem:$0x3FB9] =	sst s10  }
0x32: {  	s10 =	sld [smem:$0x3FB7];
	_ =	sdelay $0x3  }
0x33: {  	p0 =	seq.s32 s10, $0x1;
	s10 =	sld [smem:$0x3FB9];
	_ =	sdelay $0x3  }
0x34: {  	[smem:$0x3FB9] =	sst s10  }
0x35: {  	s10 =	sld [smem:$0x3FB8];
	_ =	sdelay $0x3  }
0x36: {  	p1 =	seq.s32 s10, $0x1;
	s10 =	sld [smem:$0x3FB9];
	_ =	sdelay $0x3  }
0x37: {  	[smem:$0x3FB9] =	sst s10  }
0x38: {  	s10 =	sld [smem:$0x3FBA]  }
0x39: {  	_ = 	snop;
	(pc) =	sbr.ind lr, $3  }
0x3a: {  	_ = 	snop  }
0x3b: {  	_ = 	snop  }
0x3c: {  	p2 =	seq.s32 s10, $0x1;
	s10 =	sld [smem:$0x3FB9]  }
0x3d: {  	_ =	shalt  }
0x3e: {  	_ =	shalt  }
0x3f: {  	_ =	shalt  }
0x40: {  	_ =	shalt  }
0x41: {  	_ =	shalt  }
0x42: {  	_ =	shalt  }
0x43: {  	_ =	shalt  }
0x44: {  	_ =	shalt  }
0x45: {  	_ =	shalt  }
0x46: {  	_ =	shalt  }
0x47: {  	_ =	shalt  }
0x48: {  	_ =	shalt  }
0x49: {  	_ =	shalt  }
0x4a: {  	_ =	shalt  }
0x4b: {  	_ =	shalt  }
0x4c: {  	_ =	shalt  }
0x4d: {  	_ =	shalt  }
0x4e: {  	_ =	shalt  }
0x4f: {  	_ =	shalt  }
0x50: {  	_ =	shalt  }
0x51: {  	_ =	shalt  }
0x52: {  	_ =	shalt  }
0x53: {  	_ =	shalt  }
0x54: {  	_ =	shalt  }
0x55: {  	_ =	shalt  }
0x56: {  	_ =	shalt  }
0x57: {  	_ =	shalt  }
0x58: {  	_ =	shalt  }
0x59: {  	_ =	shalt  }
0x5a: {  	_ =	shalt  }
0x5b: {  	_ =	shalt  }
0x5c: {  	_ =	shalt  }
0x5d: {  	_ =	shalt  }
0x5e: {  	_ =	shalt  }
0x5f: {  	_ =	shalt  }
0x60: {  	_ =	shalt  }
0x61: {  	_ =	shalt  }
0x62: {  	_ =	shalt  }
0x63: {  	_ =	shalt  }
0x64: {  	_ =	shalt  }
0x65: {  	_ =	shalt  }
0x66: {  	_ =	shalt  }
0x67: {  	_ =	shalt  }
0x68: {  	_ =	shalt  }
0x69: {  	_ =	shalt  }
0x6a: {  	_ =	shalt  }
0x6b: {  	_ =	shalt  }
0x6c: {  	_ =	shalt  }
0x6d: {  	_ =	shalt  }
0x6e: {  	_ =	shalt  }
0x6f: {  	_ =	shalt  }
0x70: {  	_ =	shalt  }
0x71: {  	_ =	shalt  }
0x72: {  	_ =	shalt  }
0x73: {  	_ =	shalt  }
0x74: {  	_ =	shalt  }
0x75: {  	_ =	shalt  }
0x76: {  	_ =	shalt  }
0x77: {  	_ =	shalt  }
0x78: {  	_ =	shalt  }
0x79: {  	_ =	shalt  }
0x7a: {  	_ =	shalt  }
0x7b: {  	_ =	shalt  }
0x7c: {  	_ =	shalt  }
0x7d: {  	_ =	shalt  }
0x7e: {  	_ =	shalt  }
0x7f: {  	_ =	shalt  }
0x80: {  	_ =	shalt  }
0x81: {  	_ =	shalt  }
0x82: {  	_ =	shalt  }
0x83: {  	_ =	shalt  }
0x84: {  	_ =	shalt  }
0x85: {  	_ =	shalt  }
0x86: {  	_ =	shalt  }
0x87: {  	_ =	shalt  }
.Lfunc_end0:
.L_simem_size_0:
called_computation.1_lowered:
.L_overlay_start_0:
0x88: {  	s2 =	sld [smem:$0x3FD9]  }
0x89: {  	s3 =	sld [smem:$0x3FFE];
	_ =	sdelay $0x1  }
0x8a: {  	s1 =	srdreg.scid  }
0x8b: {  	s0 =	sand.u32 $0x1, s1  }
0x8c: {  	s17 =	sshll.u32 s0, $0xA;
	s2 =	sadd.s32 s3, s2  }
0x8d: {  	s2 =	sadd.s32 s2, s17  }
0x8e: {  	[smem:$0x3FC5] =	sst s2  }
0x8f: {  	_ = 	snop  }
0x90: {  	s2 =	sld [smem:$0x3FD0];
	(tm) =	ssettm $0x1  }
0x91: {  	s18 =	sld [smem:$0x3FFB];
	_ =	sdelay $0x3  }
0x92: {  	_ =	strace s18  }
0x93: {  	s3 =	sld [smem:$0x3FFC];
	_ =	sdelay $0x3  }
0x94: {  	_ =	strace s3  }
0x95: {  	s3 =	sld [smem:$0x3FFD];
	_ =	sdelay $0x3  }
0x96: {  	_ =	strace s3  }
0x97: {  	_ =	strace $0x8FFFFFFF  }
0x98: {  	s19 =	sld [smem:$0x3FDB];
	_ =	sdelay $0x1  }
0x99: {  	s4 =	simm.s32 $_scs_section_size  }
0x9a: {  	s5 =	simm.s32 $_size__tile_overlayer_lowered;
	s6 =	simm.s32 $_tile_overlayer_lowered  }
0x9b: {  	s22 =	simm.s32 $0x1BFF;
	s21 =	sshll.u32 s6, $0x1;
	s3 =	sadd.s32 s4, s19  }
0x9c: {  	s7 =	simm.s32 $0x0;
	s20 =	sshll.u32 s5, $0x1;
	s5 =	sadd.s32 s21, s3  }
0x9d: {  	[timem:s7], [sflag:s22] =	dma.local [hbm:s5], s20  }
0x9e: {  	_ =	swait.ge [sflag:s22], s20  }
0x9f: {  	s4 =	ssub.s32 $0x0, s20;
	[sflag:s22] =	ssyncset.done $0x0  }
0xa0: {  	[sflag:s22] =	ssyncadd.s32 s4;
	_ =	sdelay $0x1  }
0xa1: {  	s23 =	simm.s32 $0x1B8B  }
0xa2: {  	_ =	swait.ge [sflag:s23], $0x1  }
0xa3: {  	[sflag:s23] =	ssyncset.done $0x0  }
0xa4: {  	s25 =	simm.s32 $0x1B8E;
	s24 =	sld [smem:$0x3FFE];
	[sflag:s23] =	ssyncadd.s32 $0xFFFFFFFF  }
0xa5: {  	s26 =	simm.s32 $execute0_lowered;
	[smem:$0x3FD2] =	sst s25  }
0xa6: {  	s5 =	sshll.u32 s26, $0x1;
	_ =	strace $0x80000049;
	[dreg:$0x1] =	wrdreg $0xFFFFFFFF  }
0xa7: {  	s28 =	simm.s32 $_size_execute0_lowered;
	s3 =	sadd.s32 s3, s5;
	[dreg:$0x0] =	wrdreg $0x0  }
0xa8: {  	s5 =	sshll.u32 s28, $0x1;
	[dreg:$0x2] =	wrdreg s3  }
0xa9: {  	[dreg:$0x3] =	wrdreg s5  }
0xaa: {  	[dreg:$0x4] =	wrdreg $0xC0  }
0xab: {  	_ =	task [dreg:s7], $0x5FFFF  }
0xac: {  	[dreg:$0x1] =	wrdreg $0xFFFFFFFF  }
0xad: {  	[dreg:$0x0] =	wrdreg $0x60  }
0xae: {  	[dreg:$0x2] =	wrdreg s24  }
0xaf: {  	[dreg:$0x3] =	wrdreg s2  }
0xb0: {  	[dreg:$0x4] =	wrdreg $0x9  }
0xb1: {  	_ =	task.clear_ibuf [dreg:s7], $0x5FFFF;
	_ =	strace $0x90000049  }
0xb2: {  	s29 =	simm.s32 $0x9;
	_ =	strace $0x8000004B  }
0xb3: {  	_ =	swait.ge [sflag:s29], $0x1  }
0xb4: {  	[sflag:s29] =	ssyncadd.s32 $0xFFFFFFFF  }
0xb5: {  	_ =	strace $0x9000004B  }
0xb6: {  	_ =	sfence  }
0xb7: {  	s30 =	sld [smem:$0x0];
	_ =	sdelay $0x2  }
0xb8: {  	s31 =	sshll.u32 s1, $0xD;
	s1 =	sshrl.u32 s1, $0x2  }
0xb9: {  	s3 =	sand.u32 $0x4000, s31;
	s1 =	sadd.s32 s1, s30  }
0xba: {  	s0 =	sor.u32 s3, s0;
	s1 =	sshll.u32 s1, $0x11  }
0xbb: {  	s0 =	sor.u32 s1, s0  }
0xbc: {  	s0 =	sadd.s32 $0x8F2B, s0  }
0xbd: {  	[sflag:s0] =	ssyncadd.remote.s32 $0x1  }
0xbe: {  	_ =	sfence.sel $0xFFFF  }
0xbf: {  	[dreg:$0x0] =	wrdreg $0xFFFFFFFF;
	(pc) =	sbr.abs _section_cstart, $3  }
0xc0: {  	[dreg:$0x1] =	wrdreg $0xFFFFFFFF  }
0xc1: {  	_ =	task.clear_ibuf [dreg:s7], $0x2FFFF;
	_ =	strace $0x9FFFFFFF  }
0xc2: {  	(tm) =	ssettm $0x7FFFFFFF  }
0xc3: {  	_ =	shalt  }
tec
execute0_lowered:
.L_overlay_start_1:
0x0: {  	(tag) =	ssettag $0x1  }
0x1: {  	s1 =	rddreg [dreg:$0x0]  }
0x2: {  	s3 =	srdreg.scid;
	s0 =	stileid.u32  }
0x3: {  	s2 =	rddreg [dreg:$0x1];
	s13 =	simm.s32 $0x6;
	s14 =	simm.s32 $0x1  }
0x4: {  	s15 =	simm.s32 $0x200;
	s16 =	simm.s32 $0x400;
	s17 =	simm.s32 $0x3  }
0x5: {  	s18 =	simm.s32 $0x4;
	s19 =	simm.s32 $0x10400;
	s20 =	simm.s32 $0x5  }
0x6: {  	s21 =	simm.s32 $0x12600;
	s6 =	sand.u32 $0x1, s3;
	s4 =	sshll.u32 s0, $0x1  }
0x7: {  	s22 =	simm.s32 $0x2;
	s23 =	simm.s32 $0x8400;
	s10 =	sor.u32 s6, s4  }
0x8: {  	s24 =	simm.s32 $0x0;
	s3 =	simm.s32 $0x0;
	s9 =	smul.u32 $0x6400, s10  }
.Ltmp0:
0x9: {  	s5 =	sadd.s32 $0xF5CE00, s1;
	[smem:$0x7FF] =	sst s3;
	(pc) =	sbr.rel .LBB2_1-.Ltmp0, $4  }
0xa: {  	v0 =	vlaneseq.u32;
	s4 =	sadd.s32 $0xF43000, s1;
	s8 =	ssub.s32 $0x2, s6;
	s6 =	sadd.s32 $0xF5C000, s1  }
0xb: {  	v0 =	vmul.u32 $0x88, v0;
	_ =	strace $0x8000004A;
	s31 =	sshrl.u32 s8, $0x1;
	s7 =	sshrl.u32 s9, $0x3  }
0xc: {  	s10 =	sshll.u32 s10, $0xA;
	s1 =	ssub.s32 s8, s31;
	s7 =	sadd.s32 s4, s7  }
0xd: {  	v1 =	vadd.s32 $0x880, v0;
	v2 =	vadd.s32 $0x1100, v0;
	v3 =	vadd.s32 $0x1980, v0;
	s9 =	sadd.s32 $0x400, s9;
	s11 =	smax.u32 s1, $0x1;
	s8 =	sadd.s32 $0x40, s7  }
.LBB2_41:
0xe: {  	s24 =	sadd.s32 $0x1, s24  }
0xf: {  	_ =	swait.ge [sflag:s18], $0x2000;
	p0 =	sne.s32 s24, s11  }
.Ltmp1:
0x10: {  	[sflag:s18] =	ssyncset.done $0x0;
	(pc) =	sbr.rel @!p0 .LBB2_42-.Ltmp1, $4  }
0x11: {  	[sflag:s18] =	ssyncadd.s32 $0xFFFFE000  }
0x12: {  	_ =	swait.ge [sflag:s20], $0x2000  }
0x13: {  	[sflag:s20] =	ssyncset.done $0x0  }
0x14: {  	[sflag:s20] =	ssyncadd.s32 $0xFFFFE000  }
.LBB2_1:
0x15: {  	s0 =	simm.s32 $0x14800  }
0x16: {  	[tilespmem:s0], [sflag:$0x6] =	stream.linear.gather [hbm4b:s6+s3], $0x6400, $0x38;
	[tilespmem:$0x1AC00] =	vst v63  }
0x17: {  	_ =	swait.ge [sflag:s13], $0x6400  }
0x18: {  	[sflag:s13] =	ssyncset.done $0x0  }
0x19: {  	[sflag:s13] =	ssyncadd.s32 $0xFFFF9C00  }
0x1a: {  	[tilespmem:s3], [sflag:$0x1] =	stream.linear.gather [hbm4b:s7+s3], $0x200, $0x38;
	[tilespmem:$0x1AC00] =	vst v63  }
0x1b: {  	_ =	swait.ge [sflag:s14], $0x200  }
.Ltmp2:
0x1c: {  	[sflag:s14] =	ssyncset.done $0x0;
	(pc) =	sbr.rel .LBB2_2-.Ltmp2, $4  }
0x1d: {  	[sflag:s14] =	ssyncadd.s32 $0xFFFFFE00  }
0x1e: {  	[tilespmem:s16], [sflag:$0x2] =	stream.indirect.gather [hbm4b:s5+s15], $0x40, s3, s15, $0xb8;
	[tilespmem:$0x1AC00] =	vst v63  }
0x1f: {  	s25 =	simm.s32 $0x0  }
0x20: {  	[tilespmem:s15], [sflag:$0x1] =	stream.linear.gather [hbm4b:s8+s3], $0x200, $0x38;
	[tilespmem:$0x1AC00] =	vst v63  }
.LBB2_22:
0x21: {  	[hbm4b:s1+s3] =	stream.linear.scatter [tilespmem:s30], [sflag:$0x5], $0x80, $0x38;
	[tilespmem:$0x1AC00] =	vst v63  }
0x22: {  	s0 =	sadd.s32 $0x12600, s26  }
0x23: {  	[hbm4b:s28+s3] =	stream.linear.scatter [tilespmem:s0], [sflag:$0x5], $0x80, $0x38;
	[tilespmem:$0x1AC00] =	vst v63  }
0x24: {  	s30 =	sadd.s32 $0x12688, s26;
	s31 =	sadd.s32 $0x10, s28  }
0x25: {  	[hbm4b:s31+s3] =	stream.linear.scatter [tilespmem:s30], [sflag:$0x5], $0x80, $0x38;
	[tilespmem:$0x1AC00] =	vst v63  }
0x26: {  	s12 =	sadd.s32 $0x12710, s26;
	s29 =	sadd.s32 $0x20, s28  }
0x27: {  	[hbm4b:s29+s3] =	stream.linear.scatter [tilespmem:s12], [sflag:$0x5], $0x80, $0x38;
	[tilespmem:$0x1AC00] =	vst v63  }
0x28: {  	s30 =	sadd.s32 $0x12798, s26;
	s31 =	sadd.s32 $0x30, s28  }
0x29: {  	[hbm4b:s31+s3] =	stream.linear.scatter [tilespmem:s30], [sflag:$0x5], $0x80, $0x38;
	[tilespmem:$0x1AC00] =	vst v63  }
0x2a: {  	s12 =	sadd.s32 $0x12820, s26;
	s29 =	sadd.s32 $0x40, s28  }
0x2b: {  	[hbm4b:s29+s3] =	stream.linear.scatter [tilespmem:s12], [sflag:$0x5], $0x80, $0x38;
	[tilespmem:$0x1AC00] =	vst v63  }
0x2c: {  	s30 =	sadd.s32 $0x128A8, s26;
	s31 =	sadd.s32 $0x50, s28  }
0x2d: {  	[hbm4b:s31+s3] =	stream.linear.scatter [tilespmem:s30], [sflag:$0x5], $0x80, $0x38;
	[tilespmem:$0x1AC00] =	vst v63  }
0x2e: {  	s12 =	sadd.s32 $0x12930, s26;
	s29 =	sadd.s32 $0x60, s28  }
0x2f: {  	[hbm4b:s29+s3] =	stream.linear.scatter [tilespmem:s12], [sflag:$0x5], $0x80, $0x38;
	[tilespmem:$0x1AC00] =	vst v63  }
0x30: {  	s30 =	sadd.s32 $0x129B8, s26;
	s31 =	sadd.s32 $0x70, s28  }
0x31: {  	[hbm4b:s31+s3] =	stream.linear.scatter [tilespmem:s30], [sflag:$0x5], $0x80, $0x38;
	[tilespmem:$0x1AC00] =	vst v63  }
.LBB2_40:
0x32: {  	s25 =	sadd.s32 $0x1, s25  }
0x33: {  	p0 =	sne.s32 s25, $0x32  }
.Ltmp3:
0x34: {  	_ = 	snop;
	(pc) =	sbr.rel @!p0 .LBB2_41-.Ltmp3, $1  }
0x35: {  	_ =	sdelay $0x3  }
.LBB2_2:
0x36: {  	s1 =	sand.u32 $0x1, s25  }
0x37: {  	p0 =	seq.s32 s1, $0x1  }
.Ltmp4:
0x38: {  	_ = 	snop;
	(pc) =	sbr.rel @!p0 .LBB2_3-.Ltmp4, $1  }
0x39: {  	_ =	sdelay $0x3  }
0x3a: {  	_ =	swait.ge [sflag:s17], $0x8000  }
0x3b: {  	p0 =	seq.s32 s25, $0x31;
	[sflag:s17] =	ssyncset.done $0x0  }
0x3c: {  	s0 =	simm.s32 @!p0 $0x1;
	[sflag:s17] =	ssyncadd.s32 $0xFFFF8000  }
0x3d: {  	_ =	swait.ge @!p0 [sflag:s0], $0x200  }
0x3e: {  	s1 =	simm.s32 @!p0 $0x0;
	s12 =	simm.s32 @!p0 $0x400;
	[sflag:s0] =	ssyncset.done @!p0 $0x0  }
0x3f: {  	p1 =	sgt.u32 @!p0 s25, $0x2F;
	[sflag:s0] =	ssyncadd.s32 @!p0 $0xFFFFFE00;
	s0 =	simm.s32 @!p0 $0x200  }
0x40: {  	[tilespmem:s12], [sflag:$0x2] =	stream.indirect.gather @!p0 [hbm4b:s5+s0], $0x40, s1, s0, $0xb8;
	[tilespmem:$0x1AC00] =	vst v63  }
0x41: {  	p0 =	por p1, p0  }
0x42: {  	s0 =	sshll.u32 @!p0 s25, $0x9  }
0x43: {  	s0 =	sadd.s32 @!p0 s0, s9  }
0x44: {  	s0 =	sshrl.u32 @!p0 s0, $0x3  }
0x45: {  	s1 =	simm.s32 @!p0 $0x0;
	s12 =	simm.s32 @!p0 $0x200;
	s0 =	sadd.s32 @!p0 s4, s0  }
0x46: {  	[tilespmem:s12], [sflag:$0x1] =	stream.linear.gather @!p0 [hbm4b:s0+s1], $0x200, $0x38;
	[tilespmem:$0x1AC00] =	vst v63  }
0x47: {  	_ =	swait.ge [sflag:s18], $0x2000  }
0x48: {  	s1 =	sshll.u32 s25, $0x9;
	[sflag:s18] =	ssyncset.done $0x0  }
0x49: {  	s0 =	sand.u32 $0x3FFFFE00, s1;
	[sflag:s18] =	ssyncadd.s32 $0xFFFFE000  }
0x4a: {  	s26 =	simm.s32 $0x8480;
	s12 =	simm.s32 $0x0;
	v4 =	vld [tilespmem:s0+$0x14800]  }
0x4b: {  	v5 =	vmov s12;
	v7 =	vld [tilespmem:s26+$0xFFFFFF80]  }
0x4c: {  	v8 =	vand.u32 $0x7C, v5  }
0x4d: {  	v9 =	vadd.s32 v0, v8;
	_ =	sdelay $0x2  }
0x4e: {  	v5 =	vld [tilespmem:s0+$0x14810];
	v10 =	vadd.f32 v7, v4  }
0x4f: {  	v6 =	vld [tilespmem:s0+$0x14820]  }
0x50: {  	v7 =	vld [tilespmem:s0+$0x14830];
	[tilespmem:v9+s19+$0x0] =	vst.idx.msk $0xffff, v10  }
0x51: {  	v9 =	vld [tilespmem:s26+$0xFFFFFF90];
	_ =	sdelay $0x1  }
0x52: {  	v10 =	vadd.s32 v1, v8;
	_ =	sdelay $0x2  }
0x53: {  	v9 =	vadd.f32 v9, v5;
	_ =	sdelay $0x1  }
0x54: {  	[tilespmem:v10+s19+$0x0] =	vst.idx.msk $0xffff, v9  }
0x55: {  	v9 =	vld [tilespmem:s26+$0xFFFFFFA0];
	_ =	sdelay $0x1  }
0x56: {  	v10 =	vadd.s32 v2, v8;
	_ =	sdelay $0x2  }
0x57: {  	v9 =	vadd.f32 v9, v6;
	_ =	sdelay $0x1  }
0x58: {  	[tilespmem:v10+s19+$0x0] =	vst.idx.msk $0xffff, v9  }
0x59: {  	v9 =	vld [tilespmem:s26+$0xFFFFFFB0];
	_ =	sdelay $0x1  }
0x5a: {  	v8 =	vadd.s32 v3, v8;
	_ =	sdelay $0x2  }
0x5b: {  	v9 =	vadd.f32 v9, v7;
	_ =	sdelay $0x1  }
0x5c: {  	s29 =	simm.s32 $0x1;
	[tilespmem:v8+s19+$0x0] =	vst.idx.msk $0xffff, v9  }
0x5d: {  	v8 =	vmov s29;
	v9 =	vld [tilespmem:s26+$0xFFFFFFC0]  }
0x5e: {  	v8 =	vand.u32 $0x7D, v8  }
0x5f: {  	v10 =	vadd.s32 v0, v8;
	_ =	sdelay $0x2  }
0x60: {  	v9 =	vadd.f32 v9, v4;
	_ =	sdelay $0x1  }
0x61: {  	[tilespmem:v10+s19+$0x0] =	vst.idx.msk $0xffff, v9  }
0x62: {  	v9 =	vld [tilespmem:s26+$0xFFFFFFD0];
	_ =	sdelay $0x1  }
0x63: {  	v10 =	vadd.s32 v1, v8;
	_ =	sdelay $0x2  }
0x64: {  	v9 =	vadd.f32 v9, v5;
	_ =	sdelay $0x1  }
0x65: {  	[tilespmem:v10+s19+$0x0] =	vst.idx.msk $0xffff, v9  }
0x66: {  	v9 =	vld [tilespmem:s26+$0xFFFFFFE0];
	_ =	sdelay $0x1  }
0x67: {  	v10 =	vadd.s32 v2, v8;
	_ =	sdelay $0x2  }
0x68: {  	v9 =	vadd.f32 v9, v6;
	_ =	sdelay $0x1  }
0x69: {  	[tilespmem:v10+s19+$0x0] =	vst.idx.msk $0xffff, v9  }
0x6a: {  	v9 =	vld [tilespmem:s26+$0xFFFFFFF0];
	_ =	sdelay $0x1  }
0x6b: {  	v8 =	vadd.s32 v3, v8;
	_ =	sdelay $0x2  }
0x6c: {  	v9 =	vadd.f32 v9, v7;
	_ =	sdelay $0x1  }
0x6d: {  	s30 =	simm.s32 $0x2;
	[tilespmem:v8+s19+$0x0] =	vst.idx.msk $0xffff, v9  }
0x6e: {  	v8 =	vmov s30;
	v9 =	vld [tilespmem:s26+$0x0]  }
0x6f: {  	v8 =	vand.u32 $0x7E, v8  }
0x70: {  	v10 =	vadd.s32 v0, v8;
	_ =	sdelay $0x2  }
0x71: {  	v9 =	vadd.f32 v9, v4;
	_ =	sdelay $0x1  }
0x72: {  	[tilespmem:v10+s19+$0x0] =	vst.idx.msk $0xffff, v9  }
0x73: {  	v9 =	vld [tilespmem:s26+$0x10];
	_ =	sdelay $0x1  }
0x74: {  	v10 =	vadd.s32 v1, v8;
	_ =	sdelay $0x2  }
0x75: {  	v9 =	vadd.f32 v9, v5;
	_ =	sdelay $0x1  }
0x76: {  	[tilespmem:v10+s19+$0x0] =	vst.idx.msk $0xffff, v9  }
0x77: {  	v9 =	vld [tilespmem:s26+$0x20];
	_ =	sdelay $0x1  }
0x78: {  	v10 =	vadd.s32 v2, v8;
	_ =	sdelay $0x2  }
0x79: {  	v9 =	vadd.f32 v9, v6;
	_ =	sdelay $0x1  }
0x7a: {  	[tilespmem:v10+s19+$0x0] =	vst.idx.msk $0xffff, v9  }
0x7b: {  	v9 =	vld [tilespmem:s26+$0x30];
	_ =	sdelay $0x1  }
0x7c: {  	v8 =	vadd.s32 v3, v8;
	_ =	sdelay $0x2  }
0x7d: {  	v9 =	vadd.f32 v9, v7;
	_ =	sdelay $0x1  }
0x7e: {  	s31 =	simm.s32 $0x3;
	[tilespmem:v8+s19+$0x0] =	vst.idx.msk $0xffff, v9  }
0x7f: {  	v8 =	vmov s31;
	v9 =	vld [tilespmem:s26+$0x40]  }
0x80: {  	v8 =	vand.u32 $0x7F, v8  }
0x81: {  	v10 =	vadd.s32 v0, v8;
	_ =	sdelay $0x2  }
0x82: {  	v9 =	vadd.f32 v9, v4;
	_ =	sdelay $0x1  }
0x83: {  	[tilespmem:v10+s19+$0x0] =	vst.idx.msk $0xffff, v9  }
0x84: {  	v9 =	vld [tilespmem:s26+$0x50];
	_ =	sdelay $0x1  }
0x85: {  	v10 =	vadd.s32 v1, v8;
	_ =	sdelay $0x2  }
0x86: {  	v9 =	vadd.f32 v9, v5;
	_ =	sdelay $0x1  }
0x87: {  	[tilespmem:v10+s19+$0x0] =	vst.idx.msk $0xffff, v9  }
0x88: {  	v9 =	vld [tilespmem:s26+$0x60];
	_ =	sdelay $0x1  }
0x89: {  	v10 =	vadd.s32 v2, v8;
	_ =	sdelay $0x2  }
0x8a: {  	v9 =	vadd.f32 v9, v6;
	_ =	sdelay $0x1  }
0x8b: {  	[tilespmem:v10+s19+$0x0] =	vst.idx.msk $0xffff, v9  }
0x8c: {  	v9 =	vld [tilespmem:s26+$0x70];
	_ =	sdelay $0x1  }
0x8d: {  	v8 =	vadd.s32 v3, v8;
	_ =	sdelay $0x2  }
0x8e: {  	s28 =	simm.s32 $0x4;
	v9 =	vadd.f32 v9, v7  }
.LBB2_24:
0x8f: {  	p0 =	slt.u32 s28, $0x7C  }
0x90: {  	s26 =	sadd.s32 $0x100, s26;
	s29 =	smov.u32 s28;
	s28 =	sadd.s32 $0x4, s28;
	[tilespmem:v8+s19+$0x0] =	vst.idx.msk $0xffff, v9  }
0x91: {  	v8 =	vmov s29;
	v9 =	vld [tilespmem:s26+$0xFFFFFF80]  }
0x92: {  	v8 =	vand.u32 $0x7C, v8  }
0x93: {  	v10 =	vadd.s32 v0, v8;
	_ =	sdelay $0x2  }
0x94: {  	v9 =	vadd.f32 v9, v4;
	_ =	sdelay $0x1  }
0x95: {  	[tilespmem:v10+s19+$0x0] =	vst.idx.msk $0xffff, v9  }
0x96: {  	v9 =	vld [tilespmem:s26+$0xFFFFFF90];
	_ =	sdelay $0x1  }
0x97: {  	v10 =	vadd.s32 v1, v8;
	_ =	sdelay $0x2  }
0x98: {  	v9 =	vadd.f32 v9, v5;
	_ =	sdelay $0x1  }
0x99: {  	[tilespmem:v10+s19+$0x0] =	vst.idx.msk $0xffff, v9  }
0x9a: {  	v9 =	vld [tilespmem:s26+$0xFFFFFFA0];
	_ =	sdelay $0x1  }
0x9b: {  	v10 =	vadd.s32 v2, v8;
	_ =	sdelay $0x2  }
0x9c: {  	v9 =	vadd.f32 v9, v6;
	_ =	sdelay $0x1  }
0x9d: {  	[tilespmem:v10+s19+$0x0] =	vst.idx.msk $0xffff, v9  }
0x9e: {  	v9 =	vld [tilespmem:s26+$0xFFFFFFB0];
	_ =	sdelay $0x1  }
0x9f: {  	v8 =	vadd.s32 v3, v8;
	_ =	sdelay $0x2  }
0xa0: {  	v9 =	vadd.f32 v9, v7;
	_ =	sdelay $0x1  }
0xa1: {  	s0 =	sadd.s32 $0x1, s29;
	[tilespmem:v8+s19+$0x0] =	vst.idx.msk $0xffff, v9  }
0xa2: {  	v8 =	vmov s0;
	v9 =	vld [tilespmem:s26+$0xFFFFFFC0]  }
0xa3: {  	v8 =	vand.u32 $0x7D, v8  }
0xa4: {  	v10 =	vadd.s32 v0, v8;
	_ =	sdelay $0x2  }
0xa5: {  	v9 =	vadd.f32 v9, v4;
	_ =	sdelay $0x1  }
0xa6: {  	[tilespmem:v10+s19+$0x0] =	vst.idx.msk $0xffff, v9  }
0xa7: {  	v9 =	vld [tilespmem:s26+$0xFFFFFFD0];
	_ =	sdelay $0x1  }
0xa8: {  	v10 =	vadd.s32 v1, v8;
	_ =	sdelay $0x2  }
0xa9: {  	v9 =	vadd.f32 v9, v5;
	_ =	sdelay $0x1  }
0xaa: {  	[tilespmem:v10+s19+$0x0] =	vst.idx.msk $0xffff, v9  }
0xab: {  	v9 =	vld [tilespmem:s26+$0xFFFFFFE0];
	_ =	sdelay $0x1  }
0xac: {  	v10 =	vadd.s32 v2, v8;
	_ =	sdelay $0x2  }
0xad: {  	v9 =	vadd.f32 v9, v6;
	_ =	sdelay $0x1  }
0xae: {  	[tilespmem:v10+s19+$0x0] =	vst.idx.msk $0xffff, v9  }
0xaf: {  	v9 =	vld [tilespmem:s26+$0xFFFFFFF0];
	_ =	sdelay $0x1  }
0xb0: {  	v8 =	vadd.s32 v3, v8;
	_ =	sdelay $0x2  }
0xb1: {  	v9 =	vadd.f32 v9, v7;
	_ =	sdelay $0x1  }
0xb2: {  	s0 =	sadd.s32 $0x2, s29;
	[tilespmem:v8+s19+$0x0] =	vst.idx.msk $0xffff, v9  }
0xb3: {  	v8 =	vmov s0;
	v9 =	vld [tilespmem:s26+$0x0]  }
0xb4: {  	v8 =	vand.u32 $0x7E, v8  }
0xb5: {  	v10 =	vadd.s32 v0, v8;
	_ =	sdelay $0x2  }
0xb6: {  	v9 =	vadd.f32 v9, v4;
	_ =	sdelay $0x1  }
0xb7: {  	[tilespmem:v10+s19+$0x0] =	vst.idx.msk $0xffff, v9  }
0xb8: {  	v9 =	vld [tilespmem:s26+$0x10];
	_ =	sdelay $0x1  }
0xb9: {  	v10 =	vadd.s32 v1, v8;
	_ =	sdelay $0x2  }
0xba: {  	v9 =	vadd.f32 v9, v5;
	_ =	sdelay $0x1  }
0xbb: {  	[tilespmem:v10+s19+$0x0] =	vst.idx.msk $0xffff, v9  }
0xbc: {  	v9 =	vld [tilespmem:s26+$0x20];
	_ =	sdelay $0x1  }
0xbd: {  	v10 =	vadd.s32 v2, v8;
	_ =	sdelay $0x2  }
0xbe: {  	v9 =	vadd.f32 v9, v6;
	_ =	sdelay $0x1  }
0xbf: {  	[tilespmem:v10+s19+$0x0] =	vst.idx.msk $0xffff, v9  }
0xc0: {  	v9 =	vld [tilespmem:s26+$0x30];
	_ =	sdelay $0x1  }
0xc1: {  	v8 =	vadd.s32 v3, v8;
	_ =	sdelay $0x2  }
0xc2: {  	v9 =	vadd.f32 v9, v7;
	_ =	sdelay $0x1  }
0xc3: {  	s0 =	sadd.s32 $0x3, s29;
	[tilespmem:v8+s19+$0x0] =	vst.idx.msk $0xffff, v9  }
0xc4: {  	v8 =	vmov s0;
	v9 =	vld [tilespmem:s26+$0x40]  }
0xc5: {  	v8 =	vand.u32 $0x7F, v8  }
0xc6: {  	v10 =	vadd.s32 v0, v8;
	_ =	sdelay $0x2  }
0xc7: {  	v9 =	vadd.f32 v9, v4;
	_ =	sdelay $0x1  }
0xc8: {  	[tilespmem:v10+s19+$0x0] =	vst.idx.msk $0xffff, v9  }
0xc9: {  	v9 =	vld [tilespmem:s26+$0x50];
	_ =	sdelay $0x1  }
0xca: {  	v10 =	vadd.s32 v1, v8;
	_ =	sdelay $0x2  }
0xcb: {  	v9 =	vadd.f32 v9, v5;
	_ =	sdelay $0x1  }
0xcc: {  	[tilespmem:v10+s19+$0x0] =	vst.idx.msk $0xffff, v9  }
0xcd: {  	v9 =	vld [tilespmem:s26+$0x60];
	_ =	sdelay $0x1  }
0xce: {  	v10 =	vadd.s32 v2, v8;
	_ =	sdelay $0x2  }
0xcf: {  	v9 =	vadd.f32 v9, v6;
	_ =	sdelay $0x1  }
0xd0: {  	[tilespmem:v10+s19+$0x0] =	vst.idx.msk $0xffff, v9  }
0xd1: {  	v9 =	vld [tilespmem:s26+$0x70]  }
.Ltmp5:
0xd2: {  	(pc) =	sbr.rel @p0 .LBB2_24-.Ltmp5, $2  }
0xd3: {  	v8 =	vadd.s32 v3, v8;
	_ =	sdelay $0x2  }
0xd4: {  	v9 =	vadd.f32 v9, v7  }
0xd5: {  	_ = 	snop  }
0xd6: {  	s0 =	sshll.u32 s25, $0x14  }
0xd7: {  	s0 =	sor.u32 s10, s0  }
0xd8: {  	s0 =	sshrl.u32 s0, $0x3  }
0xd9: {  	s1 =	simm.s32 $0x10400;
	[tilespmem:v8+s19+$0x0] =	vst.idx.msk $0xffff, v9;
	s0 =	sadd.s32 s2, s0  }
0xda: {  	[hbm4b:s0+s3] =	stream.linear.scatter [tilespmem:s1], [sflag:$0x4], $0x80, $0x38;
	[tilespmem:$0x1AC00] =	vst v63  }
0xdb: {  	s31 =	simm.s32 $0x10488;
	s12 =	sadd.s32 $0x10, s0  }
0xdc: {  	[hbm4b:s12+s3] =	stream.linear.scatter [tilespmem:s31], [sflag:$0x4], $0x80, $0x38;
	[tilespmem:$0x1AC00] =	vst v63  }
0xdd: {  	s26 =	simm.s32 $0x10510;
	s31 =	sadd.s32 $0x20, s0  }
0xde: {  	[hbm4b:s31+s3] =	stream.linear.scatter [tilespmem:s26], [sflag:$0x4], $0x80, $0x38;
	[tilespmem:$0x1AC00] =	vst v63  }
0xdf: {  	s26 =	simm.s32 $0x10598;
	s31 =	sadd.s32 $0x30, s0  }
0xe0: {  	[hbm4b:s31+s3] =	stream.linear.scatter [tilespmem:s26], [sflag:$0x4], $0x80, $0x38;
	[tilespmem:$0x1AC00] =	vst v63  }
0xe1: {  	s26 =	simm.s32 $0x10620;
	s31 =	sadd.s32 $0x40, s0  }
0xe2: {  	[hbm4b:s31+s3] =	stream.linear.scatter [tilespmem:s26], [sflag:$0x4], $0x80, $0x38;
	[tilespmem:$0x1AC00] =	vst v63  }
0xe3: {  	s29 =	simm.s32 $0x2200;
	s26 =	simm.s32 $0x106A8;
	s31 =	sadd.s32 $0x50, s0  }
0xe4: {  	[hbm4b:s31+s3] =	stream.linear.scatter [tilespmem:s26], [sflag:$0x4], $0x80, $0x38;
	[tilespmem:$0x1AC00] =	vst v63  }
0xe5: {  	s30 =	simm.s32 $0x107B8;
	s26 =	simm.s32 $0x10730;
	s31 =	sadd.s32 $0x60, s0  }
0xe6: {  	[hbm4b:s31+s3] =	stream.linear.scatter [tilespmem:s26], [sflag:$0x4], $0x80, $0x38;
	[tilespmem:$0x1AC00] =	vst v63  }
0xe7: {  	s1 =	sadd.s32 $0x70, s0;
	s28 =	sadd.s32 $0x1000, s0;
	s26 =	simm.s32 $0x440  }
.LBB2_26:
0xe8: {  	[hbm4b:s1+s3] =	stream.linear.scatter [tilespmem:s30], [sflag:$0x4], $0x80, $0x38;
	[tilespmem:$0x1AC00] =	vst v63  }
0xe9: {  	s0 =	smov.u32 s26;
	s1 =	smov.u32 s29  }
0xea: {  	s12 =	sadd.s32 $0x1100, s29;
	s26 =	sshra.s32 s1, $0x2;
	s1 =	sadd.s32 $0x10400, s0  }
0xeb: {  	[hbm4b:s28+s3] =	stream.linear.scatter [tilespmem:s1], [sflag:$0x4], $0x80, $0x38;
	[tilespmem:$0x1AC00] =	vst v63  }
0xec: {  	p0 =	sne.s32 s29, $0x7700;
	s29 =	sadd.s32 $0x10, s28;
	s1 =	sadd.s32 $0x10488, s0  }
0xed: {  	[hbm4b:s29+s3] =	stream.linear.scatter [tilespmem:s1], [sflag:$0x4], $0x80, $0x38;
	[tilespmem:$0x1AC00] =	vst v63  }
0xee: {  	s1 =	sadd.s32 $0x10510, s0;
	s29 =	sadd.s32 $0x20, s28  }
0xef: {  	[hbm4b:s29+s3] =	stream.linear.scatter [tilespmem:s1], [sflag:$0x4], $0x80, $0x38;
	[tilespmem:$0x1AC00] =	vst v63  }
0xf0: {  	s1 =	sadd.s32 $0x10598, s0;
	s29 =	sadd.s32 $0x30, s28  }
0xf1: {  	[hbm4b:s29+s3] =	stream.linear.scatter [tilespmem:s1], [sflag:$0x4], $0x80, $0x38;
	[tilespmem:$0x1AC00] =	vst v63  }
0xf2: {  	s1 =	sadd.s32 $0x10620, s0;
	s29 =	sadd.s32 $0x40, s28  }
0xf3: {  	[hbm4b:s29+s3] =	stream.linear.scatter [tilespmem:s1], [sflag:$0x4], $0x80, $0x38;
	[tilespmem:$0x1AC00] =	vst v63  }
.Ltmp6:
0xf4: {  	s1 =	sadd.s32 $0x106A8, s0;
	s29 =	sadd.s32 $0x50, s28;
	(pc) =	sbr.rel @p0 .LBB2_26-.Ltmp6, $4  }
0xf5: {  	[hbm4b:s29+s3] =	stream.linear.scatter [tilespmem:s1], [sflag:$0x4], $0x80, $0x38;
	[tilespmem:$0x1AC00] =	vst v63  }
0xf6: {  	s30 =	sadd.s32 $0x107B8, s0;
	s1 =	sadd.s32 $0x10730, s0;
	s29 =	sadd.s32 $0x60, s28  }
0xf7: {  	[hbm4b:s29+s3] =	stream.linear.scatter [tilespmem:s1], [sflag:$0x4], $0x80, $0x38;
	[tilespmem:$0x1AC00] =	vst v63  }
0xf8: {  	s1 =	sadd.s32 $0x70, s28;
	s28 =	sadd.s32 $0x1000, s28;
	s29 =	smov.u32 s12  }
0xf9: {  	[hbm4b:s1+s3] =	stream.linear.scatter [tilespmem:s30], [sflag:$0x4], $0x80, $0x38;
	[tilespmem:$0x1AC00] =	vst v63  }
0xfa: {  	s0 =	sadd.s32 $0x10400, s26  }
0xfb: {  	[hbm4b:s28+s3] =	stream.linear.scatter [tilespmem:s0], [sflag:$0x4], $0x80, $0x38;
	[tilespmem:$0x1AC00] =	vst v63  }
0xfc: {  	s12 =	sadd.s32 $0x10488, s26;
	s31 =	sadd.s32 $0x10, s28  }
0xfd: {  	[hbm4b:s31+s3] =	stream.linear.scatter [tilespmem:s12], [sflag:$0x4], $0x80, $0x38;
	[tilespmem:$0x1AC00] =	vst v63  }
0xfe: {  	s12 =	sadd.s32 $0x10510, s26;
	s31 =	sadd.s32 $0x20, s28  }
0xff: {  	[hbm4b:s31+s3] =	stream.linear.scatter [tilespmem:s12], [sflag:$0x4], $0x80, $0x38;
	[tilespmem:$0x1AC00] =	vst v63  }
0x100: {  	s12 =	sadd.s32 $0x10598, s26;
	s31 =	sadd.s32 $0x30, s28  }
0x101: {  	[hbm4b:s31+s3] =	stream.linear.scatter [tilespmem:s12], [sflag:$0x4], $0x80, $0x38;
	[tilespmem:$0x1AC00] =	vst v63  }
0x102: {  	s12 =	sadd.s32 $0x10620, s26;
	s31 =	sadd.s32 $0x40, s28  }
0x103: {  	[hbm4b:s31+s3] =	stream.linear.scatter [tilespmem:s12], [sflag:$0x4], $0x80, $0x38;
	[tilespmem:$0x1AC00] =	vst v63  }
0x104: {  	s12 =	sadd.s32 $0x106A8, s26;
	s31 =	sadd.s32 $0x50, s28  }
0x105: {  	[hbm4b:s31+s3] =	stream.linear.scatter [tilespmem:s12], [sflag:$0x4], $0x80, $0x38;
	[tilespmem:$0x1AC00] =	vst v63  }
0x106: {  	s1 =	sadd.s32 $0x10730, s26;
	s12 =	sadd.s32 $0x60, s28  }
0x107: {  	[hbm4b:s12+s3] =	stream.linear.scatter [tilespmem:s1], [sflag:$0x4], $0x80, $0x38;
	[tilespmem:$0x1AC00] =	vst v63  }
0x108: {  	s26 =	sadd.s32 $0x107B8, s26;
	s31 =	sadd.s32 $0x70, s28  }
0x109: {  	[hbm4b:s31+s3] =	stream.linear.scatter [tilespmem:s26], [sflag:$0x4], $0x80, $0x38;
	[tilespmem:$0x1AC00] =	vst v63  }
0x10a: {  	s26 =	sshll.u32 s25, $0x2  }
0x10b: {  	s28 =	sor.u32 $0x1, s26;
	_ =	swait.ge [sflag:s20], $0x2000  }
0x10c: {  	[sflag:s20] =	ssyncset.done $0x0;
	s12 =	sshll.u32 s28, $0x7  }
0x10d: {  	[sflag:s20] =	ssyncadd.s32 $0xFFFFE000;
	s0 =	sand.u32 $0x3FFFFE80, s12  }
0x10e: {  	s29 =	simm.s32 $0xA4F0;
	s31 =	simm.s32 $0x0;
	v4 =	vld [tilespmem:s0+$0x14800]  }
0x10f: {  	v5 =	vmov s31;
	v7 =	vld [tilespmem:s29+$0xFFFFFF10]  }
0x110: {  	v8 =	vand.u32 $0x7C, v5  }
0x111: {  	v9 =	vadd.s32 v0, v8;
	_ =	sdelay $0x2  }
0x112: {  	v5 =	vld [tilespmem:s0+$0x14810];
	v10 =	vadd.f32 v7, v4  }
0x113: {  	v6 =	vld [tilespmem:s0+$0x14820]  }
0x114: {  	v7 =	vld [tilespmem:s0+$0x14830];
	[tilespmem:v9+s21+$0x0] =	vst.idx.msk $0xffff, v10  }
0x115: {  	v9 =	vld [tilespmem:s29+$0xFFFFFF20];
	_ =	sdelay $0x1  }
0x116: {  	v10 =	vadd.s32 v1, v8;
	_ =	sdelay $0x2  }
0x117: {  	v9 =	vadd.f32 v9, v5;
	_ =	sdelay $0x1  }
0x118: {  	[tilespmem:v10+s21+$0x0] =	vst.idx.msk $0xffff, v9  }
0x119: {  	v9 =	vld [tilespmem:s29+$0xFFFFFF30];
	_ =	sdelay $0x1  }
0x11a: {  	v10 =	vadd.s32 v2, v8;
	_ =	sdelay $0x2  }
0x11b: {  	v9 =	vadd.f32 v9, v6;
	_ =	sdelay $0x1  }
0x11c: {  	[tilespmem:v10+s21+$0x0] =	vst.idx.msk $0xffff, v9  }
0x11d: {  	v9 =	vld [tilespmem:s29+$0xFFFFFF40];
	_ =	sdelay $0x1  }
0x11e: {  	v8 =	vadd.s32 v3, v8;
	_ =	sdelay $0x2  }
0x11f: {  	v9 =	vadd.f32 v9, v7;
	_ =	sdelay $0x1  }
0x120: {  	s1 =	simm.s32 $0x1;
	[tilespmem:v8+s21+$0x0] =	vst.idx.msk $0xffff, v9  }
0x121: {  	v8 =	vmov s1;
	v9 =	vld [tilespmem:s29+$0xFFFFFF50]  }
0x122: {  	v8 =	vand.u32 $0x7D, v8  }
0x123: {  	v10 =	vadd.s32 v0, v8;
	_ =	sdelay $0x2  }
0x124: {  	v9 =	vadd.f32 v9, v4;
	_ =	sdelay $0x1  }
0x125: {  	[tilespmem:v10+s21+$0x0] =	vst.idx.msk $0xffff, v9  }
0x126: {  	v9 =	vld [tilespmem:s29+$0xFFFFFF60];
	_ =	sdelay $0x1  }
0x127: {  	v10 =	vadd.s32 v1, v8;
	_ =	sdelay $0x2  }
0x128: {  	v9 =	vadd.f32 v9, v5;
	_ =	sdelay $0x1  }
0x129: {  	[tilespmem:v10+s21+$0x0] =	vst.idx.msk $0xffff, v9  }
0x12a: {  	v9 =	vld [tilespmem:s29+$0xFFFFFF70];
	_ =	sdelay $0x1  }
0x12b: {  	v10 =	vadd.s32 v2, v8;
	_ =	sdelay $0x2  }
0x12c: {  	v9 =	vadd.f32 v9, v6;
	_ =	sdelay $0x1  }
0x12d: {  	[tilespmem:v10+s21+$0x0] =	vst.idx.msk $0xffff, v9  }
0x12e: {  	v9 =	vld [tilespmem:s29+$0xFFFFFF80];
	_ =	sdelay $0x1  }
0x12f: {  	v8 =	vadd.s32 v3, v8;
	_ =	sdelay $0x2  }
0x130: {  	v9 =	vadd.f32 v9, v7;
	_ =	sdelay $0x1  }
0x131: {  	s12 =	simm.s32 $0x2;
	[tilespmem:v8+s21+$0x0] =	vst.idx.msk $0xffff, v9  }
0x132: {  	v8 =	vmov s12;
	v9 =	vld [tilespmem:s29+$0xFFFFFF90]  }
0x133: {  	v8 =	vand.u32 $0x7E, v8  }
0x134: {  	v10 =	vadd.s32 v0, v8;
	_ =	sdelay $0x2  }
0x135: {  	v9 =	vadd.f32 v9, v4;
	_ =	sdelay $0x1  }
0x136: {  	[tilespmem:v10+s21+$0x0] =	vst.idx.msk $0xffff, v9  }
0x137: {  	v9 =	vld [tilespmem:s29+$0xFFFFFFA0];
	_ =	sdelay $0x1  }
0x138: {  	v10 =	vadd.s32 v1, v8;
	_ =	sdelay $0x2  }
0x139: {  	v9 =	vadd.f32 v9, v5;
	_ =	sdelay $0x1  }
0x13a: {  	[tilespmem:v10+s21+$0x0] =	vst.idx.msk $0xffff, v9  }
0x13b: {  	v9 =	vld [tilespmem:s29+$0xFFFFFFB0];
	_ =	sdelay $0x1  }
0x13c: {  	v10 =	vadd.s32 v2, v8;
	_ =	sdelay $0x2  }
0x13d: {  	v9 =	vadd.f32 v9, v6;
	_ =	sdelay $0x1  }
0x13e: {  	[tilespmem:v10+s21+$0x0] =	vst.idx.msk $0xffff, v9  }
0x13f: {  	v9 =	vld [tilespmem:s29+$0xFFFFFFC0];
	_ =	sdelay $0x1  }
0x140: {  	v8 =	vadd.s32 v3, v8;
	_ =	sdelay $0x2  }
0x141: {  	v9 =	vadd.f32 v9, v7;
	_ =	sdelay $0x1  }
0x142: {  	s31 =	simm.s32 $0x3;
	[tilespmem:v8+s21+$0x0] =	vst.idx.msk $0xffff, v9  }
0x143: {  	v8 =	vmov s31;
	v9 =	vld [tilespmem:s29+$0xFFFFFFD0]  }
0x144: {  	v8 =	vand.u32 $0x7F, v8  }
0x145: {  	v10 =	vadd.s32 v0, v8;
	_ =	sdelay $0x2  }
0x146: {  	v9 =	vadd.f32 v9, v4;
	_ =	sdelay $0x1  }
0x147: {  	[tilespmem:v10+s21+$0x0] =	vst.idx.msk $0xffff, v9  }
0x148: {  	v9 =	vld [tilespmem:s29+$0xFFFFFFE0];
	_ =	sdelay $0x1  }
0x149: {  	v10 =	vadd.s32 v1, v8;
	_ =	sdelay $0x2  }
0x14a: {  	v9 =	vadd.f32 v9, v5;
	_ =	sdelay $0x1  }
0x14b: {  	[tilespmem:v10+s21+$0x0] =	vst.idx.msk $0xffff, v9  }
0x14c: {  	v9 =	vld [tilespmem:s29+$0xFFFFFFF0];
	_ =	sdelay $0x1  }
0x14d: {  	v10 =	vadd.s32 v2, v8;
	_ =	sdelay $0x2  }
0x14e: {  	v9 =	vadd.f32 v9, v6;
	_ =	sdelay $0x1  }
0x14f: {  	[tilespmem:v10+s21+$0x0] =	vst.idx.msk $0xffff, v9  }
0x150: {  	v9 =	vld [tilespmem:s29+$0x0];
	_ =	sdelay $0x1  }
0x151: {  	v8 =	vadd.s32 v3, v8;
	_ =	sdelay $0x2  }
0x152: {  	s30 =	simm.s32 $0x4;
	v9 =	vadd.f32 v9, v7  }
.LBB2_28:
0x153: {  	p0 =	slt.u32 s30, $0x7C  }
0x154: {  	s29 =	sadd.s32 $0x100, s29;
	s31 =	smov.u32 s30;
	s30 =	sadd.s32 $0x4, s30;
	[tilespmem:v8+s21+$0x0] =	vst.idx.msk $0xffff, v9  }
0x155: {  	v8 =	vmov s31;
	v9 =	vld [tilespmem:s29+$0xFFFFFF10]  }
0x156: {  	v8 =	vand.u32 $0x7C, v8  }
0x157: {  	v10 =	vadd.s32 v0, v8;
	_ =	sdelay $0x2  }
0x158: {  	v9 =	vadd.f32 v9, v4;
	_ =	sdelay $0x1  }
0x159: {  	[tilespmem:v10+s21+$0x0] =	vst.idx.msk $0xffff, v9  }
0x15a: {  	v9 =	vld [tilespmem:s29+$0xFFFFFF20];
	_ =	sdelay $0x1  }
0x15b: {  	v10 =	vadd.s32 v1, v8;
	_ =	sdelay $0x2  }
0x15c: {  	v9 =	vadd.f32 v9, v5;
	_ =	sdelay $0x1  }
0x15d: {  	[tilespmem:v10+s21+$0x0] =	vst.idx.msk $0xffff, v9  }
0x15e: {  	v9 =	vld [tilespmem:s29+$0xFFFFFF30];
	_ =	sdelay $0x1  }
0x15f: {  	v10 =	vadd.s32 v2, v8;
	_ =	sdelay $0x2  }
0x160: {  	v9 =	vadd.f32 v9, v6;
	_ =	sdelay $0x1  }
0x161: {  	[tilespmem:v10+s21+$0x0] =	vst.idx.msk $0xffff, v9  }
0x162: {  	v9 =	vld [tilespmem:s29+$0xFFFFFF40];
	_ =	sdelay $0x1  }
0x163: {  	v8 =	vadd.s32 v3, v8;
	_ =	sdelay $0x2  }
0x164: {  	v9 =	vadd.f32 v9, v7;
	_ =	sdelay $0x1  }
0x165: {  	s0 =	sadd.s32 $0x1, s31;
	[tilespmem:v8+s21+$0x0] =	vst.idx.msk $0xffff, v9  }
0x166: {  	v8 =	vmov s0;
	v9 =	vld [tilespmem:s29+$0xFFFFFF50]  }
0x167: {  	v8 =	vand.u32 $0x7D, v8  }
0x168: {  	v10 =	vadd.s32 v0, v8;
	_ =	sdelay $0x2  }
0x169: {  	v9 =	vadd.f32 v9, v4;
	_ =	sdelay $0x1  }
0x16a: {  	[tilespmem:v10+s21+$0x0] =	vst.idx.msk $0xffff, v9  }
0x16b: {  	v9 =	vld [tilespmem:s29+$0xFFFFFF60];
	_ =	sdelay $0x1  }
0x16c: {  	v10 =	vadd.s32 v1, v8;
	_ =	sdelay $0x2  }
0x16d: {  	v9 =	vadd.f32 v9, v5;
	_ =	sdelay $0x1  }
0x16e: {  	[tilespmem:v10+s21+$0x0] =	vst.idx.msk $0xffff, v9  }
0x16f: {  	v9 =	vld [tilespmem:s29+$0xFFFFFF70];
	_ =	sdelay $0x1  }
0x170: {  	v10 =	vadd.s32 v2, v8;
	_ =	sdelay $0x2  }
0x171: {  	v9 =	vadd.f32 v9, v6;
	_ =	sdelay $0x1  }
0x172: {  	[tilespmem:v10+s21+$0x0] =	vst.idx.msk $0xffff, v9  }
0x173: {  	v9 =	vld [tilespmem:s29+$0xFFFFFF80];
	_ =	sdelay $0x1  }
0x174: {  	v8 =	vadd.s32 v3, v8;
	_ =	sdelay $0x2  }
0x175: {  	v9 =	vadd.f32 v9, v7;
	_ =	sdelay $0x1  }
0x176: {  	s0 =	sadd.s32 $0x2, s31;
	[tilespmem:v8+s21+$0x0] =	vst.idx.msk $0xffff, v9  }
0x177: {  	v8 =	vmov s0;
	v9 =	vld [tilespmem:s29+$0xFFFFFF90]  }
0x178: {  	v8 =	vand.u32 $0x7E, v8  }
0x179: {  	v10 =	vadd.s32 v0, v8;
	_ =	sdelay $0x2  }
0x17a: {  	v9 =	vadd.f32 v9, v4;
	_ =	sdelay $0x1  }
0x17b: {  	[tilespmem:v10+s21+$0x0] =	vst.idx.msk $0xffff, v9  }
0x17c: {  	v9 =	vld [tilespmem:s29+$0xFFFFFFA0];
	_ =	sdelay $0x1  }
0x17d: {  	v10 =	vadd.s32 v1, v8;
	_ =	sdelay $0x2  }
0x17e: {  	v9 =	vadd.f32 v9, v5;
	_ =	sdelay $0x1  }
0x17f: {  	[tilespmem:v10+s21+$0x0] =	vst.idx.msk $0xffff, v9  }
0x180: {  	v9 =	vld [tilespmem:s29+$0xFFFFFFB0];
	_ =	sdelay $0x1  }
0x181: {  	v10 =	vadd.s32 v2, v8;
	_ =	sdelay $0x2  }
0x182: {  	v9 =	vadd.f32 v9, v6;
	_ =	sdelay $0x1  }
0x183: {  	[tilespmem:v10+s21+$0x0] =	vst.idx.msk $0xffff, v9  }
0x184: {  	v9 =	vld [tilespmem:s29+$0xFFFFFFC0];
	_ =	sdelay $0x1  }
0x185: {  	v8 =	vadd.s32 v3, v8;
	_ =	sdelay $0x2  }
0x186: {  	v9 =	vadd.f32 v9, v7;
	_ =	sdelay $0x1  }
0x187: {  	s0 =	sadd.s32 $0x3, s31;
	[tilespmem:v8+s21+$0x0] =	vst.idx.msk $0xffff, v9  }
0x188: {  	v8 =	vmov s0;
	v9 =	vld [tilespmem:s29+$0xFFFFFFD0]  }
0x189: {  	v8 =	vand.u32 $0x7F, v8  }
0x18a: {  	v10 =	vadd.s32 v0, v8;
	_ =	sdelay $0x2  }
0x18b: {  	v9 =	vadd.f32 v9, v4;
	_ =	sdelay $0x1  }
0x18c: {  	[tilespmem:v10+s21+$0x0] =	vst.idx.msk $0xffff, v9  }
0x18d: {  	v9 =	vld [tilespmem:s29+$0xFFFFFFE0];
	_ =	sdelay $0x1  }
0x18e: {  	v10 =	vadd.s32 v1, v8;
	_ =	sdelay $0x2  }
0x18f: {  	v9 =	vadd.f32 v9, v5;
	_ =	sdelay $0x1  }
0x190: {  	[tilespmem:v10+s21+$0x0] =	vst.idx.msk $0xffff, v9  }
0x191: {  	v9 =	vld [tilespmem:s29+$0xFFFFFFF0];
	_ =	sdelay $0x1  }
0x192: {  	v10 =	vadd.s32 v2, v8;
	_ =	sdelay $0x2  }
0x193: {  	v9 =	vadd.f32 v9, v6;
	_ =	sdelay $0x1  }
0x194: {  	[tilespmem:v10+s21+$0x0] =	vst.idx.msk $0xffff, v9  }
0x195: {  	v9 =	vld [tilespmem:s29+$0x0]  }
.Ltmp7:
0x196: {  	(pc) =	sbr.rel @p0 .LBB2_28-.Ltmp7, $2  }
0x197: {  	v8 =	vadd.s32 v3, v8;
	_ =	sdelay $0x2  }
0x198: {  	v9 =	vadd.f32 v9, v7  }
0x199: {  	_ = 	snop  }
0x19a: {  	s0 =	sshll.u32 s28, $0x12  }
0x19b: {  	s0 =	sor.u32 s10, s0  }
0x19c: {  	s0 =	sshrl.u32 s0, $0x3  }
0x19d: {  	s1 =	simm.s32 $0x12600;
	[tilespmem:v8+s21+$0x0] =	vst.idx.msk $0xffff, v9;
	s0 =	sadd.s32 s2, s0  }
0x19e: {  	[hbm4b:s0+s3] =	stream.linear.scatter [tilespmem:s1], [sflag:$0x5], $0x80, $0x38;
	[tilespmem:$0x1AC00] =	vst v63  }
0x19f: {  	s1 =	simm.s32 $0x12688;
	s12 =	sadd.s32 $0x10, s0  }
0x1a0: {  	[hbm4b:s12+s3] =	stream.linear.scatter [tilespmem:s1], [sflag:$0x5], $0x80, $0x38;
	[tilespmem:$0x1AC00] =	vst v63  }
0x1a1: {  	s1 =	simm.s32 $0x12710;
	s12 =	sadd.s32 $0x20, s0  }
0x1a2: {  	[hbm4b:s12+s3] =	stream.linear.scatter [tilespmem:s1], [sflag:$0x5], $0x80, $0x38;
	[tilespmem:$0x1AC00] =	vst v63  }
0x1a3: {  	s1 =	simm.s32 $0x12798;
	s12 =	sadd.s32 $0x30, s0  }
0x1a4: {  	[hbm4b:s12+s3] =	stream.linear.scatter [tilespmem:s1], [sflag:$0x5], $0x80, $0x38;
	[tilespmem:$0x1AC00] =	vst v63  }
0x1a5: {  	s1 =	simm.s32 $0x12820;
	s12 =	sadd.s32 $0x40, s0  }
0x1a6: {  	[hbm4b:s12+s3] =	stream.linear.scatter [tilespmem:s1], [sflag:$0x5], $0x80, $0x38;
	[tilespmem:$0x1AC00] =	vst v63  }
0x1a7: {  	s28 =	simm.s32 $0x440;
	s1 =	simm.s32 $0x128A8;
	s12 =	sadd.s32 $0x50, s0  }
0x1a8: {  	[hbm4b:s12+s3] =	stream.linear.scatter [tilespmem:s1], [sflag:$0x5], $0x80, $0x38;
	[tilespmem:$0x1AC00] =	vst v63  }
0x1a9: {  	s30 =	simm.s32 $0x2200;
	s1 =	simm.s32 $0x12930;
	s12 =	sadd.s32 $0x60, s0  }
0x1aa: {  	[hbm4b:s12+s3] =	stream.linear.scatter [tilespmem:s1], [sflag:$0x5], $0x80, $0x38;
	[tilespmem:$0x1AC00] =	vst v63  }
0x1ab: {  	s31 =	simm.s32 $0x129B8;
	s29 =	sadd.s32 $0x1000, s0;
	s1 =	sadd.s32 $0x70, s0  }
.LBB2_30:
0x1ac: {  	[hbm4b:s1+s3] =	stream.linear.scatter [tilespmem:s31], [sflag:$0x5], $0x80, $0x38;
	[tilespmem:$0x1AC00] =	vst v63  }
0x1ad: {  	s0 =	smov.u32 s28;
	s1 =	smov.u32 s30  }
0x1ae: {  	s12 =	sadd.s32 $0x1100, s30;
	s28 =	sshra.s32 s1, $0x2;
	s1 =	sadd.s32 $0x12600, s0  }
0x1af: {  	[hbm4b:s29+s3] =	stream.linear.scatter [tilespmem:s1], [sflag:$0x5], $0x80, $0x38;
	[tilespmem:$0x1AC00] =	vst v63  }
0x1b0: {  	p0 =	sne.s32 s30, $0x7700;
	s30 =	sadd.s32 $0x10, s29;
	s1 =	sadd.s32 $0x12688, s0  }
0x1b1: {  	[hbm4b:s30+s3] =	stream.linear.scatter [tilespmem:s1], [sflag:$0x5], $0x80, $0x38;
	[tilespmem:$0x1AC00] =	vst v63  }
0x1b2: {  	s1 =	sadd.s32 $0x12710, s0;
	s30 =	sadd.s32 $0x20, s29  }
0x1b3: {  	[hbm4b:s30+s3] =	stream.linear.scatter [tilespmem:s1], [sflag:$0x5], $0x80, $0x38;
	[tilespmem:$0x1AC00] =	vst v63  }
0x1b4: {  	s1 =	sadd.s32 $0x12798, s0;
	s30 =	sadd.s32 $0x30, s29  }
0x1b5: {  	[hbm4b:s30+s3] =	stream.linear.scatter [tilespmem:s1], [sflag:$0x5], $0x80, $0x38;
	[tilespmem:$0x1AC00] =	vst v63  }
0x1b6: {  	s1 =	sadd.s32 $0x12820, s0;
	s30 =	sadd.s32 $0x40, s29  }
0x1b7: {  	[hbm4b:s30+s3] =	stream.linear.scatter [tilespmem:s1], [sflag:$0x5], $0x80, $0x38;
	[tilespmem:$0x1AC00] =	vst v63  }
.Ltmp8:
0x1b8: {  	s1 =	sadd.s32 $0x128A8, s0;
	s30 =	sadd.s32 $0x50, s29;
	(pc) =	sbr.rel @p0 .LBB2_30-.Ltmp8, $4  }
0x1b9: {  	[hbm4b:s30+s3] =	stream.linear.scatter [tilespmem:s1], [sflag:$0x5], $0x80, $0x38;
	[tilespmem:$0x1AC00] =	vst v63  }
0x1ba: {  	s31 =	sadd.s32 $0x129B8, s0;
	s1 =	sadd.s32 $0x12930, s0;
	s30 =	sadd.s32 $0x60, s29  }
0x1bb: {  	[hbm4b:s30+s3] =	stream.linear.scatter [tilespmem:s1], [sflag:$0x5], $0x80, $0x38;
	[tilespmem:$0x1AC00] =	vst v63  }
0x1bc: {  	s1 =	sadd.s32 $0x70, s29;
	s29 =	sadd.s32 $0x1000, s29;
	s30 =	smov.u32 s12  }
0x1bd: {  	[hbm4b:s1+s3] =	stream.linear.scatter [tilespmem:s31], [sflag:$0x5], $0x80, $0x38;
	[tilespmem:$0x1AC00] =	vst v63  }
0x1be: {  	s0 =	sadd.s32 $0x12600, s28  }
0x1bf: {  	[hbm4b:s29+s3] =	stream.linear.scatter [tilespmem:s0], [sflag:$0x5], $0x80, $0x38;
	[tilespmem:$0x1AC00] =	vst v63  }
0x1c0: {  	s12 =	sadd.s32 $0x12688, s28;
	s31 =	sadd.s32 $0x10, s29  }
0x1c1: {  	[hbm4b:s31+s3] =	stream.linear.scatter [tilespmem:s12], [sflag:$0x5], $0x80, $0x38;
	[tilespmem:$0x1AC00] =	vst v63  }
0x1c2: {  	s12 =	sadd.s32 $0x12710, s28;
	s31 =	sadd.s32 $0x20, s29  }
0x1c3: {  	[hbm4b:s31+s3] =	stream.linear.scatter [tilespmem:s12], [sflag:$0x5], $0x80, $0x38;
	[tilespmem:$0x1AC00] =	vst v63  }
0x1c4: {  	s12 =	sadd.s32 $0x12798, s28;
	s31 =	sadd.s32 $0x30, s29  }
0x1c5: {  	[hbm4b:s31+s3] =	stream.linear.scatter [tilespmem:s12], [sflag:$0x5], $0x80, $0x38;
	[tilespmem:$0x1AC00] =	vst v63  }
0x1c6: {  	s12 =	sadd.s32 $0x12820, s28;
	s31 =	sadd.s32 $0x40, s29  }
0x1c7: {  	[hbm4b:s31+s3] =	stream.linear.scatter [tilespmem:s12], [sflag:$0x5], $0x80, $0x38;
	[tilespmem:$0x1AC00] =	vst v63  }
0x1c8: {  	s12 =	sadd.s32 $0x128A8, s28;
	s31 =	sadd.s32 $0x50, s29  }
0x1c9: {  	[hbm4b:s31+s3] =	stream.linear.scatter [tilespmem:s12], [sflag:$0x5], $0x80, $0x38;
	[tilespmem:$0x1AC00] =	vst v63  }
0x1ca: {  	s12 =	sadd.s32 $0x12930, s28;
	s31 =	sadd.s32 $0x60, s29  }
0x1cb: {  	[hbm4b:s31+s3] =	stream.linear.scatter [tilespmem:s12], [sflag:$0x5], $0x80, $0x38;
	[tilespmem:$0x1AC00] =	vst v63  }
0x1cc: {  	s12 =	sadd.s32 $0x129B8, s28;
	s31 =	sadd.s32 $0x70, s29  }
0x1cd: {  	[hbm4b:s31+s3] =	stream.linear.scatter [tilespmem:s12], [sflag:$0x5], $0x80, $0x38;
	[tilespmem:$0x1AC00] =	vst v63  }
0x1ce: {  	s28 =	sor.u32 $0x2, s26;
	_ =	swait.ge [sflag:s18], $0x2000  }
0x1cf: {  	s12 =	sshll.u32 s28, $0x7;
	[sflag:s18] =	ssyncset.done $0x0  }
0x1d0: {  	s0 =	sand.u32 $0x3FFFFF80, s12;
	[sflag:s18] =	ssyncadd.s32 $0xFFFFE000  }
0x1d1: {  	s29 =	simm.s32 $0xC400;
	s31 =	simm.s32 $0x0;
	v4 =	vld [tilespmem:s0+$0x14800]  }
0x1d2: {  	v5 =	vmov s31;
	v7 =	vld [tilespmem:s29+$0x0]  }
0x1d3: {  	v8 =	vand.u32 $0x7C, v5  }
0x1d4: {  	v9 =	vadd.s32 v0, v8;
	_ =	sdelay $0x2  }
0x1d5: {  	v5 =	vld [tilespmem:s0+$0x14810];
	v10 =	vadd.f32 v7, v4  }
0x1d6: {  	v6 =	vld [tilespmem:s0+$0x14820]  }
0x1d7: {  	v7 =	vld [tilespmem:s0+$0x14830];
	[tilespmem:v9+s19+$0x0] =	vst.idx.msk $0xffff, v10  }
0x1d8: {  	v9 =	vld [tilespmem:s29+$0x10];
	_ =	sdelay $0x1  }
0x1d9: {  	v10 =	vadd.s32 v1, v8;
	_ =	sdelay $0x2  }
0x1da: {  	v9 =	vadd.f32 v9, v5;
	_ =	sdelay $0x1  }
0x1db: {  	[tilespmem:v10+s19+$0x0] =	vst.idx.msk $0xffff, v9  }
0x1dc: {  	v9 =	vld [tilespmem:s29+$0x20];
	_ =	sdelay $0x1  }
0x1dd: {  	v10 =	vadd.s32 v2, v8;
	_ =	sdelay $0x2  }
0x1de: {  	v9 =	vadd.f32 v9, v6;
	_ =	sdelay $0x1  }
0x1df: {  	[tilespmem:v10+s19+$0x0] =	vst.idx.msk $0xffff, v9  }
0x1e0: {  	v9 =	vld [tilespmem:s29+$0x30];
	_ =	sdelay $0x1  }
0x1e1: {  	v8 =	vadd.s32 v3, v8;
	_ =	sdelay $0x2  }
0x1e2: {  	v9 =	vadd.f32 v9, v7;
	_ =	sdelay $0x1  }
0x1e3: {  	s1 =	simm.s32 $0x1;
	[tilespmem:v8+s19+$0x0] =	vst.idx.msk $0xffff, v9  }
0x1e4: {  	v8 =	vmov s1;
	v9 =	vld [tilespmem:s29+$0x40]  }
0x1e5: {  	v8 =	vand.u32 $0x7D, v8  }
0x1e6: {  	v10 =	vadd.s32 v0, v8;
	_ =	sdelay $0x2  }
0x1e7: {  	v9 =	vadd.f32 v9, v4;
	_ =	sdelay $0x1  }
0x1e8: {  	[tilespmem:v10+s19+$0x0] =	vst.idx.msk $0xffff, v9  }
0x1e9: {  	v9 =	vld [tilespmem:s29+$0x50];
	_ =	sdelay $0x1  }
0x1ea: {  	v10 =	vadd.s32 v1, v8;
	_ =	sdelay $0x2  }
0x1eb: {  	v9 =	vadd.f32 v9, v5;
	_ =	sdelay $0x1  }
0x1ec: {  	[tilespmem:v10+s19+$0x0] =	vst.idx.msk $0xffff, v9  }
0x1ed: {  	v9 =	vld [tilespmem:s29+$0x60];
	_ =	sdelay $0x1  }
0x1ee: {  	v10 =	vadd.s32 v2, v8;
	_ =	sdelay $0x2  }
0x1ef: {  	v9 =	vadd.f32 v9, v6;
	_ =	sdelay $0x1  }
0x1f0: {  	[tilespmem:v10+s19+$0x0] =	vst.idx.msk $0xffff, v9  }
0x1f1: {  	v9 =	vld [tilespmem:s29+$0x70];
	_ =	sdelay $0x1  }
0x1f2: {  	v8 =	vadd.s32 v3, v8;
	_ =	sdelay $0x2  }
0x1f3: {  	v9 =	vadd.f32 v9, v7;
	_ =	sdelay $0x1  }
0x1f4: {  	s12 =	simm.s32 $0x2;
	[tilespmem:v8+s19+$0x0] =	vst.idx.msk $0xffff, v9  }
0x1f5: {  	v8 =	vmov s12;
	v9 =	vld [tilespmem:s29+$0x80]  }
0x1f6: {  	v8 =	vand.u32 $0x7E, v8  }
0x1f7: {  	v10 =	vadd.s32 v0, v8;
	_ =	sdelay $0x2  }
0x1f8: {  	v9 =	vadd.f32 v9, v4;
	_ =	sdelay $0x1  }
0x1f9: {  	[tilespmem:v10+s19+$0x0] =	vst.idx.msk $0xffff, v9  }
0x1fa: {  	v9 =	vld [tilespmem:s29+$0x90];
	_ =	sdelay $0x1  }
0x1fb: {  	v10 =	vadd.s32 v1, v8;
	_ =	sdelay $0x2  }
0x1fc: {  	v9 =	vadd.f32 v9, v5;
	_ =	sdelay $0x1  }
0x1fd: {  	[tilespmem:v10+s19+$0x0] =	vst.idx.msk $0xffff, v9  }
0x1fe: {  	v9 =	vld [tilespmem:s29+$0xA0];
	_ =	sdelay $0x1  }
0x1ff: {  	v10 =	vadd.s32 v2, v8;
	_ =	sdelay $0x2  }
0x200: {  	v9 =	vadd.f32 v9, v6;
	_ =	sdelay $0x1  }
0x201: {  	[tilespmem:v10+s19+$0x0] =	vst.idx.msk $0xffff, v9  }
0x202: {  	v9 =	vld [tilespmem:s29+$0xB0];
	_ =	sdelay $0x1  }
0x203: {  	v8 =	vadd.s32 v3, v8;
	_ =	sdelay $0x2  }
0x204: {  	v9 =	vadd.f32 v9, v7;
	_ =	sdelay $0x1  }
0x205: {  	s31 =	simm.s32 $0x3;
	[tilespmem:v8+s19+$0x0] =	vst.idx.msk $0xffff, v9  }
0x206: {  	v8 =	vmov s31;
	v9 =	vld [tilespmem:s29+$0xC0]  }
0x207: {  	v8 =	vand.u32 $0x7F, v8  }
0x208: {  	v10 =	vadd.s32 v0, v8;
	_ =	sdelay $0x2  }
0x209: {  	v9 =	vadd.f32 v9, v4;
	_ =	sdelay $0x1  }
0x20a: {  	[tilespmem:v10+s19+$0x0] =	vst.idx.msk $0xffff, v9  }
0x20b: {  	v9 =	vld [tilespmem:s29+$0xD0];
	_ =	sdelay $0x1  }
0x20c: {  	v10 =	vadd.s32 v1, v8;
	_ =	sdelay $0x2  }
0x20d: {  	v9 =	vadd.f32 v9, v5;
	_ =	sdelay $0x1  }
0x20e: {  	[tilespmem:v10+s19+$0x0] =	vst.idx.msk $0xffff, v9  }
0x20f: {  	v9 =	vld [tilespmem:s29+$0xE0];
	_ =	sdelay $0x1  }
0x210: {  	v10 =	vadd.s32 v2, v8;
	_ =	sdelay $0x2  }
0x211: {  	v9 =	vadd.f32 v9, v6;
	_ =	sdelay $0x1  }
0x212: {  	[tilespmem:v10+s19+$0x0] =	vst.idx.msk $0xffff, v9  }
0x213: {  	v9 =	vld [tilespmem:s29+$0xF0];
	_ =	sdelay $0x1  }
0x214: {  	v8 =	vadd.s32 v3, v8;
	_ =	sdelay $0x2  }
0x215: {  	s30 =	simm.s32 $0x4;
	v9 =	vadd.f32 v9, v7  }
.LBB2_32:
0x216: {  	p0 =	slt.u32 s30, $0x7C  }
0x217: {  	s29 =	sadd.s32 $0x100, s29;
	s31 =	smov.u32 s30;
	s30 =	sadd.s32 $0x4, s30;
	[tilespmem:v8+s19+$0x0] =	vst.idx.msk $0xffff, v9  }
0x218: {  	v8 =	vmov s31;
	v9 =	vld [tilespmem:s29+$0x0]  }
0x219: {  	v8 =	vand.u32 $0x7C, v8  }
0x21a: {  	v10 =	vadd.s32 v0, v8;
	_ =	sdelay $0x2  }
0x21b: {  	v9 =	vadd.f32 v9, v4;
	_ =	sdelay $0x1  }
0x21c: {  	[tilespmem:v10+s19+$0x0] =	vst.idx.msk $0xffff, v9  }
0x21d: {  	v9 =	vld [tilespmem:s29+$0x10];
	_ =	sdelay $0x1  }
0x21e: {  	v10 =	vadd.s32 v1, v8;
	_ =	sdelay $0x2  }
0x21f: {  	v9 =	vadd.f32 v9, v5;
	_ =	sdelay $0x1  }
0x220: {  	[tilespmem:v10+s19+$0x0] =	vst.idx.msk $0xffff, v9  }
0x221: {  	v9 =	vld [tilespmem:s29+$0x20];
	_ =	sdelay $0x1  }
0x222: {  	v10 =	vadd.s32 v2, v8;
	_ =	sdelay $0x2  }
0x223: {  	v9 =	vadd.f32 v9, v6;
	_ =	sdelay $0x1  }
0x224: {  	[tilespmem:v10+s19+$0x0] =	vst.idx.msk $0xffff, v9  }
0x225: {  	v9 =	vld [tilespmem:s29+$0x30];
	_ =	sdelay $0x1  }
0x226: {  	v8 =	vadd.s32 v3, v8;
	_ =	sdelay $0x2  }
0x227: {  	v9 =	vadd.f32 v9, v7;
	_ =	sdelay $0x1  }
0x228: {  	s0 =	sadd.s32 $0x1, s31;
	[tilespmem:v8+s19+$0x0] =	vst.idx.msk $0xffff, v9  }
0x229: {  	v8 =	vmov s0;
	v9 =	vld [tilespmem:s29+$0x40]  }
0x22a: {  	v8 =	vand.u32 $0x7D, v8  }
0x22b: {  	v10 =	vadd.s32 v0, v8;
	_ =	sdelay $0x2  }
0x22c: {  	v9 =	vadd.f32 v9, v4;
	_ =	sdelay $0x1  }
0x22d: {  	[tilespmem:v10+s19+$0x0] =	vst.idx.msk $0xffff, v9  }
0x22e: {  	v9 =	vld [tilespmem:s29+$0x50];
	_ =	sdelay $0x1  }
0x22f: {  	v10 =	vadd.s32 v1, v8;
	_ =	sdelay $0x2  }
0x230: {  	v9 =	vadd.f32 v9, v5;
	_ =	sdelay $0x1  }
0x231: {  	[tilespmem:v10+s19+$0x0] =	vst.idx.msk $0xffff, v9  }
0x232: {  	v9 =	vld [tilespmem:s29+$0x60];
	_ =	sdelay $0x1  }
0x233: {  	v10 =	vadd.s32 v2, v8;
	_ =	sdelay $0x2  }
0x234: {  	v9 =	vadd.f32 v9, v6;
	_ =	sdelay $0x1  }
0x235: {  	[tilespmem:v10+s19+$0x0] =	vst.idx.msk $0xffff, v9  }
0x236: {  	v9 =	vld [tilespmem:s29+$0x70];
	_ =	sdelay $0x1  }
0x237: {  	v8 =	vadd.s32 v3, v8;
	_ =	sdelay $0x2  }
0x238: {  	v9 =	vadd.f32 v9, v7;
	_ =	sdelay $0x1  }
0x239: {  	s0 =	sadd.s32 $0x2, s31;
	[tilespmem:v8+s19+$0x0] =	vst.idx.msk $0xffff, v9  }
0x23a: {  	v8 =	vmov s0;
	v9 =	vld [tilespmem:s29+$0x80]  }
0x23b: {  	v8 =	vand.u32 $0x7E, v8  }
0x23c: {  	v10 =	vadd.s32 v0, v8;
	_ =	sdelay $0x2  }
0x23d: {  	v9 =	vadd.f32 v9, v4;
	_ =	sdelay $0x1  }
0x23e: {  	[tilespmem:v10+s19+$0x0] =	vst.idx.msk $0xffff, v9  }
0x23f: {  	v9 =	vld [tilespmem:s29+$0x90];
	_ =	sdelay $0x1  }
0x240: {  	v10 =	vadd.s32 v1, v8;
	_ =	sdelay $0x2  }
0x241: {  	v9 =	vadd.f32 v9, v5;
	_ =	sdelay $0x1  }
0x242: {  	[tilespmem:v10+s19+$0x0] =	vst.idx.msk $0xffff, v9  }
0x243: {  	v9 =	vld [tilespmem:s29+$0xA0];
	_ =	sdelay $0x1  }
0x244: {  	v10 =	vadd.s32 v2, v8;
	_ =	sdelay $0x2  }
0x245: {  	v9 =	vadd.f32 v9, v6;
	_ =	sdelay $0x1  }
0x246: {  	[tilespmem:v10+s19+$0x0] =	vst.idx.msk $0xffff, v9  }
0x247: {  	v9 =	vld [tilespmem:s29+$0xB0];
	_ =	sdelay $0x1  }
0x248: {  	v8 =	vadd.s32 v3, v8;
	_ =	sdelay $0x2  }
0x249: {  	v9 =	vadd.f32 v9, v7;
	_ =	sdelay $0x1  }
0x24a: {  	s0 =	sadd.s32 $0x3, s31;
	[tilespmem:v8+s19+$0x0] =	vst.idx.msk $0xffff, v9  }
0x24b: {  	v8 =	vmov s0;
	v9 =	vld [tilespmem:s29+$0xC0]  }
0x24c: {  	v8 =	vand.u32 $0x7F, v8  }
0x24d: {  	v10 =	vadd.s32 v0, v8;
	_ =	sdelay $0x2  }
0x24e: {  	v9 =	vadd.f32 v9, v4;
	_ =	sdelay $0x1  }
0x24f: {  	[tilespmem:v10+s19+$0x0] =	vst.idx.msk $0xffff, v9  }
0x250: {  	v9 =	vld [tilespmem:s29+$0xD0];
	_ =	sdelay $0x1  }
0x251: {  	v10 =	vadd.s32 v1, v8;
	_ =	sdelay $0x2  }
0x252: {  	v9 =	vadd.f32 v9, v5;
	_ =	sdelay $0x1  }
0x253: {  	[tilespmem:v10+s19+$0x0] =	vst.idx.msk $0xffff, v9  }
0x254: {  	v9 =	vld [tilespmem:s29+$0xE0];
	_ =	sdelay $0x1  }
0x255: {  	v10 =	vadd.s32 v2, v8;
	_ =	sdelay $0x2  }
0x256: {  	v9 =	vadd.f32 v9, v6;
	_ =	sdelay $0x1  }
0x257: {  	[tilespmem:v10+s19+$0x0] =	vst.idx.msk $0xffff, v9  }
0x258: {  	v9 =	vld [tilespmem:s29+$0xF0]  }
.Ltmp9:
0x259: {  	(pc) =	sbr.rel @p0 .LBB2_32-.Ltmp9, $2  }
0x25a: {  	v8 =	vadd.s32 v3, v8;
	_ =	sdelay $0x2  }
0x25b: {  	v9 =	vadd.f32 v9, v7  }
0x25c: {  	_ = 	snop  }
0x25d: {  	s0 =	sshll.u32 s28, $0x12  }
0x25e: {  	s0 =	sor.u32 s10, s0  }
0x25f: {  	s0 =	sshrl.u32 s0, $0x3  }
0x260: {  	s1 =	simm.s32 $0x10400;
	[tilespmem:v8+s19+$0x0] =	vst.idx.msk $0xffff, v9;
	s0 =	sadd.s32 s2, s0  }
0x261: {  	[hbm4b:s0+s3] =	stream.linear.scatter [tilespmem:s1], [sflag:$0x4], $0x80, $0x38;
	[tilespmem:$0x1AC00] =	vst v63  }
0x262: {  	s1 =	simm.s32 $0x10488;
	s12 =	sadd.s32 $0x10, s0  }
0x263: {  	[hbm4b:s12+s3] =	stream.linear.scatter [tilespmem:s1], [sflag:$0x4], $0x80, $0x38;
	[tilespmem:$0x1AC00] =	vst v63  }
0x264: {  	s1 =	simm.s32 $0x10510;
	s12 =	sadd.s32 $0x20, s0  }
0x265: {  	[hbm4b:s12+s3] =	stream.linear.scatter [tilespmem:s1], [sflag:$0x4], $0x80, $0x38;
	[tilespmem:$0x1AC00] =	vst v63  }
0x266: {  	s1 =	simm.s32 $0x10598;
	s12 =	sadd.s32 $0x30, s0  }
0x267: {  	[hbm4b:s12+s3] =	stream.linear.scatter [tilespmem:s1], [sflag:$0x4], $0x80, $0x38;
	[tilespmem:$0x1AC00] =	vst v63  }
0x268: {  	s1 =	simm.s32 $0x10620;
	s12 =	sadd.s32 $0x40, s0  }
0x269: {  	[hbm4b:s12+s3] =	stream.linear.scatter [tilespmem:s1], [sflag:$0x4], $0x80, $0x38;
	[tilespmem:$0x1AC00] =	vst v63  }
0x26a: {  	s28 =	simm.s32 $0x440;
	s1 =	simm.s32 $0x106A8;
	s12 =	sadd.s32 $0x50, s0  }
0x26b: {  	[hbm4b:s12+s3] =	stream.linear.scatter [tilespmem:s1], [sflag:$0x4], $0x80, $0x38;
	[tilespmem:$0x1AC00] =	vst v63  }
0x26c: {  	s30 =	simm.s32 $0x2200;
	s1 =	simm.s32 $0x10730;
	s12 =	sadd.s32 $0x60, s0  }
0x26d: {  	[hbm4b:s12+s3] =	stream.linear.scatter [tilespmem:s1], [sflag:$0x4], $0x80, $0x38;
	[tilespmem:$0x1AC00] =	vst v63  }
0x26e: {  	s31 =	simm.s32 $0x107B8;
	s29 =	sadd.s32 $0x1000, s0;
	s1 =	sadd.s32 $0x70, s0  }
.LBB2_34:
0x26f: {  	[hbm4b:s1+s3] =	stream.linear.scatter [tilespmem:s31], [sflag:$0x4], $0x80, $0x38;
	[tilespmem:$0x1AC00] =	vst v63  }
0x270: {  	s0 =	smov.u32 s28;
	s1 =	smov.u32 s30  }
0x271: {  	s12 =	sadd.s32 $0x1100, s30;
	s28 =	sshra.s32 s1, $0x2;
	s1 =	sadd.s32 $0x10400, s0  }
0x272: {  	[hbm4b:s29+s3] =	stream.linear.scatter [tilespmem:s1], [sflag:$0x4], $0x80, $0x38;
	[tilespmem:$0x1AC00] =	vst v63  }
0x273: {  	p0 =	sne.s32 s30, $0x7700;
	s30 =	sadd.s32 $0x10, s29;
	s1 =	sadd.s32 $0x10488, s0  }
0x274: {  	[hbm4b:s30+s3] =	stream.linear.scatter [tilespmem:s1], [sflag:$0x4], $0x80, $0x38;
	[tilespmem:$0x1AC00] =	vst v63  }
0x275: {  	s1 =	sadd.s32 $0x10510, s0;
	s30 =	sadd.s32 $0x20, s29  }
0x276: {  	[hbm4b:s30+s3] =	stream.linear.scatter [tilespmem:s1], [sflag:$0x4], $0x80, $0x38;
	[tilespmem:$0x1AC00] =	vst v63  }
0x277: {  	s1 =	sadd.s32 $0x10598, s0;
	s30 =	sadd.s32 $0x30, s29  }
0x278: {  	[hbm4b:s30+s3] =	stream.linear.scatter [tilespmem:s1], [sflag:$0x4], $0x80, $0x38;
	[tilespmem:$0x1AC00] =	vst v63  }
0x279: {  	s1 =	sadd.s32 $0x10620, s0;
	s30 =	sadd.s32 $0x40, s29  }
0x27a: {  	[hbm4b:s30+s3] =	stream.linear.scatter [tilespmem:s1], [sflag:$0x4], $0x80, $0x38;
	[tilespmem:$0x1AC00] =	vst v63  }
.Ltmp10:
0x27b: {  	s1 =	sadd.s32 $0x106A8, s0;
	s30 =	sadd.s32 $0x50, s29;
	(pc) =	sbr.rel @p0 .LBB2_34-.Ltmp10, $4  }
0x27c: {  	[hbm4b:s30+s3] =	stream.linear.scatter [tilespmem:s1], [sflag:$0x4], $0x80, $0x38;
	[tilespmem:$0x1AC00] =	vst v63  }
0x27d: {  	s31 =	sadd.s32 $0x107B8, s0;
	s1 =	sadd.s32 $0x10730, s0;
	s30 =	sadd.s32 $0x60, s29  }
0x27e: {  	[hbm4b:s30+s3] =	stream.linear.scatter [tilespmem:s1], [sflag:$0x4], $0x80, $0x38;
	[tilespmem:$0x1AC00] =	vst v63  }
0x27f: {  	s1 =	sadd.s32 $0x70, s29;
	s29 =	sadd.s32 $0x1000, s29;
	s30 =	smov.u32 s12  }
0x280: {  	[hbm4b:s1+s3] =	stream.linear.scatter [tilespmem:s31], [sflag:$0x4], $0x80, $0x38;
	[tilespmem:$0x1AC00] =	vst v63  }
0x281: {  	s0 =	sadd.s32 $0x10400, s28  }
0x282: {  	[hbm4b:s29+s3] =	stream.linear.scatter [tilespmem:s0], [sflag:$0x4], $0x80, $0x38;
	[tilespmem:$0x1AC00] =	vst v63  }
0x283: {  	s1 =	sadd.s32 $0x10488, s28;
	s12 =	sadd.s32 $0x10, s29  }
0x284: {  	[hbm4b:s12+s3] =	stream.linear.scatter [tilespmem:s1], [sflag:$0x4], $0x80, $0x38;
	[tilespmem:$0x1AC00] =	vst v63  }
0x285: {  	s30 =	sadd.s32 $0x10510, s28;
	s31 =	sadd.s32 $0x20, s29  }
0x286: {  	[hbm4b:s31+s3] =	stream.linear.scatter [tilespmem:s30], [sflag:$0x4], $0x80, $0x38;
	[tilespmem:$0x1AC00] =	vst v63  }
0x287: {  	s1 =	sadd.s32 $0x10598, s28;
	s12 =	sadd.s32 $0x30, s29  }
0x288: {  	[hbm4b:s12+s3] =	stream.linear.scatter [tilespmem:s1], [sflag:$0x4], $0x80, $0x38;
	[tilespmem:$0x1AC00] =	vst v63  }
0x289: {  	s30 =	sadd.s32 $0x10620, s28;
	s31 =	sadd.s32 $0x40, s29  }
0x28a: {  	[hbm4b:s31+s3] =	stream.linear.scatter [tilespmem:s30], [sflag:$0x4], $0x80, $0x38;
	[tilespmem:$0x1AC00] =	vst v63  }
0x28b: {  	s1 =	sadd.s32 $0x106A8, s28;
	s12 =	sadd.s32 $0x50, s29  }
0x28c: {  	[hbm4b:s12+s3] =	stream.linear.scatter [tilespmem:s1], [sflag:$0x4], $0x80, $0x38;
	[tilespmem:$0x1AC00] =	vst v63  }
0x28d: {  	s30 =	sadd.s32 $0x10730, s28;
	s31 =	sadd.s32 $0x60, s29  }
0x28e: {  	[hbm4b:s31+s3] =	stream.linear.scatter [tilespmem:s30], [sflag:$0x4], $0x80, $0x38;
	[tilespmem:$0x1AC00] =	vst v63  }
0x28f: {  	s1 =	sadd.s32 $0x107B8, s28;
	s12 =	sadd.s32 $0x70, s29  }
0x290: {  	[hbm4b:s12+s3] =	stream.linear.scatter [tilespmem:s1], [sflag:$0x4], $0x80, $0x38;
	[tilespmem:$0x1AC00] =	vst v63  }
0x291: {  	s26 =	sor.u32 $0x3, s26;
	_ =	swait.ge [sflag:s20], $0x2000  }
0x292: {  	s30 =	sshll.u32 s26, $0x7;
	[sflag:s20] =	ssyncset.done $0x0  }
0x293: {  	s0 =	sand.u32 $0x3FFFFF80, s30;
	[sflag:s20] =	ssyncadd.s32 $0xFFFFE000  }
0x294: {  	s28 =	simm.s32 $0xE400;
	s31 =	simm.s32 $0x0;
	v4 =	vld [tilespmem:s0+$0x14800]  }
0x295: {  	v5 =	vmov s31;
	v7 =	vld [tilespmem:s28+$0x0]  }
0x296: {  	v8 =	vand.u32 $0x7C, v5  }
0x297: {  	v9 =	vadd.s32 v0, v8;
	_ =	sdelay $0x2  }
0x298: {  	v5 =	vld [tilespmem:s0+$0x14810];
	v10 =	vadd.f32 v7, v4  }
0x299: {  	v6 =	vld [tilespmem:s0+$0x14820]  }
0x29a: {  	v7 =	vld [tilespmem:s0+$0x14830];
	[tilespmem:v9+s21+$0x0] =	vst.idx.msk $0xffff, v10  }
0x29b: {  	v9 =	vld [tilespmem:s28+$0x10];
	_ =	sdelay $0x1  }
0x29c: {  	v10 =	vadd.s32 v1, v8;
	_ =	sdelay $0x2  }
0x29d: {  	v9 =	vadd.f32 v9, v5;
	_ =	sdelay $0x1  }
0x29e: {  	[tilespmem:v10+s21+$0x0] =	vst.idx.msk $0xffff, v9  }
0x29f: {  	v9 =	vld [tilespmem:s28+$0x20];
	_ =	sdelay $0x1  }
0x2a0: {  	v10 =	vadd.s32 v2, v8;
	_ =	sdelay $0x2  }
0x2a1: {  	v9 =	vadd.f32 v9, v6;
	_ =	sdelay $0x1  }
0x2a2: {  	[tilespmem:v10+s21+$0x0] =	vst.idx.msk $0xffff, v9  }
0x2a3: {  	v9 =	vld [tilespmem:s28+$0x30];
	_ =	sdelay $0x1  }
0x2a4: {  	v8 =	vadd.s32 v3, v8;
	_ =	sdelay $0x2  }
0x2a5: {  	v9 =	vadd.f32 v9, v7;
	_ =	sdelay $0x1  }
0x2a6: {  	s12 =	simm.s32 $0x1;
	[tilespmem:v8+s21+$0x0] =	vst.idx.msk $0xffff, v9  }
0x2a7: {  	v8 =	vmov s12;
	v9 =	vld [tilespmem:s28+$0x40]  }
0x2a8: {  	v8 =	vand.u32 $0x7D, v8  }
0x2a9: {  	v10 =	vadd.s32 v0, v8;
	_ =	sdelay $0x2  }
0x2aa: {  	v9 =	vadd.f32 v9, v4;
	_ =	sdelay $0x1  }
0x2ab: {  	[tilespmem:v10+s21+$0x0] =	vst.idx.msk $0xffff, v9  }
0x2ac: {  	v9 =	vld [tilespmem:s28+$0x50];
	_ =	sdelay $0x1  }
0x2ad: {  	v10 =	vadd.s32 v1, v8;
	_ =	sdelay $0x2  }
0x2ae: {  	v9 =	vadd.f32 v9, v5;
	_ =	sdelay $0x1  }
0x2af: {  	[tilespmem:v10+s21+$0x0] =	vst.idx.msk $0xffff, v9  }
0x2b0: {  	v9 =	vld [tilespmem:s28+$0x60];
	_ =	sdelay $0x1  }
0x2b1: {  	v10 =	vadd.s32 v2, v8;
	_ =	sdelay $0x2  }
0x2b2: {  	v9 =	vadd.f32 v9, v6;
	_ =	sdelay $0x1  }
0x2b3: {  	[tilespmem:v10+s21+$0x0] =	vst.idx.msk $0xffff, v9  }
0x2b4: {  	v9 =	vld [tilespmem:s28+$0x70];
	_ =	sdelay $0x1  }
0x2b5: {  	v8 =	vadd.s32 v3, v8;
	_ =	sdelay $0x2  }
0x2b6: {  	v9 =	vadd.f32 v9, v7;
	_ =	sdelay $0x1  }
0x2b7: {  	s30 =	simm.s32 $0x2;
	[tilespmem:v8+s21+$0x0] =	vst.idx.msk $0xffff, v9  }
0x2b8: {  	v8 =	vmov s30;
	v9 =	vld [tilespmem:s28+$0x80]  }
0x2b9: {  	v8 =	vand.u32 $0x7E, v8  }
0x2ba: {  	v10 =	vadd.s32 v0, v8;
	_ =	sdelay $0x2  }
0x2bb: {  	v9 =	vadd.f32 v9, v4;
	_ =	sdelay $0x1  }
0x2bc: {  	[tilespmem:v10+s21+$0x0] =	vst.idx.msk $0xffff, v9  }
0x2bd: {  	v9 =	vld [tilespmem:s28+$0x90];
	_ =	sdelay $0x1  }
0x2be: {  	v10 =	vadd.s32 v1, v8;
	_ =	sdelay $0x2  }
0x2bf: {  	v9 =	vadd.f32 v9, v5;
	_ =	sdelay $0x1  }
0x2c0: {  	[tilespmem:v10+s21+$0x0] =	vst.idx.msk $0xffff, v9  }
0x2c1: {  	v9 =	vld [tilespmem:s28+$0xA0];
	_ =	sdelay $0x1  }
0x2c2: {  	v10 =	vadd.s32 v2, v8;
	_ =	sdelay $0x2  }
0x2c3: {  	v9 =	vadd.f32 v9, v6;
	_ =	sdelay $0x1  }
0x2c4: {  	[tilespmem:v10+s21+$0x0] =	vst.idx.msk $0xffff, v9  }
0x2c5: {  	v9 =	vld [tilespmem:s28+$0xB0];
	_ =	sdelay $0x1  }
0x2c6: {  	v8 =	vadd.s32 v3, v8;
	_ =	sdelay $0x2  }
0x2c7: {  	v9 =	vadd.f32 v9, v7;
	_ =	sdelay $0x1  }
0x2c8: {  	s31 =	simm.s32 $0x3;
	[tilespmem:v8+s21+$0x0] =	vst.idx.msk $0xffff, v9  }
0x2c9: {  	v8 =	vmov s31;
	v9 =	vld [tilespmem:s28+$0xC0]  }
0x2ca: {  	v8 =	vand.u32 $0x7F, v8  }
0x2cb: {  	v10 =	vadd.s32 v0, v8;
	_ =	sdelay $0x2  }
0x2cc: {  	v9 =	vadd.f32 v9, v4;
	_ =	sdelay $0x1  }
0x2cd: {  	[tilespmem:v10+s21+$0x0] =	vst.idx.msk $0xffff, v9  }
0x2ce: {  	v9 =	vld [tilespmem:s28+$0xD0];
	_ =	sdelay $0x1  }
0x2cf: {  	v10 =	vadd.s32 v1, v8;
	_ =	sdelay $0x2  }
0x2d0: {  	v9 =	vadd.f32 v9, v5;
	_ =	sdelay $0x1  }
0x2d1: {  	[tilespmem:v10+s21+$0x0] =	vst.idx.msk $0xffff, v9  }
0x2d2: {  	v9 =	vld [tilespmem:s28+$0xE0];
	_ =	sdelay $0x1  }
0x2d3: {  	v10 =	vadd.s32 v2, v8;
	_ =	sdelay $0x2  }
0x2d4: {  	v9 =	vadd.f32 v9, v6;
	_ =	sdelay $0x1  }
0x2d5: {  	[tilespmem:v10+s21+$0x0] =	vst.idx.msk $0xffff, v9  }
0x2d6: {  	v9 =	vld [tilespmem:s28+$0xF0];
	_ =	sdelay $0x1  }
0x2d7: {  	v8 =	vadd.s32 v3, v8;
	_ =	sdelay $0x2  }
0x2d8: {  	s29 =	simm.s32 $0x4;
	v9 =	vadd.f32 v9, v7  }
.LBB2_36:
0x2d9: {  	p0 =	slt.u32 s29, $0x7C  }
0x2da: {  	s28 =	sadd.s32 $0x100, s28;
	s30 =	smov.u32 s29;
	s29 =	sadd.s32 $0x4, s29;
	[tilespmem:v8+s21+$0x0] =	vst.idx.msk $0xffff, v9  }
0x2db: {  	v8 =	vmov s30;
	v9 =	vld [tilespmem:s28+$0x0]  }
0x2dc: {  	v8 =	vand.u32 $0x7C, v8  }
0x2dd: {  	v10 =	vadd.s32 v0, v8;
	_ =	sdelay $0x2  }
0x2de: {  	v9 =	vadd.f32 v9, v4;
	_ =	sdelay $0x1  }
0x2df: {  	[tilespmem:v10+s21+$0x0] =	vst.idx.msk $0xffff, v9  }
0x2e0: {  	v9 =	vld [tilespmem:s28+$0x10];
	_ =	sdelay $0x1  }
0x2e1: {  	v10 =	vadd.s32 v1, v8;
	_ =	sdelay $0x2  }
0x2e2: {  	v9 =	vadd.f32 v9, v5;
	_ =	sdelay $0x1  }
0x2e3: {  	[tilespmem:v10+s21+$0x0] =	vst.idx.msk $0xffff, v9  }
0x2e4: {  	v9 =	vld [tilespmem:s28+$0x20];
	_ =	sdelay $0x1  }
0x2e5: {  	v10 =	vadd.s32 v2, v8;
	_ =	sdelay $0x2  }
0x2e6: {  	v9 =	vadd.f32 v9, v6;
	_ =	sdelay $0x1  }
0x2e7: {  	[tilespmem:v10+s21+$0x0] =	vst.idx.msk $0xffff, v9  }
0x2e8: {  	v9 =	vld [tilespmem:s28+$0x30];
	_ =	sdelay $0x1  }
0x2e9: {  	v8 =	vadd.s32 v3, v8;
	_ =	sdelay $0x2  }
0x2ea: {  	v9 =	vadd.f32 v9, v7;
	_ =	sdelay $0x1  }
0x2eb: {  	s0 =	sadd.s32 $0x1, s30;
	[tilespmem:v8+s21+$0x0] =	vst.idx.msk $0xffff, v9  }
0x2ec: {  	v8 =	vmov s0;
	v9 =	vld [tilespmem:s28+$0x40]  }
0x2ed: {  	v8 =	vand.u32 $0x7D, v8  }
0x2ee: {  	v10 =	vadd.s32 v0, v8;
	_ =	sdelay $0x2  }
0x2ef: {  	v9 =	vadd.f32 v9, v4;
	_ =	sdelay $0x1  }
0x2f0: {  	[tilespmem:v10+s21+$0x0] =	vst.idx.msk $0xffff, v9  }
0x2f1: {  	v9 =	vld [tilespmem:s28+$0x50];
	_ =	sdelay $0x1  }
0x2f2: {  	v10 =	vadd.s32 v1, v8;
	_ =	sdelay $0x2  }
0x2f3: {  	v9 =	vadd.f32 v9, v5;
	_ =	sdelay $0x1  }
0x2f4: {  	[tilespmem:v10+s21+$0x0] =	vst.idx.msk $0xffff, v9  }
0x2f5: {  	v9 =	vld [tilespmem:s28+$0x60];
	_ =	sdelay $0x1  }
0x2f6: {  	v10 =	vadd.s32 v2, v8;
	_ =	sdelay $0x2  }
0x2f7: {  	v9 =	vadd.f32 v9, v6;
	_ =	sdelay $0x1  }
0x2f8: {  	[tilespmem:v10+s21+$0x0] =	vst.idx.msk $0xffff, v9  }
0x2f9: {  	v9 =	vld [tilespmem:s28+$0x70];
	_ =	sdelay $0x1  }
0x2fa: {  	v8 =	vadd.s32 v3, v8;
	_ =	sdelay $0x2  }
0x2fb: {  	v9 =	vadd.f32 v9, v7;
	_ =	sdelay $0x1  }
0x2fc: {  	s0 =	sadd.s32 $0x2, s30;
	[tilespmem:v8+s21+$0x0] =	vst.idx.msk $0xffff, v9  }
0x2fd: {  	v8 =	vmov s0;
	v9 =	vld [tilespmem:s28+$0x80]  }
0x2fe: {  	v8 =	vand.u32 $0x7E, v8  }
0x2ff: {  	v10 =	vadd.s32 v0, v8;
	_ =	sdelay $0x2  }
0x300: {  	v9 =	vadd.f32 v9, v4;
	_ =	sdelay $0x1  }
0x301: {  	[tilespmem:v10+s21+$0x0] =	vst.idx.msk $0xffff, v9  }
0x302: {  	v9 =	vld [tilespmem:s28+$0x90];
	_ =	sdelay $0x1  }
0x303: {  	v10 =	vadd.s32 v1, v8;
	_ =	sdelay $0x2  }
0x304: {  	v9 =	vadd.f32 v9, v5;
	_ =	sdelay $0x1  }
0x305: {  	[tilespmem:v10+s21+$0x0] =	vst.idx.msk $0xffff, v9  }
0x306: {  	v9 =	vld [tilespmem:s28+$0xA0];
	_ =	sdelay $0x1  }
0x307: {  	v10 =	vadd.s32 v2, v8;
	_ =	sdelay $0x2  }
0x308: {  	v9 =	vadd.f32 v9, v6;
	_ =	sdelay $0x1  }
0x309: {  	[tilespmem:v10+s21+$0x0] =	vst.idx.msk $0xffff, v9  }
0x30a: {  	v9 =	vld [tilespmem:s28+$0xB0];
	_ =	sdelay $0x1  }
0x30b: {  	v8 =	vadd.s32 v3, v8;
	_ =	sdelay $0x2  }
0x30c: {  	v9 =	vadd.f32 v9, v7;
	_ =	sdelay $0x1  }
0x30d: {  	s0 =	sadd.s32 $0x3, s30;
	[tilespmem:v8+s21+$0x0] =	vst.idx.msk $0xffff, v9  }
0x30e: {  	v8 =	vmov s0;
	v9 =	vld [tilespmem:s28+$0xC0]  }
0x30f: {  	v8 =	vand.u32 $0x7F, v8  }
0x310: {  	v10 =	vadd.s32 v0, v8;
	_ =	sdelay $0x2  }
0x311: {  	v9 =	vadd.f32 v9, v4;
	_ =	sdelay $0x1  }
0x312: {  	[tilespmem:v10+s21+$0x0] =	vst.idx.msk $0xffff, v9  }
0x313: {  	v9 =	vld [tilespmem:s28+$0xD0];
	_ =	sdelay $0x1  }
0x314: {  	v10 =	vadd.s32 v1, v8;
	_ =	sdelay $0x2  }
0x315: {  	v9 =	vadd.f32 v9, v5;
	_ =	sdelay $0x1  }
0x316: {  	[tilespmem:v10+s21+$0x0] =	vst.idx.msk $0xffff, v9  }
0x317: {  	v9 =	vld [tilespmem:s28+$0xE0];
	_ =	sdelay $0x1  }
0x318: {  	v10 =	vadd.s32 v2, v8;
	_ =	sdelay $0x2  }
0x319: {  	v9 =	vadd.f32 v9, v6;
	_ =	sdelay $0x1  }
0x31a: {  	[tilespmem:v10+s21+$0x0] =	vst.idx.msk $0xffff, v9  }
0x31b: {  	v9 =	vld [tilespmem:s28+$0xF0]  }
.Ltmp11:
0x31c: {  	(pc) =	sbr.rel @p0 .LBB2_36-.Ltmp11, $2  }
0x31d: {  	v8 =	vadd.s32 v3, v8;
	_ =	sdelay $0x2  }
0x31e: {  	v9 =	vadd.f32 v9, v7  }
0x31f: {  	_ = 	snop  }
0x320: {  	s0 =	sshll.u32 s26, $0x12  }
0x321: {  	s0 =	sor.u32 s10, s0  }
0x322: {  	s0 =	sshrl.u32 s0, $0x3  }
0x323: {  	s1 =	simm.s32 $0x12600;
	[tilespmem:v8+s21+$0x0] =	vst.idx.msk $0xffff, v9;
	s0 =	sadd.s32 s2, s0  }
0x324: {  	[hbm4b:s0+s3] =	stream.linear.scatter [tilespmem:s1], [sflag:$0x5], $0x80, $0x38;
	[tilespmem:$0x1AC00] =	vst v63  }
0x325: {  	s31 =	simm.s32 $0x12688;
	s12 =	sadd.s32 $0x10, s0  }
0x326: {  	[hbm4b:s12+s3] =	stream.linear.scatter [tilespmem:s31], [sflag:$0x5], $0x80, $0x38;
	[tilespmem:$0x1AC00] =	vst v63  }
0x327: {  	s26 =	simm.s32 $0x12710;
	s31 =	sadd.s32 $0x20, s0  }
0x328: {  	[hbm4b:s31+s3] =	stream.linear.scatter [tilespmem:s26], [sflag:$0x5], $0x80, $0x38;
	[tilespmem:$0x1AC00] =	vst v63  }
0x329: {  	s26 =	simm.s32 $0x12798;
	s31 =	sadd.s32 $0x30, s0  }
0x32a: {  	[hbm4b:s31+s3] =	stream.linear.scatter [tilespmem:s26], [sflag:$0x5], $0x80, $0x38;
	[tilespmem:$0x1AC00] =	vst v63  }
0x32b: {  	s26 =	simm.s32 $0x12820;
	s31 =	sadd.s32 $0x40, s0  }
0x32c: {  	[hbm4b:s31+s3] =	stream.linear.scatter [tilespmem:s26], [sflag:$0x5], $0x80, $0x38;
	[tilespmem:$0x1AC00] =	vst v63  }
0x32d: {  	s29 =	simm.s32 $0x2200;
	s26 =	simm.s32 $0x128A8;
	s31 =	sadd.s32 $0x50, s0  }
0x32e: {  	[hbm4b:s31+s3] =	stream.linear.scatter [tilespmem:s26], [sflag:$0x5], $0x80, $0x38;
	[tilespmem:$0x1AC00] =	vst v63  }
0x32f: {  	s30 =	simm.s32 $0x129B8;
	s26 =	simm.s32 $0x12930;
	s31 =	sadd.s32 $0x60, s0  }
0x330: {  	[hbm4b:s31+s3] =	stream.linear.scatter [tilespmem:s26], [sflag:$0x5], $0x80, $0x38;
	[tilespmem:$0x1AC00] =	vst v63  }
0x331: {  	s1 =	sadd.s32 $0x70, s0;
	s28 =	sadd.s32 $0x1000, s0;
	s26 =	simm.s32 $0x440  }
.LBB2_38:
0x332: {  	[hbm4b:s1+s3] =	stream.linear.scatter [tilespmem:s30], [sflag:$0x5], $0x80, $0x38;
	[tilespmem:$0x1AC00] =	vst v63  }
0x333: {  	s0 =	smov.u32 s26;
	s1 =	smov.u32 s29  }
0x334: {  	s12 =	sadd.s32 $0x1100, s29;
	s26 =	sshra.s32 s1, $0x2;
	s1 =	sadd.s32 $0x12600, s0  }
0x335: {  	[hbm4b:s28+s3] =	stream.linear.scatter [tilespmem:s1], [sflag:$0x5], $0x80, $0x38;
	[tilespmem:$0x1AC00] =	vst v63  }
0x336: {  	p0 =	sne.s32 s29, $0x7700;
	s29 =	sadd.s32 $0x10, s28;
	s1 =	sadd.s32 $0x12688, s0  }
0x337: {  	[hbm4b:s29+s3] =	stream.linear.scatter [tilespmem:s1], [sflag:$0x5], $0x80, $0x38;
	[tilespmem:$0x1AC00] =	vst v63  }
0x338: {  	s1 =	sadd.s32 $0x12710, s0;
	s29 =	sadd.s32 $0x20, s28  }
0x339: {  	[hbm4b:s29+s3] =	stream.linear.scatter [tilespmem:s1], [sflag:$0x5], $0x80, $0x38;
	[tilespmem:$0x1AC00] =	vst v63  }
0x33a: {  	s1 =	sadd.s32 $0x12798, s0;
	s29 =	sadd.s32 $0x30, s28  }
0x33b: {  	[hbm4b:s29+s3] =	stream.linear.scatter [tilespmem:s1], [sflag:$0x5], $0x80, $0x38;
	[tilespmem:$0x1AC00] =	vst v63  }
0x33c: {  	s1 =	sadd.s32 $0x12820, s0;
	s29 =	sadd.s32 $0x40, s28  }
0x33d: {  	[hbm4b:s29+s3] =	stream.linear.scatter [tilespmem:s1], [sflag:$0x5], $0x80, $0x38;
	[tilespmem:$0x1AC00] =	vst v63  }
.Ltmp12:
0x33e: {  	s1 =	sadd.s32 $0x128A8, s0;
	s29 =	sadd.s32 $0x50, s28;
	(pc) =	sbr.rel @p0 .LBB2_38-.Ltmp12, $4  }
0x33f: {  	[hbm4b:s29+s3] =	stream.linear.scatter [tilespmem:s1], [sflag:$0x5], $0x80, $0x38;
	[tilespmem:$0x1AC00] =	vst v63  }
0x340: {  	s30 =	sadd.s32 $0x129B8, s0;
	s1 =	sadd.s32 $0x12930, s0;
	s29 =	sadd.s32 $0x60, s28  }
0x341: {  	[hbm4b:s29+s3] =	stream.linear.scatter [tilespmem:s1], [sflag:$0x5], $0x80, $0x38;
	[tilespmem:$0x1AC00] =	vst v63  }
0x342: {  	s1 =	sadd.s32 $0x70, s28;
	s28 =	sadd.s32 $0x1000, s28;
	s29 =	smov.u32 s12  }
0x343: {  	[hbm4b:s1+s3] =	stream.linear.scatter [tilespmem:s30], [sflag:$0x5], $0x80, $0x38;
	[tilespmem:$0x1AC00] =	vst v63  }
0x344: {  	s0 =	sadd.s32 $0x12600, s26  }
0x345: {  	[hbm4b:s28+s3] =	stream.linear.scatter [tilespmem:s0], [sflag:$0x5], $0x80, $0x38;
	[tilespmem:$0x1AC00] =	vst v63  }
0x346: {  	s30 =	sadd.s32 $0x12688, s26;
	s31 =	sadd.s32 $0x10, s28  }
0x347: {  	[hbm4b:s31+s3] =	stream.linear.scatter [tilespmem:s30], [sflag:$0x5], $0x80, $0x38;
	[tilespmem:$0x1AC00] =	vst v63  }
0x348: {  	s12 =	sadd.s32 $0x12710, s26;
	s29 =	sadd.s32 $0x20, s28  }
0x349: {  	[hbm4b:s29+s3] =	stream.linear.scatter [tilespmem:s12], [sflag:$0x5], $0x80, $0x38;
	[tilespmem:$0x1AC00] =	vst v63  }
0x34a: {  	s30 =	sadd.s32 $0x12798, s26;
	s31 =	sadd.s32 $0x30, s28  }
0x34b: {  	[hbm4b:s31+s3] =	stream.linear.scatter [tilespmem:s30], [sflag:$0x5], $0x80, $0x38;
	[tilespmem:$0x1AC00] =	vst v63  }
0x34c: {  	s12 =	sadd.s32 $0x12820, s26;
	s29 =	sadd.s32 $0x40, s28  }
0x34d: {  	[hbm4b:s29+s3] =	stream.linear.scatter [tilespmem:s12], [sflag:$0x5], $0x80, $0x38;
	[tilespmem:$0x1AC00] =	vst v63  }
0x34e: {  	s30 =	sadd.s32 $0x128A8, s26;
	s31 =	sadd.s32 $0x50, s28  }
0x34f: {  	[hbm4b:s31+s3] =	stream.linear.scatter [tilespmem:s30], [sflag:$0x5], $0x80, $0x38;
	[tilespmem:$0x1AC00] =	vst v63  }
.Ltmp13:
0x350: {  	_ = 	snop;
	(pc) =	sbr.rel .LBB2_40-.Ltmp13, $4  }
0x351: {  	s12 =	sadd.s32 $0x12930, s26;
	s29 =	sadd.s32 $0x60, s28  }
0x352: {  	[hbm4b:s29+s3] =	stream.linear.scatter [tilespmem:s12], [sflag:$0x5], $0x80, $0x38;
	[tilespmem:$0x1AC00] =	vst v63  }
0x353: {  	s30 =	sadd.s32 $0x129B8, s26;
	s31 =	sadd.s32 $0x70, s28  }
0x354: {  	[hbm4b:s31+s3] =	stream.linear.scatter [tilespmem:s30], [sflag:$0x5], $0x80, $0x38;
	[tilespmem:$0x1AC00] =	vst v63  }
.LBB2_3:
0x355: {  	_ =	swait.ge [sflag:s22], $0x8000  }
0x356: {  	p0 =	sgt.u32 s25, $0x2F;
	[sflag:s22] =	ssyncset.done $0x0  }
0x357: {  	p1 =	seq.s32 @!p0 s25, $0x0;
	[sflag:s22] =	ssyncadd.s32 $0xFFFF8000  }
0x358: {  	s1 =	sshll.u32 @!p0 s25, $0x9;
	p1 =	por p0, !p1;
	_ =	swait.ge [sflag:s14], $0x200  }
.Ltmp14:
0x359: {  	s1 =	sadd.s32 @!p0 s1, s9;
	[sflag:s14] =	ssyncset.done $0x0;
	(pc) =	sbr.rel @!p1 .LBB2_4-.Ltmp14, $4  }
0x35a: {  	s1 =	sshrl.u32 @!p0 s1, $0x3;
	[sflag:s14] =	ssyncadd.s32 $0xFFFFFE00  }
0x35b: {  	[tilespmem:s23], [sflag:$0x3] =	stream.indirect.gather [hbm4b:s5+s15], $0x40, s15, s15, $0xb8;
	[tilespmem:$0x1AC00] =	vst v63  }
0x35c: {  	s26 =	simm.s32 @!p0 $0x0;
	s1 =	sadd.s32 @!p0 s4, s1  }
0x35d: {  	[tilespmem:s26], [sflag:$0x1] =	stream.linear.gather @!p0 [hbm4b:s1+s26], $0x200, $0x38;
	[tilespmem:$0x1AC00] =	vst v63  }
.Ltmp15:
0x35e: {  	(pc) =	sbr.rel .LBB2_6-.Ltmp15, $4  }
0x35f: {  	_ = 	snop  }
0x360: {  	_ =	swait.ge [sflag:s18], $0x2000  }
0x361: {  	[sflag:s18] =	ssyncset.done $0x0  }
0x362: {  	s26 =	sshll.u32 s25, $0x2;
	p0 =	por $0x0, $0x0;
	[sflag:s18] =	ssyncadd.s32 $0xFFFFE000  }
.LBB2_4:
0x363: {  	p0 =	por @!p0 $0x1, $0x1  }
.LBB2_6:
0x364: {  	s1 =	sshll.u32 s25, $0x9;
	s28 =	simm.s32 $0x480  }
0x365: {  	s29 =	simm.s32 $0x0;
	s1 =	sand.u32 $0x3FFFFE00, s1;
	v7 =	vld [tilespmem:s28+$0xFFFFFF80]  }
0x366: {  	v5 =	vmov s29;
	v4 =	vld [tilespmem:s1+$0x14800]  }
0x367: {  	v8 =	vand.u32 $0x7C, v5  }
0x368: {  	v9 =	vadd.s32 v0, v8;
	_ =	sdelay $0x2  }
0x369: {  	v5 =	vld [tilespmem:s1+$0x14810];
	v10 =	vadd.f32 v7, v4  }
0x36a: {  	v6 =	vld [tilespmem:s1+$0x14820]  }
0x36b: {  	v7 =	vld [tilespmem:s1+$0x14830];
	[tilespmem:v9+s19+$0x0] =	vst.idx.msk $0xffff, v10  }
0x36c: {  	v9 =	vld [tilespmem:s28+$0xFFFFFF90];
	_ =	sdelay $0x1  }
0x36d: {  	v10 =	vadd.s32 v1, v8;
	_ =	sdelay $0x2  }
0x36e: {  	v9 =	vadd.f32 v9, v5;
	_ =	sdelay $0x1  }
0x36f: {  	[tilespmem:v10+s19+$0x0] =	vst.idx.msk $0xffff, v9  }
0x370: {  	v9 =	vld [tilespmem:s28+$0xFFFFFFA0];
	_ =	sdelay $0x1  }
0x371: {  	v10 =	vadd.s32 v2, v8;
	_ =	sdelay $0x2  }
0x372: {  	v9 =	vadd.f32 v9, v6;
	_ =	sdelay $0x1  }
0x373: {  	[tilespmem:v10+s19+$0x0] =	vst.idx.msk $0xffff, v9  }
0x374: {  	v9 =	vld [tilespmem:s28+$0xFFFFFFB0];
	_ =	sdelay $0x1  }
0x375: {  	v8 =	vadd.s32 v3, v8;
	_ =	sdelay $0x2  }
0x376: {  	v9 =	vadd.f32 v9, v7;
	_ =	sdelay $0x1  }
0x377: {  	s12 =	simm.s32 $0x1;
	[tilespmem:v8+s19+$0x0] =	vst.idx.msk $0xffff, v9  }
0x378: {  	v8 =	vmov s12;
	v9 =	vld [tilespmem:s28+$0xFFFFFFC0]  }
0x379: {  	v8 =	vand.u32 $0x7D, v8  }
0x37a: {  	v10 =	vadd.s32 v0, v8;
	_ =	sdelay $0x2  }
0x37b: {  	v9 =	vadd.f32 v9, v4;
	_ =	sdelay $0x1  }
0x37c: {  	[tilespmem:v10+s19+$0x0] =	vst.idx.msk $0xffff, v9  }
0x37d: {  	v9 =	vld [tilespmem:s28+$0xFFFFFFD0];
	_ =	sdelay $0x1  }
0x37e: {  	v10 =	vadd.s32 v1, v8;
	_ =	sdelay $0x2  }
0x37f: {  	v9 =	vadd.f32 v9, v5;
	_ =	sdelay $0x1  }
0x380: {  	[tilespmem:v10+s19+$0x0] =	vst.idx.msk $0xffff, v9  }
0x381: {  	v9 =	vld [tilespmem:s28+$0xFFFFFFE0];
	_ =	sdelay $0x1  }
0x382: {  	v10 =	vadd.s32 v2, v8;
	_ =	sdelay $0x2  }
0x383: {  	v9 =	vadd.f32 v9, v6;
	_ =	sdelay $0x1  }
0x384: {  	[tilespmem:v10+s19+$0x0] =	vst.idx.msk $0xffff, v9  }
0x385: {  	v9 =	vld [tilespmem:s28+$0xFFFFFFF0];
	_ =	sdelay $0x1  }
0x386: {  	v8 =	vadd.s32 v3, v8;
	_ =	sdelay $0x2  }
0x387: {  	v9 =	vadd.f32 v9, v7;
	_ =	sdelay $0x1  }
0x388: {  	s30 =	simm.s32 $0x2;
	[tilespmem:v8+s19+$0x0] =	vst.idx.msk $0xffff, v9  }
0x389: {  	v8 =	vmov s30;
	v9 =	vld [tilespmem:s28+$0x0]  }
0x38a: {  	v8 =	vand.u32 $0x7E, v8  }
0x38b: {  	v10 =	vadd.s32 v0, v8;
	_ =	sdelay $0x2  }
0x38c: {  	v9 =	vadd.f32 v9, v4;
	_ =	sdelay $0x1  }
0x38d: {  	[tilespmem:v10+s19+$0x0] =	vst.idx.msk $0xffff, v9  }
0x38e: {  	v9 =	vld [tilespmem:s28+$0x10];
	_ =	sdelay $0x1  }
0x38f: {  	v10 =	vadd.s32 v1, v8;
	_ =	sdelay $0x2  }
0x390: {  	v9 =	vadd.f32 v9, v5;
	_ =	sdelay $0x1  }
0x391: {  	[tilespmem:v10+s19+$0x0] =	vst.idx.msk $0xffff, v9  }
0x392: {  	v9 =	vld [tilespmem:s28+$0x20];
	_ =	sdelay $0x1  }
0x393: {  	v10 =	vadd.s32 v2, v8;
	_ =	sdelay $0x2  }
0x394: {  	v9 =	vadd.f32 v9, v6;
	_ =	sdelay $0x1  }
0x395: {  	[tilespmem:v10+s19+$0x0] =	vst.idx.msk $0xffff, v9  }
0x396: {  	v9 =	vld [tilespmem:s28+$0x30];
	_ =	sdelay $0x1  }
0x397: {  	v8 =	vadd.s32 v3, v8;
	_ =	sdelay $0x2  }
0x398: {  	v9 =	vadd.f32 v9, v7;
	_ =	sdelay $0x1  }
0x399: {  	s31 =	simm.s32 $0x3;
	[tilespmem:v8+s19+$0x0] =	vst.idx.msk $0xffff, v9  }
0x39a: {  	v8 =	vmov s31;
	v9 =	vld [tilespmem:s28+$0x40]  }
0x39b: {  	v8 =	vand.u32 $0x7F, v8  }
0x39c: {  	v10 =	vadd.s32 v0, v8;
	_ =	sdelay $0x2  }
0x39d: {  	v9 =	vadd.f32 v9, v4;
	_ =	sdelay $0x1  }
0x39e: {  	[tilespmem:v10+s19+$0x0] =	vst.idx.msk $0xffff, v9  }
0x39f: {  	v9 =	vld [tilespmem:s28+$0x50];
	_ =	sdelay $0x1  }
0x3a0: {  	v10 =	vadd.s32 v1, v8;
	_ =	sdelay $0x2  }
0x3a1: {  	v9 =	vadd.f32 v9, v5;
	_ =	sdelay $0x1  }
0x3a2: {  	[tilespmem:v10+s19+$0x0] =	vst.idx.msk $0xffff, v9  }
0x3a3: {  	v9 =	vld [tilespmem:s28+$0x60];
	_ =	sdelay $0x1  }
0x3a4: {  	v10 =	vadd.s32 v2, v8;
	_ =	sdelay $0x2  }
0x3a5: {  	v9 =	vadd.f32 v9, v6;
	_ =	sdelay $0x1  }
0x3a6: {  	[tilespmem:v10+s19+$0x0] =	vst.idx.msk $0xffff, v9  }
0x3a7: {  	v9 =	vld [tilespmem:s28+$0x70];
	_ =	sdelay $0x1  }
0x3a8: {  	v8 =	vadd.s32 v3, v8;
	_ =	sdelay $0x2  }
0x3a9: {  	s29 =	simm.s32 $0x4;
	v9 =	vadd.f32 v9, v7  }
.LBB2_7:
0x3aa: {  	p1 =	slt.u32 s29, $0x7C  }
0x3ab: {  	s28 =	sadd.s32 $0x100, s28;
	s30 =	smov.u32 s29;
	s29 =	sadd.s32 $0x4, s29;
	[tilespmem:v8+s19+$0x0] =	vst.idx.msk $0xffff, v9  }
0x3ac: {  	v8 =	vmov s30;
	v9 =	vld [tilespmem:s28+$0xFFFFFF80]  }
0x3ad: {  	v8 =	vand.u32 $0x7C, v8  }
0x3ae: {  	v10 =	vadd.s32 v0, v8;
	_ =	sdelay $0x2  }
0x3af: {  	v9 =	vadd.f32 v9, v4;
	_ =	sdelay $0x1  }
0x3b0: {  	[tilespmem:v10+s19+$0x0] =	vst.idx.msk $0xffff, v9  }
0x3b1: {  	v9 =	vld [tilespmem:s28+$0xFFFFFF90];
	_ =	sdelay $0x1  }
0x3b2: {  	v10 =	vadd.s32 v1, v8;
	_ =	sdelay $0x2  }
0x3b3: {  	v9 =	vadd.f32 v9, v5;
	_ =	sdelay $0x1  }
0x3b4: {  	[tilespmem:v10+s19+$0x0] =	vst.idx.msk $0xffff, v9  }
0x3b5: {  	v9 =	vld [tilespmem:s28+$0xFFFFFFA0];
	_ =	sdelay $0x1  }
0x3b6: {  	v10 =	vadd.s32 v2, v8;
	_ =	sdelay $0x2  }
0x3b7: {  	v9 =	vadd.f32 v9, v6;
	_ =	sdelay $0x1  }
0x3b8: {  	[tilespmem:v10+s19+$0x0] =	vst.idx.msk $0xffff, v9  }
0x3b9: {  	v9 =	vld [tilespmem:s28+$0xFFFFFFB0];
	_ =	sdelay $0x1  }
0x3ba: {  	v8 =	vadd.s32 v3, v8;
	_ =	sdelay $0x2  }
0x3bb: {  	v9 =	vadd.f32 v9, v7;
	_ =	sdelay $0x1  }
0x3bc: {  	s1 =	sadd.s32 $0x1, s30;
	[tilespmem:v8+s19+$0x0] =	vst.idx.msk $0xffff, v9  }
0x3bd: {  	v8 =	vmov s1;
	v9 =	vld [tilespmem:s28+$0xFFFFFFC0]  }
0x3be: {  	v8 =	vand.u32 $0x7D, v8  }
0x3bf: {  	v10 =	vadd.s32 v0, v8;
	_ =	sdelay $0x2  }
0x3c0: {  	v9 =	vadd.f32 v9, v4;
	_ =	sdelay $0x1  }
0x3c1: {  	[tilespmem:v10+s19+$0x0] =	vst.idx.msk $0xffff, v9  }
0x3c2: {  	v9 =	vld [tilespmem:s28+$0xFFFFFFD0];
	_ =	sdelay $0x1  }
0x3c3: {  	v10 =	vadd.s32 v1, v8;
	_ =	sdelay $0x2  }
0x3c4: {  	v9 =	vadd.f32 v9, v5;
	_ =	sdelay $0x1  }
0x3c5: {  	[tilespmem:v10+s19+$0x0] =	vst.idx.msk $0xffff, v9  }
0x3c6: {  	v9 =	vld [tilespmem:s28+$0xFFFFFFE0];
	_ =	sdelay $0x1  }
0x3c7: {  	v10 =	vadd.s32 v2, v8;
	_ =	sdelay $0x2  }
0x3c8: {  	v9 =	vadd.f32 v9, v6;
	_ =	sdelay $0x1  }
0x3c9: {  	[tilespmem:v10+s19+$0x0] =	vst.idx.msk $0xffff, v9  }
0x3ca: {  	v9 =	vld [tilespmem:s28+$0xFFFFFFF0];
	_ =	sdelay $0x1  }
0x3cb: {  	v8 =	vadd.s32 v3, v8;
	_ =	sdelay $0x2  }
0x3cc: {  	v9 =	vadd.f32 v9, v7;
	_ =	sdelay $0x1  }
0x3cd: {  	s1 =	sadd.s32 $0x2, s30;
	[tilespmem:v8+s19+$0x0] =	vst.idx.msk $0xffff, v9  }
0x3ce: {  	v8 =	vmov s1;
	v9 =	vld [tilespmem:s28+$0x0]  }
0x3cf: {  	v8 =	vand.u32 $0x7E, v8  }
0x3d0: {  	v10 =	vadd.s32 v0, v8;
	_ =	sdelay $0x2  }
0x3d1: {  	v9 =	vadd.f32 v9, v4;
	_ =	sdelay $0x1  }
0x3d2: {  	[tilespmem:v10+s19+$0x0] =	vst.idx.msk $0xffff, v9  }
0x3d3: {  	v9 =	vld [tilespmem:s28+$0x10];
	_ =	sdelay $0x1  }
0x3d4: {  	v10 =	vadd.s32 v1, v8;
	_ =	sdelay $0x2  }
0x3d5: {  	v9 =	vadd.f32 v9, v5;
	_ =	sdelay $0x1  }
0x3d6: {  	[tilespmem:v10+s19+$0x0] =	vst.idx.msk $0xffff, v9  }
0x3d7: {  	v9 =	vld [tilespmem:s28+$0x20];
	_ =	sdelay $0x1  }
0x3d8: {  	v10 =	vadd.s32 v2, v8;
	_ =	sdelay $0x2  }
0x3d9: {  	v9 =	vadd.f32 v9, v6;
	_ =	sdelay $0x1  }
0x3da: {  	[tilespmem:v10+s19+$0x0] =	vst.idx.msk $0xffff, v9  }
0x3db: {  	v9 =	vld [tilespmem:s28+$0x30];
	_ =	sdelay $0x1  }
0x3dc: {  	v8 =	vadd.s32 v3, v8;
	_ =	sdelay $0x2  }
0x3dd: {  	v9 =	vadd.f32 v9, v7;
	_ =	sdelay $0x1  }
0x3de: {  	s1 =	sadd.s32 $0x3, s30;
	[tilespmem:v8+s19+$0x0] =	vst.idx.msk $0xffff, v9  }
0x3df: {  	v8 =	vmov s1;
	v9 =	vld [tilespmem:s28+$0x40]  }
0x3e0: {  	v8 =	vand.u32 $0x7F, v8  }
0x3e1: {  	v10 =	vadd.s32 v0, v8;
	_ =	sdelay $0x2  }
0x3e2: {  	v9 =	vadd.f32 v9, v4;
	_ =	sdelay $0x1  }
0x3e3: {  	[tilespmem:v10+s19+$0x0] =	vst.idx.msk $0xffff, v9  }
0x3e4: {  	v9 =	vld [tilespmem:s28+$0x50];
	_ =	sdelay $0x1  }
0x3e5: {  	v10 =	vadd.s32 v1, v8;
	_ =	sdelay $0x2  }
0x3e6: {  	v9 =	vadd.f32 v9, v5;
	_ =	sdelay $0x1  }
0x3e7: {  	[tilespmem:v10+s19+$0x0] =	vst.idx.msk $0xffff, v9  }
0x3e8: {  	v9 =	vld [tilespmem:s28+$0x60];
	_ =	sdelay $0x1  }
0x3e9: {  	v10 =	vadd.s32 v2, v8;
	_ =	sdelay $0x2  }
0x3ea: {  	v9 =	vadd.f32 v9, v6;
	_ =	sdelay $0x1  }
0x3eb: {  	[tilespmem:v10+s19+$0x0] =	vst.idx.msk $0xffff, v9  }
0x3ec: {  	v9 =	vld [tilespmem:s28+$0x70]  }
.Ltmp16:
0x3ed: {  	(pc) =	sbr.rel @p1 .LBB2_7-.Ltmp16, $2  }
0x3ee: {  	v8 =	vadd.s32 v3, v8;
	_ =	sdelay $0x2  }
0x3ef: {  	v9 =	vadd.f32 v9, v7  }
0x3f0: {  	_ = 	snop  }
0x3f1: {  	s1 =	sshll.u32 s25, $0x14  }
0x3f2: {  	s1 =	sor.u32 s10, s1  }
0x3f3: {  	s1 =	sshrl.u32 s1, $0x3  }
0x3f4: {  	s12 =	simm.s32 $0x10400;
	[tilespmem:v8+s19+$0x0] =	vst.idx.msk $0xffff, v9;
	s29 =	sadd.s32 s2, s1  }
0x3f5: {  	[hbm4b:s29+s3] =	stream.linear.scatter [tilespmem:s12], [sflag:$0x4], $0x80, $0x38;
	[tilespmem:$0x1AC00] =	vst v63  }
0x3f6: {  	s0 =	simm.s32 $0x10488;
	s28 =	sadd.s32 $0x10, s29  }
0x3f7: {  	[hbm4b:s28+s3] =	stream.linear.scatter [tilespmem:s0], [sflag:$0x4], $0x80, $0x38;
	[tilespmem:$0x1AC00] =	vst v63  }
0x3f8: {  	s12 =	simm.s32 $0x10510;
	s28 =	sadd.s32 $0x20, s29  }
0x3f9: {  	[hbm4b:s28+s3] =	stream.linear.scatter [tilespmem:s12], [sflag:$0x4], $0x80, $0x38;
	[tilespmem:$0x1AC00] =	vst v63  }
0x3fa: {  	s0 =	simm.s32 $0x10598;
	s28 =	sadd.s32 $0x30, s29  }
0x3fb: {  	[hbm4b:s28+s3] =	stream.linear.scatter [tilespmem:s0], [sflag:$0x4], $0x80, $0x38;
	[tilespmem:$0x1AC00] =	vst v63  }
0x3fc: {  	s12 =	simm.s32 $0x10620;
	s28 =	sadd.s32 $0x40, s29  }
0x3fd: {  	[hbm4b:s28+s3] =	stream.linear.scatter [tilespmem:s12], [sflag:$0x4], $0x80, $0x38;
	[tilespmem:$0x1AC00] =	vst v63  }
0x3fe: {  	s30 =	simm.s32 $0x2200;
	s0 =	simm.s32 $0x106A8;
	s28 =	sadd.s32 $0x50, s29  }
0x3ff: {  	[hbm4b:s28+s3] =	stream.linear.scatter [tilespmem:s0], [sflag:$0x4], $0x80, $0x38;
	[tilespmem:$0x1AC00] =	vst v63  }
0x400: {  	s31 =	simm.s32 $0x107B8;
	s12 =	simm.s32 $0x10730;
	s28 =	sadd.s32 $0x60, s29  }
0x401: {  	[hbm4b:s28+s3] =	stream.linear.scatter [tilespmem:s12], [sflag:$0x4], $0x80, $0x38;
	[tilespmem:$0x1AC00] =	vst v63  }
0x402: {  	s1 =	sadd.s32 $0x70, s29;
	s29 =	sadd.s32 $0x1000, s29;
	s28 =	simm.s32 $0x440  }
.LBB2_9:
0x403: {  	[hbm4b:s1+s3] =	stream.linear.scatter [tilespmem:s31], [sflag:$0x4], $0x80, $0x38;
	[tilespmem:$0x1AC00] =	vst v63  }
0x404: {  	s1 =	smov.u32 s28;
	s28 =	smov.u32 s30  }
0x405: {  	s0 =	sadd.s32 $0x1100, s30;
	s28 =	sshra.s32 s28, $0x2;
	s31 =	sadd.s32 $0x10400, s1  }
0x406: {  	[hbm4b:s29+s3] =	stream.linear.scatter [tilespmem:s31], [sflag:$0x4], $0x80, $0x38;
	[tilespmem:$0x1AC00] =	vst v63  }
0x407: {  	p1 =	sne.s32 s30, $0x7700;
	s30 =	sadd.s32 $0x10488, s1;
	s31 =	sadd.s32 $0x10, s29  }
0x408: {  	[hbm4b:s31+s3] =	stream.linear.scatter [tilespmem:s30], [sflag:$0x4], $0x80, $0x38;
	[tilespmem:$0x1AC00] =	vst v63  }
0x409: {  	s30 =	sadd.s32 $0x10510, s1;
	s31 =	sadd.s32 $0x20, s29  }
0x40a: {  	[hbm4b:s31+s3] =	stream.linear.scatter [tilespmem:s30], [sflag:$0x4], $0x80, $0x38;
	[tilespmem:$0x1AC00] =	vst v63  }
0x40b: {  	s30 =	sadd.s32 $0x10598, s1;
	s31 =	sadd.s32 $0x30, s29  }
0x40c: {  	[hbm4b:s31+s3] =	stream.linear.scatter [tilespmem:s30], [sflag:$0x4], $0x80, $0x38;
	[tilespmem:$0x1AC00] =	vst v63  }
0x40d: {  	s30 =	sadd.s32 $0x10620, s1;
	s31 =	sadd.s32 $0x40, s29  }
0x40e: {  	[hbm4b:s31+s3] =	stream.linear.scatter [tilespmem:s30], [sflag:$0x4], $0x80, $0x38;
	[tilespmem:$0x1AC00] =	vst v63  }
0x40f: {  	s30 =	sadd.s32 $0x106A8, s1;
	s31 =	sadd.s32 $0x50, s29  }
0x410: {  	[hbm4b:s31+s3] =	stream.linear.scatter [tilespmem:s30], [sflag:$0x4], $0x80, $0x38;
	[tilespmem:$0x1AC00] =	vst v63  }
.Ltmp17:
0x411: {  	_ = 	snop;
	(pc) =	sbr.rel @p1 .LBB2_9-.Ltmp17, $4  }
0x412: {  	s30 =	sadd.s32 $0x10730, s1;
	s31 =	sadd.s32 $0x60, s29  }
0x413: {  	[hbm4b:s31+s3] =	stream.linear.scatter [tilespmem:s30], [sflag:$0x4], $0x80, $0x38;
	[tilespmem:$0x1AC00] =	vst v63  }
0x414: {  	s31 =	sadd.s32 $0x107B8, s1  }
0x415: {  	s1 =	sadd.s32 $0x70, s29;
	s29 =	sadd.s32 $0x1000, s29;
	s30 =	smov.u32 s0  }
0x416: {  	[hbm4b:s1+s3] =	stream.linear.scatter [tilespmem:s31], [sflag:$0x4], $0x80, $0x38;
	[tilespmem:$0x1AC00] =	vst v63  }
0x417: {  	s0 =	sadd.s32 $0x10400, s28  }
0x418: {  	[hbm4b:s29+s3] =	stream.linear.scatter [tilespmem:s0], [sflag:$0x4], $0x80, $0x38;
	[tilespmem:$0x1AC00] =	vst v63  }
0x419: {  	s12 =	sadd.s32 $0x10488, s28;
	s31 =	sadd.s32 $0x10, s29  }
0x41a: {  	[hbm4b:s31+s3] =	stream.linear.scatter [tilespmem:s12], [sflag:$0x4], $0x80, $0x38;
	[tilespmem:$0x1AC00] =	vst v63  }
0x41b: {  	s12 =	sadd.s32 $0x10510, s28;
	s31 =	sadd.s32 $0x20, s29  }
0x41c: {  	[hbm4b:s31+s3] =	stream.linear.scatter [tilespmem:s12], [sflag:$0x4], $0x80, $0x38;
	[tilespmem:$0x1AC00] =	vst v63  }
0x41d: {  	s12 =	sadd.s32 $0x10598, s28;
	s31 =	sadd.s32 $0x30, s29  }
0x41e: {  	[hbm4b:s31+s3] =	stream.linear.scatter [tilespmem:s12], [sflag:$0x4], $0x80, $0x38;
	[tilespmem:$0x1AC00] =	vst v63  }
0x41f: {  	s12 =	sadd.s32 $0x10620, s28;
	s31 =	sadd.s32 $0x40, s29  }
0x420: {  	[hbm4b:s31+s3] =	stream.linear.scatter [tilespmem:s12], [sflag:$0x4], $0x80, $0x38;
	[tilespmem:$0x1AC00] =	vst v63  }
0x421: {  	s12 =	sadd.s32 $0x106A8, s28;
	s31 =	sadd.s32 $0x50, s29  }
0x422: {  	[hbm4b:s31+s3] =	stream.linear.scatter [tilespmem:s12], [sflag:$0x4], $0x80, $0x38;
	[tilespmem:$0x1AC00] =	vst v63  }
0x423: {  	s12 =	sadd.s32 $0x10730, s28;
	s31 =	sadd.s32 $0x60, s29  }
0x424: {  	[hbm4b:s31+s3] =	stream.linear.scatter [tilespmem:s12], [sflag:$0x4], $0x80, $0x38;
	[tilespmem:$0x1AC00] =	vst v63  }
0x425: {  	s1 =	sadd.s32 $0x107B8, s28;
	s0 =	simm.s32 @!p0 $0x5;
	s12 =	sadd.s32 $0x70, s29  }
0x426: {  	[hbm4b:s12+s3] =	stream.linear.scatter [tilespmem:s1], [sflag:$0x4], $0x80, $0x38;
	[tilespmem:$0x1AC00] =	vst v63  }
0x427: {  	s28 =	sor.u32 $0x1, s26;
	_ =	swait.ge @!p0 [sflag:s0], $0x2000  }
0x428: {  	s31 =	sshll.u32 s28, $0x9;
	[sflag:s0] =	ssyncset.done @!p0 $0x0  }
0x429: {  	s12 =	sshra.s32 s31, $0x2;
	[sflag:s0] =	ssyncadd.s32 @!p0 $0xFFFFE000  }
0x42a: {  	s29 =	simm.s32 $0x24F0;
	s31 =	simm.s32 $0x0;
	v4 =	vld [tilespmem:s12+$0x14800]  }
0x42b: {  	v5 =	vmov s31;
	v7 =	vld [tilespmem:s29+$0xFFFFFF10]  }
0x42c: {  	v8 =	vand.u32 $0x7C, v5  }
0x42d: {  	v9 =	vadd.s32 v0, v8;
	_ =	sdelay $0x2  }
0x42e: {  	v5 =	vld [tilespmem:s12+$0x14810];
	v10 =	vadd.f32 v7, v4  }
0x42f: {  	v6 =	vld [tilespmem:s12+$0x14820]  }
0x430: {  	v7 =	vld [tilespmem:s12+$0x14830];
	[tilespmem:v9+s21+$0x0] =	vst.idx.msk $0xffff, v10  }
0x431: {  	v9 =	vld [tilespmem:s29+$0xFFFFFF20];
	_ =	sdelay $0x1  }
0x432: {  	v10 =	vadd.s32 v1, v8;
	_ =	sdelay $0x2  }
0x433: {  	v9 =	vadd.f32 v9, v5;
	_ =	sdelay $0x1  }
0x434: {  	[tilespmem:v10+s21+$0x0] =	vst.idx.msk $0xffff, v9  }
0x435: {  	v9 =	vld [tilespmem:s29+$0xFFFFFF30];
	_ =	sdelay $0x1  }
0x436: {  	v10 =	vadd.s32 v2, v8;
	_ =	sdelay $0x2  }
0x437: {  	v9 =	vadd.f32 v9, v6;
	_ =	sdelay $0x1  }
0x438: {  	[tilespmem:v10+s21+$0x0] =	vst.idx.msk $0xffff, v9  }
0x439: {  	v9 =	vld [tilespmem:s29+$0xFFFFFF40];
	_ =	sdelay $0x1  }
0x43a: {  	v8 =	vadd.s32 v3, v8;
	_ =	sdelay $0x2  }
0x43b: {  	v9 =	vadd.f32 v9, v7;
	_ =	sdelay $0x1  }
0x43c: {  	s1 =	simm.s32 $0x1;
	[tilespmem:v8+s21+$0x0] =	vst.idx.msk $0xffff, v9  }
0x43d: {  	v8 =	vmov s1;
	v9 =	vld [tilespmem:s29+$0xFFFFFF50]  }
0x43e: {  	v8 =	vand.u32 $0x7D, v8  }
0x43f: {  	v10 =	vadd.s32 v0, v8;
	_ =	sdelay $0x2  }
0x440: {  	v9 =	vadd.f32 v9, v4;
	_ =	sdelay $0x1  }
0x441: {  	[tilespmem:v10+s21+$0x0] =	vst.idx.msk $0xffff, v9  }
0x442: {  	v9 =	vld [tilespmem:s29+$0xFFFFFF60];
	_ =	sdelay $0x1  }
0x443: {  	v10 =	vadd.s32 v1, v8;
	_ =	sdelay $0x2  }
0x444: {  	v9 =	vadd.f32 v9, v5;
	_ =	sdelay $0x1  }
0x445: {  	[tilespmem:v10+s21+$0x0] =	vst.idx.msk $0xffff, v9  }
0x446: {  	v9 =	vld [tilespmem:s29+$0xFFFFFF70];
	_ =	sdelay $0x1  }
0x447: {  	v10 =	vadd.s32 v2, v8;
	_ =	sdelay $0x2  }
0x448: {  	v9 =	vadd.f32 v9, v6;
	_ =	sdelay $0x1  }
0x449: {  	[tilespmem:v10+s21+$0x0] =	vst.idx.msk $0xffff, v9  }
0x44a: {  	v9 =	vld [tilespmem:s29+$0xFFFFFF80];
	_ =	sdelay $0x1  }
0x44b: {  	v8 =	vadd.s32 v3, v8;
	_ =	sdelay $0x2  }
0x44c: {  	v9 =	vadd.f32 v9, v7;
	_ =	sdelay $0x1  }
0x44d: {  	s12 =	simm.s32 $0x2;
	[tilespmem:v8+s21+$0x0] =	vst.idx.msk $0xffff, v9  }
0x44e: {  	v8 =	vmov s12;
	v9 =	vld [tilespmem:s29+$0xFFFFFF90]  }
0x44f: {  	v8 =	vand.u32 $0x7E, v8  }
0x450: {  	v10 =	vadd.s32 v0, v8;
	_ =	sdelay $0x2  }
0x451: {  	v9 =	vadd.f32 v9, v4;
	_ =	sdelay $0x1  }
0x452: {  	[tilespmem:v10+s21+$0x0] =	vst.idx.msk $0xffff, v9  }
0x453: {  	v9 =	vld [tilespmem:s29+$0xFFFFFFA0];
	_ =	sdelay $0x1  }
0x454: {  	v10 =	vadd.s32 v1, v8;
	_ =	sdelay $0x2  }
0x455: {  	v9 =	vadd.f32 v9, v5;
	_ =	sdelay $0x1  }
0x456: {  	[tilespmem:v10+s21+$0x0] =	vst.idx.msk $0xffff, v9  }
0x457: {  	v9 =	vld [tilespmem:s29+$0xFFFFFFB0];
	_ =	sdelay $0x1  }
0x458: {  	v10 =	vadd.s32 v2, v8;
	_ =	sdelay $0x2  }
0x459: {  	v9 =	vadd.f32 v9, v6;
	_ =	sdelay $0x1  }
0x45a: {  	[tilespmem:v10+s21+$0x0] =	vst.idx.msk $0xffff, v9  }
0x45b: {  	v9 =	vld [tilespmem:s29+$0xFFFFFFC0];
	_ =	sdelay $0x1  }
0x45c: {  	v8 =	vadd.s32 v3, v8;
	_ =	sdelay $0x2  }
0x45d: {  	v9 =	vadd.f32 v9, v7;
	_ =	sdelay $0x1  }
0x45e: {  	s31 =	simm.s32 $0x3;
	[tilespmem:v8+s21+$0x0] =	vst.idx.msk $0xffff, v9  }
0x45f: {  	v8 =	vmov s31;
	v9 =	vld [tilespmem:s29+$0xFFFFFFD0]  }
0x460: {  	v8 =	vand.u32 $0x7F, v8  }
0x461: {  	v10 =	vadd.s32 v0, v8;
	_ =	sdelay $0x2  }
0x462: {  	v9 =	vadd.f32 v9, v4;
	_ =	sdelay $0x1  }
0x463: {  	[tilespmem:v10+s21+$0x0] =	vst.idx.msk $0xffff, v9  }
0x464: {  	v9 =	vld [tilespmem:s29+$0xFFFFFFE0];
	_ =	sdelay $0x1  }
0x465: {  	v10 =	vadd.s32 v1, v8;
	_ =	sdelay $0x2  }
0x466: {  	v9 =	vadd.f32 v9, v5;
	_ =	sdelay $0x1  }
0x467: {  	[tilespmem:v10+s21+$0x0] =	vst.idx.msk $0xffff, v9  }
0x468: {  	v9 =	vld [tilespmem:s29+$0xFFFFFFF0];
	_ =	sdelay $0x1  }
0x469: {  	v10 =	vadd.s32 v2, v8;
	_ =	sdelay $0x2  }
0x46a: {  	v9 =	vadd.f32 v9, v6;
	_ =	sdelay $0x1  }
0x46b: {  	[tilespmem:v10+s21+$0x0] =	vst.idx.msk $0xffff, v9  }
0x46c: {  	v9 =	vld [tilespmem:s29+$0x0];
	_ =	sdelay $0x1  }
0x46d: {  	v8 =	vadd.s32 v3, v8;
	_ =	sdelay $0x2  }
0x46e: {  	s30 =	simm.s32 $0x4;
	v9 =	vadd.f32 v9, v7  }
.LBB2_11:
0x46f: {  	p0 =	slt.u32 s30, $0x7C  }
0x470: {  	s29 =	sadd.s32 $0x100, s29;
	s31 =	smov.u32 s30;
	s30 =	sadd.s32 $0x4, s30;
	[tilespmem:v8+s21+$0x0] =	vst.idx.msk $0xffff, v9  }
0x471: {  	v8 =	vmov s31;
	v9 =	vld [tilespmem:s29+$0xFFFFFF10]  }
0x472: {  	v8 =	vand.u32 $0x7C, v8  }
0x473: {  	v10 =	vadd.s32 v0, v8;
	_ =	sdelay $0x2  }
0x474: {  	v9 =	vadd.f32 v9, v4;
	_ =	sdelay $0x1  }
0x475: {  	[tilespmem:v10+s21+$0x0] =	vst.idx.msk $0xffff, v9  }
0x476: {  	v9 =	vld [tilespmem:s29+$0xFFFFFF20];
	_ =	sdelay $0x1  }
0x477: {  	v10 =	vadd.s32 v1, v8;
	_ =	sdelay $0x2  }
0x478: {  	v9 =	vadd.f32 v9, v5;
	_ =	sdelay $0x1  }
0x479: {  	[tilespmem:v10+s21+$0x0] =	vst.idx.msk $0xffff, v9  }
0x47a: {  	v9 =	vld [tilespmem:s29+$0xFFFFFF30];
	_ =	sdelay $0x1  }
0x47b: {  	v10 =	vadd.s32 v2, v8;
	_ =	sdelay $0x2  }
0x47c: {  	v9 =	vadd.f32 v9, v6;
	_ =	sdelay $0x1  }
0x47d: {  	[tilespmem:v10+s21+$0x0] =	vst.idx.msk $0xffff, v9  }
0x47e: {  	v9 =	vld [tilespmem:s29+$0xFFFFFF40];
	_ =	sdelay $0x1  }
0x47f: {  	v8 =	vadd.s32 v3, v8;
	_ =	sdelay $0x2  }
0x480: {  	v9 =	vadd.f32 v9, v7;
	_ =	sdelay $0x1  }
0x481: {  	s0 =	sadd.s32 $0x1, s31;
	[tilespmem:v8+s21+$0x0] =	vst.idx.msk $0xffff, v9  }
0x482: {  	v8 =	vmov s0;
	v9 =	vld [tilespmem:s29+$0xFFFFFF50]  }
0x483: {  	v8 =	vand.u32 $0x7D, v8  }
0x484: {  	v10 =	vadd.s32 v0, v8;
	_ =	sdelay $0x2  }
0x485: {  	v9 =	vadd.f32 v9, v4;
	_ =	sdelay $0x1  }
0x486: {  	[tilespmem:v10+s21+$0x0] =	vst.idx.msk $0xffff, v9  }
0x487: {  	v9 =	vld [tilespmem:s29+$0xFFFFFF60];
	_ =	sdelay $0x1  }
0x488: {  	v10 =	vadd.s32 v1, v8;
	_ =	sdelay $0x2  }
0x489: {  	v9 =	vadd.f32 v9, v5;
	_ =	sdelay $0x1  }
0x48a: {  	[tilespmem:v10+s21+$0x0] =	vst.idx.msk $0xffff, v9  }
0x48b: {  	v9 =	vld [tilespmem:s29+$0xFFFFFF70];
	_ =	sdelay $0x1  }
0x48c: {  	v10 =	vadd.s32 v2, v8;
	_ =	sdelay $0x2  }
0x48d: {  	v9 =	vadd.f32 v9, v6;
	_ =	sdelay $0x1  }
0x48e: {  	[tilespmem:v10+s21+$0x0] =	vst.idx.msk $0xffff, v9  }
0x48f: {  	v9 =	vld [tilespmem:s29+$0xFFFFFF80];
	_ =	sdelay $0x1  }
0x490: {  	v8 =	vadd.s32 v3, v8;
	_ =	sdelay $0x2  }
0x491: {  	v9 =	vadd.f32 v9, v7;
	_ =	sdelay $0x1  }
0x492: {  	s0 =	sadd.s32 $0x2, s31;
	[tilespmem:v8+s21+$0x0] =	vst.idx.msk $0xffff, v9  }
0x493: {  	v8 =	vmov s0;
	v9 =	vld [tilespmem:s29+$0xFFFFFF90]  }
0x494: {  	v8 =	vand.u32 $0x7E, v8  }
0x495: {  	v10 =	vadd.s32 v0, v8;
	_ =	sdelay $0x2  }
0x496: {  	v9 =	vadd.f32 v9, v4;
	_ =	sdelay $0x1  }
0x497: {  	[tilespmem:v10+s21+$0x0] =	vst.idx.msk $0xffff, v9  }
0x498: {  	v9 =	vld [tilespmem:s29+$0xFFFFFFA0];
	_ =	sdelay $0x1  }
0x499: {  	v10 =	vadd.s32 v1, v8;
	_ =	sdelay $0x2  }
0x49a: {  	v9 =	vadd.f32 v9, v5;
	_ =	sdelay $0x1  }
0x49b: {  	[tilespmem:v10+s21+$0x0] =	vst.idx.msk $0xffff, v9  }
0x49c: {  	v9 =	vld [tilespmem:s29+$0xFFFFFFB0];
	_ =	sdelay $0x1  }
0x49d: {  	v10 =	vadd.s32 v2, v8;
	_ =	sdelay $0x2  }
0x49e: {  	v9 =	vadd.f32 v9, v6;
	_ =	sdelay $0x1  }
0x49f: {  	[tilespmem:v10+s21+$0x0] =	vst.idx.msk $0xffff, v9  }
0x4a0: {  	v9 =	vld [tilespmem:s29+$0xFFFFFFC0];
	_ =	sdelay $0x1  }
0x4a1: {  	v8 =	vadd.s32 v3, v8;
	_ =	sdelay $0x2  }
0x4a2: {  	v9 =	vadd.f32 v9, v7;
	_ =	sdelay $0x1  }
0x4a3: {  	s0 =	sadd.s32 $0x3, s31;
	[tilespmem:v8+s21+$0x0] =	vst.idx.msk $0xffff, v9  }
0x4a4: {  	v8 =	vmov s0;
	v9 =	vld [tilespmem:s29+$0xFFFFFFD0]  }
0x4a5: {  	v8 =	vand.u32 $0x7F, v8  }
0x4a6: {  	v10 =	vadd.s32 v0, v8;
	_ =	sdelay $0x2  }
0x4a7: {  	v9 =	vadd.f32 v9, v4;
	_ =	sdelay $0x1  }
0x4a8: {  	[tilespmem:v10+s21+$0x0] =	vst.idx.msk $0xffff, v9  }
0x4a9: {  	v9 =	vld [tilespmem:s29+$0xFFFFFFE0];
	_ =	sdelay $0x1  }
0x4aa: {  	v10 =	vadd.s32 v1, v8;
	_ =	sdelay $0x2  }
0x4ab: {  	v9 =	vadd.f32 v9, v5;
	_ =	sdelay $0x1  }
0x4ac: {  	[tilespmem:v10+s21+$0x0] =	vst.idx.msk $0xffff, v9  }
0x4ad: {  	v9 =	vld [tilespmem:s29+$0xFFFFFFF0];
	_ =	sdelay $0x1  }
0x4ae: {  	v10 =	vadd.s32 v2, v8;
	_ =	sdelay $0x2  }
0x4af: {  	v9 =	vadd.f32 v9, v6;
	_ =	sdelay $0x1  }
0x4b0: {  	[tilespmem:v10+s21+$0x0] =	vst.idx.msk $0xffff, v9  }
0x4b1: {  	v9 =	vld [tilespmem:s29+$0x0]  }
.Ltmp18:
0x4b2: {  	(pc) =	sbr.rel @p0 .LBB2_11-.Ltmp18, $2  }
0x4b3: {  	v8 =	vadd.s32 v3, v8;
	_ =	sdelay $0x2  }
0x4b4: {  	v9 =	vadd.f32 v9, v7  }
0x4b5: {  	_ = 	snop  }
0x4b6: {  	s0 =	sshll.u32 s28, $0x12  }
0x4b7: {  	s0 =	sor.u32 s10, s0  }
0x4b8: {  	s0 =	sshrl.u32 s0, $0x3  }
0x4b9: {  	s1 =	simm.s32 $0x12600;
	[tilespmem:v8+s21+$0x0] =	vst.idx.msk $0xffff, v9;
	s0 =	sadd.s32 s2, s0  }
0x4ba: {  	[hbm4b:s0+s3] =	stream.linear.scatter [tilespmem:s1], [sflag:$0x5], $0x80, $0x38;
	[tilespmem:$0x1AC00] =	vst v63  }
0x4bb: {  	s12 =	simm.s32 $0x12688;
	s28 =	sadd.s32 $0x10, s0  }
0x4bc: {  	[hbm4b:s28+s3] =	stream.linear.scatter [tilespmem:s12], [sflag:$0x5], $0x80, $0x38;
	[tilespmem:$0x1AC00] =	vst v63  }
0x4bd: {  	s12 =	simm.s32 $0x12710;
	s28 =	sadd.s32 $0x20, s0  }
0x4be: {  	[hbm4b:s28+s3] =	stream.linear.scatter [tilespmem:s12], [sflag:$0x5], $0x80, $0x38;
	[tilespmem:$0x1AC00] =	vst v63  }
0x4bf: {  	s12 =	simm.s32 $0x12798;
	s28 =	sadd.s32 $0x30, s0  }
0x4c0: {  	[hbm4b:s28+s3] =	stream.linear.scatter [tilespmem:s12], [sflag:$0x5], $0x80, $0x38;
	[tilespmem:$0x1AC00] =	vst v63  }
0x4c1: {  	s12 =	simm.s32 $0x12820;
	s28 =	sadd.s32 $0x40, s0  }
0x4c2: {  	[hbm4b:s28+s3] =	stream.linear.scatter [tilespmem:s12], [sflag:$0x5], $0x80, $0x38;
	[tilespmem:$0x1AC00] =	vst v63  }
0x4c3: {  	s30 =	simm.s32 $0x2200;
	s12 =	simm.s32 $0x128A8;
	s28 =	sadd.s32 $0x50, s0  }
0x4c4: {  	[hbm4b:s28+s3] =	stream.linear.scatter [tilespmem:s12], [sflag:$0x5], $0x80, $0x38;
	[tilespmem:$0x1AC00] =	vst v63  }
0x4c5: {  	s31 =	simm.s32 $0x129B8;
	s12 =	simm.s32 $0x12930;
	s28 =	sadd.s32 $0x60, s0  }
0x4c6: {  	[hbm4b:s28+s3] =	stream.linear.scatter [tilespmem:s12], [sflag:$0x5], $0x80, $0x38;
	[tilespmem:$0x1AC00] =	vst v63  }
0x4c7: {  	s1 =	sadd.s32 $0x70, s0;
	s29 =	sadd.s32 $0x1000, s0;
	s28 =	simm.s32 $0x440  }
.LBB2_13:
0x4c8: {  	[hbm4b:s1+s3] =	stream.linear.scatter [tilespmem:s31], [sflag:$0x5], $0x80, $0x38;
	[tilespmem:$0x1AC00] =	vst v63  }
0x4c9: {  	s0 =	smov.u32 s28;
	s1 =	smov.u32 s30  }
0x4ca: {  	s12 =	sadd.s32 $0x1100, s30;
	s28 =	sshra.s32 s1, $0x2;
	s1 =	sadd.s32 $0x12600, s0  }
0x4cb: {  	[hbm4b:s29+s3] =	stream.linear.scatter [tilespmem:s1], [sflag:$0x5], $0x80, $0x38;
	[tilespmem:$0x1AC00] =	vst v63  }
0x4cc: {  	p0 =	sne.s32 s30, $0x7700;
	s30 =	sadd.s32 $0x10, s29;
	s1 =	sadd.s32 $0x12688, s0  }
0x4cd: {  	[hbm4b:s30+s3] =	stream.linear.scatter [tilespmem:s1], [sflag:$0x5], $0x80, $0x38;
	[tilespmem:$0x1AC00] =	vst v63  }
0x4ce: {  	s1 =	sadd.s32 $0x12710, s0;
	s30 =	sadd.s32 $0x20, s29  }
0x4cf: {  	[hbm4b:s30+s3] =	stream.linear.scatter [tilespmem:s1], [sflag:$0x5], $0x80, $0x38;
	[tilespmem:$0x1AC00] =	vst v63  }
0x4d0: {  	s1 =	sadd.s32 $0x12798, s0;
	s30 =	sadd.s32 $0x30, s29  }
0x4d1: {  	[hbm4b:s30+s3] =	stream.linear.scatter [tilespmem:s1], [sflag:$0x5], $0x80, $0x38;
	[tilespmem:$0x1AC00] =	vst v63  }
0x4d2: {  	s1 =	sadd.s32 $0x12820, s0;
	s30 =	sadd.s32 $0x40, s29  }
0x4d3: {  	[hbm4b:s30+s3] =	stream.linear.scatter [tilespmem:s1], [sflag:$0x5], $0x80, $0x38;
	[tilespmem:$0x1AC00] =	vst v63  }
.Ltmp19:
0x4d4: {  	s1 =	sadd.s32 $0x128A8, s0;
	s30 =	sadd.s32 $0x50, s29;
	(pc) =	sbr.rel @p0 .LBB2_13-.Ltmp19, $4  }
0x4d5: {  	[hbm4b:s30+s3] =	stream.linear.scatter [tilespmem:s1], [sflag:$0x5], $0x80, $0x38;
	[tilespmem:$0x1AC00] =	vst v63  }
0x4d6: {  	s31 =	sadd.s32 $0x129B8, s0;
	s1 =	sadd.s32 $0x12930, s0;
	s30 =	sadd.s32 $0x60, s29  }
0x4d7: {  	[hbm4b:s30+s3] =	stream.linear.scatter [tilespmem:s1], [sflag:$0x5], $0x80, $0x38;
	[tilespmem:$0x1AC00] =	vst v63  }
0x4d8: {  	s1 =	sadd.s32 $0x70, s29;
	s29 =	sadd.s32 $0x1000, s29;
	s30 =	smov.u32 s12  }
0x4d9: {  	[hbm4b:s1+s3] =	stream.linear.scatter [tilespmem:s31], [sflag:$0x5], $0x80, $0x38;
	[tilespmem:$0x1AC00] =	vst v63  }
0x4da: {  	s0 =	sadd.s32 $0x12600, s28  }
0x4db: {  	[hbm4b:s29+s3] =	stream.linear.scatter [tilespmem:s0], [sflag:$0x5], $0x80, $0x38;
	[tilespmem:$0x1AC00] =	vst v63  }
0x4dc: {  	s12 =	sadd.s32 $0x12688, s28;
	s31 =	sadd.s32 $0x10, s29  }
0x4dd: {  	[hbm4b:s31+s3] =	stream.linear.scatter [tilespmem:s12], [sflag:$0x5], $0x80, $0x38;
	[tilespmem:$0x1AC00] =	vst v63  }
0x4de: {  	s12 =	sadd.s32 $0x12710, s28;
	s31 =	sadd.s32 $0x20, s29  }
0x4df: {  	[hbm4b:s31+s3] =	stream.linear.scatter [tilespmem:s12], [sflag:$0x5], $0x80, $0x38;
	[tilespmem:$0x1AC00] =	vst v63  }
0x4e0: {  	s12 =	sadd.s32 $0x12798, s28;
	s31 =	sadd.s32 $0x30, s29  }
0x4e1: {  	[hbm4b:s31+s3] =	stream.linear.scatter [tilespmem:s12], [sflag:$0x5], $0x80, $0x38;
	[tilespmem:$0x1AC00] =	vst v63  }
0x4e2: {  	s12 =	sadd.s32 $0x12820, s28;
	s31 =	sadd.s32 $0x40, s29  }
0x4e3: {  	[hbm4b:s31+s3] =	stream.linear.scatter [tilespmem:s12], [sflag:$0x5], $0x80, $0x38;
	[tilespmem:$0x1AC00] =	vst v63  }
0x4e4: {  	s12 =	sadd.s32 $0x128A8, s28;
	s31 =	sadd.s32 $0x50, s29  }
0x4e5: {  	[hbm4b:s31+s3] =	stream.linear.scatter [tilespmem:s12], [sflag:$0x5], $0x80, $0x38;
	[tilespmem:$0x1AC00] =	vst v63  }
0x4e6: {  	s12 =	sadd.s32 $0x12930, s28;
	s31 =	sadd.s32 $0x60, s29  }
0x4e7: {  	[hbm4b:s31+s3] =	stream.linear.scatter [tilespmem:s12], [sflag:$0x5], $0x80, $0x38;
	[tilespmem:$0x1AC00] =	vst v63  }
0x4e8: {  	s12 =	sadd.s32 $0x129B8, s28;
	s31 =	sadd.s32 $0x70, s29  }
0x4e9: {  	[hbm4b:s31+s3] =	stream.linear.scatter [tilespmem:s12], [sflag:$0x5], $0x80, $0x38;
	[tilespmem:$0x1AC00] =	vst v63  }
0x4ea: {  	s28 =	sor.u32 $0x2, s26;
	_ =	swait.ge [sflag:s18], $0x2000  }
0x4eb: {  	s12 =	sshll.u32 s28, $0x9;
	[sflag:s18] =	ssyncset.done $0x0  }
0x4ec: {  	s0 =	sshra.s32 s12, $0x2;
	[sflag:s18] =	ssyncadd.s32 $0xFFFFE000  }
0x4ed: {  	s29 =	simm.s32 $0x4400;
	s31 =	simm.s32 $0x0;
	v4 =	vld [tilespmem:s0+$0x14800]  }
0x4ee: {  	v5 =	vmov s31;
	v7 =	vld [tilespmem:s29+$0x0]  }
0x4ef: {  	v8 =	vand.u32 $0x7C, v5  }
0x4f0: {  	v9 =	vadd.s32 v0, v8;
	_ =	sdelay $0x2  }
0x4f1: {  	v5 =	vld [tilespmem:s0+$0x14810];
	v10 =	vadd.f32 v7, v4  }
0x4f2: {  	v6 =	vld [tilespmem:s0+$0x14820]  }
0x4f3: {  	v7 =	vld [tilespmem:s0+$0x14830];
	[tilespmem:v9+s19+$0x0] =	vst.idx.msk $0xffff, v10  }
0x4f4: {  	v9 =	vld [tilespmem:s29+$0x10];
	_ =	sdelay $0x1  }
0x4f5: {  	v10 =	vadd.s32 v1, v8;
	_ =	sdelay $0x2  }
0x4f6: {  	v9 =	vadd.f32 v9, v5;
	_ =	sdelay $0x1  }
0x4f7: {  	[tilespmem:v10+s19+$0x0] =	vst.idx.msk $0xffff, v9  }
0x4f8: {  	v9 =	vld [tilespmem:s29+$0x20];
	_ =	sdelay $0x1  }
0x4f9: {  	v10 =	vadd.s32 v2, v8;
	_ =	sdelay $0x2  }
0x4fa: {  	v9 =	vadd.f32 v9, v6;
	_ =	sdelay $0x1  }
0x4fb: {  	[tilespmem:v10+s19+$0x0] =	vst.idx.msk $0xffff, v9  }
0x4fc: {  	v9 =	vld [tilespmem:s29+$0x30];
	_ =	sdelay $0x1  }
0x4fd: {  	v8 =	vadd.s32 v3, v8;
	_ =	sdelay $0x2  }
0x4fe: {  	v9 =	vadd.f32 v9, v7;
	_ =	sdelay $0x1  }
0x4ff: {  	s1 =	simm.s32 $0x1;
	[tilespmem:v8+s19+$0x0] =	vst.idx.msk $0xffff, v9  }
0x500: {  	v8 =	vmov s1;
	v9 =	vld [tilespmem:s29+$0x40]  }
0x501: {  	v8 =	vand.u32 $0x7D, v8  }
0x502: {  	v10 =	vadd.s32 v0, v8;
	_ =	sdelay $0x2  }
0x503: {  	v9 =	vadd.f32 v9, v4;
	_ =	sdelay $0x1  }
0x504: {  	[tilespmem:v10+s19+$0x0] =	vst.idx.msk $0xffff, v9  }
0x505: {  	v9 =	vld [tilespmem:s29+$0x50];
	_ =	sdelay $0x1  }
0x506: {  	v10 =	vadd.s32 v1, v8;
	_ =	sdelay $0x2  }
0x507: {  	v9 =	vadd.f32 v9, v5;
	_ =	sdelay $0x1  }
0x508: {  	[tilespmem:v10+s19+$0x0] =	vst.idx.msk $0xffff, v9  }
0x509: {  	v9 =	vld [tilespmem:s29+$0x60];
	_ =	sdelay $0x1  }
0x50a: {  	v10 =	vadd.s32 v2, v8;
	_ =	sdelay $0x2  }
0x50b: {  	v9 =	vadd.f32 v9, v6;
	_ =	sdelay $0x1  }
0x50c: {  	[tilespmem:v10+s19+$0x0] =	vst.idx.msk $0xffff, v9  }
0x50d: {  	v9 =	vld [tilespmem:s29+$0x70];
	_ =	sdelay $0x1  }
0x50e: {  	v8 =	vadd.s32 v3, v8;
	_ =	sdelay $0x2  }
0x50f: {  	v9 =	vadd.f32 v9, v7;
	_ =	sdelay $0x1  }
0x510: {  	s12 =	simm.s32 $0x2;
	[tilespmem:v8+s19+$0x0] =	vst.idx.msk $0xffff, v9  }
0x511: {  	v8 =	vmov s12;
	v9 =	vld [tilespmem:s29+$0x80]  }
0x512: {  	v8 =	vand.u32 $0x7E, v8  }
0x513: {  	v10 =	vadd.s32 v0, v8;
	_ =	sdelay $0x2  }
0x514: {  	v9 =	vadd.f32 v9, v4;
	_ =	sdelay $0x1  }
0x515: {  	[tilespmem:v10+s19+$0x0] =	vst.idx.msk $0xffff, v9  }
0x516: {  	v9 =	vld [tilespmem:s29+$0x90];
	_ =	sdelay $0x1  }
0x517: {  	v10 =	vadd.s32 v1, v8;
	_ =	sdelay $0x2  }
0x518: {  	v9 =	vadd.f32 v9, v5;
	_ =	sdelay $0x1  }
0x519: {  	[tilespmem:v10+s19+$0x0] =	vst.idx.msk $0xffff, v9  }
0x51a: {  	v9 =	vld [tilespmem:s29+$0xA0];
	_ =	sdelay $0x1  }
0x51b: {  	v10 =	vadd.s32 v2, v8;
	_ =	sdelay $0x2  }
0x51c: {  	v9 =	vadd.f32 v9, v6;
	_ =	sdelay $0x1  }
0x51d: {  	[tilespmem:v10+s19+$0x0] =	vst.idx.msk $0xffff, v9  }
0x51e: {  	v9 =	vld [tilespmem:s29+$0xB0];
	_ =	sdelay $0x1  }
0x51f: {  	v8 =	vadd.s32 v3, v8;
	_ =	sdelay $0x2  }
0x520: {  	v9 =	vadd.f32 v9, v7;
	_ =	sdelay $0x1  }
0x521: {  	s31 =	simm.s32 $0x3;
	[tilespmem:v8+s19+$0x0] =	vst.idx.msk $0xffff, v9  }
0x522: {  	v8 =	vmov s31;
	v9 =	vld [tilespmem:s29+$0xC0]  }
0x523: {  	v8 =	vand.u32 $0x7F, v8  }
0x524: {  	v10 =	vadd.s32 v0, v8;
	_ =	sdelay $0x2  }
0x525: {  	v9 =	vadd.f32 v9, v4;
	_ =	sdelay $0x1  }
0x526: {  	[tilespmem:v10+s19+$0x0] =	vst.idx.msk $0xffff, v9  }
0x527: {  	v9 =	vld [tilespmem:s29+$0xD0];
	_ =	sdelay $0x1  }
0x528: {  	v10 =	vadd.s32 v1, v8;
	_ =	sdelay $0x2  }
0x529: {  	v9 =	vadd.f32 v9, v5;
	_ =	sdelay $0x1  }
0x52a: {  	[tilespmem:v10+s19+$0x0] =	vst.idx.msk $0xffff, v9  }
0x52b: {  	v9 =	vld [tilespmem:s29+$0xE0];
	_ =	sdelay $0x1  }
0x52c: {  	v10 =	vadd.s32 v2, v8;
	_ =	sdelay $0x2  }
0x52d: {  	v9 =	vadd.f32 v9, v6;
	_ =	sdelay $0x1  }
0x52e: {  	[tilespmem:v10+s19+$0x0] =	vst.idx.msk $0xffff, v9  }
0x52f: {  	v9 =	vld [tilespmem:s29+$0xF0];
	_ =	sdelay $0x1  }
0x530: {  	v8 =	vadd.s32 v3, v8;
	_ =	sdelay $0x2  }
0x531: {  	s30 =	simm.s32 $0x4;
	v9 =	vadd.f32 v9, v7  }
.LBB2_15:
0x532: {  	p0 =	slt.u32 s30, $0x7C  }
0x533: {  	s29 =	sadd.s32 $0x100, s29;
	s31 =	smov.u32 s30;
	s30 =	sadd.s32 $0x4, s30;
	[tilespmem:v8+s19+$0x0] =	vst.idx.msk $0xffff, v9  }
0x534: {  	v8 =	vmov s31;
	v9 =	vld [tilespmem:s29+$0x0]  }
0x535: {  	v8 =	vand.u32 $0x7C, v8  }
0x536: {  	v10 =	vadd.s32 v0, v8;
	_ =	sdelay $0x2  }
0x537: {  	v9 =	vadd.f32 v9, v4;
	_ =	sdelay $0x1  }
0x538: {  	[tilespmem:v10+s19+$0x0] =	vst.idx.msk $0xffff, v9  }
0x539: {  	v9 =	vld [tilespmem:s29+$0x10];
	_ =	sdelay $0x1  }
0x53a: {  	v10 =	vadd.s32 v1, v8;
	_ =	sdelay $0x2  }
0x53b: {  	v9 =	vadd.f32 v9, v5;
	_ =	sdelay $0x1  }
0x53c: {  	[tilespmem:v10+s19+$0x0] =	vst.idx.msk $0xffff, v9  }
0x53d: {  	v9 =	vld [tilespmem:s29+$0x20];
	_ =	sdelay $0x1  }
0x53e: {  	v10 =	vadd.s32 v2, v8;
	_ =	sdelay $0x2  }
0x53f: {  	v9 =	vadd.f32 v9, v6;
	_ =	sdelay $0x1  }
0x540: {  	[tilespmem:v10+s19+$0x0] =	vst.idx.msk $0xffff, v9  }
0x541: {  	v9 =	vld [tilespmem:s29+$0x30];
	_ =	sdelay $0x1  }
0x542: {  	v8 =	vadd.s32 v3, v8;
	_ =	sdelay $0x2  }
0x543: {  	v9 =	vadd.f32 v9, v7;
	_ =	sdelay $0x1  }
0x544: {  	s0 =	sadd.s32 $0x1, s31;
	[tilespmem:v8+s19+$0x0] =	vst.idx.msk $0xffff, v9  }
0x545: {  	v8 =	vmov s0;
	v9 =	vld [tilespmem:s29+$0x40]  }
0x546: {  	v8 =	vand.u32 $0x7D, v8  }
0x547: {  	v10 =	vadd.s32 v0, v8;
	_ =	sdelay $0x2  }
0x548: {  	v9 =	vadd.f32 v9, v4;
	_ =	sdelay $0x1  }
0x549: {  	[tilespmem:v10+s19+$0x0] =	vst.idx.msk $0xffff, v9  }
0x54a: {  	v9 =	vld [tilespmem:s29+$0x50];
	_ =	sdelay $0x1  }
0x54b: {  	v10 =	vadd.s32 v1, v8;
	_ =	sdelay $0x2  }
0x54c: {  	v9 =	vadd.f32 v9, v5;
	_ =	sdelay $0x1  }
0x54d: {  	[tilespmem:v10+s19+$0x0] =	vst.idx.msk $0xffff, v9  }
0x54e: {  	v9 =	vld [tilespmem:s29+$0x60];
	_ =	sdelay $0x1  }
0x54f: {  	v10 =	vadd.s32 v2, v8;
	_ =	sdelay $0x2  }
0x550: {  	v9 =	vadd.f32 v9, v6;
	_ =	sdelay $0x1  }
0x551: {  	[tilespmem:v10+s19+$0x0] =	vst.idx.msk $0xffff, v9  }
0x552: {  	v9 =	vld [tilespmem:s29+$0x70];
	_ =	sdelay $0x1  }
0x553: {  	v8 =	vadd.s32 v3, v8;
	_ =	sdelay $0x2  }
0x554: {  	v9 =	vadd.f32 v9, v7;
	_ =	sdelay $0x1  }
0x555: {  	s0 =	sadd.s32 $0x2, s31;
	[tilespmem:v8+s19+$0x0] =	vst.idx.msk $0xffff, v9  }
0x556: {  	v8 =	vmov s0;
	v9 =	vld [tilespmem:s29+$0x80]  }
0x557: {  	v8 =	vand.u32 $0x7E, v8  }
0x558: {  	v10 =	vadd.s32 v0, v8;
	_ =	sdelay $0x2  }
0x559: {  	v9 =	vadd.f32 v9, v4;
	_ =	sdelay $0x1  }
0x55a: {  	[tilespmem:v10+s19+$0x0] =	vst.idx.msk $0xffff, v9  }
0x55b: {  	v9 =	vld [tilespmem:s29+$0x90];
	_ =	sdelay $0x1  }
0x55c: {  	v10 =	vadd.s32 v1, v8;
	_ =	sdelay $0x2  }
0x55d: {  	v9 =	vadd.f32 v9, v5;
	_ =	sdelay $0x1  }
0x55e: {  	[tilespmem:v10+s19+$0x0] =	vst.idx.msk $0xffff, v9  }
0x55f: {  	v9 =	vld [tilespmem:s29+$0xA0];
	_ =	sdelay $0x1  }
0x560: {  	v10 =	vadd.s32 v2, v8;
	_ =	sdelay $0x2  }
0x561: {  	v9 =	vadd.f32 v9, v6;
	_ =	sdelay $0x1  }
0x562: {  	[tilespmem:v10+s19+$0x0] =	vst.idx.msk $0xffff, v9  }
0x563: {  	v9 =	vld [tilespmem:s29+$0xB0];
	_ =	sdelay $0x1  }
0x564: {  	v8 =	vadd.s32 v3, v8;
	_ =	sdelay $0x2  }
0x565: {  	v9 =	vadd.f32 v9, v7;
	_ =	sdelay $0x1  }
0x566: {  	s0 =	sadd.s32 $0x3, s31;
	[tilespmem:v8+s19+$0x0] =	vst.idx.msk $0xffff, v9  }
0x567: {  	v8 =	vmov s0;
	v9 =	vld [tilespmem:s29+$0xC0]  }
0x568: {  	v8 =	vand.u32 $0x7F, v8  }
0x569: {  	v10 =	vadd.s32 v0, v8;
	_ =	sdelay $0x2  }
0x56a: {  	v9 =	vadd.f32 v9, v4;
	_ =	sdelay $0x1  }
0x56b: {  	[tilespmem:v10+s19+$0x0] =	vst.idx.msk $0xffff, v9  }
0x56c: {  	v9 =	vld [tilespmem:s29+$0xD0];
	_ =	sdelay $0x1  }
0x56d: {  	v10 =	vadd.s32 v1, v8;
	_ =	sdelay $0x2  }
0x56e: {  	v9 =	vadd.f32 v9, v5;
	_ =	sdelay $0x1  }
0x56f: {  	[tilespmem:v10+s19+$0x0] =	vst.idx.msk $0xffff, v9  }
0x570: {  	v9 =	vld [tilespmem:s29+$0xE0];
	_ =	sdelay $0x1  }
0x571: {  	v10 =	vadd.s32 v2, v8;
	_ =	sdelay $0x2  }
0x572: {  	v9 =	vadd.f32 v9, v6;
	_ =	sdelay $0x1  }
0x573: {  	[tilespmem:v10+s19+$0x0] =	vst.idx.msk $0xffff, v9  }
0x574: {  	v9 =	vld [tilespmem:s29+$0xF0]  }
.Ltmp20:
0x575: {  	(pc) =	sbr.rel @p0 .LBB2_15-.Ltmp20, $2  }
0x576: {  	v8 =	vadd.s32 v3, v8;
	_ =	sdelay $0x2  }
0x577: {  	v9 =	vadd.f32 v9, v7  }
0x578: {  	_ = 	snop  }
0x579: {  	s0 =	sshll.u32 s28, $0x12  }
0x57a: {  	s0 =	sor.u32 s10, s0  }
0x57b: {  	s0 =	sshrl.u32 s0, $0x3  }
0x57c: {  	s1 =	simm.s32 $0x10400;
	[tilespmem:v8+s19+$0x0] =	vst.idx.msk $0xffff, v9;
	s0 =	sadd.s32 s2, s0  }
0x57d: {  	[hbm4b:s0+s3] =	stream.linear.scatter [tilespmem:s1], [sflag:$0x4], $0x80, $0x38;
	[tilespmem:$0x1AC00] =	vst v63  }
0x57e: {  	s1 =	simm.s32 $0x10488;
	s12 =	sadd.s32 $0x10, s0  }
0x57f: {  	[hbm4b:s12+s3] =	stream.linear.scatter [tilespmem:s1], [sflag:$0x4], $0x80, $0x38;
	[tilespmem:$0x1AC00] =	vst v63  }
0x580: {  	s1 =	simm.s32 $0x10510;
	s12 =	sadd.s32 $0x20, s0  }
0x581: {  	[hbm4b:s12+s3] =	stream.linear.scatter [tilespmem:s1], [sflag:$0x4], $0x80, $0x38;
	[tilespmem:$0x1AC00] =	vst v63  }
0x582: {  	s1 =	simm.s32 $0x10598;
	s12 =	sadd.s32 $0x30, s0  }
0x583: {  	[hbm4b:s12+s3] =	stream.linear.scatter [tilespmem:s1], [sflag:$0x4], $0x80, $0x38;
	[tilespmem:$0x1AC00] =	vst v63  }
0x584: {  	s1 =	simm.s32 $0x10620;
	s12 =	sadd.s32 $0x40, s0  }
0x585: {  	[hbm4b:s12+s3] =	stream.linear.scatter [tilespmem:s1], [sflag:$0x4], $0x80, $0x38;
	[tilespmem:$0x1AC00] =	vst v63  }
0x586: {  	s28 =	simm.s32 $0x440;
	s1 =	simm.s32 $0x106A8;
	s12 =	sadd.s32 $0x50, s0  }
0x587: {  	[hbm4b:s12+s3] =	stream.linear.scatter [tilespmem:s1], [sflag:$0x4], $0x80, $0x38;
	[tilespmem:$0x1AC00] =	vst v63  }
0x588: {  	s30 =	simm.s32 $0x2200;
	s1 =	simm.s32 $0x10730;
	s12 =	sadd.s32 $0x60, s0  }
0x589: {  	[hbm4b:s12+s3] =	stream.linear.scatter [tilespmem:s1], [sflag:$0x4], $0x80, $0x38;
	[tilespmem:$0x1AC00] =	vst v63  }
0x58a: {  	s31 =	simm.s32 $0x107B8;
	s29 =	sadd.s32 $0x1000, s0;
	s1 =	sadd.s32 $0x70, s0  }
.LBB2_17:
0x58b: {  	[hbm4b:s1+s3] =	stream.linear.scatter [tilespmem:s31], [sflag:$0x4], $0x80, $0x38;
	[tilespmem:$0x1AC00] =	vst v63  }
0x58c: {  	s0 =	smov.u32 s28;
	s1 =	smov.u32 s30  }
0x58d: {  	s12 =	sadd.s32 $0x1100, s30;
	s28 =	sshra.s32 s1, $0x2;
	s1 =	sadd.s32 $0x10400, s0  }
0x58e: {  	[hbm4b:s29+s3] =	stream.linear.scatter [tilespmem:s1], [sflag:$0x4], $0x80, $0x38;
	[tilespmem:$0x1AC00] =	vst v63  }
0x58f: {  	p0 =	sne.s32 s30, $0x7700;
	s30 =	sadd.s32 $0x10, s29;
	s1 =	sadd.s32 $0x10488, s0  }
0x590: {  	[hbm4b:s30+s3] =	stream.linear.scatter [tilespmem:s1], [sflag:$0x4], $0x80, $0x38;
	[tilespmem:$0x1AC00] =	vst v63  }
0x591: {  	s1 =	sadd.s32 $0x10510, s0;
	s30 =	sadd.s32 $0x20, s29  }
0x592: {  	[hbm4b:s30+s3] =	stream.linear.scatter [tilespmem:s1], [sflag:$0x4], $0x80, $0x38;
	[tilespmem:$0x1AC00] =	vst v63  }
0x593: {  	s1 =	sadd.s32 $0x10598, s0;
	s30 =	sadd.s32 $0x30, s29  }
0x594: {  	[hbm4b:s30+s3] =	stream.linear.scatter [tilespmem:s1], [sflag:$0x4], $0x80, $0x38;
	[tilespmem:$0x1AC00] =	vst v63  }
0x595: {  	s1 =	sadd.s32 $0x10620, s0;
	s30 =	sadd.s32 $0x40, s29  }
0x596: {  	[hbm4b:s30+s3] =	stream.linear.scatter [tilespmem:s1], [sflag:$0x4], $0x80, $0x38;
	[tilespmem:$0x1AC00] =	vst v63  }
.Ltmp21:
0x597: {  	s1 =	sadd.s32 $0x106A8, s0;
	s30 =	sadd.s32 $0x50, s29;
	(pc) =	sbr.rel @p0 .LBB2_17-.Ltmp21, $4  }
0x598: {  	[hbm4b:s30+s3] =	stream.linear.scatter [tilespmem:s1], [sflag:$0x4], $0x80, $0x38;
	[tilespmem:$0x1AC00] =	vst v63  }
0x599: {  	s31 =	sadd.s32 $0x107B8, s0;
	s1 =	sadd.s32 $0x10730, s0;
	s30 =	sadd.s32 $0x60, s29  }
0x59a: {  	[hbm4b:s30+s3] =	stream.linear.scatter [tilespmem:s1], [sflag:$0x4], $0x80, $0x38;
	[tilespmem:$0x1AC00] =	vst v63  }
0x59b: {  	s1 =	sadd.s32 $0x70, s29;
	s29 =	sadd.s32 $0x1000, s29;
	s30 =	smov.u32 s12  }
0x59c: {  	[hbm4b:s1+s3] =	stream.linear.scatter [tilespmem:s31], [sflag:$0x4], $0x80, $0x38;
	[tilespmem:$0x1AC00] =	vst v63  }
0x59d: {  	s0 =	sadd.s32 $0x10400, s28  }
0x59e: {  	[hbm4b:s29+s3] =	stream.linear.scatter [tilespmem:s0], [sflag:$0x4], $0x80, $0x38;
	[tilespmem:$0x1AC00] =	vst v63  }
0x59f: {  	s1 =	sadd.s32 $0x10488, s28;
	s12 =	sadd.s32 $0x10, s29  }
0x5a0: {  	[hbm4b:s12+s3] =	stream.linear.scatter [tilespmem:s1], [sflag:$0x4], $0x80, $0x38;
	[tilespmem:$0x1AC00] =	vst v63  }
0x5a1: {  	s30 =	sadd.s32 $0x10510, s28;
	s31 =	sadd.s32 $0x20, s29  }
0x5a2: {  	[hbm4b:s31+s3] =	stream.linear.scatter [tilespmem:s30], [sflag:$0x4], $0x80, $0x38;
	[tilespmem:$0x1AC00] =	vst v63  }
0x5a3: {  	s1 =	sadd.s32 $0x10598, s28;
	s12 =	sadd.s32 $0x30, s29  }
0x5a4: {  	[hbm4b:s12+s3] =	stream.linear.scatter [tilespmem:s1], [sflag:$0x4], $0x80, $0x38;
	[tilespmem:$0x1AC00] =	vst v63  }
0x5a5: {  	s30 =	sadd.s32 $0x10620, s28;
	s31 =	sadd.s32 $0x40, s29  }
0x5a6: {  	[hbm4b:s31+s3] =	stream.linear.scatter [tilespmem:s30], [sflag:$0x4], $0x80, $0x38;
	[tilespmem:$0x1AC00] =	vst v63  }
0x5a7: {  	s1 =	sadd.s32 $0x106A8, s28;
	s12 =	sadd.s32 $0x50, s29  }
0x5a8: {  	[hbm4b:s12+s3] =	stream.linear.scatter [tilespmem:s1], [sflag:$0x4], $0x80, $0x38;
	[tilespmem:$0x1AC00] =	vst v63  }
0x5a9: {  	s30 =	sadd.s32 $0x10730, s28;
	s31 =	sadd.s32 $0x60, s29  }
0x5aa: {  	[hbm4b:s31+s3] =	stream.linear.scatter [tilespmem:s30], [sflag:$0x4], $0x80, $0x38;
	[tilespmem:$0x1AC00] =	vst v63  }
0x5ab: {  	s1 =	sadd.s32 $0x107B8, s28;
	s12 =	sadd.s32 $0x70, s29  }
0x5ac: {  	[hbm4b:s12+s3] =	stream.linear.scatter [tilespmem:s1], [sflag:$0x4], $0x80, $0x38;
	[tilespmem:$0x1AC00] =	vst v63  }
0x5ad: {  	s26 =	sor.u32 $0x3, s26;
	_ =	swait.ge [sflag:s20], $0x2000  }
0x5ae: {  	s30 =	sshll.u32 s26, $0x9;
	[sflag:s20] =	ssyncset.done $0x0  }
0x5af: {  	s0 =	sshra.s32 s30, $0x2;
	[sflag:s20] =	ssyncadd.s32 $0xFFFFE000  }
0x5b0: {  	s28 =	simm.s32 $0x6400;
	s31 =	simm.s32 $0x0;
	v4 =	vld [tilespmem:s0+$0x14800]  }
0x5b1: {  	v5 =	vmov s31;
	v7 =	vld [tilespmem:s28+$0x0]  }
0x5b2: {  	v8 =	vand.u32 $0x7C, v5  }
0x5b3: {  	v9 =	vadd.s32 v0, v8;
	_ =	sdelay $0x2  }
0x5b4: {  	v5 =	vld [tilespmem:s0+$0x14810];
	v10 =	vadd.f32 v7, v4  }
0x5b5: {  	v6 =	vld [tilespmem:s0+$0x14820]  }
0x5b6: {  	v7 =	vld [tilespmem:s0+$0x14830];
	[tilespmem:v9+s21+$0x0] =	vst.idx.msk $0xffff, v10  }
0x5b7: {  	v9 =	vld [tilespmem:s28+$0x10];
	_ =	sdelay $0x1  }
0x5b8: {  	v10 =	vadd.s32 v1, v8;
	_ =	sdelay $0x2  }
0x5b9: {  	v9 =	vadd.f32 v9, v5;
	_ =	sdelay $0x1  }
0x5ba: {  	[tilespmem:v10+s21+$0x0] =	vst.idx.msk $0xffff, v9  }
0x5bb: {  	v9 =	vld [tilespmem:s28+$0x20];
	_ =	sdelay $0x1  }
0x5bc: {  	v10 =	vadd.s32 v2, v8;
	_ =	sdelay $0x2  }
0x5bd: {  	v9 =	vadd.f32 v9, v6;
	_ =	sdelay $0x1  }
0x5be: {  	[tilespmem:v10+s21+$0x0] =	vst.idx.msk $0xffff, v9  }
0x5bf: {  	v9 =	vld [tilespmem:s28+$0x30];
	_ =	sdelay $0x1  }
0x5c0: {  	v8 =	vadd.s32 v3, v8;
	_ =	sdelay $0x2  }
0x5c1: {  	v9 =	vadd.f32 v9, v7;
	_ =	sdelay $0x1  }
0x5c2: {  	s12 =	simm.s32 $0x1;
	[tilespmem:v8+s21+$0x0] =	vst.idx.msk $0xffff, v9  }
0x5c3: {  	v8 =	vmov s12;
	v9 =	vld [tilespmem:s28+$0x40]  }
0x5c4: {  	v8 =	vand.u32 $0x7D, v8  }
0x5c5: {  	v10 =	vadd.s32 v0, v8;
	_ =	sdelay $0x2  }
0x5c6: {  	v9 =	vadd.f32 v9, v4;
	_ =	sdelay $0x1  }
0x5c7: {  	[tilespmem:v10+s21+$0x0] =	vst.idx.msk $0xffff, v9  }
0x5c8: {  	v9 =	vld [tilespmem:s28+$0x50];
	_ =	sdelay $0x1  }
0x5c9: {  	v10 =	vadd.s32 v1, v8;
	_ =	sdelay $0x2  }
0x5ca: {  	v9 =	vadd.f32 v9, v5;
	_ =	sdelay $0x1  }
0x5cb: {  	[tilespmem:v10+s21+$0x0] =	vst.idx.msk $0xffff, v9  }
0x5cc: {  	v9 =	vld [tilespmem:s28+$0x60];
	_ =	sdelay $0x1  }
0x5cd: {  	v10 =	vadd.s32 v2, v8;
	_ =	sdelay $0x2  }
0x5ce: {  	v9 =	vadd.f32 v9, v6;
	_ =	sdelay $0x1  }
0x5cf: {  	[tilespmem:v10+s21+$0x0] =	vst.idx.msk $0xffff, v9  }
0x5d0: {  	v9 =	vld [tilespmem:s28+$0x70];
	_ =	sdelay $0x1  }
0x5d1: {  	v8 =	vadd.s32 v3, v8;
	_ =	sdelay $0x2  }
0x5d2: {  	v9 =	vadd.f32 v9, v7;
	_ =	sdelay $0x1  }
0x5d3: {  	s30 =	simm.s32 $0x2;
	[tilespmem:v8+s21+$0x0] =	vst.idx.msk $0xffff, v9  }
0x5d4: {  	v8 =	vmov s30;
	v9 =	vld [tilespmem:s28+$0x80]  }
0x5d5: {  	v8 =	vand.u32 $0x7E, v8  }
0x5d6: {  	v10 =	vadd.s32 v0, v8;
	_ =	sdelay $0x2  }
0x5d7: {  	v9 =	vadd.f32 v9, v4;
	_ =	sdelay $0x1  }
0x5d8: {  	[tilespmem:v10+s21+$0x0] =	vst.idx.msk $0xffff, v9  }
0x5d9: {  	v9 =	vld [tilespmem:s28+$0x90];
	_ =	sdelay $0x1  }
0x5da: {  	v10 =	vadd.s32 v1, v8;
	_ =	sdelay $0x2  }
0x5db: {  	v9 =	vadd.f32 v9, v5;
	_ =	sdelay $0x1  }
0x5dc: {  	[tilespmem:v10+s21+$0x0] =	vst.idx.msk $0xffff, v9  }
0x5dd: {  	v9 =	vld [tilespmem:s28+$0xA0];
	_ =	sdelay $0x1  }
0x5de: {  	v10 =	vadd.s32 v2, v8;
	_ =	sdelay $0x2  }
0x5df: {  	v9 =	vadd.f32 v9, v6;
	_ =	sdelay $0x1  }
0x5e0: {  	[tilespmem:v10+s21+$0x0] =	vst.idx.msk $0xffff, v9  }
0x5e1: {  	v9 =	vld [tilespmem:s28+$0xB0];
	_ =	sdelay $0x1  }
0x5e2: {  	v8 =	vadd.s32 v3, v8;
	_ =	sdelay $0x2  }
0x5e3: {  	v9 =	vadd.f32 v9, v7;
	_ =	sdelay $0x1  }
0x5e4: {  	s31 =	simm.s32 $0x3;
	[tilespmem:v8+s21+$0x0] =	vst.idx.msk $0xffff, v9  }
0x5e5: {  	v8 =	vmov s31;
	v9 =	vld [tilespmem:s28+$0xC0]  }
0x5e6: {  	v8 =	vand.u32 $0x7F, v8  }
0x5e7: {  	v10 =	vadd.s32 v0, v8;
	_ =	sdelay $0x2  }
0x5e8: {  	v9 =	vadd.f32 v9, v4;
	_ =	sdelay $0x1  }
0x5e9: {  	[tilespmem:v10+s21+$0x0] =	vst.idx.msk $0xffff, v9  }
0x5ea: {  	v9 =	vld [tilespmem:s28+$0xD0];
	_ =	sdelay $0x1  }
0x5eb: {  	v10 =	vadd.s32 v1, v8;
	_ =	sdelay $0x2  }
0x5ec: {  	v9 =	vadd.f32 v9, v5;
	_ =	sdelay $0x1  }
0x5ed: {  	[tilespmem:v10+s21+$0x0] =	vst.idx.msk $0xffff, v9  }
0x5ee: {  	v9 =	vld [tilespmem:s28+$0xE0];
	_ =	sdelay $0x1  }
0x5ef: {  	v10 =	vadd.s32 v2, v8;
	_ =	sdelay $0x2  }
0x5f0: {  	v9 =	vadd.f32 v9, v6;
	_ =	sdelay $0x1  }
0x5f1: {  	[tilespmem:v10+s21+$0x0] =	vst.idx.msk $0xffff, v9  }
0x5f2: {  	v9 =	vld [tilespmem:s28+$0xF0];
	_ =	sdelay $0x1  }
0x5f3: {  	v8 =	vadd.s32 v3, v8;
	_ =	sdelay $0x2  }
0x5f4: {  	s29 =	simm.s32 $0x4;
	v9 =	vadd.f32 v9, v7  }
.LBB2_19:
0x5f5: {  	p0 =	slt.u32 s29, $0x7C  }
0x5f6: {  	s28 =	sadd.s32 $0x100, s28;
	s30 =	smov.u32 s29;
	s29 =	sadd.s32 $0x4, s29;
	[tilespmem:v8+s21+$0x0] =	vst.idx.msk $0xffff, v9  }
0x5f7: {  	v8 =	vmov s30;
	v9 =	vld [tilespmem:s28+$0x0]  }
0x5f8: {  	v8 =	vand.u32 $0x7C, v8  }
0x5f9: {  	v10 =	vadd.s32 v0, v8;
	_ =	sdelay $0x2  }
0x5fa: {  	v9 =	vadd.f32 v9, v4;
	_ =	sdelay $0x1  }
0x5fb: {  	[tilespmem:v10+s21+$0x0] =	vst.idx.msk $0xffff, v9  }
0x5fc: {  	v9 =	vld [tilespmem:s28+$0x10];
	_ =	sdelay $0x1  }
0x5fd: {  	v10 =	vadd.s32 v1, v8;
	_ =	sdelay $0x2  }
0x5fe: {  	v9 =	vadd.f32 v9, v5;
	_ =	sdelay $0x1  }
0x5ff: {  	[tilespmem:v10+s21+$0x0] =	vst.idx.msk $0xffff, v9  }
0x600: {  	v9 =	vld [tilespmem:s28+$0x20];
	_ =	sdelay $0x1  }
0x601: {  	v10 =	vadd.s32 v2, v8;
	_ =	sdelay $0x2  }
0x602: {  	v9 =	vadd.f32 v9, v6;
	_ =	sdelay $0x1  }
0x603: {  	[tilespmem:v10+s21+$0x0] =	vst.idx.msk $0xffff, v9  }
0x604: {  	v9 =	vld [tilespmem:s28+$0x30];
	_ =	sdelay $0x1  }
0x605: {  	v8 =	vadd.s32 v3, v8;
	_ =	sdelay $0x2  }
0x606: {  	v9 =	vadd.f32 v9, v7;
	_ =	sdelay $0x1  }
0x607: {  	s0 =	sadd.s32 $0x1, s30;
	[tilespmem:v8+s21+$0x0] =	vst.idx.msk $0xffff, v9  }
0x608: {  	v8 =	vmov s0;
	v9 =	vld [tilespmem:s28+$0x40]  }
0x609: {  	v8 =	vand.u32 $0x7D, v8  }
0x60a: {  	v10 =	vadd.s32 v0, v8;
	_ =	sdelay $0x2  }
0x60b: {  	v9 =	vadd.f32 v9, v4;
	_ =	sdelay $0x1  }
0x60c: {  	[tilespmem:v10+s21+$0x0] =	vst.idx.msk $0xffff, v9  }
0x60d: {  	v9 =	vld [tilespmem:s28+$0x50];
	_ =	sdelay $0x1  }
0x60e: {  	v10 =	vadd.s32 v1, v8;
	_ =	sdelay $0x2  }
0x60f: {  	v9 =	vadd.f32 v9, v5;
	_ =	sdelay $0x1  }
0x610: {  	[tilespmem:v10+s21+$0x0] =	vst.idx.msk $0xffff, v9  }
0x611: {  	v9 =	vld [tilespmem:s28+$0x60];
	_ =	sdelay $0x1  }
0x612: {  	v10 =	vadd.s32 v2, v8;
	_ =	sdelay $0x2  }
0x613: {  	v9 =	vadd.f32 v9, v6;
	_ =	sdelay $0x1  }
0x614: {  	[tilespmem:v10+s21+$0x0] =	vst.idx.msk $0xffff, v9  }
0x615: {  	v9 =	vld [tilespmem:s28+$0x70];
	_ =	sdelay $0x1  }
0x616: {  	v8 =	vadd.s32 v3, v8;
	_ =	sdelay $0x2  }
0x617: {  	v9 =	vadd.f32 v9, v7;
	_ =	sdelay $0x1  }
0x618: {  	s0 =	sadd.s32 $0x2, s30;
	[tilespmem:v8+s21+$0x0] =	vst.idx.msk $0xffff, v9  }
0x619: {  	v8 =	vmov s0;
	v9 =	vld [tilespmem:s28+$0x80]  }
0x61a: {  	v8 =	vand.u32 $0x7E, v8  }
0x61b: {  	v10 =	vadd.s32 v0, v8;
	_ =	sdelay $0x2  }
0x61c: {  	v9 =	vadd.f32 v9, v4;
	_ =	sdelay $0x1  }
0x61d: {  	[tilespmem:v10+s21+$0x0] =	vst.idx.msk $0xffff, v9  }
0x61e: {  	v9 =	vld [tilespmem:s28+$0x90];
	_ =	sdelay $0x1  }
0x61f: {  	v10 =	vadd.s32 v1, v8;
	_ =	sdelay $0x2  }
0x620: {  	v9 =	vadd.f32 v9, v5;
	_ =	sdelay $0x1  }
0x621: {  	[tilespmem:v10+s21+$0x0] =	vst.idx.msk $0xffff, v9  }
0x622: {  	v9 =	vld [tilespmem:s28+$0xA0];
	_ =	sdelay $0x1  }
0x623: {  	v10 =	vadd.s32 v2, v8;
	_ =	sdelay $0x2  }
0x624: {  	v9 =	vadd.f32 v9, v6;
	_ =	sdelay $0x1  }
0x625: {  	[tilespmem:v10+s21+$0x0] =	vst.idx.msk $0xffff, v9  }
0x626: {  	v9 =	vld [tilespmem:s28+$0xB0];
	_ =	sdelay $0x1  }
0x627: {  	v8 =	vadd.s32 v3, v8;
	_ =	sdelay $0x2  }
0x628: {  	v9 =	vadd.f32 v9, v7;
	_ =	sdelay $0x1  }
0x629: {  	s0 =	sadd.s32 $0x3, s30;
	[tilespmem:v8+s21+$0x0] =	vst.idx.msk $0xffff, v9  }
0x62a: {  	v8 =	vmov s0;
	v9 =	vld [tilespmem:s28+$0xC0]  }
0x62b: {  	v8 =	vand.u32 $0x7F, v8  }
0x62c: {  	v10 =	vadd.s32 v0, v8;
	_ =	sdelay $0x2  }
0x62d: {  	v9 =	vadd.f32 v9, v4;
	_ =	sdelay $0x1  }
0x62e: {  	[tilespmem:v10+s21+$0x0] =	vst.idx.msk $0xffff, v9  }
0x62f: {  	v9 =	vld [tilespmem:s28+$0xD0];
	_ =	sdelay $0x1  }
0x630: {  	v10 =	vadd.s32 v1, v8;
	_ =	sdelay $0x2  }
0x631: {  	v9 =	vadd.f32 v9, v5;
	_ =	sdelay $0x1  }
0x632: {  	[tilespmem:v10+s21+$0x0] =	vst.idx.msk $0xffff, v9  }
0x633: {  	v9 =	vld [tilespmem:s28+$0xE0];
	_ =	sdelay $0x1  }
0x634: {  	v10 =	vadd.s32 v2, v8;
	_ =	sdelay $0x2  }
0x635: {  	v9 =	vadd.f32 v9, v6;
	_ =	sdelay $0x1  }
0x636: {  	[tilespmem:v10+s21+$0x0] =	vst.idx.msk $0xffff, v9  }
0x637: {  	v9 =	vld [tilespmem:s28+$0xF0]  }
.Ltmp22:
0x638: {  	(pc) =	sbr.rel @p0 .LBB2_19-.Ltmp22, $2  }
0x639: {  	v8 =	vadd.s32 v3, v8;
	_ =	sdelay $0x2  }
0x63a: {  	v9 =	vadd.f32 v9, v7  }
0x63b: {  	_ = 	snop  }
0x63c: {  	s0 =	sshll.u32 s26, $0x12  }
0x63d: {  	s0 =	sor.u32 s10, s0  }
0x63e: {  	s0 =	sshrl.u32 s0, $0x3  }
0x63f: {  	s1 =	simm.s32 $0x12600;
	[tilespmem:v8+s21+$0x0] =	vst.idx.msk $0xffff, v9;
	s0 =	sadd.s32 s2, s0  }
0x640: {  	[hbm4b:s0+s3] =	stream.linear.scatter [tilespmem:s1], [sflag:$0x5], $0x80, $0x38;
	[tilespmem:$0x1AC00] =	vst v63  }
0x641: {  	s31 =	simm.s32 $0x12688;
	s12 =	sadd.s32 $0x10, s0  }
0x642: {  	[hbm4b:s12+s3] =	stream.linear.scatter [tilespmem:s31], [sflag:$0x5], $0x80, $0x38;
	[tilespmem:$0x1AC00] =	vst v63  }
0x643: {  	s26 =	simm.s32 $0x12710;
	s31 =	sadd.s32 $0x20, s0  }
0x644: {  	[hbm4b:s31+s3] =	stream.linear.scatter [tilespmem:s26], [sflag:$0x5], $0x80, $0x38;
	[tilespmem:$0x1AC00] =	vst v63  }
0x645: {  	s26 =	simm.s32 $0x12798;
	s31 =	sadd.s32 $0x30, s0  }
0x646: {  	[hbm4b:s31+s3] =	stream.linear.scatter [tilespmem:s26], [sflag:$0x5], $0x80, $0x38;
	[tilespmem:$0x1AC00] =	vst v63  }
0x647: {  	s26 =	simm.s32 $0x12820;
	s31 =	sadd.s32 $0x40, s0  }
0x648: {  	[hbm4b:s31+s3] =	stream.linear.scatter [tilespmem:s26], [sflag:$0x5], $0x80, $0x38;
	[tilespmem:$0x1AC00] =	vst v63  }
0x649: {  	s29 =	simm.s32 $0x2200;
	s26 =	simm.s32 $0x128A8;
	s31 =	sadd.s32 $0x50, s0  }
0x64a: {  	[hbm4b:s31+s3] =	stream.linear.scatter [tilespmem:s26], [sflag:$0x5], $0x80, $0x38;
	[tilespmem:$0x1AC00] =	vst v63  }
0x64b: {  	s30 =	simm.s32 $0x129B8;
	s26 =	simm.s32 $0x12930;
	s31 =	sadd.s32 $0x60, s0  }
0x64c: {  	[hbm4b:s31+s3] =	stream.linear.scatter [tilespmem:s26], [sflag:$0x5], $0x80, $0x38;
	[tilespmem:$0x1AC00] =	vst v63  }
0x64d: {  	s1 =	sadd.s32 $0x70, s0;
	s28 =	sadd.s32 $0x1000, s0;
	s26 =	simm.s32 $0x440  }
.LBB2_21:
0x64e: {  	[hbm4b:s1+s3] =	stream.linear.scatter [tilespmem:s30], [sflag:$0x5], $0x80, $0x38;
	[tilespmem:$0x1AC00] =	vst v63  }
0x64f: {  	s0 =	smov.u32 s26;
	s1 =	smov.u32 s29  }
0x650: {  	s12 =	sadd.s32 $0x1100, s29;
	s26 =	sshra.s32 s1, $0x2;
	s1 =	sadd.s32 $0x12600, s0  }
0x651: {  	[hbm4b:s28+s3] =	stream.linear.scatter [tilespmem:s1], [sflag:$0x5], $0x80, $0x38;
	[tilespmem:$0x1AC00] =	vst v63  }
0x652: {  	p0 =	seq.s32 s29, $0x7700;
	s29 =	sadd.s32 $0x10, s28;
	s1 =	sadd.s32 $0x12688, s0  }
0x653: {  	[hbm4b:s29+s3] =	stream.linear.scatter [tilespmem:s1], [sflag:$0x5], $0x80, $0x38;
	[tilespmem:$0x1AC00] =	vst v63  }
0x654: {  	s1 =	sadd.s32 $0x12710, s0;
	s29 =	sadd.s32 $0x20, s28  }
0x655: {  	[hbm4b:s29+s3] =	stream.linear.scatter [tilespmem:s1], [sflag:$0x5], $0x80, $0x38;
	[tilespmem:$0x1AC00] =	vst v63  }
0x656: {  	s1 =	sadd.s32 $0x12798, s0;
	s29 =	sadd.s32 $0x30, s28  }
0x657: {  	[hbm4b:s29+s3] =	stream.linear.scatter [tilespmem:s1], [sflag:$0x5], $0x80, $0x38;
	[tilespmem:$0x1AC00] =	vst v63  }
0x658: {  	s1 =	sadd.s32 $0x12820, s0;
	s29 =	sadd.s32 $0x40, s28  }
0x659: {  	[hbm4b:s29+s3] =	stream.linear.scatter [tilespmem:s1], [sflag:$0x5], $0x80, $0x38;
	[tilespmem:$0x1AC00] =	vst v63  }
.Ltmp23:
0x65a: {  	s1 =	sadd.s32 $0x128A8, s0;
	s29 =	sadd.s32 $0x50, s28;
	(pc) =	sbr.rel @!p0 .LBB2_21-.Ltmp23, $4  }
0x65b: {  	[hbm4b:s29+s3] =	stream.linear.scatter [tilespmem:s1], [sflag:$0x5], $0x80, $0x38;
	[tilespmem:$0x1AC00] =	vst v63  }
0x65c: {  	s30 =	sadd.s32 $0x129B8, s0;
	s1 =	sadd.s32 $0x12930, s0;
	s29 =	sadd.s32 $0x60, s28  }
0x65d: {  	[hbm4b:s29+s3] =	stream.linear.scatter [tilespmem:s1], [sflag:$0x5], $0x80, $0x38;
	[tilespmem:$0x1AC00] =	vst v63  }
0x65e: {  	s1 =	sadd.s32 $0x70, s28;
	s28 =	sadd.s32 $0x1000, s28;
	s29 =	smov.u32 s12  }
.Ltmp24:
0x65f: {  	_ = 	snop;
	(pc) =	sbr.rel .LBB2_22-.Ltmp24, $1  }
0x660: {  	_ =	sdelay $0x3  }
.LBB2_42:
0x661: {  	_ =	sfence.sel $0x180000  }
0x662: {  	[bflag:$0x0] =	sbarrier.arrive $0xFFFF  }
0x663: {  	_ =	strace $0x9000004A  }
0x664: {  	s0 =	stileid.u32;
	[bflag:$0x2] =	sbarrier.arrive $0xFFFF  }
0x665: {  	p0 =	sne.s32 s0, $0x0;
	s0 =	rddreg [dreg:$0x2]  }
0x666: {  	s0 =	sadd.s32 @!p0 $0x100000, s0  }
0x667: {  	[sflag:s0] =	ssyncadd.tile.s32 @!p0 $0x1;
	_ =	shalt  }
.Lfunc_end2:
_tile_overlayer_lowered:
.L_overlay_start_2:
0x668: {  	(tag) =	ssettag $0x2  }
0x669: {  	s0 =	rddreg [dreg:$0x0];
	s2 =	stileid.u32  }
0x66a: {  	s1 =	rddreg [dreg:$0x1];
	p0 =	sne.s32 s2, $0x0  }
0x66b: {  	s3 =	rddreg [dreg:$0x2];
	[bflag:$0x3] =	sbarrier.arrive $0xFFFF;
	s2 =	simm.s32 @!p0 $0x1C06  }
0x66c: {  	[timem:s3], [sflag:s2] =	dma.local @!p0 [hbm:s0], s1  }
0x66d: {  	s0 =	simm.s32 @!p0 $0x6  }
0x66e: {  	_ =	swait.ge @!p0 [sflag:s0], s1  }
0x66f: {  	s1 =	ssub.s32 @!p0 $0x0, s1;
	[sflag:s0] =	ssyncset.done @!p0 $0x0  }
0x670: {  	[sflag:s0] =	ssyncadd.s32 @!p0 s1  }
0x671: {  	[bflag:$0x3] =	sbarrier.arrive $0xFFFF  }
0x672: {  	_ =	shalt  }

// kernel: sparse-core-data-format-call.cloned.1.call-start
scs
called_computation_lowered:
.L_overlay_start_0:
0x0: {  	s2 =	sld [smem:$0x3FD9]  }
0x1: {  	s3 =	sld [smem:$0x3FFE];
	_ =	sdelay $0x1  }
0x2: {  	s1 =	srdreg.scid  }
0x3: {  	s0 =	sand.u32 $0x1, s1  }
0x4: {  	s18 =	sshll.u32 s0, $0xA;
	s2 =	sadd.s32 s3, s2  }
0x5: {  	s2 =	sadd.s32 s2, s18  }
0x6: {  	[smem:$0x3FC5] =	sst s2  }
0x7: {  	_ = 	snop  }
0x8: {  	s2 =	sld [smem:$0x3FC8];
	(tm) =	ssettm $0x1  }
0x9: {  	s19 =	sld [smem:$0x3FFB];
	_ =	sdelay $0x3  }
0xa: {  	_ =	strace s19  }
0xb: {  	s3 =	sld [smem:$0x3FFC];
	_ =	sdelay $0x3  }
0xc: {  	_ =	strace s3  }
0xd: {  	s3 =	sld [smem:$0x3FFD];
	_ =	sdelay $0x3  }
0xe: {  	_ =	strace s3  }
0xf: {  	_ =	strace $0x8FFFFFFF  }
0x10: {  	s20 =	sld [smem:$0x3FDB];
	_ =	sdelay $0x1  }
0x11: {  	s4 =	simm.s32 $_scs_section_size  }
0x12: {  	s5 =	simm.s32 $_size__tile_overlayer_lowered;
	s6 =	simm.s32 $_tile_overlayer_lowered  }
0x13: {  	s23 =	simm.s32 $0x1BFF;
	s22 =	sshll.u32 s6, $0x1;
	s3 =	sadd.s32 s4, s20  }
0x14: {  	s7 =	simm.s32 $0x0;
	s21 =	sshll.u32 s5, $0x1;
	s5 =	sadd.s32 s22, s3  }
0x15: {  	[timem:s7], [sflag:s23] =	dma.local [hbm:s5], s21  }
0x16: {  	_ =	swait.ge [sflag:s23], s21  }
0x17: {  	s4 =	ssub.s32 $0x0, s21;
	[sflag:s23] =	ssyncset.done $0x0  }
0x18: {  	[sflag:s23] =	ssyncadd.s32 s4;
	_ =	sdelay $0x1  }
0x19: {  	s24 =	simm.s32 $0x1B8B  }
0x1a: {  	_ =	swait.ge [sflag:s24], $0x1  }
0x1b: {  	[sflag:s24] =	ssyncset.done $0x0  }
0x1c: {  	s26 =	simm.s32 $0x1B8E;
	s25 =	sld [smem:$0x3FFE];
	[sflag:s24] =	ssyncadd.s32 $0xFFFFFFFF  }
0x1d: {  	s27 =	simm.s32 $execute0_lowered;
	[smem:$0x3FD2] =	sst s26  }
0x1e: {  	s5 =	sshll.u32 s27, $0x1;
	_ =	strace $0x80000046;
	[dreg:$0x1] =	wrdreg $0xFFFFFFFF  }
0x1f: {  	s28 =	simm.s32 $_size_execute0_lowered;
	s3 =	sadd.s32 s3, s5;
	[dreg:$0x0] =	wrdreg $0x0  }
0x20: {  	s5 =	sshll.u32 s28, $0x1;
	[dreg:$0x2] =	wrdreg s3  }
0x21: {  	[dreg:$0x3] =	wrdreg s5  }
0x22: {  	[dreg:$0x4] =	wrdreg $0xC0  }
0x23: {  	_ =	task [dreg:s7], $0x5FFFF  }
0x24: {  	[dreg:$0x1] =	wrdreg $0xFFFFFFFF  }
0x25: {  	[dreg:$0x0] =	wrdreg $0x60  }
0x26: {  	[dreg:$0x2] =	wrdreg s2  }
0x27: {  	[dreg:$0x3] =	wrdreg s25  }
0x28: {  	[dreg:$0x4] =	wrdreg $0x9  }
0x29: {  	_ =	task.clear_ibuf [dreg:s7], $0x5FFFF;
	_ =	strace $0x90000046  }
0x2a: {  	s29 =	simm.s32 $0x9;
	_ =	strace $0x80000048  }
0x2b: {  	_ =	swait.ge [sflag:s29], $0x1  }
0x2c: {  	[sflag:s29] =	ssyncadd.s32 $0xFFFFFFFF  }
0x2d: {  	_ =	strace $0x90000048  }
0x2e: {  	_ =	sfence  }
0x2f: {  	s30 =	sld [smem:$0x0];
	_ =	sdelay $0x2  }
0x30: {  	s31 =	sshll.u32 s1, $0xD;
	s1 =	sshrl.u32 s1, $0x2  }
0x31: {  	s3 =	sand.u32 $0x4000, s31;
	s1 =	sadd.s32 s1, s30  }
0x32: {  	s0 =	sor.u32 s3, s0;
	s1 =	sshll.u32 s1, $0x11  }
0x33: {  	s0 =	sor.u32 s1, s0  }
0x34: {  	s0 =	sadd.s32 $0x8F2B, s0  }
0x35: {  	[sflag:s0] =	ssyncadd.remote.s32 $0x1  }
0x36: {  	_ =	sfence.sel $0xFFFF  }
0x37: {  	[dreg:$0x0] =	wrdreg $0xFFFFFFFF;
	(pc) =	sbr.abs _section_cstart, $3  }
0x38: {  	[dreg:$0x1] =	wrdreg $0xFFFFFFFF  }
0x39: {  	_ =	task.clear_ibuf [dreg:s7], $0x2FFFF;
	_ =	strace $0x9FFFFFFF  }
0x3a: {  	(tm) =	ssettm $0x7FFFFFFF  }
0x3b: {  	_ =	shalt  }
tec
execute0_lowered:
.L_overlay_start_1:
0x0: {  	(tag) =	ssettag $0x1  }
0x1: {  	s0 =	srdreg.scid;
	s2 =	rddreg [dreg:$0x0]  }
0x2: {  	s5 =	rddreg [dreg:$0x1];
	s1 =	stileid.u32  }
0x3: {  	s4 =	simm.s32 $0x1;
	s6 =	simm.s32 $0x2;
	s15 =	simm.s32 $0x0  }
0x4: {  	p0 =	por $0x0, $0x0;
	s8 =	simm.s32 $0x80;
	s0 =	sshll.u32 s0, $0x4  }
0x5: {  	s14 =	simm.s32 $0x0;
	s9 =	simm.s32 $0x0;
	s3 =	sand.u32 $0x10, s0  }
.Ltmp0:
0x6: {  	s10 =	simm.s32 $0x0;
	s3 =	sor.u32 s1, s3;
	(pc) =	sbr.rel .LBB1_1-.Ltmp0, $4  }
0x7: {  	s0 =	rddreg [dreg:$0x2];
	_ =	strace $0x80000047;
	s3 =	sshll.u32 s3, $0x7  }
0x8: {  	s12 =	simm.s32 $0x0;
	[sflag:s4] =	ssyncpa.u1 $0x0;
	s7 =	ssub.s32 $0xF4200, s3  }
0x9: {  	s13 =	simm.s32 $0x0;
	[sflag:s6] =	ssyncpa.u1 $0x0;
	s6 =	sshrl.u32 s7, $0xC  }
0xa: {  	s5 =	sadd.s32 $0xC00, s5;
	s11 =	smov.u32 s3;
	s7 =	sadd.s32 $0x2, s6  }
.LBB1_5:
0xb: {  	p1 =	slt.u32 s13, $0x2  }
0xc: {  	s17 =	smov.u32 s15;
	p2 =	sgt.s32 @!p1 s15, $0xF41C0;
	s16 =	sshra.s32 @!p1 s15, $0x1F  }
0xd: {  	p3 =	sgt.s32 @!p1 s14, $0x40;
	s18 =	sshra.s32 @!p1 s14, $0x1F;
	p2 =	por !p2, p1  }
0xe: {  	s15 =	sand.u32 @!p1 s16, s15;
	p3 =	por !p3, p1;
	s16 =	smov.u32 s14  }
0xf: {  	s14 =	sand.u32 @!p1 s18, s14;
	s17 =	simm.s32 @p2 $0xF41C0;
	s16 =	simm.s32 @p3 $0x40  }
0x10: {  	s15 =	ssub.s32 @!p1 s17, s15;
	s14 =	ssub.s32 @!p1 s16, s14  }
0x11: {  	s18 =	smov.u32 s12;
	s16 =	sadd.s32 @!p1 $0xFFF0BE40, s15;
	s17 =	sadd.s32 @!p1 $0xFFFFFFC0, s14  }
0x12: {  	s15 =	ssub.s32 @!p1 $0xF4240, s15;
	p2 =	sgt.s32 @!p1 s16, $0x7F;
	p3 =	sgt.s32 @!p1 s17, $0x3F  }
0x13: {  	s14 =	ssub.s32 @!p1 $0x80, s14;
	p2 =	por !p2, p1;
	p3 =	por !p3, p1  }
0x14: {  	s16 =	sadd.s32 $0x1000, s11;
	s15 =	simm.s32 @!p2 $0x0;
	s14 =	simm.s32 @!p3 $0x0  }
0x15: {  	p2 =	sgt.s32 s16, $0xF423F;
	s14 =	smul.u32 @!p1 s14, s15;
	s15 =	sadd.s32 $0x40, s12  }
0x16: {  	s18 =	smov.u32 @p2 s15  }
0x17: {  	s16 =	smov.u32 @p2 s3;
	p2 =	sgt.s32 s18, $0x3F  }
0x18: {  	s18 =	simm.s32 @p2 $0x0;
	p2 =	sne.s32 s13, s7  }
.Ltmp1:
0x19: {  	p0 =	por !p0, !p0;
	s17 =	simm.s32 @!p1 $0x2;
	(pc) =	sbr.rel @!p2 .LBB1_6-.Ltmp1, $4  }
0x1a: {  	s15 =	smov.u32 s9;
	s9 =	smov.u32 s11;
	s14 =	sand.u32 @!p1 $0x3FFFFFFF, s14  }
0x1b: {  	s11 =	smov.u32 s16;
	_ =	swait.ge @!p1 [sflag:s17], s14;
	s19 =	ssub.s32 @!p1 $0x0, s14  }
0x1c: {  	s14 =	smov.u32 s10;
	s13 =	sadd.s32 $0x1, s13;
	[sflag:s17] =	ssyncset.done @!p1 $0x0  }
0x1d: {  	s10 =	smov.u32 s12;
	s12 =	smov.u32 s18;
	[sflag:s17] =	ssyncadd.s32 @!p1 s19  }
.LBB1_1:
0x1e: {  	p1 =	sgt.u32 s13, s6  }
0x1f: {  	s16 =	sshrl.u32 @!p1 s12, $0x3  }
0x20: {  	s17 =	sshll.u32 @!p1 s11, $0x3;
	s16 =	smul.u32 @!p1 $0x7A1400, s16  }
0x21: {  	s18 =	sshll.u32 @!p1 s12, $0x7;
	s17 =	sand.u32 @!p1 $0xFFFFFC00, s17  }
0x22: {  	s16 =	sadd.s32 @!p1 s16, s17;
	s17 =	sand.u32 @!p1 $0x380, s18  }
0x23: {  	s18 =	sand.u32 @!p1 $0x7F, s11;
	s16 =	sor.u32 @!p1 s17, s16  }
0x24: {  	s17 =	sor.u32 @!p1 s18, s16  }
0x25: {  	s18 =	smulhi.u32 @!p1 $0x218D6287, s17;
	_ =	sdelay $0x1  }
0x26: {  	s16 =	smulhi.u32 @!p1 $0x218D6287, s16;
	s18 =	sshrl.u32 @!p1 s18, $0x11  }
0x27: {  	s18 =	smul.u32 @!p1 $0xF4280, s18  }
0x28: {  	s19 =	sxor.u32 @!p1 $0xFFFFFFFF, s13;
	s16 =	sshrl.u32 @!p1 s16, $0x11  }
0x29: {  	s19 =	sshll.u32 @!p1 s19, $0xD;
	s16 =	sand.u32 @!p1 $0x3F, s16;
	s17 =	ssub.s32 @!p1 s17, s18  }
0x2a: {  	s16 =	smul.u32 @!p1 $0x1E850, s16;
	s18 =	sshrl.u32 @!p1 s17, $0x3;
	s17 =	sand.u32 @!p1 $0x7, s17  }
0x2b: {  	s19 =	sand.u32 @!p1 $0x2000, s19;
	s18 =	sadd.s32 @!p1 s2, s18;
	s17 =	sshll.u32 @!p1 s17, $0x12  }
0x2c: {  	s16 =	sadd.s32 @!p1 s16, s18;
	s17 =	sor.u32 @!p1 $0x400, s17;
	s18 =	simm.s32 @!p1 $0x7A1400  }
0x2d: {  	[tilespmem:s19], [sflag:$0x1] =	stream.strided.gather @!p1 [hbm4b:s16+s17], $0x2000, s18, s17, $0x38;
	[tilespmem:$0x8100] =	vst v63  }
0x2e: {  	p1 =	seq.s32 s13, $0x0  }
0x2f: {  	p2 =	sge.u32 @!p1 s13, s7  }
0x30: {  	p1 =	por p1, p2  }
.Ltmp2:
0x31: {  	_ = 	snop;
	(pc) =	sbr.rel @p1 .LBB1_5-.Ltmp2, $1  }
0x32: {  	_ =	sdelay $0x3  }
0x33: {  	s16 =	simm.s32 $0x1  }
0x34: {  	_ =	swait.ge [sflag:s4], $0x2000;
	s16 =	simm.s32 @!p0 $0x0  }
0x35: {  	[sflag:s4] =	ssyncset.done $0x0;
	s17 =	sshll.u32 s16, $0xD  }
0x36: {  	[sflag:s4] =	ssyncadd.s32 $0xFFFFE000;
	s17 =	sor.u32 $0x40, s17  }
0x37: {  	s16 =	smul.u32 $0x8200, s16;
	v0 =	vld [tilespmem:s17+$0x30]  }
0x38: {  	v1 =	vld [tilespmem:s17+$0xFFFFFFD0]  }
0x39: {  	s16 =	sshrl.u32 s16, $0x2;
	v5 =	vld [tilespmem:s17+$0xFFFFFFE0]  }
0x3a: {  	v6 =	vld [tilespmem:s17+$0xFFFFFFF0];
	s19 =	sor.u32 $0x4000, s16  }
0x3b: {  	s31 =	sand.u32 $0x1, s13;
	v4 =	vld [tilespmem:s17+$0x0];
	s18 =	sadd.s32 $0x0, s19  }
0x3c: {  	v3 =	vld [tilespmem:s17+$0x10];
	s16 =	smul.u32 $0x8200, s31;
	[tilespmem:s18+$0x1C70 ss:$0x41] =	vst.msk $0xffff, v0  }
0x3d: {  	v2 =	vld [tilespmem:s17+$0x20];
	[tilespmem:s18+$0x410 ss:$0x41] =	vst.msk $0xffff, v1  }
0x3e: {  	s16 =	sshrl.u32 s16, $0x2;
	v1 =	vld [tilespmem:s17+$0xFFFFFFC0];
	[tilespmem:s18+$0x820 ss:$0x41] =	vst.msk $0xffff, v5;
	s17 =	sadd.s32 $0x80, s17  }
0x3f: {  	s20 =	simm.s32 $0x4;
	s21 =	simm.s32 $0x8;
	s16 =	sor.u32 $0x4000, s16;
	[tilespmem:s18+$0xC30 ss:$0x41] =	vst.msk $0xffff, v6;
	v0 =	vld [tilespmem:s17+$0x30]  }
.LBB1_3:
0x40: {  	p1 =	sne.s32 s21, $0xFC;
	v5 =	vld [tilespmem:s17+$0xFFFFFFD0];
	[tilespmem:s18+$0x1040 ss:$0x41] =	vst.msk $0xffff, v4  }
0x41: {  	v6 =	vld [tilespmem:s17+$0xFFFFFFE0];
	[tilespmem:s18+$0x1450 ss:$0x41] =	vst.msk $0xffff, v3  }
0x42: {  	s22 =	sshra.s32 s20, $0x2;
	s20 =	smov.u32 s21;
	v7 =	vld [tilespmem:s17+$0xFFFFFFF0];
	[tilespmem:s18+$0x1860 ss:$0x41] =	vst.msk $0xffff, v2  }
.Ltmp3:
0x43: {  	v4 =	vld [tilespmem:s17+$0x0];
	[tilespmem:s18+$0x0 ss:$0x41] =	vst.msk $0xffff, v1;
	s18 =	sadd.s32 s22, s19;
	(pc) =	sbr.rel @p1 .LBB1_3-.Ltmp3, $4  }
0x44: {  	v3 =	vld [tilespmem:s17+$0x10];
	[tilespmem:s18+$0x1C70 ss:$0x41] =	vst.msk $0xffff, v0  }
0x45: {  	[tilespmem:s18+$0x410 ss:$0x41] =	vst.msk $0xffff, v5;
	v2 =	vld [tilespmem:s17+$0x20]  }
0x46: {  	v1 =	vld [tilespmem:s17+$0xFFFFFFC0];
	[tilespmem:s18+$0x820 ss:$0x41] =	vst.msk $0xffff, v6;
	s17 =	sadd.s32 $0x80, s17  }
0x47: {  	s21 =	sadd.s32 $0x4, s21;
	v0 =	vld [tilespmem:s17+$0x30];
	[tilespmem:s18+$0xC30 ss:$0x41] =	vst.msk $0xffff, v7  }
0x48: {  	s21 =	sshll.u32 s9, $0x7;
	s22 =	sshll.u32 s10, $0x3;
	s20 =	sshra.s32 s20, $0x2  }
0x49: {  	p1 =	sgt.s32 s9, $0xF41C0;
	s30 =	sshra.s32 s9, $0x1F;
	s25 =	sshra.s32 s10, $0x1F  }
0x4a: {  	v5 =	vld [tilespmem:s17+$0xFFFFFFD0];
	s28 =	sshrl.u32 s10, $0x3;
	s23 =	sand.u32 $0xFFFFFC00, s21;
	s22 =	sand.u32 $0xFFFFFC00, s22  }
0x4b: {  	[tilespmem:s18+$0x1040 ss:$0x41] =	vst.msk $0xffff, v4;
	v58 =	vld [tilespmem:s17+$0xFFFFFFE0];
	s21 =	sand.u32 $0x380, s21;
	s19 =	sadd.s32 s20, s19;
	s22 =	sadd.s32 s22, s23  }
0x4c: {  	v59 =	vld [tilespmem:s17+$0xFFFFFFF0];
	[tilespmem:s18+$0x1450 ss:$0x41] =	vst.msk $0xffff, v3;
	s29 =	sor.u32 s21, s22;
	s21 =	smov.u32 s9;
	s22 =	sand.u32 s30, s9  }
0x4d: {  	v60 =	vld [tilespmem:s17+$0x0];
	[tilespmem:s18+$0x1860 ss:$0x41] =	vst.msk $0xffff, v2;
	s30 =	sand.u32 $0x7, s10;
	s20 =	sshrl.u32 s29, $0x7;
	s21 =	simm.s32 @!p1 $0xF41C0  }
0x4e: {  	v61 =	vld [tilespmem:s17+$0x10];
	[tilespmem:s18+$0x0 ss:$0x41] =	vst.msk $0xffff, v1;
	p1 =	sgt.s32 s10, $0x40;
	s24 =	ssub.s32 s21, s22;
	s21 =	smov.u32 s10  }
0x4f: {  	v62 =	vld [tilespmem:s17+$0x20];
	[tilespmem:s19+$0x1C70 ss:$0x41] =	vst.msk $0xffff, v0;
	s31 =	smulhi.u32 $0x218DEF5, s20;
	s22 =	sand.u32 s25, s10;
	s21 =	simm.s32 @!p1 $0x40  }
0x50: {  	v63 =	vld [tilespmem:s17+$0xFFFFFFC0];
	[tilespmem:s19+$0x410 ss:$0x41] =	vst.msk $0xffff, v5;
	s26 =	sadd.s32 $0xFFF0BE40, s24;
	s17 =	ssub.s32 $0xF4240, s24;
	s21 =	ssub.s32 s21, s22  }
0x51: {  	[tilespmem:s19+$0x820 ss:$0x41] =	vst.msk $0xffff, v58;
	s23 =	sshrl.u32 s31, $0xD;
	p1 =	sgt.s32 s26, $0x7F;
	s27 =	sadd.s32 $0xFFFFFFC0, s21  }
0x52: {  	[tilespmem:s19+$0xC30 ss:$0x41] =	vst.msk $0xffff, v59;
	s23 =	smul.u32 $0xF4240, s23;
	s18 =	ssub.s32 $0x80, s21;
	p2 =	sgt.s32 s27, $0x3F  }
.Ltmp4:
0x53: {  	[tilespmem:s19+$0x1040 ss:$0x41] =	vst.msk $0xffff, v60;
	s17 =	simm.s32 @p1 $0x0;
	s18 =	simm.s32 @p2 $0x0;
	(pc) =	sbr.rel .LBB1_5-.Ltmp4, $4  }
0x54: {  	s29 =	sand.u32 $0xF, s28;
	[tilespmem:s19+$0x1450 ss:$0x41] =	vst.msk $0xffff, v61;
	s20 =	ssub.s32 s20, s23;
	s17 =	smul.u32 s18, s17  }
0x55: {  	[tilespmem:s19+$0x1860 ss:$0x41] =	vst.msk $0xffff, v62;
	s21 =	sshll.u32 s30, $0x12;
	s20 =	sshll.u32 s20, $0x4;
	s18 =	sadd.s32 s5, s29  }
0x56: {  	[tilespmem:s19+$0x0 ss:$0x41] =	vst.msk $0xffff, v63;
	s31 =	sor.u32 $0x40, s21;
	s18 =	sadd.s32 s20, s18;
	s17 =	sand.u32 $0x3FFFFFFF, s17  }
0x57: {  	[hbm4b:s18+s31] =	stream.strided.scatter [tilespmem:s16], [sflag:$0x2], s17, s8, s31, $0x18;
	[tilespmem:$0x8100] =	vst v63  }
.LBB1_6:
0x58: {  	_ =	sfence.sel $0x180000  }
0x59: {  	s2 =	simm.s32 $0x1;
	[bflag:$0x0] =	sbarrier.arrive $0xFFFF  }
0x5a: {  	s31 =	simm.s32 $0x2;
	[sflag:s2] =	ssyncpa.u1 $0x1  }
0x5b: {  	[sflag:s31] =	ssyncpa.u1 $0x1  }
0x5c: {  	p0 =	sne.s32 s1, $0x0;
	_ =	strace $0x90000047  }
0x5d: {  	s0 =	sadd.s32 @!p0 $0x100000, s0;
	[bflag:$0x2] =	sbarrier.arrive $0xFFFF  }
0x5e: {  	[sflag:s0] =	ssyncadd.tile.s32 @!p0 $0x1;
	_ =	shalt  }
.Lfunc_end1:
_tile_overlayer_lowered:
.L_overlay_start_2:
0x5f: {  	(tag) =	ssettag $0x2  }
0x60: {  	s0 =	rddreg [dreg:$0x0];
	s2 =	stileid.u32  }
0x61: {  	s1 =	rddreg [dreg:$0x1];
	p0 =	sne.s32 s2, $0x0  }
0x62: {  	s3 =	rddreg [dreg:$0x2];
	[bflag:$0x3] =	sbarrier.arrive $0xFFFF;
	s2 =	simm.s32 @!p0 $0x1C01  }
0x63: {  	[timem:s3], [sflag:s2] =	dma.local @!p0 [hbm:s0], s1  }
0x64: {  	s0 =	simm.s32 @!p0 $0x1  }
0x65: {  	_ =	swait.ge @!p0 [sflag:s0], s1  }
0x66: {  	s1 =	ssub.s32 @!p0 $0x0, s1;
	[sflag:s0] =	ssyncset.done @!p0 $0x0  }
0x67: {  	[sflag:s0] =	ssyncadd.s32 @!p0 s1  }
0x68: {  	[bflag:$0x3] =	sbarrier.arrive $0xFFFF  }
0x69: {  	_ =	shalt  }

</sc_bundles>
